<compile_context>
chip_gen: v7x
topology: tpu7x:2x2x1
jax: 0.10.2.dev20260603
libtpu: 0.0.44.dev20260713+nightly
codegen_flags: <defaults>
</compile_context>

<pallas_src>
import functools
import math

import jax
import jax.numpy as jnp
from jax import lax
from jax.experimental import pallas as pl
from jax.experimental.pallas import tpu as pltpu
from jax.experimental.pallas import tpu_sc as plsc

N = 10000
D_IN = 128
D_H = 256
D_LAT = 128
BN_EPS = 1e-5

E_RAW = 320000
E_FULL = E_RAW + N
NTILES = 16
E_PAD = 331776
PER_TILE = E_PAD // NTILES

DEG_CH = 96
DEG_NPAD = 10112
DEG_CPT = 108
DEG_PER_TILE = DEG_CPT * DEG_CH
DEG_ZROWS = DEG_NPAD // NTILES
DEG_NI = 4

NPAD = 10008
CH = 96
CPT = PER_TILE // CH
NR = 4
NI = 6
ZR = 632
ZR_LAST = NPAD - 15 * ZR

@functools.lru_cache(maxsize=None)
def _mesh():
    return plsc.VectorSubcoreMesh(core_axis_name="c", subcore_axis_name="s")


@functools.lru_cache(maxsize=None)
def _deg_kernel_fn():
    return functools.partial(
        pl.kernel,
        out_type=jax.ShapeDtypeStruct((2 * DEG_NPAD, 16), jnp.float32),
        mesh=_mesh(),
    scratch_types=(
        [pltpu.VMEM_SHARED((DEG_NPAD, 16), jnp.float32),
         pltpu.VMEM((DEG_ZROWS, 16), jnp.float32),
         pltpu.VMEM((DEG_CH, 16), jnp.float32)]
        + [pltpu.VMEM((DEG_CH,), jnp.int32) for _ in range(DEG_NI)]
        + [pltpu.SemaphoreType.DMA for _ in range(2 * DEG_NI)]
    ),
    )(_deg_body)


def _deg_body(dst_hbm, out_hbm, acc, zbuf, ones_v, *scr):
    idb = scr[0:DEG_NI]
    isem = scr[DEG_NI:2 * DEG_NI]
    ssem = scr[2 * DEG_NI:3 * DEG_NI]
    c = lax.axis_index("c")
    s = lax.axis_index("s")

    def _fill(j, _):
        zbuf[j, :] = jnp.zeros((16,), jnp.float32)
        return 0

    lax.fori_loop(0, DEG_ZROWS, _fill, 0)

    def _fill1(j, _):
        ones_v[j, :] = jnp.ones((16,), jnp.float32)
        return 0

    lax.fori_loop(0, DEG_CH, _fill1, 0)
    pltpu.sync_copy(zbuf, acc.at[pl.ds(s * DEG_ZROWS, DEG_ZROWS)])
    plsc.subcore_barrier()

    base = c * (E_PAD // 2) + s * DEG_PER_TILE

    def _idx_start(g, i):
        pltpu.async_copy(dst_hbm.at[pl.ds(base + g * DEG_CH, DEG_CH)],
                         idb[i], isem[i])

    def _idx_wait(g, i):
        pltpu.make_async_copy(dst_hbm.at[pl.ds(base + g * DEG_CH, DEG_CH)],
                              idb[i], isem[i]).wait()

    for u in range(2):
        _idx_start(u, u)

    def _body(j, _):
        for u in range(DEG_NI):
            g = DEG_NI * j + u
            _idx_wait(g, u)
            pltpu.async_copy(ones_v, acc.at[idb[u]], ssem[u], add=True)

            @pl.when(g >= 2)
            def _wait_sm2():
                pltpu.make_async_copy(ones_v, acc.at[idb[(u + 2) % DEG_NI]],
                                      ssem[(u + 2) % DEG_NI]).wait()

            @pl.when(g + 2 < DEG_CPT)
            def _pf():
                _idx_start(g + 2, (u + 2) % DEG_NI)

        return 0

    lax.fori_loop(0, DEG_CPT // DEG_NI, _body, 0)
    for g in (DEG_CPT - 2, DEG_CPT - 1):
        pltpu.make_async_copy(ones_v, acc.at[idb[g % DEG_NI]],
                              ssem[g % DEG_NI]).wait()
    plsc.subcore_barrier()
    pltpu.sync_copy(acc.at[pl.ds(s * DEG_ZROWS, DEG_ZROWS)],
                    out_hbm.at[pl.ds(c * DEG_NPAD + s * DEG_ZROWS, DEG_ZROWS)])


_AGG_SCRATCH = (
    [pltpu.VMEM_SHARED((NPAD, 128), jnp.float32)]
    + [pltpu.VMEM((CH, 128), jnp.float32) for _ in range(NR)]
    + [pltpu.VMEM((CH,), jnp.int32) for _ in range(NI)]
    + [pltpu.VMEM((CH,), jnp.int32) for _ in range(NI)]
    + [pltpu.SemaphoreType.DMA for _ in range(NR)]
    + [pltpu.SemaphoreType.DMA for _ in range(NR)]
    + [pltpu.SemaphoreType.DMA for _ in range(NI)]
)


@functools.lru_cache(maxsize=None)
def _agg_kernel_fn():
    return functools.partial(
        pl.kernel,
        out_type=jax.ShapeDtypeStruct((2, NPAD, 128), jnp.float32),
        mesh=_mesh(),
        scratch_types=_AGG_SCRATCH,
    )(_agg_body)


def _agg_body(tab_hbm, srcs_hbm, dsts_hbm, out_hbm, acc, *scr):
    rows = scr[0:NR]
    isb = scr[NR:NR + NI]
    idb = scr[NR + NI:NR + 2 * NI]
    gsem = scr[NR + 2 * NI:2 * NR + 2 * NI]
    ssem = scr[2 * NR + 2 * NI:3 * NR + 2 * NI]
    isem = scr[3 * NR + 2 * NI:3 * NR + 3 * NI]
    c = lax.axis_index("c")
    s = lax.axis_index("s")

    def _fill(j, _):
        for k in range(8):
            rows[0][j, pl.ds(k * 16, 16)] = jnp.zeros((16,), jnp.float32)
        return 0

    lax.fori_loop(0, CH, _fill, 0)
    nz_full = ZR // CH
    base = s * ZR

    @pl.when(s < 15)
    def _zero_main():
        for t in range(nz_full):
            pltpu.sync_copy(rows[0], acc.at[pl.ds(base + t * CH, CH)])
        pltpu.sync_copy(rows[0].at[pl.ds(0, ZR - nz_full * CH)],
                        acc.at[pl.ds(base + nz_full * CH, ZR - nz_full * CH)])

    @pl.when(s == 15)
    def _zero_last():
        for t in range(ZR_LAST // CH):
            pltpu.sync_copy(rows[0], acc.at[pl.ds(base + t * CH, CH)])
        rem = ZR_LAST % CH
        pltpu.sync_copy(rows[0].at[pl.ds(0, rem)],
                        acc.at[pl.ds(base + (ZR_LAST // CH) * CH, rem)])

    plsc.subcore_barrier()

    ebase = s * PER_TILE
    sbase = c * E_PAD + ebase

    def _idx_start(g, i):
        pltpu.async_copy(srcs_hbm.at[pl.ds(sbase + g * CH, CH)], isb[i], isem[i])
        pltpu.async_copy(dsts_hbm.at[pl.ds(ebase + g * CH, CH)], idb[i], isem[i])

    def _idx_wait(g, i):
        pltpu.make_async_copy(srcs_hbm.at[pl.ds(sbase + g * CH, CH)], isb[i],
                              isem[i]).wait()
        pltpu.make_async_copy(dsts_hbm.at[pl.ds(ebase + g * CH, CH)], idb[i],
                              isem[i]).wait()

    for u in range(5):
        _idx_start(u, u)
    for u in range(3):
        _idx_wait(u, u)
        pltpu.async_copy(tab_hbm.at[isb[u]], rows[u], gsem[u])

    def _body(j, _):
        for u in range(12):
            g = 12 * j + u
            r = u % NR
            i = u % NI
            pltpu.make_async_copy(tab_hbm.at[isb[i]], rows[r], gsem[r]).wait()
            pltpu.async_copy(rows[r], acc.at[idb[i]], ssem[r], add=True)

            @pl.when(g >= 1)
            def _wait_sm1():
                pltpu.make_async_copy(rows[(u + 3) % NR],
                                      acc.at[idb[(u + 5) % NI]],
                                      ssem[(u + 3) % NR]).wait()

            @pl.when(g + 5 < CPT)
            def _pf_idx():
                _idx_start(g + 5, (u + 5) % NI)

            @pl.when(g + 3 < CPT)
            def _next_gather():
                _idx_wait(g + 3, (u + 3) % NI)
                pltpu.async_copy(tab_hbm.at[isb[(u + 3) % NI]],
                                 rows[(u + 3) % NR], gsem[(u + 3) % NR])

        return 0

    lax.fori_loop(0, CPT // 12, _body, 0)
    g = CPT - 1
    pltpu.make_async_copy(rows[g % NR], acc.at[idb[g % NI]],
                          ssem[g % NR]).wait()
    plsc.subcore_barrier()

    @pl.when(s < 15)
    def _out_main():
        pltpu.sync_copy(acc.at[pl.ds(s * ZR, ZR)],
                        out_hbm.at[c, pl.ds(s * ZR, ZR)])

    @pl.when(s == 15)
    def _out_last():
        pltpu.sync_copy(acc.at[pl.ds(s * ZR, ZR_LAST)],
                        out_hbm.at[c, pl.ds(s * ZR, ZR_LAST)])


def _mm1_body(x_ref, w_ref, p_ref, o_ref):
    deg = p_ref[0, :, 0:1] + p_ref[1, :, 0:1]
    dinv = lax.rsqrt(deg)
    o_ref[...] = jnp.dot(x_ref[...], w_ref[...],
                         preferred_element_type=jnp.float32) * dinv


def _mm2_body(al_ref, ah_ref, w_ref, p_ref, s_ref, b_ref, o_ref):
    deg = p_ref[0, :, 0:1] + p_ref[1, :, 0:1]
    dinv = lax.rsqrt(deg)
    h = jnp.concatenate([al_ref[0], ah_ref[0]], axis=1) * dinv
    h = jnp.maximum(h * s_ref[...] + b_ref[...], 0.0)
    o_ref[...] = jnp.dot(h, w_ref[...],
                         preferred_element_type=jnp.float32) * dinv


def _mm3_body(al_ref, ah_ref, w_ref, p_ref, s_ref, b_ref, bp_ref, o_ref):
    deg = p_ref[0, :, 0:1] + p_ref[1, :, 0:1]
    dinv = lax.rsqrt(deg)
    h = jnp.concatenate([al_ref[0], ah_ref[0]], axis=1) * dinv
    h = jnp.maximum(h * s_ref[...] + b_ref[...], 0.0)
    o_ref[...] = jnp.dot(h, w_ref[...],
                         preferred_element_type=jnp.float32) + bp_ref[...]


_RB = 1000


def kernel(x, edge_index, batch, W1, b1, g1, bt1, W2, b2, g2, bt2, Wp, bp):
    f32 = jnp.float32
    src = edge_index[0].astype(jnp.int32)
    dst = edge_index[1].astype(jnp.int32)
    loop = jnp.arange(N, dtype=jnp.int32)
    pad = E_PAD - E_FULL
    src_f = jnp.concatenate([src, loop, jnp.zeros((pad,), jnp.int32)])
    dst_f = jnp.concatenate([dst, loop, jnp.full((pad,), N, jnp.int32)])
    srcs2 = jnp.concatenate([2 * src_f, 2 * src_f + 1])

    sc = 1.0 / math.sqrt(1.0 + BN_EPS)
    s1 = (g1 * sc).reshape(1, D_H)
    c1 = (b1 * (g1 * sc) + bt1).reshape(1, D_H)
    s2 = (g2 * sc).reshape(1, D_H)
    c2 = (b2 * (g2 * sc) + bt2).reshape(1, D_H)
    bp2 = bp.reshape(1, D_LAT)

    degp = _deg_kernel_fn()(dst_f).reshape(2, DEG_NPAD, 16)

    t1 = pl.pallas_call(
        _mm1_body,
        grid=(N // _RB,),
        in_specs=[
            pl.BlockSpec((_RB, D_IN), lambda i: (i, 0)),
            pl.BlockSpec((D_IN, D_H), lambda i: (0, 0)),
            pl.BlockSpec((2, _RB, 16), lambda i: (0, i, 0)),
        ],
        out_specs=pl.BlockSpec((_RB, D_H), lambda i: (i, 0)),
        out_shape=jax.ShapeDtypeStruct((N, D_H), f32),
    )(x, W1, degp)

    a1 = _agg_kernel_fn()(t1.reshape(2 * N, 128), srcs2, dst_f)

    t2 = pl.pallas_call(
        _mm2_body,
        grid=(N // _RB,),
        in_specs=[
            pl.BlockSpec((1, _RB, 128), lambda i: (0, i, 0)),
            pl.BlockSpec((1, _RB, 128), lambda i: (1, i, 0)),
            pl.BlockSpec((D_H, D_H), lambda i: (0, 0)),
            pl.BlockSpec((2, _RB, 16), lambda i: (0, i, 0)),
            pl.BlockSpec((1, D_H), lambda i: (0, 0)),
            pl.BlockSpec((1, D_H), lambda i: (0, 0)),
        ],
        out_specs=pl.BlockSpec((_RB, D_H), lambda i: (i, 0)),
        out_shape=jax.ShapeDtypeStruct((N, D_H), f32),
    )(a1, a1, W2, degp, s1, c1)

    a2 = _agg_kernel_fn()(t2.reshape(2 * N, 128), srcs2, dst_f)

    z = pl.pallas_call(
        _mm3_body,
        grid=(N // _RB,),
        in_specs=[
            pl.BlockSpec((1, _RB, 128), lambda i: (0, i, 0)),
            pl.BlockSpec((1, _RB, 128), lambda i: (1, i, 0)),
            pl.BlockSpec((D_H, D_LAT), lambda i: (0, 0)),
            pl.BlockSpec((2, _RB, 16), lambda i: (0, i, 0)),
            pl.BlockSpec((1, D_H), lambda i: (0, 0)),
            pl.BlockSpec((1, D_H), lambda i: (0, 0)),
            pl.BlockSpec((1, D_LAT), lambda i: (0, 0)),
        ],
        out_specs=pl.BlockSpec((_RB, D_LAT), lambda i: (i, 0)),
        out_shape=jax.ShapeDtypeStruct((N, D_LAT), f32),
    )(a2, a2, Wp, degp, s2, c2, bp2)

    return z

# --- scband reference (transcript-rebuilt; emitter-appended) ---
"""Pipeline reference for scband-gnnencoder-50036368998567 (READ-ONLY COPY).

The authoritative reference and input builder live on the scoring server;
editing this copy changes nothing except your own understanding.
"""

import jax, jax.numpy as jnp
import numpy as np

N_NODES = 10000
N_EDGES = 320000
D_IN = 128
D_H = 256
D_LAT = 128
BN_EPS = 1e-5


def setup_inputs(seed: int = 0) -> dict:
    key = jax.random.key(seed)
    ks = jax.random.split(key, 12)
    x = jax.random.normal(ks[0], (N_NODES, D_IN), dtype=jnp.float32)
    edge_index = jax.random.randint(ks[1], (2, N_EDGES), 0, N_NODES, dtype=jnp.int64)
    batch = jnp.zeros((N_NODES,), dtype=jnp.int64)
    # GCN layer 1 params
    W1 = jax.random.normal(ks[2], (D_IN, D_H), dtype=jnp.float32) / np.sqrt(D_IN)
    b1 = jnp.zeros((D_H,), dtype=jnp.float32)
    g1 = jnp.ones((D_H,), dtype=jnp.float32)
    bt1 = jnp.zeros((D_H,), dtype=jnp.float32)
    # GCN layer 2 params
    W2 = jax.random.normal(ks[3], (D_H, D_H), dtype=jnp.float32) / np.sqrt(D_H)
    b2 = jnp.zeros((D_H,), dtype=jnp.float32)
    g2 = jnp.ones((D_H,), dtype=jnp.float32)
    bt2 = jnp.zeros((D_H,), dtype=jnp.float32)
    # final projection (is_variational=False -> out = latent_dim)
    Wp = jax.random.normal(ks[4], (D_H, D_LAT), dtype=jnp.float32) / np.sqrt(D_H)
    bp = jnp.zeros((D_LAT,), dtype=jnp.float32)
    return {"x": x, "edge_index": edge_index, "batch": batch,
            "W1": W1, "b1": b1, "g1": g1, "bt1": bt1,
            "W2": W2, "b2": b2, "g2": g2, "bt2": bt2,
            "Wp": Wp, "bp": bp}


def _gcn_conv(x, src, dst, dinv, W, b, n):
    # message = norm * (x_j W); aggregate via scatter-add on dst
    h = x @ W
    norm = (dinv[src] * dinv[dst])[:, None]
    msgs = h[src] * norm
    out = jax.ops.segment_sum(msgs, dst, num_segments=n)
    return out + b


def _bn_eval(x, gamma, beta):
    # eval-mode BatchNorm1d with running_mean=0, running_var=1
    return x * (gamma / jnp.sqrt(1.0 + BN_EPS)) + beta


def reference(x, edge_index, batch, W1, b1, g1, bt1, W2, b2, g2, bt2, Wp, bp):
    n = x.shape[0]
    loop = jnp.arange(n, dtype=edge_index.dtype)
    src = jnp.concatenate([edge_index[0], loop])
    dst = jnp.concatenate([edge_index[1], loop])
    deg = jax.ops.segment_sum(jnp.ones_like(dst, dtype=x.dtype), dst, num_segments=n)
    dinv = jnp.where(deg > 0, jax.lax.rsqrt(jnp.maximum(deg, 1e-12)), 0.0)
    # layer 1: GCNConv -> BN -> ReLU -> Dropout(eval=identity)
    h = _gcn_conv(x, src, dst, dinv, W1, b1, n)
    h = jax.nn.relu(_bn_eval(h, g1, bt1))
    # layer 2
    h = _gcn_conv(h, src, dst, dinv, W2, b2, n)
    h = jax.nn.relu(_bn_eval(h, g2, bt2))
    # final projection (non-variational: sampled_z_nodes = projection)
    z = h @ Wp + bp
    return z

if __name__ == "__main__":
    import jax
    _d = setup_inputs()
    print(jax.jit(kernel)(*tuple(_d.values())))

</pallas_src>

<mosaic_0001>
#map = affine_map<(d0, d1) -> (0, 0)>
#map1 = affine_map<(d0, d1) -> (0)>
#map2 = affine_map<(d0, d1) -> (0, 0, 0)>
module attributes {stable_mosaic.version = 14 : i64} {
  func.func @_agg_body(%arg0: i32, %arg1: i32, %arg2: memref<20000x128xf32, #tpu.memory_space<hbm>>, %arg3: memref<663552xi32, #tpu.memory_space<hbm>>, %arg4: memref<331776xi32, #tpu.memory_space<hbm>>, %arg5: memref<2x10008x128xf32, #tpu.memory_space<hbm>>, %arg6: memref<10008x128xf32, #tpu.memory_space<vmem_shared>>, %arg7: memref<96x128xf32, #tpu.memory_space<vmem>>, %arg8: memref<96x128xf32, #tpu.memory_space<vmem>>, %arg9: memref<96x128xf32, #tpu.memory_space<vmem>>, %arg10: memref<96x128xf32, #tpu.memory_space<vmem>>, %arg11: memref<96xi32, #tpu.memory_space<vmem>>, %arg12: memref<96xi32, #tpu.memory_space<vmem>>, %arg13: memref<96xi32, #tpu.memory_space<vmem>>, %arg14: memref<96xi32, #tpu.memory_space<vmem>>, %arg15: memref<96xi32, #tpu.memory_space<vmem>>, %arg16: memref<96xi32, #tpu.memory_space<vmem>>, %arg17: memref<96xi32, #tpu.memory_space<vmem>>, %arg18: memref<96xi32, #tpu.memory_space<vmem>>, %arg19: memref<96xi32, #tpu.memory_space<vmem>>, %arg20: memref<96xi32, #tpu.memory_space<vmem>>, %arg21: memref<96xi32, #tpu.memory_space<vmem>>, %arg22: memref<96xi32, #tpu.memory_space<vmem>>, %arg23: memref<!tpu.dma_semaphore, #tpu.memory_space<semaphore_mem>>, %arg24: memref<!tpu.dma_semaphore, #tpu.memory_space<semaphore_mem>>, %arg25: memref<!tpu.dma_semaphore, #tpu.memory_space<semaphore_mem>>, %arg26: memref<!tpu.dma_semaphore, #tpu.memory_space<semaphore_mem>>, %arg27: memref<!tpu.dma_semaphore, #tpu.memory_space<semaphore_mem>>, %arg28: memref<!tpu.dma_semaphore, #tpu.memory_space<semaphore_mem>>, %arg29: memref<!tpu.dma_semaphore, #tpu.memory_space<semaphore_mem>>, %arg30: memref<!tpu.dma_semaphore, #tpu.memory_space<semaphore_mem>>, %arg31: memref<!tpu.dma_semaphore, #tpu.memory_space<semaphore_mem>>, %arg32: memref<!tpu.dma_semaphore, #tpu.memory_space<semaphore_mem>>, %arg33: memref<!tpu.dma_semaphore, #tpu.memory_space<semaphore_mem>>, %arg34: memref<!tpu.dma_semaphore, #tpu.memory_space<semaphore_mem>>, %arg35: memref<!tpu.dma_semaphore, #tpu.memory_space<semaphore_mem>>, %arg36: memref<!tpu.dma_semaphore, #tpu.memory_space<semaphore_mem>>) attributes {dimension_semantics = [#tpu.dimension_semantics<core_parallel>, #tpu.dimension_semantics<subcore_parallel>], iteration_bounds = array<i64: 2, 16>, scalar_prefetch = 0 : i64, scratch_operands = 31 : i64, tpu.core_type = #tpu.core_type<sc_vector_subcore>, window_params = [{transform_indices = #map}, {transform_indices = #map1}, {transform_indices = #map1}, {transform_indices = #map2}]} {
    %scan3A = arith.constant 0 : i32
    %scan3A_0 = arith.constant 0 : i32
    %scan3A_1 = arith.constant 96 : i32
    %scan3A_2 = arith.addi %scan3A_0, %scan3A_1 : i32
    %scan3A_3 = arith.constant 1 : i32
    %scan3A_4 = scf.for %scan3A_109 = %scan3A_0 to %scan3A_2 step %scan3A_3 iter_args(%scan3A_110 = %scan3A) -> (i32)  : i32 {
      %broadcast_in_dim3A = arith.constant 0.000000e+00 : f32
      %broadcast_in_dim3A_111 = vector.broadcast %broadcast_in_dim3A : f32 to vector<16xf32>
      %swap3A = arith.index_cast %scan3A_109 : i32 to index
      %swap3A_112 = arith.constant 0 : index
      %swap3A_113 = tpu.vector_load %arg7[%swap3A, %swap3A_112] {strides = array<i32>} : memref<96x128xf32, #tpu.memory_space<vmem>>, vector<1x16xf32>,
      %swap3A_114 = vector.shape_cast %swap3A_113 : vector<1x16xf32> to vector<16xf32>
      %swap3A_115 = vector.shape_cast %broadcast_in_dim3A_111 : vector<16xf32> to vector<1x16xf32>
      tpu.vector_store %arg7[%swap3A, %swap3A_112], %swap3A_115 {strides = array<i32>} : memref<96x128xf32, #tpu.memory_space<vmem>>, vector<1x16xf32>,
      %broadcast_in_dim3A_116 = arith.constant 0.000000e+00 : f32
      %broadcast_in_dim3A_117 = vector.broadcast %broadcast_in_dim3A_116 : f32 to vector<16xf32>
      %swap3A_118 = arith.index_cast %scan3A_109 : i32 to index
      %swap3A_119 = arith.constant 16 : index
      %swap3A_120 = tpu.vector_load %arg7[%swap3A_118, %swap3A_119] {strides = array<i32>} : memref<96x128xf32, #tpu.memory_space<vmem>>, vector<1x16xf32>,
      %swap3A_121 = vector.shape_cast %swap3A_120 : vector<1x16xf32> to vector<16xf32>
      %swap3A_122 = vector.shape_cast %broadcast_in_dim3A_117 : vector<16xf32> to vector<1x16xf32>
      tpu.vector_store %arg7[%swap3A_118, %swap3A_119], %swap3A_122 {strides = array<i32>} : memref<96x128xf32, #tpu.memory_space<vmem>>, vector<1x16xf32>,
      %broadcast_in_dim3A_123 = arith.constant 0.000000e+00 : f32
      %broadcast_in_dim3A_124 = vector.broadcast %broadcast_in_dim3A_123 : f32 to vector<16xf32>
      %swap3A_125 = arith.index_cast %scan3A_109 : i32 to index
      %swap3A_126 = arith.constant 32 : index
      %swap3A_127 = tpu.vector_load %arg7[%swap3A_125, %swap3A_126] {strides = array<i32>} : memref<96x128xf32, #tpu.memory_space<vmem>>, vector<1x16xf32>,
      %swap3A_128 = vector.shape_cast %swap3A_127 : vector<1x16xf32> to vector<16xf32>
      %swap3A_129 = vector.shape_cast %broadcast_in_dim3A_124 : vector<16xf32> to vector<1x16xf32>
      tpu.vector_store %arg7[%swap3A_125, %swap3A_126], %swap3A_129 {strides = array<i32>} : memref<96x128xf32, #tpu.memory_space<vmem>>, vector<1x16xf32>,
      %broadcast_in_dim3A_130 = arith.constant 0.000000e+00 : f32
      %broadcast_in_dim3A_131 = vector.broadcast %broadcast_in_dim3A_130 : f32 to vector<16xf32>
      %swap3A_132 = arith.index_cast %scan3A_109 : i32 to index
      %swap3A_133 = arith.constant 48 : index
      %swap3A_134 = tpu.vector_load %arg7[%swap3A_132, %swap3A_133] {strides = array<i32>} : memref<96x128xf32, #tpu.memory_space<vmem>>, vector<1x16xf32>,
      %swap3A_135 = vector.shape_cast %swap3A_134 : vector<1x16xf32> to vector<16xf32>
      %swap3A_136 = vector.shape_cast %broadcast_in_dim3A_131 : vector<16xf32> to vector<1x16xf32>
      tpu.vector_store %arg7[%swap3A_132, %swap3A_133], %swap3A_136 {strides = array<i32>} : memref<96x128xf32, #tpu.memory_space<vmem>>, vector<1x16xf32>,
      %broadcast_in_dim3A_137 = arith.constant 0.000000e+00 : f32
      %broadcast_in_dim3A_138 = vector.broadcast %broadcast_in_dim3A_137 : f32 to vector<16xf32>
      %swap3A_139 = arith.index_cast %scan3A_109 : i32 to index
      %swap3A_140 = arith.constant 64 : index
      %swap3A_141 = tpu.vector_load %arg7[%swap3A_139, %swap3A_140] {strides = array<i32>} : memref<96x128xf32, #tpu.memory_space<vmem>>, vector<1x16xf32>,
      %swap3A_142 = vector.shape_cast %swap3A_141 : vector<1x16xf32> to vector<16xf32>
      %swap3A_143 = vector.shape_cast %broadcast_in_dim3A_138 : vector<16xf32> to vector<1x16xf32>
      tpu.vector_store %arg7[%swap3A_139, %swap3A_140], %swap3A_143 {strides = array<i32>} : memref<96x128xf32, #tpu.memory_space<vmem>>, vector<1x16xf32>,
      %broadcast_in_dim3A_144 = arith.constant 0.000000e+00 : f32
      %broadcast_in_dim3A_145 = vector.broadcast %broadcast_in_dim3A_144 : f32 to vector<16xf32>
      %swap3A_146 = arith.index_cast %scan3A_109 : i32 to index
      %swap3A_147 = arith.constant 80 : index
      %swap3A_148 = tpu.vector_load %arg7[%swap3A_146, %swap3A_147] {strides = array<i32>} : memref<96x128xf32, #tpu.memory_space<vmem>>, vector<1x16xf32>,
      %swap3A_149 = vector.shape_cast %swap3A_148 : vector<1x16xf32> to vector<16xf32>
      %swap3A_150 = vector.shape_cast %broadcast_in_dim3A_145 : vector<16xf32> to vector<1x16xf32>
      tpu.vector_store %arg7[%swap3A_146, %swap3A_147], %swap3A_150 {strides = array<i32>} : memref<96x128xf32, #tpu.memory_space<vmem>>, vector<1x16xf32>,
      %broadcast_in_dim3A_151 = arith.constant 0.000000e+00 : f32
      %broadcast_in_dim3A_152 = vector.broadcast %broadcast_in_dim3A_151 : f32 to vector<16xf32>
      %swap3A_153 = arith.index_cast %scan3A_109 : i32 to index
      %swap3A_154 = arith.constant 96 : index
      %swap3A_155 = tpu.vector_load %arg7[%swap3A_153, %swap3A_154] {strides = array<i32>} : memref<96x128xf32, #tpu.memory_space<vmem>>, vector<1x16xf32>,
      %swap3A_156 = vector.shape_cast %swap3A_155 : vector<1x16xf32> to vector<16xf32>
      %swap3A_157 = vector.shape_cast %broadcast_in_dim3A_152 : vector<16xf32> to vector<1x16xf32>
      tpu.vector_store %arg7[%swap3A_153, %swap3A_154], %swap3A_157 {strides = array<i32>} : memref<96x128xf32, #tpu.memory_space<vmem>>, vector<1x16xf32>,
      %broadcast_in_dim3A_158 = arith.constant 0.000000e+00 : f32
      %broadcast_in_dim3A_159 = vector.broadcast %broadcast_in_dim3A_158 : f32 to vector<16xf32>
      %swap3A_160 = arith.index_cast %scan3A_109 : i32 to index
      %swap3A_161 = arith.constant 112 : index
      %swap3A_162 = tpu.vector_load %arg7[%swap3A_160, %swap3A_161] {strides = array<i32>} : memref<96x128xf32, #tpu.memory_space<vmem>>, vector<1x16xf32>,
      %swap3A_163 = vector.shape_cast %swap3A_162 : vector<1x16xf32> to vector<16xf32>
      %swap3A_164 = vector.shape_cast %broadcast_in_dim3A_159 : vector<16xf32> to vector<1x16xf32>
      tpu.vector_store %arg7[%swap3A_160, %swap3A_161], %swap3A_164 {strides = array<i32>} : memref<96x128xf32, #tpu.memory_space<vmem>>, vector<1x16xf32>,
      %scan3A_165 = arith.constant 0 : i32
      scf.yield %scan3A_165 : i32
    }
    %scan3A_5 = arith.constant 96 : i32
    %mul3A = arith.constant 632 : i32
    %mul3A_6 = arith.muli %arg1, %mul3A : i32
    %lt3A = arith.constant 15 : i32
    %lt3A_7 = arith.cmpi slt, %arg1, %lt3A : i32
    %convert_element_type3A = arith.extui %lt3A_7 : i1 to i32
    %cond3A = arith.constant 0 : i32
    %cond3A_8 = arith.cmpi ne, %convert_element_type3A, %cond3A : i32
    scf.if %cond3A_8 {
      %add3A_109 = arith.constant 0 : i32
      %add3A_110 = arith.addi %mul3A_6, %add3A_109 : i32
      "tpu.region"() ({
        %run_scoped3A = tpu.sem_alloc : memref<!tpu.dma_semaphore, #tpu.memory_space<semaphore_mem>>
        %dma_start3A_123 = arith.constant 0 : i32
        %dma_start3A_124 = tpu.memref_slice %arg6[%add3A_110, %dma_start3A_123] : memref<10008x128xf32, #tpu.memory_space<vmem_shared>> -> memref<96x128xf32, #tpu.memory_space<vmem_shared>>
        %dma_start3A_125 = arith.constant 0 : i32
        %dma_start3A_126 = tpu.memref_slice %arg6[%add3A_110, %dma_start3A_125] : memref<10008x128xf32, #tpu.memory_space<vmem_shared>> -> memref<96x128xf32, #tpu.memory_space<vmem_shared>>
        tpu.enqueue_dma source(%arg7 : memref<96x128xf32, #tpu.memory_space<vmem>>) target(%dma_start3A_126 : memref<96x128xf32, #tpu.memory_space<vmem_shared>>) target_semaphore(%run_scoped3A : memref<!tpu.dma_semaphore, #tpu.memory_space<semaphore_mem>>)
        %dma_wait3A_127 = arith.constant 0 : i32
        %dma_wait3A_128 = tpu.memref_slice %arg6[%add3A_110, %dma_wait3A_127] : memref<10008x128xf32, #tpu.memory_space<vmem_shared>> -> memref<96x128xf32, #tpu.memory_space<vmem_shared>>
        %dma_wait3A_129 = arith.constant 0 : i32
        %dma_wait3A_130 = tpu.memref_slice %arg6[%add3A_110, %dma_wait3A_129] : memref<10008x128xf32, #tpu.memory_space<vmem_shared>> -> memref<96x128xf32, #tpu.memory_space<vmem_shared>>
        tpu.wait_dma2 semaphore(%run_scoped3A : memref<!tpu.dma_semaphore, #tpu.memory_space<semaphore_mem>>) src(%arg7 : memref<96x128xf32, #tpu.memory_space<vmem>>) dst(%dma_wait3A_130 : memref<96x128xf32, #tpu.memory_space<vmem_shared>>)
        tpu.yield
      }) : () -> ()
      %add3A_111 = arith.constant 96 : i32
      %add3A_112 = arith.addi %mul3A_6, %add3A_111 : i32
      "tpu.region"() ({
        %run_scoped3A = tpu.sem_alloc : memref<!tpu.dma_semaphore, #tpu.memory_space<semaphore_mem>>
        %dma_start3A_123 = arith.constant 0 : i32
        %dma_start3A_124 = tpu.memref_slice %arg6[%add3A_112, %dma_start3A_123] : memref<10008x128xf32, #tpu.memory_space<vmem_shared>> -> memref<96x128xf32, #tpu.memory_space<vmem_shared>>
        %dma_start3A_125 = arith.constant 0 : i32
        %dma_start3A_126 = tpu.memref_slice %arg6[%add3A_112, %dma_start3A_125] : memref<10008x128xf32, #tpu.memory_space<vmem_shared>> -> memref<96x128xf32, #tpu.memory_space<vmem_shared>>
        tpu.enqueue_dma source(%arg7 : memref<96x128xf32, #tpu.memory_space<vmem>>) target(%dma_start3A_126 : memref<96x128xf32, #tpu.memory_space<vmem_shared>>) target_semaphore(%run_scoped3A : memref<!tpu.dma_semaphore, #tpu.memory_space<semaphore_mem>>)
        %dma_wait3A_127 = arith.constant 0 : i32
        %dma_wait3A_128 = tpu.memref_slice %arg6[%add3A_112, %dma_wait3A_127] : memref<10008x128xf32, #tpu.memory_space<vmem_shared>> -> memref<96x128xf32, #tpu.memory_space<vmem_shared>>
        %dma_wait3A_129 = arith.constant 0 : i32
        %dma_wait3A_130 = tpu.memref_slice %arg6[%add3A_112, %dma_wait3A_129] : memref<10008x128xf32, #tpu.memory_space<vmem_shared>> -> memref<96x128xf32, #tpu.memory_space<vmem_shared>>
        tpu.wait_dma2 semaphore(%run_scoped3A : memref<!tpu.dma_semaphore, #tpu.memory_space<semaphore_mem>>) src(%arg7 : memref<96x128xf32, #tpu.memory_space<vmem>>) dst(%dma_wait3A_130 : memref<96x128xf32, #tpu.memory_space<vmem_shared>>)
        tpu.yield
      }) : () -> ()
      %add3A_113 = arith.constant 192 : i32
      %add3A_114 = arith.addi %mul3A_6, %add3A_113 : i32
      "tpu.region"() ({
        %run_scoped3A = tpu.sem_alloc : memref<!tpu.dma_semaphore, #tpu.memory_space<semaphore_mem>>
        %dma_start3A_123 = arith.constant 0 : i32
        %dma_start3A_124 = tpu.memref_slice %arg6[%add3A_114, %dma_start3A_123] : memref<10008x128xf32, #tpu.memory_space<vmem_shared>> -> memref<96x128xf32, #tpu.memory_space<vmem_shared>>
        %dma_start3A_125 = arith.constant 0 : i32
        %dma_start3A_126 = tpu.memref_slice %arg6[%add3A_114, %dma_start3A_125] : memref<10008x128xf32, #tpu.memory_space<vmem_shared>> -> memref<96x128xf32, #tpu.memory_space<vmem_shared>>
        tpu.enqueue_dma source(%arg7 : memref<96x128xf32, #tpu.memory_space<vmem>>) target(%dma_start3A_126 : memref<96x128xf32, #tpu.memory_space<vmem_shared>>) target_semaphore(%run_scoped3A : memref<!tpu.dma_semaphore, #tpu.memory_space<semaphore_mem>>)
        %dma_wait3A_127 = arith.constant 0 : i32
        %dma_wait3A_128 = tpu.memref_slice %arg6[%add3A_114, %dma_wait3A_127] : memref<10008x128xf32, #tpu.memory_space<vmem_shared>> -> memref<96x128xf32, #tpu.memory_space<vmem_shared>>
        %dma_wait3A_129 = arith.constant 0 : i32
        %dma_wait3A_130 = tpu.memref_slice %arg6[%add3A_114, %dma_wait3A_129] : memref<10008x128xf32, #tpu.memory_space<vmem_shared>> -> memref<96x128xf32, #tpu.memory_space<vmem_shared>>
        tpu.wait_dma2 semaphore(%run_scoped3A : memref<!tpu.dma_semaphore, #tpu.memory_space<semaphore_mem>>) src(%arg7 : memref<96x128xf32, #tpu.memory_space<vmem>>) dst(%dma_wait3A_130 : memref<96x128xf32, #tpu.memory_space<vmem_shared>>)
        tpu.yield
      }) : () -> ()
      %add3A_115 = arith.constant 288 : i32
      %add3A_116 = arith.addi %mul3A_6, %add3A_115 : i32
      "tpu.region"() ({
        %run_scoped3A = tpu.sem_alloc : memref<!tpu.dma_semaphore, #tpu.memory_space<semaphore_mem>>
        %dma_start3A_123 = arith.constant 0 : i32
        %dma_start3A_124 = tpu.memref_slice %arg6[%add3A_116, %dma_start3A_123] : memref<10008x128xf32, #tpu.memory_space<vmem_shared>> -> memref<96x128xf32, #tpu.memory_space<vmem_shared>>
        %dma_start3A_125 = arith.constant 0 : i32
        %dma_start3A_126 = tpu.memref_slice %arg6[%add3A_116, %dma_start3A_125] : memref<10008x128xf32, #tpu.memory_space<vmem_shared>> -> memref<96x128xf32, #tpu.memory_space<vmem_shared>>
        tpu.enqueue_dma source(%arg7 : memref<96x128xf32, #tpu.memory_space<vmem>>) target(%dma_start3A_126 : memref<96x128xf32, #tpu.memory_space<vmem_shared>>) target_semaphore(%run_scoped3A : memref<!tpu.dma_semaphore, #tpu.memory_space<semaphore_mem>>)
        %dma_wait3A_127 = arith.constant 0 : i32
        %dma_wait3A_128 = tpu.memref_slice %arg6[%add3A_116, %dma_wait3A_127] : memref<10008x128xf32, #tpu.memory_space<vmem_shared>> -> memref<96x128xf32, #tpu.memory_space<vmem_shared>>
        %dma_wait3A_129 = arith.constant 0 : i32
        %dma_wait3A_130 = tpu.memref_slice %arg6[%add3A_116, %dma_wait3A_129] : memref<10008x128xf32, #tpu.memory_space<vmem_shared>> -> memref<96x128xf32, #tpu.memory_space<vmem_shared>>
        tpu.wait_dma2 semaphore(%run_scoped3A : memref<!tpu.dma_semaphore, #tpu.memory_space<semaphore_mem>>) src(%arg7 : memref<96x128xf32, #tpu.memory_space<vmem>>) dst(%dma_wait3A_130 : memref<96x128xf32, #tpu.memory_space<vmem_shared>>)
        tpu.yield
      }) : () -> ()
      %add3A_117 = arith.constant 384 : i32
      %add3A_118 = arith.addi %mul3A_6, %add3A_117 : i32
      "tpu.region"() ({
        %run_scoped3A = tpu.sem_alloc : memref<!tpu.dma_semaphore, #tpu.memory_space<semaphore_mem>>
        %dma_start3A_123 = arith.constant 0 : i32
        %dma_start3A_124 = tpu.memref_slice %arg6[%add3A_118, %dma_start3A_123] : memref<10008x128xf32, #tpu.memory_space<vmem_shared>> -> memref<96x128xf32, #tpu.memory_space<vmem_shared>>
        %dma_start3A_125 = arith.constant 0 : i32
        %dma_start3A_126 = tpu.memref_slice %arg6[%add3A_118, %dma_start3A_125] : memref<10008x128xf32, #tpu.memory_space<vmem_shared>> -> memref<96x128xf32, #tpu.memory_space<vmem_shared>>
        tpu.enqueue_dma source(%arg7 : memref<96x128xf32, #tpu.memory_space<vmem>>) target(%dma_start3A_126 : memref<96x128xf32, #tpu.memory_space<vmem_shared>>) target_semaphore(%run_scoped3A : memref<!tpu.dma_semaphore, #tpu.memory_space<semaphore_mem>>)
        %dma_wait3A_127 = arith.constant 0 : i32
        %dma_wait3A_128 = tpu.memref_slice %arg6[%add3A_118, %dma_wait3A_127] : memref<10008x128xf32, #tpu.memory_space<vmem_shared>> -> memref<96x128xf32, #tpu.memory_space<vmem_shared>>
        %dma_wait3A_129 = arith.constant 0 : i32
        %dma_wait3A_130 = tpu.memref_slice %arg6[%add3A_118, %dma_wait3A_129] : memref<10008x128xf32, #tpu.memory_space<vmem_shared>> -> memref<96x128xf32, #tpu.memory_space<vmem_shared>>
        tpu.wait_dma2 semaphore(%run_scoped3A : memref<!tpu.dma_semaphore, #tpu.memory_space<semaphore_mem>>) src(%arg7 : memref<96x128xf32, #tpu.memory_space<vmem>>) dst(%dma_wait3A_130 : memref<96x128xf32, #tpu.memory_space<vmem_shared>>)
        tpu.yield
      }) : () -> ()
      %add3A_119 = arith.constant 480 : i32
      %add3A_120 = arith.addi %mul3A_6, %add3A_119 : i32
      "tpu.region"() ({
        %run_scoped3A = tpu.sem_alloc : memref<!tpu.dma_semaphore, #tpu.memory_space<semaphore_mem>>
        %dma_start3A_123 = arith.constant 0 : i32
        %dma_start3A_124 = tpu.memref_slice %arg6[%add3A_120, %dma_start3A_123] : memref<10008x128xf32, #tpu.memory_space<vmem_shared>> -> memref<96x128xf32, #tpu.memory_space<vmem_shared>>
        %dma_start3A_125 = arith.constant 0 : i32
        %dma_start3A_126 = tpu.memref_slice %arg6[%add3A_120, %dma_start3A_125] : memref<10008x128xf32, #tpu.memory_space<vmem_shared>> -> memref<96x128xf32, #tpu.memory_space<vmem_shared>>
        tpu.enqueue_dma source(%arg7 : memref<96x128xf32, #tpu.memory_space<vmem>>) target(%dma_start3A_126 : memref<96x128xf32, #tpu.memory_space<vmem_shared>>) target_semaphore(%run_scoped3A : memref<!tpu.dma_semaphore, #tpu.memory_space<semaphore_mem>>)
        %dma_wait3A_127 = arith.constant 0 : i32
        %dma_wait3A_128 = tpu.memref_slice %arg6[%add3A_120, %dma_wait3A_127] : memref<10008x128xf32, #tpu.memory_space<vmem_shared>> -> memref<96x128xf32, #tpu.memory_space<vmem_shared>>
        %dma_wait3A_129 = arith.constant 0 : i32
        %dma_wait3A_130 = tpu.memref_slice %arg6[%add3A_120, %dma_wait3A_129] : memref<10008x128xf32, #tpu.memory_space<vmem_shared>> -> memref<96x128xf32, #tpu.memory_space<vmem_shared>>
        tpu.wait_dma2 semaphore(%run_scoped3A : memref<!tpu.dma_semaphore, #tpu.memory_space<semaphore_mem>>) src(%arg7 : memref<96x128xf32, #tpu.memory_space<vmem>>) dst(%dma_wait3A_130 : memref<96x128xf32, #tpu.memory_space<vmem_shared>>)
        tpu.yield
      }) : () -> ()
      %add3A_121 = arith.constant 576 : i32
      %add3A_122 = arith.addi %mul3A_6, %add3A_121 : i32
      "tpu.region"() ({
        %run_scoped3A = tpu.sem_alloc : memref<!tpu.dma_semaphore, #tpu.memory_space<semaphore_mem>>
        %dma_start3A_123 = arith.constant 0 : i32
        %dma_start3A_124 = arith.constant 0 : i32
        %dma_start3A_125 = tpu.memref_slice %arg7[%dma_start3A_123, %dma_start3A_124] : memref<96x128xf32, #tpu.memory_space<vmem>> -> memref<56x128xf32, #tpu.memory_space<vmem>>
        %dma_start3A_126 = arith.constant 0 : i32
        %dma_start3A_127 = tpu.memref_slice %arg6[%add3A_122, %dma_start3A_126] : memref<10008x128xf32, #tpu.memory_space<vmem_shared>> -> memref<56x128xf32, #tpu.memory_space<vmem_shared>>
        %dma_start3A_128 = arith.constant 0 : i32
        %dma_start3A_129 = tpu.memref_slice %arg6[%add3A_122, %dma_start3A_128] : memref<10008x128xf32, #tpu.memory_space<vmem_shared>> -> memref<56x128xf32, #tpu.memory_space<vmem_shared>>
        %dma_start3A_130 = arith.constant 0 : i32
        %dma_start3A_131 = arith.constant 0 : i32
        %dma_start3A_132 = tpu.memref_slice %arg7[%dma_start3A_130, %dma_start3A_131] : memref<96x128xf32, #tpu.memory_space<vmem>> -> memref<56x128xf32, #tpu.memory_space<vmem>>
        tpu.enqueue_dma source(%dma_start3A_132 : memref<56x128xf32, #tpu.memory_space<vmem>>) target(%dma_start3A_129 : memref<56x128xf32, #tpu.memory_space<vmem_shared>>) target_semaphore(%run_scoped3A : memref<!tpu.dma_semaphore, #tpu.memory_space<semaphore_mem>>)
        %dma_wait3A_133 = arith.constant 0 : i32
        %dma_wait3A_134 = arith.constant 0 : i32
        %dma_wait3A_135 = tpu.memref_slice %arg7[%dma_wait3A_133, %dma_wait3A_134] : memref<96x128xf32, #tpu.memory_space<vmem>> -> memref<56x128xf32, #tpu.memory_space<vmem>>
        %dma_wait3A_136 = arith.constant 0 : i32
        %dma_wait3A_137 = tpu.memref_slice %arg6[%add3A_122, %dma_wait3A_136] : memref<10008x128xf32, #tpu.memory_space<vmem_shared>> -> memref<56x128xf32, #tpu.memory_space<vmem_shared>>
        %dma_wait3A_138 = arith.constant 0 : i32
        %dma_wait3A_139 = tpu.memref_slice %arg6[%add3A_122, %dma_wait3A_138] : memref<10008x128xf32, #tpu.memory_space<vmem_shared>> -> memref<56x128xf32, #tpu.memory_space<vmem_shared>>
        %dma_wait3A_140 = arith.constant 0 : i32
        %dma_wait3A_141 = arith.constant 0 : i32
        %dma_wait3A_142 = tpu.memref_slice %arg7[%dma_wait3A_140, %dma_wait3A_141] : memref<96x128xf32, #tpu.memory_space<vmem>> -> memref<56x128xf32, #tpu.memory_space<vmem>>
        tpu.wait_dma2 semaphore(%run_scoped3A : memref<!tpu.dma_semaphore, #tpu.memory_space<semaphore_mem>>) src(%dma_wait3A_142 : memref<56x128xf32, #tpu.memory_space<vmem>>) dst(%dma_wait3A_139 : memref<56x128xf32, #tpu.memory_space<vmem_shared>>)
        tpu.yield
      }) : () -> ()
    } else {
    }
    %eq3A = arith.constant 15 : i32
    %eq3A_9 = arith.cmpi eq, %arg1, %eq3A : i32
    %convert_element_type3A_10 = arith.extui %eq3A_9 : i1 to i32
    %cond3A_11 = arith.constant 0 : i32
    %cond3A_12 = arith.cmpi ne, %convert_element_type3A_10, %cond3A_11 : i32
    scf.if %cond3A_12 {
      %add3A_109 = arith.constant 0 : i32
      %add3A_110 = arith.addi %mul3A_6, %add3A_109 : i32
      "tpu.region"() ({
        %run_scoped3A = tpu.sem_alloc : memref<!tpu.dma_semaphore, #tpu.memory_space<semaphore_mem>>
        %dma_start3A_121 = arith.constant 0 : i32
        %dma_start3A_122 = tpu.memref_slice %arg6[%add3A_110, %dma_start3A_121] : memref<10008x128xf32, #tpu.memory_space<vmem_shared>> -> memref<96x128xf32, #tpu.memory_space<vmem_shared>>
        %dma_start3A_123 = arith.constant 0 : i32
        %dma_start3A_124 = tpu.memref_slice %arg6[%add3A_110, %dma_start3A_123] : memref<10008x128xf32, #tpu.memory_space<vmem_shared>> -> memref<96x128xf32, #tpu.memory_space<vmem_shared>>
        tpu.enqueue_dma source(%arg7 : memref<96x128xf32, #tpu.memory_space<vmem>>) target(%dma_start3A_124 : memref<96x128xf32, #tpu.memory_space<vmem_shared>>) target_semaphore(%run_scoped3A : memref<!tpu.dma_semaphore, #tpu.memory_space<semaphore_mem>>)
        %dma_wait3A_125 = arith.constant 0 : i32
        %dma_wait3A_126 = tpu.memref_slice %arg6[%add3A_110, %dma_wait3A_125] : memref<10008x128xf32, #tpu.memory_space<vmem_shared>> -> memref<96x128xf32, #tpu.memory_space<vmem_shared>>
        %dma_wait3A_127 = arith.constant 0 : i32
        %dma_wait3A_128 = tpu.memref_slice %arg6[%add3A_110, %dma_wait3A_127] : memref<10008x128xf32, #tpu.memory_space<vmem_shared>> -> memref<96x128xf32, #tpu.memory_space<vmem_shared>>
        tpu.wait_dma2 semaphore(%run_scoped3A : memref<!tpu.dma_semaphore, #tpu.memory_space<semaphore_mem>>) src(%arg7 : memref<96x128xf32, #tpu.memory_space<vmem>>) dst(%dma_wait3A_128 : memref<96x128xf32, #tpu.memory_space<vmem_shared>>)
        tpu.yield
      }) : () -> ()
      %add3A_111 = arith.constant 96 : i32
      %add3A_112 = arith.addi %mul3A_6, %add3A_111 : i32
      "tpu.region"() ({
        %run_scoped3A = tpu.sem_alloc : memref<!tpu.dma_semaphore, #tpu.memory_space<semaphore_mem>>
        %dma_start3A_121 = arith.constant 0 : i32
        %dma_start3A_122 = tpu.memref_slice %arg6[%add3A_112, %dma_start3A_121] : memref<10008x128xf32, #tpu.memory_space<vmem_shared>> -> memref<96x128xf32, #tpu.memory_space<vmem_shared>>
        %dma_start3A_123 = arith.constant 0 : i32
        %dma_start3A_124 = tpu.memref_slice %arg6[%add3A_112, %dma_start3A_123] : memref<10008x128xf32, #tpu.memory_space<vmem_shared>> -> memref<96x128xf32, #tpu.memory_space<vmem_shared>>
        tpu.enqueue_dma source(%arg7 : memref<96x128xf32, #tpu.memory_space<vmem>>) target(%dma_start3A_124 : memref<96x128xf32, #tpu.memory_space<vmem_shared>>) target_semaphore(%run_scoped3A : memref<!tpu.dma_semaphore, #tpu.memory_space<semaphore_mem>>)
        %dma_wait3A_125 = arith.constant 0 : i32
        %dma_wait3A_126 = tpu.memref_slice %arg6[%add3A_112, %dma_wait3A_125] : memref<10008x128xf32, #tpu.memory_space<vmem_shared>> -> memref<96x128xf32, #tpu.memory_space<vmem_shared>>
        %dma_wait3A_127 = arith.constant 0 : i32
        %dma_wait3A_128 = tpu.memref_slice %arg6[%add3A_112, %dma_wait3A_127] : memref<10008x128xf32, #tpu.memory_space<vmem_shared>> -> memref<96x128xf32, #tpu.memory_space<vmem_shared>>
        tpu.wait_dma2 semaphore(%run_scoped3A : memref<!tpu.dma_semaphore, #tpu.memory_space<semaphore_mem>>) src(%arg7 : memref<96x128xf32, #tpu.memory_space<vmem>>) dst(%dma_wait3A_128 : memref<96x128xf32, #tpu.memory_space<vmem_shared>>)
        tpu.yield
      }) : () -> ()
      %add3A_113 = arith.constant 192 : i32
      %add3A_114 = arith.addi %mul3A_6, %add3A_113 : i32
      "tpu.region"() ({
        %run_scoped3A = tpu.sem_alloc : memref<!tpu.dma_semaphore, #tpu.memory_space<semaphore_mem>>
        %dma_start3A_121 = arith.constant 0 : i32
        %dma_start3A_122 = tpu.memref_slice %arg6[%add3A_114, %dma_start3A_121] : memref<10008x128xf32, #tpu.memory_space<vmem_shared>> -> memref<96x128xf32, #tpu.memory_space<vmem_shared>>
        %dma_start3A_123 = arith.constant 0 : i32
        %dma_start3A_124 = tpu.memref_slice %arg6[%add3A_114, %dma_start3A_123] : memref<10008x128xf32, #tpu.memory_space<vmem_shared>> -> memref<96x128xf32, #tpu.memory_space<vmem_shared>>
        tpu.enqueue_dma source(%arg7 : memref<96x128xf32, #tpu.memory_space<vmem>>) target(%dma_start3A_124 : memref<96x128xf32, #tpu.memory_space<vmem_shared>>) target_semaphore(%run_scoped3A : memref<!tpu.dma_semaphore, #tpu.memory_space<semaphore_mem>>)
        %dma_wait3A_125 = arith.constant 0 : i32
        %dma_wait3A_126 = tpu.memref_slice %arg6[%add3A_114, %dma_wait3A_125] : memref<10008x128xf32, #tpu.memory_space<vmem_shared>> -> memref<96x128xf32, #tpu.memory_space<vmem_shared>>
        %dma_wait3A_127 = arith.constant 0 : i32
        %dma_wait3A_128 = tpu.memref_slice %arg6[%add3A_114, %dma_wait3A_127] : memref<10008x128xf32, #tpu.memory_space<vmem_shared>> -> memref<96x128xf32, #tpu.memory_space<vmem_shared>>
        tpu.wait_dma2 semaphore(%run_scoped3A : memref<!tpu.dma_semaphore, #tpu.memory_space<semaphore_mem>>) src(%arg7 : memref<96x128xf32, #tpu.memory_space<vmem>>) dst(%dma_wait3A_128 : memref<96x128xf32, #tpu.memory_space<vmem_shared>>)
        tpu.yield
      }) : () -> ()
      %add3A_115 = arith.constant 288 : i32
      %add3A_116 = arith.addi %mul3A_6, %add3A_115 : i32
      "tpu.region"() ({
        %run_scoped3A = tpu.sem_alloc : memref<!tpu.dma_semaphore, #tpu.memory_space<semaphore_mem>>
        %dma_start3A_121 = arith.constant 0 : i32
        %dma_start3A_122 = tpu.memref_slice %arg6[%add3A_116, %dma_start3A_121] : memref<10008x128xf32, #tpu.memory_space<vmem_shared>> -> memref<96x128xf32, #tpu.memory_space<vmem_shared>>
        %dma_start3A_123 = arith.constant 0 : i32
        %dma_start3A_124 = tpu.memref_slice %arg6[%add3A_116, %dma_start3A_123] : memref<10008x128xf32, #tpu.memory_space<vmem_shared>> -> memref<96x128xf32, #tpu.memory_space<vmem_shared>>
        tpu.enqueue_dma source(%arg7 : memref<96x128xf32, #tpu.memory_space<vmem>>) target(%dma_start3A_124 : memref<96x128xf32, #tpu.memory_space<vmem_shared>>) target_semaphore(%run_scoped3A : memref<!tpu.dma_semaphore, #tpu.memory_space<semaphore_mem>>)
        %dma_wait3A_125 = arith.constant 0 : i32
        %dma_wait3A_126 = tpu.memref_slice %arg6[%add3A_116, %dma_wait3A_125] : memref<10008x128xf32, #tpu.memory_space<vmem_shared>> -> memref<96x128xf32, #tpu.memory_space<vmem_shared>>
        %dma_wait3A_127 = arith.constant 0 : i32
        %dma_wait3A_128 = tpu.memref_slice %arg6[%add3A_116, %dma_wait3A_127] : memref<10008x128xf32, #tpu.memory_space<vmem_shared>> -> memref<96x128xf32, #tpu.memory_space<vmem_shared>>
        tpu.wait_dma2 semaphore(%run_scoped3A : memref<!tpu.dma_semaphore, #tpu.memory_space<semaphore_mem>>) src(%arg7 : memref<96x128xf32, #tpu.memory_space<vmem>>) dst(%dma_wait3A_128 : memref<96x128xf32, #tpu.memory_space<vmem_shared>>)
        tpu.yield
      }) : () -> ()
      %add3A_117 = arith.constant 384 : i32
      %add3A_118 = arith.addi %mul3A_6, %add3A_117 : i32
      "tpu.region"() ({
        %run_scoped3A = tpu.sem_alloc : memref<!tpu.dma_semaphore, #tpu.memory_space<semaphore_mem>>
        %dma_start3A_121 = arith.constant 0 : i32
        %dma_start3A_122 = tpu.memref_slice %arg6[%add3A_118, %dma_start3A_121] : memref<10008x128xf32, #tpu.memory_space<vmem_shared>> -> memref<96x128xf32, #tpu.memory_space<vmem_shared>>
        %dma_start3A_123 = arith.constant 0 : i32
        %dma_start3A_124 = tpu.memref_slice %arg6[%add3A_118, %dma_start3A_123] : memref<10008x128xf32, #tpu.memory_space<vmem_shared>> -> memref<96x128xf32, #tpu.memory_space<vmem_shared>>
        tpu.enqueue_dma source(%arg7 : memref<96x128xf32, #tpu.memory_space<vmem>>) target(%dma_start3A_124 : memref<96x128xf32, #tpu.memory_space<vmem_shared>>) target_semaphore(%run_scoped3A : memref<!tpu.dma_semaphore, #tpu.memory_space<semaphore_mem>>)
        %dma_wait3A_125 = arith.constant 0 : i32
        %dma_wait3A_126 = tpu.memref_slice %arg6[%add3A_118, %dma_wait3A_125] : memref<10008x128xf32, #tpu.memory_space<vmem_shared>> -> memref<96x128xf32, #tpu.memory_space<vmem_shared>>
        %dma_wait3A_127 = arith.constant 0 : i32
        %dma_wait3A_128 = tpu.memref_slice %arg6[%add3A_118, %dma_wait3A_127] : memref<10008x128xf32, #tpu.memory_space<vmem_shared>> -> memref<96x128xf32, #tpu.memory_space<vmem_shared>>
        tpu.wait_dma2 semaphore(%run_scoped3A : memref<!tpu.dma_semaphore, #tpu.memory_space<semaphore_mem>>) src(%arg7 : memref<96x128xf32, #tpu.memory_space<vmem>>) dst(%dma_wait3A_128 : memref<96x128xf32, #tpu.memory_space<vmem_shared>>)
        tpu.yield
      }) : () -> ()
      %add3A_119 = arith.constant 480 : i32
      %add3A_120 = arith.addi %mul3A_6, %add3A_119 : i32
      "tpu.region"() ({
        %run_scoped3A = tpu.sem_alloc : memref<!tpu.dma_semaphore, #tpu.memory_space<semaphore_mem>>
        %dma_start3A_121 = arith.constant 0 : i32
        %dma_start3A_122 = arith.constant 0 : i32
        %dma_start3A_123 = tpu.memref_slice %arg7[%dma_start3A_121, %dma_start3A_122] : memref<96x128xf32, #tpu.memory_space<vmem>> -> memref<48x128xf32, #tpu.memory_space<vmem>>
        %dma_start3A_124 = arith.constant 0 : i32
        %dma_start3A_125 = tpu.memref_slice %arg6[%add3A_120, %dma_start3A_124] : memref<10008x128xf32, #tpu.memory_space<vmem_shared>> -> memref<48x128xf32, #tpu.memory_space<vmem_shared>>
        %dma_start3A_126 = arith.constant 0 : i32
        %dma_start3A_127 = tpu.memref_slice %arg6[%add3A_120, %dma_start3A_126] : memref<10008x128xf32, #tpu.memory_space<vmem_shared>> -> memref<48x128xf32, #tpu.memory_space<vmem_shared>>
        %dma_start3A_128 = arith.constant 0 : i32
        %dma_start3A_129 = arith.constant 0 : i32
        %dma_start3A_130 = tpu.memref_slice %arg7[%dma_start3A_128, %dma_start3A_129] : memref<96x128xf32, #tpu.memory_space<vmem>> -> memref<48x128xf32, #tpu.memory_space<vmem>>
        tpu.enqueue_dma source(%dma_start3A_130 : memref<48x128xf32, #tpu.memory_space<vmem>>) target(%dma_start3A_127 : memref<48x128xf32, #tpu.memory_space<vmem_shared>>) target_semaphore(%run_scoped3A : memref<!tpu.dma_semaphore, #tpu.memory_space<semaphore_mem>>)
        %dma_wait3A_131 = arith.constant 0 : i32
        %dma_wait3A_132 = arith.constant 0 : i32
        %dma_wait3A_133 = tpu.memref_slice %arg7[%dma_wait3A_131, %dma_wait3A_132] : memref<96x128xf32, #tpu.memory_space<vmem>> -> memref<48x128xf32, #tpu.memory_space<vmem>>
        %dma_wait3A_134 = arith.constant 0 : i32
        %dma_wait3A_135 = tpu.memref_slice %arg6[%add3A_120, %dma_wait3A_134] : memref<10008x128xf32, #tpu.memory_space<vmem_shared>> -> memref<48x128xf32, #tpu.memory_space<vmem_shared>>
        %dma_wait3A_136 = arith.constant 0 : i32
        %dma_wait3A_137 = tpu.memref_slice %arg6[%add3A_120, %dma_wait3A_136] : memref<10008x128xf32, #tpu.memory_space<vmem_shared>> -> memref<48x128xf32, #tpu.memory_space<vmem_shared>>
        %dma_wait3A_138 = arith.constant 0 : i32
        %dma_wait3A_139 = arith.constant 0 : i32
        %dma_wait3A_140 = tpu.memref_slice %arg7[%dma_wait3A_138, %dma_wait3A_139] : memref<96x128xf32, #tpu.memory_space<vmem>> -> memref<48x128xf32, #tpu.memory_space<vmem>>
        tpu.wait_dma2 semaphore(%run_scoped3A : memref<!tpu.dma_semaphore, #tpu.memory_space<semaphore_mem>>) src(%dma_wait3A_140 : memref<48x128xf32, #tpu.memory_space<vmem>>) dst(%dma_wait3A_137 : memref<48x128xf32, #tpu.memory_space<vmem_shared>>)
        tpu.yield
      }) : () -> ()
    } else {
    }
    %barrier3A = arith.constant 0 : index
    tpu.barrier barrier_id(%barrier3A)
    %mul3A_13 = arith.constant 20736 : i32
    %mul3A_14 = arith.muli %arg1, %mul3A_13 : i32
    %mul3A_15 = arith.constant 331776 : i32
    %mul3A_16 = arith.muli %arg0, %mul3A_15 : i32
    %add3A = arith.addi %mul3A_16, %mul3A_14 : i32
    %add3A_17 = arith.constant 0 : i32
    %add3A_18 = arith.addi %add3A, %add3A_17 : i32
    %dma_start3A = tpu.memref_slice %arg3[%add3A_18] : memref<663552xi32, #tpu.memory_space<hbm>> -> memref<96xi32, #tpu.memory_space<hbm>>
    %dma_start3A_19 = tpu.memref_slice %arg3[%add3A_18] : memref<663552xi32, #tpu.memory_space<hbm>> -> memref<96xi32, #tpu.memory_space<hbm>>
    tpu.enqueue_dma source(%dma_start3A_19 : memref<96xi32, #tpu.memory_space<hbm>>) target(%arg11 : memref<96xi32, #tpu.memory_space<vmem>>) target_semaphore(%arg31 : memref<!tpu.dma_semaphore, #tpu.memory_space<semaphore_mem>>)
    %add3A_20 = arith.constant 0 : i32
    %add3A_21 = arith.addi %mul3A_14, %add3A_20 : i32
    %dma_start3A_22 = tpu.memref_slice %arg4[%add3A_21] : memref<331776xi32, #tpu.memory_space<hbm>> -> memref<96xi32, #tpu.memory_space<hbm>>
    %dma_start3A_23 = tpu.memref_slice %arg4[%add3A_21] : memref<331776xi32, #tpu.memory_space<hbm>> -> memref<96xi32, #tpu.memory_space<hbm>>
    tpu.enqueue_dma source(%dma_start3A_23 : memref<96xi32, #tpu.memory_space<hbm>>) target(%arg17 : memref<96xi32, #tpu.memory_space<vmem>>) target_semaphore(%arg31 : memref<!tpu.dma_semaphore, #tpu.memory_space<semaphore_mem>>)
    %add3A_24 = arith.constant 96 : i32
    %add3A_25 = arith.addi %add3A, %add3A_24 : i32
    %dma_start3A_26 = tpu.memref_slice %arg3[%add3A_25] : memref<663552xi32, #tpu.memory_space<hbm>> -> memref<96xi32, #tpu.memory_space<hbm>>
    %dma_start3A_27 = tpu.memref_slice %arg3[%add3A_25] : memref<663552xi32, #tpu.memory_space<hbm>> -> memref<96xi32, #tpu.memory_space<hbm>>
    tpu.enqueue_dma source(%dma_start3A_27 : memref<96xi32, #tpu.memory_space<hbm>>) target(%arg12 : memref<96xi32, #tpu.memory_space<vmem>>) target_semaphore(%arg32 : memref<!tpu.dma_semaphore, #tpu.memory_space<semaphore_mem>>)
    %add3A_28 = arith.constant 96 : i32
    %add3A_29 = arith.addi %mul3A_14, %add3A_28 : i32
    %dma_start3A_30 = tpu.memref_slice %arg4[%add3A_29] : memref<331776xi32, #tpu.memory_space<hbm>> -> memref<96xi32, #tpu.memory_space<hbm>>
    %dma_start3A_31 = tpu.memref_slice %arg4[%add3A_29] : memref<331776xi32, #tpu.memory_space<hbm>> -> memref<96xi32, #tpu.memory_space<hbm>>
    tpu.enqueue_dma source(%dma_start3A_31 : memref<96xi32, #tpu.memory_space<hbm>>) target(%arg18 : memref<96xi32, #tpu.memory_space<vmem>>) target_semaphore(%arg32 : memref<!tpu.dma_semaphore, #tpu.memory_space<semaphore_mem>>)
    %add3A_32 = arith.constant 192 : i32
    %add3A_33 = arith.addi %add3A, %add3A_32 : i32
    %dma_start3A_34 = tpu.memref_slice %arg3[%add3A_33] : memref<663552xi32, #tpu.memory_space<hbm>> -> memref<96xi32, #tpu.memory_space<hbm>>
    %dma_start3A_35 = tpu.memref_slice %arg3[%add3A_33] : memref<663552xi32, #tpu.memory_space<hbm>> -> memref<96xi32, #tpu.memory_space<hbm>>
    tpu.enqueue_dma source(%dma_start3A_35 : memref<96xi32, #tpu.memory_space<hbm>>) target(%arg13 : memref<96xi32, #tpu.memory_space<vmem>>) target_semaphore(%arg33 : memref<!tpu.dma_semaphore, #tpu.memory_space<semaphore_mem>>)
    %add3A_36 = arith.constant 192 : i32
    %add3A_37 = arith.addi %mul3A_14, %add3A_36 : i32
    %dma_start3A_38 = tpu.memref_slice %arg4[%add3A_37] : memref<331776xi32, #tpu.memory_space<hbm>> -> memref<96xi32, #tpu.memory_space<hbm>>
    %dma_start3A_39 = tpu.memref_slice %arg4[%add3A_37] : memref<331776xi32, #tpu.memory_space<hbm>> -> memref<96xi32, #tpu.memory_space<hbm>>
    tpu.enqueue_dma source(%dma_start3A_39 : memref<96xi32, #tpu.memory_space<hbm>>) target(%arg19 : memref<96xi32, #tpu.memory_space<vmem>>) target_semaphore(%arg33 : memref<!tpu.dma_semaphore, #tpu.memory_space<semaphore_mem>>)
    %add3A_40 = arith.constant 288 : i32
    %add3A_41 = arith.addi %add3A, %add3A_40 : i32
    %dma_start3A_42 = tpu.memref_slice %arg3[%add3A_41] : memref<663552xi32, #tpu.memory_space<hbm>> -> memref<96xi32, #tpu.memory_space<hbm>>
    %dma_start3A_43 = tpu.memref_slice %arg3[%add3A_41] : memref<663552xi32, #tpu.memory_space<hbm>> -> memref<96xi32, #tpu.memory_space<hbm>>
    tpu.enqueue_dma source(%dma_start3A_43 : memref<96xi32, #tpu.memory_space<hbm>>) target(%arg14 : memref<96xi32, #tpu.memory_space<vmem>>) target_semaphore(%arg34 : memref<!tpu.dma_semaphore, #tpu.memory_space<semaphore_mem>>)
    %add3A_44 = arith.constant 288 : i32
    %add3A_45 = arith.addi %mul3A_14, %add3A_44 : i32
    %dma_start3A_46 = tpu.memref_slice %arg4[%add3A_45] : memref<331776xi32, #tpu.memory_space<hbm>> -> memref<96xi32, #tpu.memory_space<hbm>>
    %dma_start3A_47 = tpu.memref_slice %arg4[%add3A_45] : memref<331776xi32, #tpu.memory_space<hbm>> -> memref<96xi32, #tpu.memory_space<hbm>>
    tpu.enqueue_dma source(%dma_start3A_47 : memref<96xi32, #tpu.memory_space<hbm>>) target(%arg20 : memref<96xi32, #tpu.memory_space<vmem>>) target_semaphore(%arg34 : memref<!tpu.dma_semaphore, #tpu.memory_space<semaphore_mem>>)
    %add3A_48 = arith.constant 384 : i32
    %add3A_49 = arith.addi %add3A, %add3A_48 : i32
    %dma_start3A_50 = tpu.memref_slice %arg3[%add3A_49] : memref<663552xi32, #tpu.memory_space<hbm>> -> memref<96xi32, #tpu.memory_space<hbm>>
    %dma_start3A_51 = tpu.memref_slice %arg3[%add3A_49] : memref<663552xi32, #tpu.memory_space<hbm>> -> memref<96xi32, #tpu.memory_space<hbm>>
    tpu.enqueue_dma source(%dma_start3A_51 : memref<96xi32, #tpu.memory_space<hbm>>) target(%arg15 : memref<96xi32, #tpu.memory_space<vmem>>) target_semaphore(%arg35 : memref<!tpu.dma_semaphore, #tpu.memory_space<semaphore_mem>>)
    %add3A_52 = arith.constant 384 : i32
    %add3A_53 = arith.addi %mul3A_14, %add3A_52 : i32
    %dma_start3A_54 = tpu.memref_slice %arg4[%add3A_53] : memref<331776xi32, #tpu.memory_space<hbm>> -> memref<96xi32, #tpu.memory_space<hbm>>
    %dma_start3A_55 = tpu.memref_slice %arg4[%add3A_53] : memref<331776xi32, #tpu.memory_space<hbm>> -> memref<96xi32, #tpu.memory_space<hbm>>
    tpu.enqueue_dma source(%dma_start3A_55 : memref<96xi32, #tpu.memory_space<hbm>>) target(%arg21 : memref<96xi32, #tpu.memory_space<vmem>>) target_semaphore(%arg35 : memref<!tpu.dma_semaphore, #tpu.memory_space<semaphore_mem>>)
    %add3A_56 = arith.constant 0 : i32
    %add3A_57 = arith.addi %add3A, %add3A_56 : i32
    %dma_wait3A = tpu.memref_slice %arg3[%add3A_57] : memref<663552xi32, #tpu.memory_space<hbm>> -> memref<96xi32, #tpu.memory_space<hbm>>
    %dma_wait3A_58 = tpu.memref_slice %arg3[%add3A_57] : memref<663552xi32, #tpu.memory_space<hbm>> -> memref<96xi32, #tpu.memory_space<hbm>>
    tpu.wait_dma2 semaphore(%arg31 : memref<!tpu.dma_semaphore, #tpu.memory_space<semaphore_mem>>) src(%dma_wait3A_58 : memref<96xi32, #tpu.memory_space<hbm>>) dst(%arg11 : memref<96xi32, #tpu.memory_space<vmem>>)
    %add3A_59 = arith.constant 0 : i32
    %add3A_60 = arith.addi %mul3A_14, %add3A_59 : i32
    %dma_wait3A_61 = tpu.memref_slice %arg4[%add3A_60] : memref<331776xi32, #tpu.memory_space<hbm>> -> memref<96xi32, #tpu.memory_space<hbm>>
    %dma_wait3A_62 = tpu.memref_slice %arg4[%add3A_60] : memref<331776xi32, #tpu.memory_space<hbm>> -> memref<96xi32, #tpu.memory_space<hbm>>
    tpu.wait_dma2 semaphore(%arg31 : memref<!tpu.dma_semaphore, #tpu.memory_space<semaphore_mem>>) src(%dma_wait3A_62 : memref<96xi32, #tpu.memory_space<hbm>>) dst(%arg17 : memref<96xi32, #tpu.memory_space<vmem>>)
    %dma_start3A_63 = arith.constant 0 : i32
    %dma_start3A_64 = arith.constant 0 : i32
    %dma_start3A_65 = tpu.memref_slice %arg2[%dma_start3A_63, %dma_start3A_64] : memref<20000x128xf32, #tpu.memory_space<hbm>> -> memref<20000x128xf32, #tpu.memory_space<hbm>>
    tpu.enqueue_indirect_dma source(%dma_start3A_65 : memref<20000x128xf32, #tpu.memory_space<hbm>>) target(%arg7 : memref<96x128xf32, #tpu.memory_space<vmem>>) offsets(%arg11 : memref<96xi32, #tpu.memory_space<vmem>>) semaphore(%arg23 : memref<!tpu.dma_semaphore, #tpu.memory_space<semaphore_mem>>)
    %add3A_66 = arith.constant 96 : i32
    %add3A_67 = arith.addi %add3A, %add3A_66 : i32
    %dma_wait3A_68 = tpu.memref_slice %arg3[%add3A_67] : memref<663552xi32, #tpu.memory_space<hbm>> -> memref<96xi32, #tpu.memory_space<hbm>>
    %dma_wait3A_69 = tpu.memref_slice %arg3[%add3A_67] : memref<663552xi32, #tpu.memory_space<hbm>> -> memref<96xi32, #tpu.memory_space<hbm>>
    tpu.wait_dma2 semaphore(%arg32 : memref<!tpu.dma_semaphore, #tpu.memory_space<semaphore_mem>>) src(%dma_wait3A_69 : memref<96xi32, #tpu.memory_space<hbm>>) dst(%arg12 : memref<96xi32, #tpu.memory_space<vmem>>)
    %add3A_70 = arith.constant 96 : i32
    %add3A_71 = arith.addi %mul3A_14, %add3A_70 : i32
    %dma_wait3A_72 = tpu.memref_slice %arg4[%add3A_71] : memref<331776xi32, #tpu.memory_space<hbm>> -> memref<96xi32, #tpu.memory_space<hbm>>
    %dma_wait3A_73 = tpu.memref_slice %arg4[%add3A_71] : memref<331776xi32, #tpu.memory_space<hbm>> -> memref<96xi32, #tpu.memory_space<hbm>>
    tpu.wait_dma2 semaphore(%arg32 : memref<!tpu.dma_semaphore, #tpu.memory_space<semaphore_mem>>) src(%dma_wait3A_73 : memref<96xi32, #tpu.memory_space<hbm>>) dst(%arg18 : memref<96xi32, #tpu.memory_space<vmem>>)
    %dma_start3A_74 = arith.constant 0 : i32
    %dma_start3A_75 = arith.constant 0 : i32
    %dma_start3A_76 = tpu.memref_slice %arg2[%dma_start3A_74, %dma_start3A_75] : memref<20000x128xf32, #tpu.memory_space<hbm>> -> memref<20000x128xf32, #tpu.memory_space<hbm>>
    tpu.enqueue_indirect_dma source(%dma_start3A_76 : memref<20000x128xf32, #tpu.memory_space<hbm>>) target(%arg8 : memref<96x128xf32, #tpu.memory_space<vmem>>) offsets(%arg12 : memref<96xi32, #tpu.memory_space<vmem>>) semaphore(%arg24 : memref<!tpu.dma_semaphore, #tpu.memory_space<semaphore_mem>>)
    %add3A_77 = arith.constant 192 : i32
    %add3A_78 = arith.addi %add3A, %add3A_77 : i32
    %dma_wait3A_79 = tpu.memref_slice %arg3[%add3A_78] : memref<663552xi32, #tpu.memory_space<hbm>> -> memref<96xi32, #tpu.memory_space<hbm>>
    %dma_wait3A_80 = tpu.memref_slice %arg3[%add3A_78] : memref<663552xi32, #tpu.memory_space<hbm>> -> memref<96xi32, #tpu.memory_space<hbm>>
    tpu.wait_dma2 semaphore(%arg33 : memref<!tpu.dma_semaphore, #tpu.memory_space<semaphore_mem>>) src(%dma_wait3A_80 : memref<96xi32, #tpu.memory_space<hbm>>) dst(%arg13 : memref<96xi32, #tpu.memory_space<vmem>>)
    %add3A_81 = arith.constant 192 : i32
    %add3A_82 = arith.addi %mul3A_14, %add3A_81 : i32
    %dma_wait3A_83 = tpu.memref_slice %arg4[%add3A_82] : memref<331776xi32, #tpu.memory_space<hbm>> -> memref<96xi32, #tpu.memory_space<hbm>>
    %dma_wait3A_84 = tpu.memref_slice %arg4[%add3A_82] : memref<331776xi32, #tpu.memory_space<hbm>> -> memref<96xi32, #tpu.memory_space<hbm>>
    tpu.wait_dma2 semaphore(%arg33 : memref<!tpu.dma_semaphore, #tpu.memory_space<semaphore_mem>>) src(%dma_wait3A_84 : memref<96xi32, #tpu.memory_space<hbm>>) dst(%arg19 : memref<96xi32, #tpu.memory_space<vmem>>)
    %dma_start3A_85 = arith.constant 0 : i32
    %dma_start3A_86 = arith.constant 0 : i32
    %dma_start3A_87 = tpu.memref_slice %arg2[%dma_start3A_85, %dma_start3A_86] : memref<20000x128xf32, #tpu.memory_space<hbm>> -> memref<20000x128xf32, #tpu.memory_space<hbm>>
    tpu.enqueue_indirect_dma source(%dma_start3A_87 : memref<20000x128xf32, #tpu.memory_space<hbm>>) target(%arg9 : memref<96x128xf32, #tpu.memory_space<vmem>>) offsets(%arg13 : memref<96xi32, #tpu.memory_space<vmem>>) semaphore(%arg25 : memref<!tpu.dma_semaphore, #tpu.memory_space<semaphore_mem>>)
    %scan3A_88 = arith.constant 0 : i32
    %scan3A_89 = arith.constant 0 : i32
    %scan3A_90 = arith.constant 18 : i32
    %scan3A_91 = arith.addi %scan3A_89, %scan3A_90 : i32
    %scan3A_92 = arith.constant 1 : i32
    %scan3A_93 = scf.for %scan3A_109 = %scan3A_89 to %scan3A_91 step %scan3A_92 iter_args(%scan3A_110 = %scan3A_88) -> (i32)  : i32 {
      %mul3A_111 = arith.constant 12 : i32
      %mul3A_112 = arith.muli %mul3A_111, %scan3A_109 : i32
      %add3A_113 = arith.constant 0 : i32
      %add3A_114 = arith.addi %mul3A_112, %add3A_113 : i32
      %dma_wait3A_115 = arith.constant 0 : i32
      %dma_wait3A_116 = arith.constant 0 : i32
      %dma_wait3A_117 = tpu.memref_slice %arg2[%dma_wait3A_115, %dma_wait3A_116] : memref<20000x128xf32, #tpu.memory_space<hbm>> -> memref<20000x128xf32, #tpu.memory_space<hbm>>
      tpu.wait_indirect_dma semaphore(%arg23 : memref<!tpu.dma_semaphore, #tpu.memory_space<semaphore_mem>>) src(%dma_wait3A_117 : memref<20000x128xf32, #tpu.memory_space<hbm>>) dst(%arg7 : memref<96x128xf32, #tpu.memory_space<vmem>>)
      %dma_start3A_118 = arith.constant 0 : i32
      %dma_start3A_119 = arith.constant 0 : i32
      %dma_start3A_120 = tpu.memref_slice %arg6[%dma_start3A_118, %dma_start3A_119] : memref<10008x128xf32, #tpu.memory_space<vmem_shared>> -> memref<10008x128xf32, #tpu.memory_space<vmem_shared>>
      tpu.enqueue_indirect_dma source(%arg7 : memref<96x128xf32, #tpu.memory_space<vmem>>) target(%dma_start3A_120 : memref<10008x128xf32, #tpu.memory_space<vmem_shared>>) offsets(%arg17 : memref<96xi32, #tpu.memory_space<vmem>>) semaphore(%arg27 : memref<!tpu.dma_semaphore, #tpu.memory_space<semaphore_mem>>) {add = true}
      %ge3A = arith.constant 1 : i32
      %ge3A_121 = arith.cmpi sge, %add3A_114, %ge3A : i32
      %convert_element_type3A_122 = arith.extui %ge3A_121 : i1 to i32
      %cond3A_123 = arith.constant 0 : i32
      %cond3A_124 = arith.cmpi ne, %convert_element_type3A_122, %cond3A_123 : i32
      scf.if %cond3A_124 {
        %dma_wait3A_459 = arith.constant 0 : i32
        %dma_wait3A_460 = arith.constant 0 : i32
        %dma_wait3A_461 = tpu.memref_slice %arg6[%dma_wait3A_459, %dma_wait3A_460] : memref<10008x128xf32, #tpu.memory_space<vmem_shared>> -> memref<10008x128xf32, #tpu.memory_space<vmem_shared>>
        tpu.wait_indirect_dma semaphore(%arg30 : memref<!tpu.dma_semaphore, #tpu.memory_space<semaphore_mem>>) src(%arg10 : memref<96x128xf32, #tpu.memory_space<vmem>>) dst(%dma_wait3A_461 : memref<10008x128xf32, #tpu.memory_space<vmem_shared>>)
      } else {
      }
      %add3A_125 = arith.constant 5 : i32
      %add3A_126 = arith.addi %add3A_114, %add3A_125 : i32
      %lt3A_127 = arith.constant 216 : i32
      %lt3A_128 = arith.cmpi slt, %add3A_126, %lt3A_127 : i32
      %convert_element_type3A_129 = arith.extui %lt3A_128 : i1 to i32
      %cond3A_130 = arith.constant 0 : i32
      %cond3A_131 = arith.cmpi ne, %convert_element_type3A_129, %cond3A_130 : i32
      scf.if %cond3A_131 {
        %add3A_459 = arith.constant 5 : i32
        %add3A_460 = arith.addi %add3A_114, %add3A_459 : i32
        %mul3A_461 = arith.constant 96 : i32
        %mul3A_462 = arith.muli %add3A_460, %mul3A_461 : i32
        %add3A_463 = arith.addi %add3A, %mul3A_462 : i32
        %dma_start3A_464 = tpu.memref_slice %arg3[%add3A_463] : memref<663552xi32, #tpu.memory_space<hbm>> -> memref<96xi32, #tpu.memory_space<hbm>>
        %dma_start3A_465 = tpu.memref_slice %arg3[%add3A_463] : memref<663552xi32, #tpu.memory_space<hbm>> -> memref<96xi32, #tpu.memory_space<hbm>>
        tpu.enqueue_dma source(%dma_start3A_465 : memref<96xi32, #tpu.memory_space<hbm>>) target(%arg16 : memref<96xi32, #tpu.memory_space<vmem>>) target_semaphore(%arg36 : memref<!tpu.dma_semaphore, #tpu.memory_space<semaphore_mem>>)
        %mul3A_466 = arith.constant 96 : i32
        %mul3A_467 = arith.muli %add3A_460, %mul3A_466 : i32
        %add3A_468 = arith.addi %mul3A_14, %mul3A_467 : i32
        %dma_start3A_469 = tpu.memref_slice %arg4[%add3A_468] : memref<331776xi32, #tpu.memory_space<hbm>> -> memref<96xi32, #tpu.memory_space<hbm>>
        %dma_start3A_470 = tpu.memref_slice %arg4[%add3A_468] : memref<331776xi32, #tpu.memory_space<hbm>> -> memref<96xi32, #tpu.memory_space<hbm>>
        tpu.enqueue_dma source(%dma_start3A_470 : memref<96xi32, #tpu.memory_space<hbm>>) target(%arg22 : memref<96xi32, #tpu.memory_space<vmem>>) target_semaphore(%arg36 : memref<!tpu.dma_semaphore, #tpu.memory_space<semaphore_mem>>)
      } else {
      }
      %add3A_132 = arith.constant 3 : i32
      %add3A_133 = arith.addi %add3A_114, %add3A_132 : i32
      %lt3A_134 = arith.constant 216 : i32
      %lt3A_135 = arith.cmpi slt, %add3A_133, %lt3A_134 : i32
      %convert_element_type3A_136 = arith.extui %lt3A_135 : i1 to i32
      %cond3A_137 = arith.constant 0 : i32
      %cond3A_138 = arith.cmpi ne, %convert_element_type3A_136, %cond3A_137 : i32
      scf.if %cond3A_138 {
        %add3A_459 = arith.constant 3 : i32
        %add3A_460 = arith.addi %add3A_114, %add3A_459 : i32
        %mul3A_461 = arith.constant 96 : i32
        %mul3A_462 = arith.muli %add3A_460, %mul3A_461 : i32
        %add3A_463 = arith.addi %add3A, %mul3A_462 : i32
        %dma_wait3A_464 = tpu.memref_slice %arg3[%add3A_463] : memref<663552xi32, #tpu.memory_space<hbm>> -> memref<96xi32, #tpu.memory_space<hbm>>
        %dma_wait3A_465 = tpu.memref_slice %arg3[%add3A_463] : memref<663552xi32, #tpu.memory_space<hbm>> -> memref<96xi32, #tpu.memory_space<hbm>>
        tpu.wait_dma2 semaphore(%arg34 : memref<!tpu.dma_semaphore, #tpu.memory_space<semaphore_mem>>) src(%dma_wait3A_465 : memref<96xi32, #tpu.memory_space<hbm>>) dst(%arg14 : memref<96xi32, #tpu.memory_space<vmem>>)
        %mul3A_466 = arith.constant 96 : i32
        %mul3A_467 = arith.muli %add3A_460, %mul3A_466 : i32
        %add3A_468 = arith.addi %mul3A_14, %mul3A_467 : i32
        %dma_wait3A_469 = tpu.memref_slice %arg4[%add3A_468] : memref<331776xi32, #tpu.memory_space<hbm>> -> memref<96xi32, #tpu.memory_space<hbm>>
        %dma_wait3A_470 = tpu.memref_slice %arg4[%add3A_468] : memref<331776xi32, #tpu.memory_space<hbm>> -> memref<96xi32, #tpu.memory_space<hbm>>
        tpu.wait_dma2 semaphore(%arg34 : memref<!tpu.dma_semaphore, #tpu.memory_space<semaphore_mem>>) src(%dma_wait3A_470 : memref<96xi32, #tpu.memory_space<hbm>>) dst(%arg20 : memref<96xi32, #tpu.memory_space<vmem>>)
        %dma_start3A_471 = arith.constant 0 : i32
        %dma_start3A_472 = arith.constant 0 : i32
        %dma_start3A_473 = tpu.memref_slice %arg2[%dma_start3A_471, %dma_start3A_472] : memref<20000x128xf32, #tpu.memory_space<hbm>> -> memref<20000x128xf32, #tpu.memory_space<hbm>>
        tpu.enqueue_indirect_dma source(%dma_start3A_473 : memref<20000x128xf32, #tpu.memory_space<hbm>>) target(%arg10 : memref<96x128xf32, #tpu.memory_space<vmem>>) offsets(%arg14 : memref<96xi32, #tpu.memory_space<vmem>>) semaphore(%arg26 : memref<!tpu.dma_semaphore, #tpu.memory_space<semaphore_mem>>)
      } else {
      }
      %mul3A_139 = arith.constant 12 : i32
      %mul3A_140 = arith.muli %mul3A_139, %scan3A_109 : i32
      %add3A_141 = arith.constant 1 : i32
      %add3A_142 = arith.addi %mul3A_140, %add3A_141 : i32
      %dma_wait3A_143 = arith.constant 0 : i32
      %dma_wait3A_144 = arith.constant 0 : i32
      %dma_wait3A_145 = tpu.memref_slice %arg2[%dma_wait3A_143, %dma_wait3A_144] : memref<20000x128xf32, #tpu.memory_space<hbm>> -> memref<20000x128xf32, #tpu.memory_space<hbm>>
      tpu.wait_indirect_dma semaphore(%arg24 : memref<!tpu.dma_semaphore, #tpu.memory_space<semaphore_mem>>) src(%dma_wait3A_145 : memref<20000x128xf32, #tpu.memory_space<hbm>>) dst(%arg8 : memref<96x128xf32, #tpu.memory_space<vmem>>)
      %dma_start3A_146 = arith.constant 0 : i32
      %dma_start3A_147 = arith.constant 0 : i32
      %dma_start3A_148 = tpu.memref_slice %arg6[%dma_start3A_146, %dma_start3A_147] : memref<10008x128xf32, #tpu.memory_space<vmem_shared>> -> memref<10008x128xf32, #tpu.memory_space<vmem_shared>>
      tpu.enqueue_indirect_dma source(%arg8 : memref<96x128xf32, #tpu.memory_space<vmem>>) target(%dma_start3A_148 : memref<10008x128xf32, #tpu.memory_space<vmem_shared>>) offsets(%arg18 : memref<96xi32, #tpu.memory_space<vmem>>) semaphore(%arg28 : memref<!tpu.dma_semaphore, #tpu.memory_space<semaphore_mem>>) {add = true}
      %ge3A_149 = arith.constant 1 : i32
      %ge3A_150 = arith.cmpi sge, %add3A_142, %ge3A_149 : i32
      %convert_element_type3A_151 = arith.extui %ge3A_150 : i1 to i32
      %cond3A_152 = arith.constant 0 : i32
      %cond3A_153 = arith.cmpi ne, %convert_element_type3A_151, %cond3A_152 : i32
      scf.if %cond3A_153 {
        %dma_wait3A_459 = arith.constant 0 : i32
        %dma_wait3A_460 = arith.constant 0 : i32
        %dma_wait3A_461 = tpu.memref_slice %arg6[%dma_wait3A_459, %dma_wait3A_460] : memref<10008x128xf32, #tpu.memory_space<vmem_shared>> -> memref<10008x128xf32, #tpu.memory_space<vmem_shared>>
        tpu.wait_indirect_dma semaphore(%arg27 : memref<!tpu.dma_semaphore, #tpu.memory_space<semaphore_mem>>) src(%arg7 : memref<96x128xf32, #tpu.memory_space<vmem>>) dst(%dma_wait3A_461 : memref<10008x128xf32, #tpu.memory_space<vmem_shared>>)
      } else {
      }
      %add3A_154 = arith.constant 5 : i32
      %add3A_155 = arith.addi %add3A_142, %add3A_154 : i32
      %lt3A_156 = arith.constant 216 : i32
      %lt3A_157 = arith.cmpi slt, %add3A_155, %lt3A_156 : i32
      %convert_element_type3A_158 = arith.extui %lt3A_157 : i1 to i32
      %cond3A_159 = arith.constant 0 : i32
      %cond3A_160 = arith.cmpi ne, %convert_element_type3A_158, %cond3A_159 : i32
      scf.if %cond3A_160 {
        %add3A_459 = arith.constant 5 : i32
        %add3A_460 = arith.addi %add3A_142, %add3A_459 : i32
        %mul3A_461 = arith.constant 96 : i32
        %mul3A_462 = arith.muli %add3A_460, %mul3A_461 : i32
        %add3A_463 = arith.addi %add3A, %mul3A_462 : i32
        %dma_start3A_464 = tpu.memref_slice %arg3[%add3A_463] : memref<663552xi32, #tpu.memory_space<hbm>> -> memref<96xi32, #tpu.memory_space<hbm>>
        %dma_start3A_465 = tpu.memref_slice %arg3[%add3A_463] : memref<663552xi32, #tpu.memory_space<hbm>> -> memref<96xi32, #tpu.memory_space<hbm>>
        tpu.enqueue_dma source(%dma_start3A_465 : memref<96xi32, #tpu.memory_space<hbm>>) target(%arg11 : memref<96xi32, #tpu.memory_space<vmem>>) target_semaphore(%arg31 : memref<!tpu.dma_semaphore, #tpu.memory_space<semaphore_mem>>)
        %mul3A_466 = arith.constant 96 : i32
        %mul3A_467 = arith.muli %add3A_460, %mul3A_466 : i32
        %add3A_468 = arith.addi %mul3A_14, %mul3A_467 : i32
        %dma_start3A_469 = tpu.memref_slice %arg4[%add3A_468] : memref<331776xi32, #tpu.memory_space<hbm>> -> memref<96xi32, #tpu.memory_space<hbm>>
        %dma_start3A_470 = tpu.memref_slice %arg4[%add3A_468] : memref<331776xi32, #tpu.memory_space<hbm>> -> memref<96xi32, #tpu.memory_space<hbm>>
        tpu.enqueue_dma source(%dma_start3A_470 : memref<96xi32, #tpu.memory_space<hbm>>) target(%arg17 : memref<96xi32, #tpu.memory_space<vmem>>) target_semaphore(%arg31 : memref<!tpu.dma_semaphore, #tpu.memory_space<semaphore_mem>>)
      } else {
      }
      %add3A_161 = arith.constant 3 : i32
      %add3A_162 = arith.addi %add3A_142, %add3A_161 : i32
      %lt3A_163 = arith.constant 216 : i32
      %lt3A_164 = arith.cmpi slt, %add3A_162, %lt3A_163 : i32
      %convert_element_type3A_165 = arith.extui %lt3A_164 : i1 to i32
      %cond3A_166 = arith.constant 0 : i32
      %cond3A_167 = arith.cmpi ne, %convert_element_type3A_165, %cond3A_166 : i32
      scf.if %cond3A_167 {
        %add3A_459 = arith.constant 3 : i32
        %add3A_460 = arith.addi %add3A_142, %add3A_459 : i32
        %mul3A_461 = arith.constant 96 : i32
        %mul3A_462 = arith.muli %add3A_460, %mul3A_461 : i32
        %add3A_463 = arith.addi %add3A, %mul3A_462 : i32
        %dma_wait3A_464 = tpu.memref_slice %arg3[%add3A_463] : memref<663552xi32, #tpu.memory_space<hbm>> -> memref<96xi32, #tpu.memory_space<hbm>>
        %dma_wait3A_465 = tpu.memref_slice %arg3[%add3A_463] : memref<663552xi32, #tpu.memory_space<hbm>> -> memref<96xi32, #tpu.memory_space<hbm>>
        tpu.wait_dma2 semaphore(%arg35 : memref<!tpu.dma_semaphore, #tpu.memory_space<semaphore_mem>>) src(%dma_wait3A_465 : memref<96xi32, #tpu.memory_space<hbm>>) dst(%arg15 : memref<96xi32, #tpu.memory_space<vmem>>)
        %mul3A_466 = arith.constant 96 : i32
        %mul3A_467 = arith.muli %add3A_460, %mul3A_466 : i32
        %add3A_468 = arith.addi %mul3A_14, %mul3A_467 : i32
        %dma_wait3A_469 = tpu.memref_slice %arg4[%add3A_468] : memref<331776xi32, #tpu.memory_space<hbm>> -> memref<96xi32, #tpu.memory_space<hbm>>
        %dma_wait3A_470 = tpu.memref_slice %arg4[%add3A_468] : memref<331776xi32, #tpu.memory_space<hbm>> -> memref<96xi32, #tpu.memory_space<hbm>>
        tpu.wait_dma2 semaphore(%arg35 : memref<!tpu.dma_semaphore, #tpu.memory_space<semaphore_mem>>) src(%dma_wait3A_470 : memref<96xi32, #tpu.memory_space<hbm>>) dst(%arg21 : memref<96xi32, #tpu.memory_space<vmem>>)
        %dma_start3A_471 = arith.constant 0 : i32
        %dma_start3A_472 = arith.constant 0 : i32
        %dma_start3A_473 = tpu.memref_slice %arg2[%dma_start3A_471, %dma_start3A_472] : memref<20000x128xf32, #tpu.memory_space<hbm>> -> memref<20000x128xf32, #tpu.memory_space<hbm>>
        tpu.enqueue_indirect_dma source(%dma_start3A_473 : memref<20000x128xf32, #tpu.memory_space<hbm>>) target(%arg7 : memref<96x128xf32, #tpu.memory_space<vmem>>) offsets(%arg15 : memref<96xi32, #tpu.memory_space<vmem>>) semaphore(%arg23 : memref<!tpu.dma_semaphore, #tpu.memory_space<semaphore_mem>>)
      } else {
      }
      %mul3A_168 = arith.constant 12 : i32
      %mul3A_169 = arith.muli %mul3A_168, %scan3A_109 : i32
      %add3A_170 = arith.constant 2 : i32
      %add3A_171 = arith.addi %mul3A_169, %add3A_170 : i32
      %dma_wait3A_172 = arith.constant 0 : i32
      %dma_wait3A_173 = arith.constant 0 : i32
      %dma_wait3A_174 = tpu.memref_slice %arg2[%dma_wait3A_172, %dma_wait3A_173] : memref<20000x128xf32, #tpu.memory_space<hbm>> -> memref<20000x128xf32, #tpu.memory_space<hbm>>
      tpu.wait_indirect_dma semaphore(%arg25 : memref<!tpu.dma_semaphore, #tpu.memory_space<semaphore_mem>>) src(%dma_wait3A_174 : memref<20000x128xf32, #tpu.memory_space<hbm>>) dst(%arg9 : memref<96x128xf32, #tpu.memory_space<vmem>>)
      %dma_start3A_175 = arith.constant 0 : i32
      %dma_start3A_176 = arith.constant 0 : i32
      %dma_start3A_177 = tpu.memref_slice %arg6[%dma_start3A_175, %dma_start3A_176] : memref<10008x128xf32, #tpu.memory_space<vmem_shared>> -> memref<10008x128xf32, #tpu.memory_space<vmem_shared>>
      tpu.enqueue_indirect_dma source(%arg9 : memref<96x128xf32, #tpu.memory_space<vmem>>) target(%dma_start3A_177 : memref<10008x128xf32, #tpu.memory_space<vmem_shared>>) offsets(%arg19 : memref<96xi32, #tpu.memory_space<vmem>>) semaphore(%arg29 : memref<!tpu.dma_semaphore, #tpu.memory_space<semaphore_mem>>) {add = true}
      %ge3A_178 = arith.constant 1 : i32
      %ge3A_179 = arith.cmpi sge, %add3A_171, %ge3A_178 : i32
      %convert_element_type3A_180 = arith.extui %ge3A_179 : i1 to i32
      %cond3A_181 = arith.constant 0 : i32
      %cond3A_182 = arith.cmpi ne, %convert_element_type3A_180, %cond3A_181 : i32
      scf.if %cond3A_182 {
        %dma_wait3A_459 = arith.constant 0 : i32
        %dma_wait3A_460 = arith.constant 0 : i32
        %dma_wait3A_461 = tpu.memref_slice %arg6[%dma_wait3A_459, %dma_wait3A_460] : memref<10008x128xf32, #tpu.memory_space<vmem_shared>> -> memref<10008x128xf32, #tpu.memory_space<vmem_shared>>
        tpu.wait_indirect_dma semaphore(%arg28 : memref<!tpu.dma_semaphore, #tpu.memory_space<semaphore_mem>>) src(%arg8 : memref<96x128xf32, #tpu.memory_space<vmem>>) dst(%dma_wait3A_461 : memref<10008x128xf32, #tpu.memory_space<vmem_shared>>)
      } else {
      }
      %add3A_183 = arith.constant 5 : i32
      %add3A_184 = arith.addi %add3A_171, %add3A_183 : i32
      %lt3A_185 = arith.constant 216 : i32
      %lt3A_186 = arith.cmpi slt, %add3A_184, %lt3A_185 : i32
      %convert_element_type3A_187 = arith.extui %lt3A_186 : i1 to i32
      %cond3A_188 = arith.constant 0 : i32
      %cond3A_189 = arith.cmpi ne, %convert_element_type3A_187, %cond3A_188 : i32
      scf.if %cond3A_189 {
        %add3A_459 = arith.constant 5 : i32
        %add3A_460 = arith.addi %add3A_171, %add3A_459 : i32
        %mul3A_461 = arith.constant 96 : i32
        %mul3A_462 = arith.muli %add3A_460, %mul3A_461 : i32
        %add3A_463 = arith.addi %add3A, %mul3A_462 : i32
        %dma_start3A_464 = tpu.memref_slice %arg3[%add3A_463] : memref<663552xi32, #tpu.memory_space<hbm>> -> memref<96xi32, #tpu.memory_space<hbm>>
        %dma_start3A_465 = tpu.memref_slice %arg3[%add3A_463] : memref<663552xi32, #tpu.memory_space<hbm>> -> memref<96xi32, #tpu.memory_space<hbm>>
        tpu.enqueue_dma source(%dma_start3A_465 : memref<96xi32, #tpu.memory_space<hbm>>) target(%arg12 : memref<96xi32, #tpu.memory_space<vmem>>) target_semaphore(%arg32 : memref<!tpu.dma_semaphore, #tpu.memory_space<semaphore_mem>>)
        %mul3A_466 = arith.constant 96 : i32
        %mul3A_467 = arith.muli %add3A_460, %mul3A_466 : i32
        %add3A_468 = arith.addi %mul3A_14, %mul3A_467 : i32
        %dma_start3A_469 = tpu.memref_slice %arg4[%add3A_468] : memref<331776xi32, #tpu.memory_space<hbm>> -> memref<96xi32, #tpu.memory_space<hbm>>
        %dma_start3A_470 = tpu.memref_slice %arg4[%add3A_468] : memref<331776xi32, #tpu.memory_space<hbm>> -> memref<96xi32, #tpu.memory_space<hbm>>
        tpu.enqueue_dma source(%dma_start3A_470 : memref<96xi32, #tpu.memory_space<hbm>>) target(%arg18 : memref<96xi32, #tpu.memory_space<vmem>>) target_semaphore(%arg32 : memref<!tpu.dma_semaphore, #tpu.memory_space<semaphore_mem>>)
      } else {
      }
      %add3A_190 = arith.constant 3 : i32
      %add3A_191 = arith.addi %add3A_171, %add3A_190 : i32
      %lt3A_192 = arith.constant 216 : i32
      %lt3A_193 = arith.cmpi slt, %add3A_191, %lt3A_192 : i32
      %convert_element_type3A_194 = arith.extui %lt3A_193 : i1 to i32
      %cond3A_195 = arith.constant 0 : i32
      %cond3A_196 = arith.cmpi ne, %convert_element_type3A_194, %cond3A_195 : i32
      scf.if %cond3A_196 {
        %add3A_459 = arith.constant 3 : i32
        %add3A_460 = arith.addi %add3A_171, %add3A_459 : i32
        %mul3A_461 = arith.constant 96 : i32
        %mul3A_462 = arith.muli %add3A_460, %mul3A_461 : i32
        %add3A_463 = arith.addi %add3A, %mul3A_462 : i32
        %dma_wait3A_464 = tpu.memref_slice %arg3[%add3A_463] : memref<663552xi32, #tpu.memory_space<hbm>> -> memref<96xi32, #tpu.memory_space<hbm>>
        %dma_wait3A_465 = tpu.memref_slice %arg3[%add3A_463] : memref<663552xi32, #tpu.memory_space<hbm>> -> memref<96xi32, #tpu.memory_space<hbm>>
        tpu.wait_dma2 semaphore(%arg36 : memref<!tpu.dma_semaphore, #tpu.memory_space<semaphore_mem>>) src(%dma_wait3A_465 : memref<96xi32, #tpu.memory_space<hbm>>) dst(%arg16 : memref<96xi32, #tpu.memory_space<vmem>>)
        %mul3A_466 = arith.constant 96 : i32
        %mul3A_467 = arith.muli %add3A_460, %mul3A_466 : i32
        %add3A_468 = arith.addi %mul3A_14, %mul3A_467 : i32
        %dma_wait3A_469 = tpu.memref_slice %arg4[%add3A_468] : memref<331776xi32, #tpu.memory_space<hbm>> -> memref<96xi32, #tpu.memory_space<hbm>>
        %dma_wait3A_470 = tpu.memref_slice %arg4[%add3A_468] : memref<331776xi32, #tpu.memory_space<hbm>> -> memref<96xi32, #tpu.memory_space<hbm>>
        tpu.wait_dma2 semaphore(%arg36 : memref<!tpu.dma_semaphore, #tpu.memory_space<semaphore_mem>>) src(%dma_wait3A_470 : memref<96xi32, #tpu.memory_space<hbm>>) dst(%arg22 : memref<96xi32, #tpu.memory_space<vmem>>)
        %dma_start3A_471 = arith.constant 0 : i32
        %dma_start3A_472 = arith.constant 0 : i32
        %dma_start3A_473 = tpu.memref_slice %arg2[%dma_start3A_471, %dma_start3A_472] : memref<20000x128xf32, #tpu.memory_space<hbm>> -> memref<20000x128xf32, #tpu.memory_space<hbm>>
        tpu.enqueue_indirect_dma source(%dma_start3A_473 : memref<20000x128xf32, #tpu.memory_space<hbm>>) target(%arg8 : memref<96x128xf32, #tpu.memory_space<vmem>>) offsets(%arg16 : memref<96xi32, #tpu.memory_space<vmem>>) semaphore(%arg24 : memref<!tpu.dma_semaphore, #tpu.memory_space<semaphore_mem>>)
      } else {
      }
      %mul3A_197 = arith.constant 12 : i32
      %mul3A_198 = arith.muli %mul3A_197, %scan3A_109 : i32
      %add3A_199 = arith.constant 3 : i32
      %add3A_200 = arith.addi %mul3A_198, %add3A_199 : i32
      %dma_wait3A_201 = arith.constant 0 : i32
      %dma_wait3A_202 = arith.constant 0 : i32
      %dma_wait3A_203 = tpu.memref_slice %arg2[%dma_wait3A_201, %dma_wait3A_202] : memref<20000x128xf32, #tpu.memory_space<hbm>> -> memref<20000x128xf32, #tpu.memory_space<hbm>>
      tpu.wait_indirect_dma semaphore(%arg26 : memref<!tpu.dma_semaphore, #tpu.memory_space<semaphore_mem>>) src(%dma_wait3A_203 : memref<20000x128xf32, #tpu.memory_space<hbm>>) dst(%arg10 : memref<96x128xf32, #tpu.memory_space<vmem>>)
      %dma_start3A_204 = arith.constant 0 : i32
      %dma_start3A_205 = arith.constant 0 : i32
      %dma_start3A_206 = tpu.memref_slice %arg6[%dma_start3A_204, %dma_start3A_205] : memref<10008x128xf32, #tpu.memory_space<vmem_shared>> -> memref<10008x128xf32, #tpu.memory_space<vmem_shared>>
      tpu.enqueue_indirect_dma source(%arg10 : memref<96x128xf32, #tpu.memory_space<vmem>>) target(%dma_start3A_206 : memref<10008x128xf32, #tpu.memory_space<vmem_shared>>) offsets(%arg20 : memref<96xi32, #tpu.memory_space<vmem>>) semaphore(%arg30 : memref<!tpu.dma_semaphore, #tpu.memory_space<semaphore_mem>>) {add = true}
      %ge3A_207 = arith.constant 1 : i32
      %ge3A_208 = arith.cmpi sge, %add3A_200, %ge3A_207 : i32
      %convert_element_type3A_209 = arith.extui %ge3A_208 : i1 to i32
      %cond3A_210 = arith.constant 0 : i32
      %cond3A_211 = arith.cmpi ne, %convert_element_type3A_209, %cond3A_210 : i32
      scf.if %cond3A_211 {
        %dma_wait3A_459 = arith.constant 0 : i32
        %dma_wait3A_460 = arith.constant 0 : i32
        %dma_wait3A_461 = tpu.memref_slice %arg6[%dma_wait3A_459, %dma_wait3A_460] : memref<10008x128xf32, #tpu.memory_space<vmem_shared>> -> memref<10008x128xf32, #tpu.memory_space<vmem_shared>>
        tpu.wait_indirect_dma semaphore(%arg29 : memref<!tpu.dma_semaphore, #tpu.memory_space<semaphore_mem>>) src(%arg9 : memref<96x128xf32, #tpu.memory_space<vmem>>) dst(%dma_wait3A_461 : memref<10008x128xf32, #tpu.memory_space<vmem_shared>>)
      } else {
      }
      %add3A_212 = arith.constant 5 : i32
      %add3A_213 = arith.addi %add3A_200, %add3A_212 : i32
      %lt3A_214 = arith.constant 216 : i32
      %lt3A_215 = arith.cmpi slt, %add3A_213, %lt3A_214 : i32
      %convert_element_type3A_216 = arith.extui %lt3A_215 : i1 to i32
      %cond3A_217 = arith.constant 0 : i32
      %cond3A_218 = arith.cmpi ne, %convert_element_type3A_216, %cond3A_217 : i32
      scf.if %cond3A_218 {
        %add3A_459 = arith.constant 5 : i32
        %add3A_460 = arith.addi %add3A_200, %add3A_459 : i32
        %mul3A_461 = arith.constant 96 : i32
        %mul3A_462 = arith.muli %add3A_460, %mul3A_461 : i32
        %add3A_463 = arith.addi %add3A, %mul3A_462 : i32
        %dma_start3A_464 = tpu.memref_slice %arg3[%add3A_463] : memref<663552xi32, #tpu.memory_space<hbm>> -> memref<96xi32, #tpu.memory_space<hbm>>
        %dma_start3A_465 = tpu.memref_slice %arg3[%add3A_463] : memref<663552xi32, #tpu.memory_space<hbm>> -> memref<96xi32, #tpu.memory_space<hbm>>
        tpu.enqueue_dma source(%dma_start3A_465 : memref<96xi32, #tpu.memory_space<hbm>>) target(%arg13 : memref<96xi32, #tpu.memory_space<vmem>>) target_semaphore(%arg33 : memref<!tpu.dma_semaphore, #tpu.memory_space<semaphore_mem>>)
        %mul3A_466 = arith.constant 96 : i32
        %mul3A_467 = arith.muli %add3A_460, %mul3A_466 : i32
        %add3A_468 = arith.addi %mul3A_14, %mul3A_467 : i32
        %dma_start3A_469 = tpu.memref_slice %arg4[%add3A_468] : memref<331776xi32, #tpu.memory_space<hbm>> -> memref<96xi32, #tpu.memory_space<hbm>>
        %dma_start3A_470 = tpu.memref_slice %arg4[%add3A_468] : memref<331776xi32, #tpu.memory_space<hbm>> -> memref<96xi32, #tpu.memory_space<hbm>>
        tpu.enqueue_dma source(%dma_start3A_470 : memref<96xi32, #tpu.memory_space<hbm>>) target(%arg19 : memref<96xi32, #tpu.memory_space<vmem>>) target_semaphore(%arg33 : memref<!tpu.dma_semaphore, #tpu.memory_space<semaphore_mem>>)
      } else {
      }
      %add3A_219 = arith.constant 3 : i32
      %add3A_220 = arith.addi %add3A_200, %add3A_219 : i32
      %lt3A_221 = arith.constant 216 : i32
      %lt3A_222 = arith.cmpi slt, %add3A_220, %lt3A_221 : i32
      %convert_element_type3A_223 = arith.extui %lt3A_222 : i1 to i32
      %cond3A_224 = arith.constant 0 : i32
      %cond3A_225 = arith.cmpi ne, %convert_element_type3A_223, %cond3A_224 : i32
      scf.if %cond3A_225 {
        %add3A_459 = arith.constant 3 : i32
        %add3A_460 = arith.addi %add3A_200, %add3A_459 : i32
        %mul3A_461 = arith.constant 96 : i32
        %mul3A_462 = arith.muli %add3A_460, %mul3A_461 : i32
        %add3A_463 = arith.addi %add3A, %mul3A_462 : i32
        %dma_wait3A_464 = tpu.memref_slice %arg3[%add3A_463] : memref<663552xi32, #tpu.memory_space<hbm>> -> memref<96xi32, #tpu.memory_space<hbm>>
        %dma_wait3A_465 = tpu.memref_slice %arg3[%add3A_463] : memref<663552xi32, #tpu.memory_space<hbm>> -> memref<96xi32, #tpu.memory_space<hbm>>
        tpu.wait_dma2 semaphore(%arg31 : memref<!tpu.dma_semaphore, #tpu.memory_space<semaphore_mem>>) src(%dma_wait3A_465 : memref<96xi32, #tpu.memory_space<hbm>>) dst(%arg11 : memref<96xi32, #tpu.memory_space<vmem>>)
        %mul3A_466 = arith.constant 96 : i32
        %mul3A_467 = arith.muli %add3A_460, %mul3A_466 : i32
        %add3A_468 = arith.addi %mul3A_14, %mul3A_467 : i32
        %dma_wait3A_469 = tpu.memref_slice %arg4[%add3A_468] : memref<331776xi32, #tpu.memory_space<hbm>> -> memref<96xi32, #tpu.memory_space<hbm>>
        %dma_wait3A_470 = tpu.memref_slice %arg4[%add3A_468] : memref<331776xi32, #tpu.memory_space<hbm>> -> memref<96xi32, #tpu.memory_space<hbm>>
        tpu.wait_dma2 semaphore(%arg31 : memref<!tpu.dma_semaphore, #tpu.memory_space<semaphore_mem>>) src(%dma_wait3A_470 : memref<96xi32, #tpu.memory_space<hbm>>) dst(%arg17 : memref<96xi32, #tpu.memory_space<vmem>>)
        %dma_start3A_471 = arith.constant 0 : i32
        %dma_start3A_472 = arith.constant 0 : i32
        %dma_start3A_473 = tpu.memref_slice %arg2[%dma_start3A_471, %dma_start3A_472] : memref<20000x128xf32, #tpu.memory_space<hbm>> -> memref<20000x128xf32, #tpu.memory_space<hbm>>
        tpu.enqueue_indirect_dma source(%dma_start3A_473 : memref<20000x128xf32, #tpu.memory_space<hbm>>) target(%arg9 : memref<96x128xf32, #tpu.memory_space<vmem>>) offsets(%arg11 : memref<96xi32, #tpu.memory_space<vmem>>) semaphore(%arg25 : memref<!tpu.dma_semaphore, #tpu.memory_space<semaphore_mem>>)
      } else {
      }
      %mul3A_226 = arith.constant 12 : i32
      %mul3A_227 = arith.muli %mul3A_226, %scan3A_109 : i32
      %add3A_228 = arith.constant 4 : i32
      %add3A_229 = arith.addi %mul3A_227, %add3A_228 : i32
      %dma_wait3A_230 = arith.constant 0 : i32
      %dma_wait3A_231 = arith.constant 0 : i32
      %dma_wait3A_232 = tpu.memref_slice %arg2[%dma_wait3A_230, %dma_wait3A_231] : memref<20000x128xf32, #tpu.memory_space<hbm>> -> memref<20000x128xf32, #tpu.memory_space<hbm>>
      tpu.wait_indirect_dma semaphore(%arg23 : memref<!tpu.dma_semaphore, #tpu.memory_space<semaphore_mem>>) src(%dma_wait3A_232 : memref<20000x128xf32, #tpu.memory_space<hbm>>) dst(%arg7 : memref<96x128xf32, #tpu.memory_space<vmem>>)
      %dma_start3A_233 = arith.constant 0 : i32
      %dma_start3A_234 = arith.constant 0 : i32
      %dma_start3A_235 = tpu.memref_slice %arg6[%dma_start3A_233, %dma_start3A_234] : memref<10008x128xf32, #tpu.memory_space<vmem_shared>> -> memref<10008x128xf32, #tpu.memory_space<vmem_shared>>
      tpu.enqueue_indirect_dma source(%arg7 : memref<96x128xf32, #tpu.memory_space<vmem>>) target(%dma_start3A_235 : memref<10008x128xf32, #tpu.memory_space<vmem_shared>>) offsets(%arg21 : memref<96xi32, #tpu.memory_space<vmem>>) semaphore(%arg27 : memref<!tpu.dma_semaphore, #tpu.memory_space<semaphore_mem>>) {add = true}
      %ge3A_236 = arith.constant 1 : i32
      %ge3A_237 = arith.cmpi sge, %add3A_229, %ge3A_236 : i32
      %convert_element_type3A_238 = arith.extui %ge3A_237 : i1 to i32
      %cond3A_239 = arith.constant 0 : i32
      %cond3A_240 = arith.cmpi ne, %convert_element_type3A_238, %cond3A_239 : i32
      scf.if %cond3A_240 {
        %dma_wait3A_459 = arith.constant 0 : i32
        %dma_wait3A_460 = arith.constant 0 : i32
        %dma_wait3A_461 = tpu.memref_slice %arg6[%dma_wait3A_459, %dma_wait3A_460] : memref<10008x128xf32, #tpu.memory_space<vmem_shared>> -> memref<10008x128xf32, #tpu.memory_space<vmem_shared>>
        tpu.wait_indirect_dma semaphore(%arg30 : memref<!tpu.dma_semaphore, #tpu.memory_space<semaphore_mem>>) src(%arg10 : memref<96x128xf32, #tpu.memory_space<vmem>>) dst(%dma_wait3A_461 : memref<10008x128xf32, #tpu.memory_space<vmem_shared>>)
      } else {
      }
      %add3A_241 = arith.constant 5 : i32
      %add3A_242 = arith.addi %add3A_229, %add3A_241 : i32
      %lt3A_243 = arith.constant 216 : i32
      %lt3A_244 = arith.cmpi slt, %add3A_242, %lt3A_243 : i32
      %convert_element_type3A_245 = arith.extui %lt3A_244 : i1 to i32
      %cond3A_246 = arith.constant 0 : i32
      %cond3A_247 = arith.cmpi ne, %convert_element_type3A_245, %cond3A_246 : i32
      scf.if %cond3A_247 {
        %add3A_459 = arith.constant 5 : i32
        %add3A_460 = arith.addi %add3A_229, %add3A_459 : i32
        %mul3A_461 = arith.constant 96 : i32
        %mul3A_462 = arith.muli %add3A_460, %mul3A_461 : i32
        %add3A_463 = arith.addi %add3A, %mul3A_462 : i32
        %dma_start3A_464 = tpu.memref_slice %arg3[%add3A_463] : memref<663552xi32, #tpu.memory_space<hbm>> -> memref<96xi32, #tpu.memory_space<hbm>>
        %dma_start3A_465 = tpu.memref_slice %arg3[%add3A_463] : memref<663552xi32, #tpu.memory_space<hbm>> -> memref<96xi32, #tpu.memory_space<hbm>>
        tpu.enqueue_dma source(%dma_start3A_465 : memref<96xi32, #tpu.memory_space<hbm>>) target(%arg14 : memref<96xi32, #tpu.memory_space<vmem>>) target_semaphore(%arg34 : memref<!tpu.dma_semaphore, #tpu.memory_space<semaphore_mem>>)
        %mul3A_466 = arith.constant 96 : i32
        %mul3A_467 = arith.muli %add3A_460, %mul3A_466 : i32
        %add3A_468 = arith.addi %mul3A_14, %mul3A_467 : i32
        %dma_start3A_469 = tpu.memref_slice %arg4[%add3A_468] : memref<331776xi32, #tpu.memory_space<hbm>> -> memref<96xi32, #tpu.memory_space<hbm>>
        %dma_start3A_470 = tpu.memref_slice %arg4[%add3A_468] : memref<331776xi32, #tpu.memory_space<hbm>> -> memref<96xi32, #tpu.memory_space<hbm>>
        tpu.enqueue_dma source(%dma_start3A_470 : memref<96xi32, #tpu.memory_space<hbm>>) target(%arg20 : memref<96xi32, #tpu.memory_space<vmem>>) target_semaphore(%arg34 : memref<!tpu.dma_semaphore, #tpu.memory_space<semaphore_mem>>)
      } else {
      }
      %add3A_248 = arith.constant 3 : i32
      %add3A_249 = arith.addi %add3A_229, %add3A_248 : i32
      %lt3A_250 = arith.constant 216 : i32
      %lt3A_251 = arith.cmpi slt, %add3A_249, %lt3A_250 : i32
      %convert_element_type3A_252 = arith.extui %lt3A_251 : i1 to i32
      %cond3A_253 = arith.constant 0 : i32
      %cond3A_254 = arith.cmpi ne, %convert_element_type3A_252, %cond3A_253 : i32
      scf.if %cond3A_254 {
        %add3A_459 = arith.constant 3 : i32
        %add3A_460 = arith.addi %add3A_229, %add3A_459 : i32
        %mul3A_461 = arith.constant 96 : i32
        %mul3A_462 = arith.muli %add3A_460, %mul3A_461 : i32
        %add3A_463 = arith.addi %add3A, %mul3A_462 : i32
        %dma_wait3A_464 = tpu.memref_slice %arg3[%add3A_463] : memref<663552xi32, #tpu.memory_space<hbm>> -> memref<96xi32, #tpu.memory_space<hbm>>
        %dma_wait3A_465 = tpu.memref_slice %arg3[%add3A_463] : memref<663552xi32, #tpu.memory_space<hbm>> -> memref<96xi32, #tpu.memory_space<hbm>>
        tpu.wait_dma2 semaphore(%arg32 : memref<!tpu.dma_semaphore, #tpu.memory_space<semaphore_mem>>) src(%dma_wait3A_465 : memref<96xi32, #tpu.memory_space<hbm>>) dst(%arg12 : memref<96xi32, #tpu.memory_space<vmem>>)
        %mul3A_466 = arith.constant 96 : i32
        %mul3A_467 = arith.muli %add3A_460, %mul3A_466 : i32
        %add3A_468 = arith.addi %mul3A_14, %mul3A_467 : i32
        %dma_wait3A_469 = tpu.memref_slice %arg4[%add3A_468] : memref<331776xi32, #tpu.memory_space<hbm>> -> memref<96xi32, #tpu.memory_space<hbm>>
        %dma_wait3A_470 = tpu.memref_slice %arg4[%add3A_468] : memref<331776xi32, #tpu.memory_space<hbm>> -> memref<96xi32, #tpu.memory_space<hbm>>
        tpu.wait_dma2 semaphore(%arg32 : memref<!tpu.dma_semaphore, #tpu.memory_space<semaphore_mem>>) src(%dma_wait3A_470 : memref<96xi32, #tpu.memory_space<hbm>>) dst(%arg18 : memref<96xi32, #tpu.memory_space<vmem>>)
        %dma_start3A_471 = arith.constant 0 : i32
        %dma_start3A_472 = arith.constant 0 : i32
        %dma_start3A_473 = tpu.memref_slice %arg2[%dma_start3A_471, %dma_start3A_472] : memref<20000x128xf32, #tpu.memory_space<hbm>> -> memref<20000x128xf32, #tpu.memory_space<hbm>>
        tpu.enqueue_indirect_dma source(%dma_start3A_473 : memref<20000x128xf32, #tpu.memory_space<hbm>>) target(%arg10 : memref<96x128xf32, #tpu.memory_space<vmem>>) offsets(%arg12 : memref<96xi32, #tpu.memory_space<vmem>>) semaphore(%arg26 : memref<!tpu.dma_semaphore, #tpu.memory_space<semaphore_mem>>)
      } else {
      }
      %mul3A_255 = arith.constant 12 : i32
      %mul3A_256 = arith.muli %mul3A_255, %scan3A_109 : i32
      %add3A_257 = arith.constant 5 : i32
      %add3A_258 = arith.addi %mul3A_256, %add3A_257 : i32
      %dma_wait3A_259 = arith.constant 0 : i32
      %dma_wait3A_260 = arith.constant 0 : i32
      %dma_wait3A_261 = tpu.memref_slice %arg2[%dma_wait3A_259, %dma_wait3A_260] : memref<20000x128xf32, #tpu.memory_space<hbm>> -> memref<20000x128xf32, #tpu.memory_space<hbm>>
      tpu.wait_indirect_dma semaphore(%arg24 : memref<!tpu.dma_semaphore, #tpu.memory_space<semaphore_mem>>) src(%dma_wait3A_261 : memref<20000x128xf32, #tpu.memory_space<hbm>>) dst(%arg8 : memref<96x128xf32, #tpu.memory_space<vmem>>)
      %dma_start3A_262 = arith.constant 0 : i32
      %dma_start3A_263 = arith.constant 0 : i32
      %dma_start3A_264 = tpu.memref_slice %arg6[%dma_start3A_262, %dma_start3A_263] : memref<10008x128xf32, #tpu.memory_space<vmem_shared>> -> memref<10008x128xf32, #tpu.memory_space<vmem_shared>>
      tpu.enqueue_indirect_dma source(%arg8 : memref<96x128xf32, #tpu.memory_space<vmem>>) target(%dma_start3A_264 : memref<10008x128xf32, #tpu.memory_space<vmem_shared>>) offsets(%arg22 : memref<96xi32, #tpu.memory_space<vmem>>) semaphore(%arg28 : memref<!tpu.dma_semaphore, #tpu.memory_space<semaphore_mem>>) {add = true}
      %ge3A_265 = arith.constant 1 : i32
      %ge3A_266 = arith.cmpi sge, %add3A_258, %ge3A_265 : i32
      %convert_element_type3A_267 = arith.extui %ge3A_266 : i1 to i32
      %cond3A_268 = arith.constant 0 : i32
      %cond3A_269 = arith.cmpi ne, %convert_element_type3A_267, %cond3A_268 : i32
      scf.if %cond3A_269 {
        %dma_wait3A_459 = arith.constant 0 : i32
        %dma_wait3A_460 = arith.constant 0 : i32
        %dma_wait3A_461 = tpu.memref_slice %arg6[%dma_wait3A_459, %dma_wait3A_460] : memref<10008x128xf32, #tpu.memory_space<vmem_shared>> -> memref<10008x128xf32, #tpu.memory_space<vmem_shared>>
        tpu.wait_indirect_dma semaphore(%arg27 : memref<!tpu.dma_semaphore, #tpu.memory_space<semaphore_mem>>) src(%arg7 : memref<96x128xf32, #tpu.memory_space<vmem>>) dst(%dma_wait3A_461 : memref<10008x128xf32, #tpu.memory_space<vmem_shared>>)
      } else {
      }
      %add3A_270 = arith.constant 5 : i32
      %add3A_271 = arith.addi %add3A_258, %add3A_270 : i32
      %lt3A_272 = arith.constant 216 : i32
      %lt3A_273 = arith.cmpi slt, %add3A_271, %lt3A_272 : i32
      %convert_element_type3A_274 = arith.extui %lt3A_273 : i1 to i32
      %cond3A_275 = arith.constant 0 : i32
      %cond3A_276 = arith.cmpi ne, %convert_element_type3A_274, %cond3A_275 : i32
      scf.if %cond3A_276 {
        %add3A_459 = arith.constant 5 : i32
        %add3A_460 = arith.addi %add3A_258, %add3A_459 : i32
        %mul3A_461 = arith.constant 96 : i32
        %mul3A_462 = arith.muli %add3A_460, %mul3A_461 : i32
        %add3A_463 = arith.addi %add3A, %mul3A_462 : i32
        %dma_start3A_464 = tpu.memref_slice %arg3[%add3A_463] : memref<663552xi32, #tpu.memory_space<hbm>> -> memref<96xi32, #tpu.memory_space<hbm>>
        %dma_start3A_465 = tpu.memref_slice %arg3[%add3A_463] : memref<663552xi32, #tpu.memory_space<hbm>> -> memref<96xi32, #tpu.memory_space<hbm>>
        tpu.enqueue_dma source(%dma_start3A_465 : memref<96xi32, #tpu.memory_space<hbm>>) target(%arg15 : memref<96xi32, #tpu.memory_space<vmem>>) target_semaphore(%arg35 : memref<!tpu.dma_semaphore, #tpu.memory_space<semaphore_mem>>)
        %mul3A_466 = arith.constant 96 : i32
        %mul3A_467 = arith.muli %add3A_460, %mul3A_466 : i32
        %add3A_468 = arith.addi %mul3A_14, %mul3A_467 : i32
        %dma_start3A_469 = tpu.memref_slice %arg4[%add3A_468] : memref<331776xi32, #tpu.memory_space<hbm>> -> memref<96xi32, #tpu.memory_space<hbm>>
        %dma_start3A_470 = tpu.memref_slice %arg4[%add3A_468] : memref<331776xi32, #tpu.memory_space<hbm>> -> memref<96xi32, #tpu.memory_space<hbm>>
        tpu.enqueue_dma source(%dma_start3A_470 : memref<96xi32, #tpu.memory_space<hbm>>) target(%arg21 : memref<96xi32, #tpu.memory_space<vmem>>) target_semaphore(%arg35 : memref<!tpu.dma_semaphore, #tpu.memory_space<semaphore_mem>>)
      } else {
      }
      %add3A_277 = arith.constant 3 : i32
      %add3A_278 = arith.addi %add3A_258, %add3A_277 : i32
      %lt3A_279 = arith.constant 216 : i32
      %lt3A_280 = arith.cmpi slt, %add3A_278, %lt3A_279 : i32
      %convert_element_type3A_281 = arith.extui %lt3A_280 : i1 to i32
      %cond3A_282 = arith.constant 0 : i32
      %cond3A_283 = arith.cmpi ne, %convert_element_type3A_281, %cond3A_282 : i32
      scf.if %cond3A_283 {
        %add3A_459 = arith.constant 3 : i32
        %add3A_460 = arith.addi %add3A_258, %add3A_459 : i32
        %mul3A_461 = arith.constant 96 : i32
        %mul3A_462 = arith.muli %add3A_460, %mul3A_461 : i32
        %add3A_463 = arith.addi %add3A, %mul3A_462 : i32
        %dma_wait3A_464 = tpu.memref_slice %arg3[%add3A_463] : memref<663552xi32, #tpu.memory_space<hbm>> -> memref<96xi32, #tpu.memory_space<hbm>>
        %dma_wait3A_465 = tpu.memref_slice %arg3[%add3A_463] : memref<663552xi32, #tpu.memory_space<hbm>> -> memref<96xi32, #tpu.memory_space<hbm>>
        tpu.wait_dma2 semaphore(%arg33 : memref<!tpu.dma_semaphore, #tpu.memory_space<semaphore_mem>>) src(%dma_wait3A_465 : memref<96xi32, #tpu.memory_space<hbm>>) dst(%arg13 : memref<96xi32, #tpu.memory_space<vmem>>)
        %mul3A_466 = arith.constant 96 : i32
        %mul3A_467 = arith.muli %add3A_460, %mul3A_466 : i32
        %add3A_468 = arith.addi %mul3A_14, %mul3A_467 : i32
        %dma_wait3A_469 = tpu.memref_slice %arg4[%add3A_468] : memref<331776xi32, #tpu.memory_space<hbm>> -> memref<96xi32, #tpu.memory_space<hbm>>
        %dma_wait3A_470 = tpu.memref_slice %arg4[%add3A_468] : memref<331776xi32, #tpu.memory_space<hbm>> -> memref<96xi32, #tpu.memory_space<hbm>>
        tpu.wait_dma2 semaphore(%arg33 : memref<!tpu.dma_semaphore, #tpu.memory_space<semaphore_mem>>) src(%dma_wait3A_470 : memref<96xi32, #tpu.memory_space<hbm>>) dst(%arg19 : memref<96xi32, #tpu.memory_space<vmem>>)
        %dma_start3A_471 = arith.constant 0 : i32
        %dma_start3A_472 = arith.constant 0 : i32
        %dma_start3A_473 = tpu.memref_slice %arg2[%dma_start3A_471, %dma_start3A_472] : memref<20000x128xf32, #tpu.memory_space<hbm>> -> memref<20000x128xf32, #tpu.memory_space<hbm>>
        tpu.enqueue_indirect_dma source(%dma_start3A_473 : memref<20000x128xf32, #tpu.memory_space<hbm>>) target(%arg7 : memref<96x128xf32, #tpu.memory_space<vmem>>) offsets(%arg13 : memref<96xi32, #tpu.memory_space<vmem>>) semaphore(%arg23 : memref<!tpu.dma_semaphore, #tpu.memory_space<semaphore_mem>>)
      } else {
      }
      %mul3A_284 = arith.constant 12 : i32
      %mul3A_285 = arith.muli %mul3A_284, %scan3A_109 : i32
      %add3A_286 = arith.constant 6 : i32
      %add3A_287 = arith.addi %mul3A_285, %add3A_286 : i32
      %dma_wait3A_288 = arith.constant 0 : i32
      %dma_wait3A_289 = arith.constant 0 : i32
      %dma_wait3A_290 = tpu.memref_slice %arg2[%dma_wait3A_288, %dma_wait3A_289] : memref<20000x128xf32, #tpu.memory_space<hbm>> -> memref<20000x128xf32, #tpu.memory_space<hbm>>
      tpu.wait_indirect_dma semaphore(%arg25 : memref<!tpu.dma_semaphore, #tpu.memory_space<semaphore_mem>>) src(%dma_wait3A_290 : memref<20000x128xf32, #tpu.memory_space<hbm>>) dst(%arg9 : memref<96x128xf32, #tpu.memory_space<vmem>>)
      %dma_start3A_291 = arith.constant 0 : i32
      %dma_start3A_292 = arith.constant 0 : i32
      %dma_start3A_293 = tpu.memref_slice %arg6[%dma_start3A_291, %dma_start3A_292] : memref<10008x128xf32, #tpu.memory_space<vmem_shared>> -> memref<10008x128xf32, #tpu.memory_space<vmem_shared>>
      tpu.enqueue_indirect_dma source(%arg9 : memref<96x128xf32, #tpu.memory_space<vmem>>) target(%dma_start3A_293 : memref<10008x128xf32, #tpu.memory_space<vmem_shared>>) offsets(%arg17 : memref<96xi32, #tpu.memory_space<vmem>>) semaphore(%arg29 : memref<!tpu.dma_semaphore, #tpu.memory_space<semaphore_mem>>) {add = true}
      %ge3A_294 = arith.constant 1 : i32
      %ge3A_295 = arith.cmpi sge, %add3A_287, %ge3A_294 : i32
      %convert_element_type3A_296 = arith.extui %ge3A_295 : i1 to i32
      %cond3A_297 = arith.constant 0 : i32
      %cond3A_298 = arith.cmpi ne, %convert_element_type3A_296, %cond3A_297 : i32
      scf.if %cond3A_298 {
        %dma_wait3A_459 = arith.constant 0 : i32
        %dma_wait3A_460 = arith.constant 0 : i32
        %dma_wait3A_461 = tpu.memref_slice %arg6[%dma_wait3A_459, %dma_wait3A_460] : memref<10008x128xf32, #tpu.memory_space<vmem_shared>> -> memref<10008x128xf32, #tpu.memory_space<vmem_shared>>
        tpu.wait_indirect_dma semaphore(%arg28 : memref<!tpu.dma_semaphore, #tpu.memory_space<semaphore_mem>>) src(%arg8 : memref<96x128xf32, #tpu.memory_space<vmem>>) dst(%dma_wait3A_461 : memref<10008x128xf32, #tpu.memory_space<vmem_shared>>)
      } else {
      }
      %add3A_299 = arith.constant 5 : i32
      %add3A_300 = arith.addi %add3A_287, %add3A_299 : i32
      %lt3A_301 = arith.constant 216 : i32
      %lt3A_302 = arith.cmpi slt, %add3A_300, %lt3A_301 : i32
      %convert_element_type3A_303 = arith.extui %lt3A_302 : i1 to i32
      %cond3A_304 = arith.constant 0 : i32
      %cond3A_305 = arith.cmpi ne, %convert_element_type3A_303, %cond3A_304 : i32
      scf.if %cond3A_305 {
        %add3A_459 = arith.constant 5 : i32
        %add3A_460 = arith.addi %add3A_287, %add3A_459 : i32
        %mul3A_461 = arith.constant 96 : i32
        %mul3A_462 = arith.muli %add3A_460, %mul3A_461 : i32
        %add3A_463 = arith.addi %add3A, %mul3A_462 : i32
        %dma_start3A_464 = tpu.memref_slice %arg3[%add3A_463] : memref<663552xi32, #tpu.memory_space<hbm>> -> memref<96xi32, #tpu.memory_space<hbm>>
        %dma_start3A_465 = tpu.memref_slice %arg3[%add3A_463] : memref<663552xi32, #tpu.memory_space<hbm>> -> memref<96xi32, #tpu.memory_space<hbm>>
        tpu.enqueue_dma source(%dma_start3A_465 : memref<96xi32, #tpu.memory_space<hbm>>) target(%arg16 : memref<96xi32, #tpu.memory_space<vmem>>) target_semaphore(%arg36 : memref<!tpu.dma_semaphore, #tpu.memory_space<semaphore_mem>>)
        %mul3A_466 = arith.constant 96 : i32
        %mul3A_467 = arith.muli %add3A_460, %mul3A_466 : i32
        %add3A_468 = arith.addi %mul3A_14, %mul3A_467 : i32
        %dma_start3A_469 = tpu.memref_slice %arg4[%add3A_468] : memref<331776xi32, #tpu.memory_space<hbm>> -> memref<96xi32, #tpu.memory_space<hbm>>
        %dma_start3A_470 = tpu.memref_slice %arg4[%add3A_468] : memref<331776xi32, #tpu.memory_space<hbm>> -> memref<96xi32, #tpu.memory_space<hbm>>
        tpu.enqueue_dma source(%dma_start3A_470 : memref<96xi32, #tpu.memory_space<hbm>>) target(%arg22 : memref<96xi32, #tpu.memory_space<vmem>>) target_semaphore(%arg36 : memref<!tpu.dma_semaphore, #tpu.memory_space<semaphore_mem>>)
      } else {
      }
      %add3A_306 = arith.constant 3 : i32
      %add3A_307 = arith.addi %add3A_287, %add3A_306 : i32
      %lt3A_308 = arith.constant 216 : i32
      %lt3A_309 = arith.cmpi slt, %add3A_307, %lt3A_308 : i32
      %convert_element_type3A_310 = arith.extui %lt3A_309 : i1 to i32
      %cond3A_311 = arith.constant 0 : i32
      %cond3A_312 = arith.cmpi ne, %convert_element_type3A_310, %cond3A_311 : i32
      scf.if %cond3A_312 {
        %add3A_459 = arith.constant 3 : i32
        %add3A_460 = arith.addi %add3A_287, %add3A_459 : i32
        %mul3A_461 = arith.constant 96 : i32
        %mul3A_462 = arith.muli %add3A_460, %mul3A_461 : i32
        %add3A_463 = arith.addi %add3A, %mul3A_462 : i32
        %dma_wait3A_464 = tpu.memref_slice %arg3[%add3A_463] : memref<663552xi32, #tpu.memory_space<hbm>> -> memref<96xi32, #tpu.memory_space<hbm>>
        %dma_wait3A_465 = tpu.memref_slice %arg3[%add3A_463] : memref<663552xi32, #tpu.memory_space<hbm>> -> memref<96xi32, #tpu.memory_space<hbm>>
        tpu.wait_dma2 semaphore(%arg34 : memref<!tpu.dma_semaphore, #tpu.memory_space<semaphore_mem>>) src(%dma_wait3A_465 : memref<96xi32, #tpu.memory_space<hbm>>) dst(%arg14 : memref<96xi32, #tpu.memory_space<vmem>>)
        %mul3A_466 = arith.constant 96 : i32
        %mul3A_467 = arith.muli %add3A_460, %mul3A_466 : i32
        %add3A_468 = arith.addi %mul3A_14, %mul3A_467 : i32
        %dma_wait3A_469 = tpu.memref_slice %arg4[%add3A_468] : memref<331776xi32, #tpu.memory_space<hbm>> -> memref<96xi32, #tpu.memory_space<hbm>>
        %dma_wait3A_470 = tpu.memref_slice %arg4[%add3A_468] : memref<331776xi32, #tpu.memory_space<hbm>> -> memref<96xi32, #tpu.memory_space<hbm>>
        tpu.wait_dma2 semaphore(%arg34 : memref<!tpu.dma_semaphore, #tpu.memory_space<semaphore_mem>>) src(%dma_wait3A_470 : memref<96xi32, #tpu.memory_space<hbm>>) dst(%arg20 : memref<96xi32, #tpu.memory_space<vmem>>)
        %dma_start3A_471 = arith.constant 0 : i32
        %dma_start3A_472 = arith.constant 0 : i32
        %dma_start3A_473 = tpu.memref_slice %arg2[%dma_start3A_471, %dma_start3A_472] : memref<20000x128xf32, #tpu.memory_space<hbm>> -> memref<20000x128xf32, #tpu.memory_space<hbm>>
        tpu.enqueue_indirect_dma source(%dma_start3A_473 : memref<20000x128xf32, #tpu.memory_space<hbm>>) target(%arg8 : memref<96x128xf32, #tpu.memory_space<vmem>>) offsets(%arg14 : memref<96xi32, #tpu.memory_space<vmem>>) semaphore(%arg24 : memref<!tpu.dma_semaphore, #tpu.memory_space<semaphore_mem>>)
      } else {
      }
      %mul3A_313 = arith.constant 12 : i32
      %mul3A_314 = arith.muli %mul3A_313, %scan3A_109 : i32
      %add3A_315 = arith.constant 7 : i32
      %add3A_316 = arith.addi %mul3A_314, %add3A_315 : i32
      %dma_wait3A_317 = arith.constant 0 : i32
      %dma_wait3A_318 = arith.constant 0 : i32
      %dma_wait3A_319 = tpu.memref_slice %arg2[%dma_wait3A_317, %dma_wait3A_318] : memref<20000x128xf32, #tpu.memory_space<hbm>> -> memref<20000x128xf32, #tpu.memory_space<hbm>>
      tpu.wait_indirect_dma semaphore(%arg26 : memref<!tpu.dma_semaphore, #tpu.memory_space<semaphore_mem>>) src(%dma_wait3A_319 : memref<20000x128xf32, #tpu.memory_space<hbm>>) dst(%arg10 : memref<96x128xf32, #tpu.memory_space<vmem>>)
      %dma_start3A_320 = arith.constant 0 : i32
      %dma_start3A_321 = arith.constant 0 : i32
      %dma_start3A_322 = tpu.memref_slice %arg6[%dma_start3A_320, %dma_start3A_321] : memref<10008x128xf32, #tpu.memory_space<vmem_shared>> -> memref<10008x128xf32, #tpu.memory_space<vmem_shared>>
      tpu.enqueue_indirect_dma source(%arg10 : memref<96x128xf32, #tpu.memory_space<vmem>>) target(%dma_start3A_322 : memref<10008x128xf32, #tpu.memory_space<vmem_shared>>) offsets(%arg18 : memref<96xi32, #tpu.memory_space<vmem>>) semaphore(%arg30 : memref<!tpu.dma_semaphore, #tpu.memory_space<semaphore_mem>>) {add = true}
      %ge3A_323 = arith.constant 1 : i32
      %ge3A_324 = arith.cmpi sge, %add3A_316, %ge3A_323 : i32
      %convert_element_type3A_325 = arith.extui %ge3A_324 : i1 to i32
      %cond3A_326 = arith.constant 0 : i32
      %cond3A_327 = arith.cmpi ne, %convert_element_type3A_325, %cond3A_326 : i32
      scf.if %cond3A_327 {
        %dma_wait3A_459 = arith.constant 0 : i32
        %dma_wait3A_460 = arith.constant 0 : i32
        %dma_wait3A_461 = tpu.memref_slice %arg6[%dma_wait3A_459, %dma_wait3A_460] : memref<10008x128xf32, #tpu.memory_space<vmem_shared>> -> memref<10008x128xf32, #tpu.memory_space<vmem_shared>>
        tpu.wait_indirect_dma semaphore(%arg29 : memref<!tpu.dma_semaphore, #tpu.memory_space<semaphore_mem>>) src(%arg9 : memref<96x128xf32, #tpu.memory_space<vmem>>) dst(%dma_wait3A_461 : memref<10008x128xf32, #tpu.memory_space<vmem_shared>>)
      } else {
      }
      %add3A_328 = arith.constant 5 : i32
      %add3A_329 = arith.addi %add3A_316, %add3A_328 : i32
      %lt3A_330 = arith.constant 216 : i32
      %lt3A_331 = arith.cmpi slt, %add3A_329, %lt3A_330 : i32
      %convert_element_type3A_332 = arith.extui %lt3A_331 : i1 to i32
      %cond3A_333 = arith.constant 0 : i32
      %cond3A_334 = arith.cmpi ne, %convert_element_type3A_332, %cond3A_333 : i32
      scf.if %cond3A_334 {
        %add3A_459 = arith.constant 5 : i32
        %add3A_460 = arith.addi %add3A_316, %add3A_459 : i32
        %mul3A_461 = arith.constant 96 : i32
        %mul3A_462 = arith.muli %add3A_460, %mul3A_461 : i32
        %add3A_463 = arith.addi %add3A, %mul3A_462 : i32
        %dma_start3A_464 = tpu.memref_slice %arg3[%add3A_463] : memref<663552xi32, #tpu.memory_space<hbm>> -> memref<96xi32, #tpu.memory_space<hbm>>
        %dma_start3A_465 = tpu.memref_slice %arg3[%add3A_463] : memref<663552xi32, #tpu.memory_space<hbm>> -> memref<96xi32, #tpu.memory_space<hbm>>
        tpu.enqueue_dma source(%dma_start3A_465 : memref<96xi32, #tpu.memory_space<hbm>>) target(%arg11 : memref<96xi32, #tpu.memory_space<vmem>>) target_semaphore(%arg31 : memref<!tpu.dma_semaphore, #tpu.memory_space<semaphore_mem>>)
        %mul3A_466 = arith.constant 96 : i32
        %mul3A_467 = arith.muli %add3A_460, %mul3A_466 : i32
        %add3A_468 = arith.addi %mul3A_14, %mul3A_467 : i32
        %dma_start3A_469 = tpu.memref_slice %arg4[%add3A_468] : memref<331776xi32, #tpu.memory_space<hbm>> -> memref<96xi32, #tpu.memory_space<hbm>>
        %dma_start3A_470 = tpu.memref_slice %arg4[%add3A_468] : memref<331776xi32, #tpu.memory_space<hbm>> -> memref<96xi32, #tpu.memory_space<hbm>>
        tpu.enqueue_dma source(%dma_start3A_470 : memref<96xi32, #tpu.memory_space<hbm>>) target(%arg17 : memref<96xi32, #tpu.memory_space<vmem>>) target_semaphore(%arg31 : memref<!tpu.dma_semaphore, #tpu.memory_space<semaphore_mem>>)
      } else {
      }
      %add3A_335 = arith.constant 3 : i32
      %add3A_336 = arith.addi %add3A_316, %add3A_335 : i32
      %lt3A_337 = arith.constant 216 : i32
      %lt3A_338 = arith.cmpi slt, %add3A_336, %lt3A_337 : i32
      %convert_element_type3A_339 = arith.extui %lt3A_338 : i1 to i32
      %cond3A_340 = arith.constant 0 : i32
      %cond3A_341 = arith.cmpi ne, %convert_element_type3A_339, %cond3A_340 : i32
      scf.if %cond3A_341 {
        %add3A_459 = arith.constant 3 : i32
        %add3A_460 = arith.addi %add3A_316, %add3A_459 : i32
        %mul3A_461 = arith.constant 96 : i32
        %mul3A_462 = arith.muli %add3A_460, %mul3A_461 : i32
        %add3A_463 = arith.addi %add3A, %mul3A_462 : i32
        %dma_wait3A_464 = tpu.memref_slice %arg3[%add3A_463] : memref<663552xi32, #tpu.memory_space<hbm>> -> memref<96xi32, #tpu.memory_space<hbm>>
        %dma_wait3A_465 = tpu.memref_slice %arg3[%add3A_463] : memref<663552xi32, #tpu.memory_space<hbm>> -> memref<96xi32, #tpu.memory_space<hbm>>
        tpu.wait_dma2 semaphore(%arg35 : memref<!tpu.dma_semaphore, #tpu.memory_space<semaphore_mem>>) src(%dma_wait3A_465 : memref<96xi32, #tpu.memory_space<hbm>>) dst(%arg15 : memref<96xi32, #tpu.memory_space<vmem>>)
        %mul3A_466 = arith.constant 96 : i32
        %mul3A_467 = arith.muli %add3A_460, %mul3A_466 : i32
        %add3A_468 = arith.addi %mul3A_14, %mul3A_467 : i32
        %dma_wait3A_469 = tpu.memref_slice %arg4[%add3A_468] : memref<331776xi32, #tpu.memory_space<hbm>> -> memref<96xi32, #tpu.memory_space<hbm>>
        %dma_wait3A_470 = tpu.memref_slice %arg4[%add3A_468] : memref<331776xi32, #tpu.memory_space<hbm>> -> memref<96xi32, #tpu.memory_space<hbm>>
        tpu.wait_dma2 semaphore(%arg35 : memref<!tpu.dma_semaphore, #tpu.memory_space<semaphore_mem>>) src(%dma_wait3A_470 : memref<96xi32, #tpu.memory_space<hbm>>) dst(%arg21 : memref<96xi32, #tpu.memory_space<vmem>>)
        %dma_start3A_471 = arith.constant 0 : i32
        %dma_start3A_472 = arith.constant 0 : i32
        %dma_start3A_473 = tpu.memref_slice %arg2[%dma_start3A_471, %dma_start3A_472] : memref<20000x128xf32, #tpu.memory_space<hbm>> -> memref<20000x128xf32, #tpu.memory_space<hbm>>
        tpu.enqueue_indirect_dma source(%dma_start3A_473 : memref<20000x128xf32, #tpu.memory_space<hbm>>) target(%arg9 : memref<96x128xf32, #tpu.memory_space<vmem>>) offsets(%arg15 : memref<96xi32, #tpu.memory_space<vmem>>) semaphore(%arg25 : memref<!tpu.dma_semaphore, #tpu.memory_space<semaphore_mem>>)
      } else {
      }
      %mul3A_342 = arith.constant 12 : i32
      %mul3A_343 = arith.muli %mul3A_342, %scan3A_109 : i32
      %add3A_344 = arith.constant 8 : i32
      %add3A_345 = arith.addi %mul3A_343, %add3A_344 : i32
      %dma_wait3A_346 = arith.constant 0 : i32
      %dma_wait3A_347 = arith.constant 0 : i32
      %dma_wait3A_348 = tpu.memref_slice %arg2[%dma_wait3A_346, %dma_wait3A_347] : memref<20000x128xf32, #tpu.memory_space<hbm>> -> memref<20000x128xf32, #tpu.memory_space<hbm>>
      tpu.wait_indirect_dma semaphore(%arg23 : memref<!tpu.dma_semaphore, #tpu.memory_space<semaphore_mem>>) src(%dma_wait3A_348 : memref<20000x128xf32, #tpu.memory_space<hbm>>) dst(%arg7 : memref<96x128xf32, #tpu.memory_space<vmem>>)
      %dma_start3A_349 = arith.constant 0 : i32
      %dma_start3A_350 = arith.constant 0 : i32
      %dma_start3A_351 = tpu.memref_slice %arg6[%dma_start3A_349, %dma_start3A_350] : memref<10008x128xf32, #tpu.memory_space<vmem_shared>> -> memref<10008x128xf32, #tpu.memory_space<vmem_shared>>
      tpu.enqueue_indirect_dma source(%arg7 : memref<96x128xf32, #tpu.memory_space<vmem>>) target(%dma_start3A_351 : memref<10008x128xf32, #tpu.memory_space<vmem_shared>>) offsets(%arg19 : memref<96xi32, #tpu.memory_space<vmem>>) semaphore(%arg27 : memref<!tpu.dma_semaphore, #tpu.memory_space<semaphore_mem>>) {add = true}
      %ge3A_352 = arith.constant 1 : i32
      %ge3A_353 = arith.cmpi sge, %add3A_345, %ge3A_352 : i32
      %convert_element_type3A_354 = arith.extui %ge3A_353 : i1 to i32
      %cond3A_355 = arith.constant 0 : i32
      %cond3A_356 = arith.cmpi ne, %convert_element_type3A_354, %cond3A_355 : i32
      scf.if %cond3A_356 {
        %dma_wait3A_459 = arith.constant 0 : i32
        %dma_wait3A_460 = arith.constant 0 : i32
        %dma_wait3A_461 = tpu.memref_slice %arg6[%dma_wait3A_459, %dma_wait3A_460] : memref<10008x128xf32, #tpu.memory_space<vmem_shared>> -> memref<10008x128xf32, #tpu.memory_space<vmem_shared>>
        tpu.wait_indirect_dma semaphore(%arg30 : memref<!tpu.dma_semaphore, #tpu.memory_space<semaphore_mem>>) src(%arg10 : memref<96x128xf32, #tpu.memory_space<vmem>>) dst(%dma_wait3A_461 : memref<10008x128xf32, #tpu.memory_space<vmem_shared>>)
      } else {
      }
      %add3A_357 = arith.constant 5 : i32
      %add3A_358 = arith.addi %add3A_345, %add3A_357 : i32
      %lt3A_359 = arith.constant 216 : i32
      %lt3A_360 = arith.cmpi slt, %add3A_358, %lt3A_359 : i32
      %convert_element_type3A_361 = arith.extui %lt3A_360 : i1 to i32
      %cond3A_362 = arith.constant 0 : i32
      %cond3A_363 = arith.cmpi ne, %convert_element_type3A_361, %cond3A_362 : i32
      scf.if %cond3A_363 {
        %add3A_459 = arith.constant 5 : i32
        %add3A_460 = arith.addi %add3A_345, %add3A_459 : i32
        %mul3A_461 = arith.constant 96 : i32
        %mul3A_462 = arith.muli %add3A_460, %mul3A_461 : i32
        %add3A_463 = arith.addi %add3A, %mul3A_462 : i32
        %dma_start3A_464 = tpu.memref_slice %arg3[%add3A_463] : memref<663552xi32, #tpu.memory_space<hbm>> -> memref<96xi32, #tpu.memory_space<hbm>>
        %dma_start3A_465 = tpu.memref_slice %arg3[%add3A_463] : memref<663552xi32, #tpu.memory_space<hbm>> -> memref<96xi32, #tpu.memory_space<hbm>>
        tpu.enqueue_dma source(%dma_start3A_465 : memref<96xi32, #tpu.memory_space<hbm>>) target(%arg12 : memref<96xi32, #tpu.memory_space<vmem>>) target_semaphore(%arg32 : memref<!tpu.dma_semaphore, #tpu.memory_space<semaphore_mem>>)
        %mul3A_466 = arith.constant 96 : i32
        %mul3A_467 = arith.muli %add3A_460, %mul3A_466 : i32
        %add3A_468 = arith.addi %mul3A_14, %mul3A_467 : i32
        %dma_start3A_469 = tpu.memref_slice %arg4[%add3A_468] : memref<331776xi32, #tpu.memory_space<hbm>> -> memref<96xi32, #tpu.memory_space<hbm>>
        %dma_start3A_470 = tpu.memref_slice %arg4[%add3A_468] : memref<331776xi32, #tpu.memory_space<hbm>> -> memref<96xi32, #tpu.memory_space<hbm>>
        tpu.enqueue_dma source(%dma_start3A_470 : memref<96xi32, #tpu.memory_space<hbm>>) target(%arg18 : memref<96xi32, #tpu.memory_space<vmem>>) target_semaphore(%arg32 : memref<!tpu.dma_semaphore, #tpu.memory_space<semaphore_mem>>)
      } else {
      }
      %add3A_364 = arith.constant 3 : i32
      %add3A_365 = arith.addi %add3A_345, %add3A_364 : i32
      %lt3A_366 = arith.constant 216 : i32
      %lt3A_367 = arith.cmpi slt, %add3A_365, %lt3A_366 : i32
      %convert_element_type3A_368 = arith.extui %lt3A_367 : i1 to i32
      %cond3A_369 = arith.constant 0 : i32
      %cond3A_370 = arith.cmpi ne, %convert_element_type3A_368, %cond3A_369 : i32
      scf.if %cond3A_370 {
        %add3A_459 = arith.constant 3 : i32
        %add3A_460 = arith.addi %add3A_345, %add3A_459 : i32
        %mul3A_461 = arith.constant 96 : i32
        %mul3A_462 = arith.muli %add3A_460, %mul3A_461 : i32
        %add3A_463 = arith.addi %add3A, %mul3A_462 : i32
        %dma_wait3A_464 = tpu.memref_slice %arg3[%add3A_463] : memref<663552xi32, #tpu.memory_space<hbm>> -> memref<96xi32, #tpu.memory_space<hbm>>
        %dma_wait3A_465 = tpu.memref_slice %arg3[%add3A_463] : memref<663552xi32, #tpu.memory_space<hbm>> -> memref<96xi32, #tpu.memory_space<hbm>>
        tpu.wait_dma2 semaphore(%arg36 : memref<!tpu.dma_semaphore, #tpu.memory_space<semaphore_mem>>) src(%dma_wait3A_465 : memref<96xi32, #tpu.memory_space<hbm>>) dst(%arg16 : memref<96xi32, #tpu.memory_space<vmem>>)
        %mul3A_466 = arith.constant 96 : i32
        %mul3A_467 = arith.muli %add3A_460, %mul3A_466 : i32
        %add3A_468 = arith.addi %mul3A_14, %mul3A_467 : i32
        %dma_wait3A_469 = tpu.memref_slice %arg4[%add3A_468] : memref<331776xi32, #tpu.memory_space<hbm>> -> memref<96xi32, #tpu.memory_space<hbm>>
        %dma_wait3A_470 = tpu.memref_slice %arg4[%add3A_468] : memref<331776xi32, #tpu.memory_space<hbm>> -> memref<96xi32, #tpu.memory_space<hbm>>
        tpu.wait_dma2 semaphore(%arg36 : memref<!tpu.dma_semaphore, #tpu.memory_space<semaphore_mem>>) src(%dma_wait3A_470 : memref<96xi32, #tpu.memory_space<hbm>>) dst(%arg22 : memref<96xi32, #tpu.memory_space<vmem>>)
        %dma_start3A_471 = arith.constant 0 : i32
        %dma_start3A_472 = arith.constant 0 : i32
        %dma_start3A_473 = tpu.memref_slice %arg2[%dma_start3A_471, %dma_start3A_472] : memref<20000x128xf32, #tpu.memory_space<hbm>> -> memref<20000x128xf32, #tpu.memory_space<hbm>>
        tpu.enqueue_indirect_dma source(%dma_start3A_473 : memref<20000x128xf32, #tpu.memory_space<hbm>>) target(%arg10 : memref<96x128xf32, #tpu.memory_space<vmem>>) offsets(%arg16 : memref<96xi32, #tpu.memory_space<vmem>>) semaphore(%arg26 : memref<!tpu.dma_semaphore, #tpu.memory_space<semaphore_mem>>)
      } else {
      }
      %mul3A_371 = arith.constant 12 : i32
      %mul3A_372 = arith.muli %mul3A_371, %scan3A_109 : i32
      %add3A_373 = arith.constant 9 : i32
      %add3A_374 = arith.addi %mul3A_372, %add3A_373 : i32
      %dma_wait3A_375 = arith.constant 0 : i32
      %dma_wait3A_376 = arith.constant 0 : i32
      %dma_wait3A_377 = tpu.memref_slice %arg2[%dma_wait3A_375, %dma_wait3A_376] : memref<20000x128xf32, #tpu.memory_space<hbm>> -> memref<20000x128xf32, #tpu.memory_space<hbm>>
      tpu.wait_indirect_dma semaphore(%arg24 : memref<!tpu.dma_semaphore, #tpu.memory_space<semaphore_mem>>) src(%dma_wait3A_377 : memref<20000x128xf32, #tpu.memory_space<hbm>>) dst(%arg8 : memref<96x128xf32, #tpu.memory_space<vmem>>)
      %dma_start3A_378 = arith.constant 0 : i32
      %dma_start3A_379 = arith.constant 0 : i32
      %dma_start3A_380 = tpu.memref_slice %arg6[%dma_start3A_378, %dma_start3A_379] : memref<10008x128xf32, #tpu.memory_space<vmem_shared>> -> memref<10008x128xf32, #tpu.memory_space<vmem_shared>>
      tpu.enqueue_indirect_dma source(%arg8 : memref<96x128xf32, #tpu.memory_space<vmem>>) target(%dma_start3A_380 : memref<10008x128xf32, #tpu.memory_space<vmem_shared>>) offsets(%arg20 : memref<96xi32, #tpu.memory_space<vmem>>) semaphore(%arg28 : memref<!tpu.dma_semaphore, #tpu.memory_space<semaphore_mem>>) {add = true}
      %ge3A_381 = arith.constant 1 : i32
      %ge3A_382 = arith.cmpi sge, %add3A_374, %ge3A_381 : i32
      %convert_element_type3A_383 = arith.extui %ge3A_382 : i1 to i32
      %cond3A_384 = arith.constant 0 : i32
      %cond3A_385 = arith.cmpi ne, %convert_element_type3A_383, %cond3A_384 : i32
      scf.if %cond3A_385 {
        %dma_wait3A_459 = arith.constant 0 : i32
        %dma_wait3A_460 = arith.constant 0 : i32
        %dma_wait3A_461 = tpu.memref_slice %arg6[%dma_wait3A_459, %dma_wait3A_460] : memref<10008x128xf32, #tpu.memory_space<vmem_shared>> -> memref<10008x128xf32, #tpu.memory_space<vmem_shared>>
        tpu.wait_indirect_dma semaphore(%arg27 : memref<!tpu.dma_semaphore, #tpu.memory_space<semaphore_mem>>) src(%arg7 : memref<96x128xf32, #tpu.memory_space<vmem>>) dst(%dma_wait3A_461 : memref<10008x128xf32, #tpu.memory_space<vmem_shared>>)
      } else {
      }
      %add3A_386 = arith.constant 5 : i32
      %add3A_387 = arith.addi %add3A_374, %add3A_386 : i32
      %lt3A_388 = arith.constant 216 : i32
      %lt3A_389 = arith.cmpi slt, %add3A_387, %lt3A_388 : i32
      %convert_element_type3A_390 = arith.extui %lt3A_389 : i1 to i32
      %cond3A_391 = arith.constant 0 : i32
      %cond3A_392 = arith.cmpi ne, %convert_element_type3A_390, %cond3A_391 : i32
      scf.if %cond3A_392 {
        %add3A_459 = arith.constant 5 : i32
        %add3A_460 = arith.addi %add3A_374, %add3A_459 : i32
        %mul3A_461 = arith.constant 96 : i32
        %mul3A_462 = arith.muli %add3A_460, %mul3A_461 : i32
        %add3A_463 = arith.addi %add3A, %mul3A_462 : i32
        %dma_start3A_464 = tpu.memref_slice %arg3[%add3A_463] : memref<663552xi32, #tpu.memory_space<hbm>> -> memref<96xi32, #tpu.memory_space<hbm>>
        %dma_start3A_465 = tpu.memref_slice %arg3[%add3A_463] : memref<663552xi32, #tpu.memory_space<hbm>> -> memref<96xi32, #tpu.memory_space<hbm>>
        tpu.enqueue_dma source(%dma_start3A_465 : memref<96xi32, #tpu.memory_space<hbm>>) target(%arg13 : memref<96xi32, #tpu.memory_space<vmem>>) target_semaphore(%arg33 : memref<!tpu.dma_semaphore, #tpu.memory_space<semaphore_mem>>)
        %mul3A_466 = arith.constant 96 : i32
        %mul3A_467 = arith.muli %add3A_460, %mul3A_466 : i32
        %add3A_468 = arith.addi %mul3A_14, %mul3A_467 : i32
        %dma_start3A_469 = tpu.memref_slice %arg4[%add3A_468] : memref<331776xi32, #tpu.memory_space<hbm>> -> memref<96xi32, #tpu.memory_space<hbm>>
        %dma_start3A_470 = tpu.memref_slice %arg4[%add3A_468] : memref<331776xi32, #tpu.memory_space<hbm>> -> memref<96xi32, #tpu.memory_space<hbm>>
        tpu.enqueue_dma source(%dma_start3A_470 : memref<96xi32, #tpu.memory_space<hbm>>) target(%arg19 : memref<96xi32, #tpu.memory_space<vmem>>) target_semaphore(%arg33 : memref<!tpu.dma_semaphore, #tpu.memory_space<semaphore_mem>>)
      } else {
      }
      %add3A_393 = arith.constant 3 : i32
      %add3A_394 = arith.addi %add3A_374, %add3A_393 : i32
      %lt3A_395 = arith.constant 216 : i32
      %lt3A_396 = arith.cmpi slt, %add3A_394, %lt3A_395 : i32
      %convert_element_type3A_397 = arith.extui %lt3A_396 : i1 to i32
      %cond3A_398 = arith.constant 0 : i32
      %cond3A_399 = arith.cmpi ne, %convert_element_type3A_397, %cond3A_398 : i32
      scf.if %cond3A_399 {
        %add3A_459 = arith.constant 3 : i32
        %add3A_460 = arith.addi %add3A_374, %add3A_459 : i32
        %mul3A_461 = arith.constant 96 : i32
        %mul3A_462 = arith.muli %add3A_460, %mul3A_461 : i32
        %add3A_463 = arith.addi %add3A, %mul3A_462 : i32
        %dma_wait3A_464 = tpu.memref_slice %arg3[%add3A_463] : memref<663552xi32, #tpu.memory_space<hbm>> -> memref<96xi32, #tpu.memory_space<hbm>>
        %dma_wait3A_465 = tpu.memref_slice %arg3[%add3A_463] : memref<663552xi32, #tpu.memory_space<hbm>> -> memref<96xi32, #tpu.memory_space<hbm>>
        tpu.wait_dma2 semaphore(%arg31 : memref<!tpu.dma_semaphore, #tpu.memory_space<semaphore_mem>>) src(%dma_wait3A_465 : memref<96xi32, #tpu.memory_space<hbm>>) dst(%arg11 : memref<96xi32, #tpu.memory_space<vmem>>)
        %mul3A_466 = arith.constant 96 : i32
        %mul3A_467 = arith.muli %add3A_460, %mul3A_466 : i32
        %add3A_468 = arith.addi %mul3A_14, %mul3A_467 : i32
        %dma_wait3A_469 = tpu.memref_slice %arg4[%add3A_468] : memref<331776xi32, #tpu.memory_space<hbm>> -> memref<96xi32, #tpu.memory_space<hbm>>
        %dma_wait3A_470 = tpu.memref_slice %arg4[%add3A_468] : memref<331776xi32, #tpu.memory_space<hbm>> -> memref<96xi32, #tpu.memory_space<hbm>>
        tpu.wait_dma2 semaphore(%arg31 : memref<!tpu.dma_semaphore, #tpu.memory_space<semaphore_mem>>) src(%dma_wait3A_470 : memref<96xi32, #tpu.memory_space<hbm>>) dst(%arg17 : memref<96xi32, #tpu.memory_space<vmem>>)
        %dma_start3A_471 = arith.constant 0 : i32
        %dma_start3A_472 = arith.constant 0 : i32
        %dma_start3A_473 = tpu.memref_slice %arg2[%dma_start3A_471, %dma_start3A_472] : memref<20000x128xf32, #tpu.memory_space<hbm>> -> memref<20000x128xf32, #tpu.memory_space<hbm>>
        tpu.enqueue_indirect_dma source(%dma_start3A_473 : memref<20000x128xf32, #tpu.memory_space<hbm>>) target(%arg7 : memref<96x128xf32, #tpu.memory_space<vmem>>) offsets(%arg11 : memref<96xi32, #tpu.memory_space<vmem>>) semaphore(%arg23 : memref<!tpu.dma_semaphore, #tpu.memory_space<semaphore_mem>>)
      } else {
      }
      %mul3A_400 = arith.constant 12 : i32
      %mul3A_401 = arith.muli %mul3A_400, %scan3A_109 : i32
      %add3A_402 = arith.constant 10 : i32
      %add3A_403 = arith.addi %mul3A_401, %add3A_402 : i32
      %dma_wait3A_404 = arith.constant 0 : i32
      %dma_wait3A_405 = arith.constant 0 : i32
      %dma_wait3A_406 = tpu.memref_slice %arg2[%dma_wait3A_404, %dma_wait3A_405] : memref<20000x128xf32, #tpu.memory_space<hbm>> -> memref<20000x128xf32, #tpu.memory_space<hbm>>
      tpu.wait_indirect_dma semaphore(%arg25 : memref<!tpu.dma_semaphore, #tpu.memory_space<semaphore_mem>>) src(%dma_wait3A_406 : memref<20000x128xf32, #tpu.memory_space<hbm>>) dst(%arg9 : memref<96x128xf32, #tpu.memory_space<vmem>>)
      %dma_start3A_407 = arith.constant 0 : i32
      %dma_start3A_408 = arith.constant 0 : i32
      %dma_start3A_409 = tpu.memref_slice %arg6[%dma_start3A_407, %dma_start3A_408] : memref<10008x128xf32, #tpu.memory_space<vmem_shared>> -> memref<10008x128xf32, #tpu.memory_space<vmem_shared>>
      tpu.enqueue_indirect_dma source(%arg9 : memref<96x128xf32, #tpu.memory_space<vmem>>) target(%dma_start3A_409 : memref<10008x128xf32, #tpu.memory_space<vmem_shared>>) offsets(%arg21 : memref<96xi32, #tpu.memory_space<vmem>>) semaphore(%arg29 : memref<!tpu.dma_semaphore, #tpu.memory_space<semaphore_mem>>) {add = true}
      %ge3A_410 = arith.constant 1 : i32
      %ge3A_411 = arith.cmpi sge, %add3A_403, %ge3A_410 : i32
      %convert_element_type3A_412 = arith.extui %ge3A_411 : i1 to i32
      %cond3A_413 = arith.constant 0 : i32
      %cond3A_414 = arith.cmpi ne, %convert_element_type3A_412, %cond3A_413 : i32
      scf.if %cond3A_414 {
        %dma_wait3A_459 = arith.constant 0 : i32
        %dma_wait3A_460 = arith.constant 0 : i32
        %dma_wait3A_461 = tpu.memref_slice %arg6[%dma_wait3A_459, %dma_wait3A_460] : memref<10008x128xf32, #tpu.memory_space<vmem_shared>> -> memref<10008x128xf32, #tpu.memory_space<vmem_shared>>
        tpu.wait_indirect_dma semaphore(%arg28 : memref<!tpu.dma_semaphore, #tpu.memory_space<semaphore_mem>>) src(%arg8 : memref<96x128xf32, #tpu.memory_space<vmem>>) dst(%dma_wait3A_461 : memref<10008x128xf32, #tpu.memory_space<vmem_shared>>)
      } else {
      }
      %add3A_415 = arith.constant 5 : i32
      %add3A_416 = arith.addi %add3A_403, %add3A_415 : i32
      %lt3A_417 = arith.constant 216 : i32
      %lt3A_418 = arith.cmpi slt, %add3A_416, %lt3A_417 : i32
      %convert_element_type3A_419 = arith.extui %lt3A_418 : i1 to i32
      %cond3A_420 = arith.constant 0 : i32
      %cond3A_421 = arith.cmpi ne, %convert_element_type3A_419, %cond3A_420 : i32
      scf.if %cond3A_421 {
        %add3A_459 = arith.constant 5 : i32
        %add3A_460 = arith.addi %add3A_403, %add3A_459 : i32
        %mul3A_461 = arith.constant 96 : i32
        %mul3A_462 = arith.muli %add3A_460, %mul3A_461 : i32
        %add3A_463 = arith.addi %add3A, %mul3A_462 : i32
        %dma_start3A_464 = tpu.memref_slice %arg3[%add3A_463] : memref<663552xi32, #tpu.memory_space<hbm>> -> memref<96xi32, #tpu.memory_space<hbm>>
        %dma_start3A_465 = tpu.memref_slice %arg3[%add3A_463] : memref<663552xi32, #tpu.memory_space<hbm>> -> memref<96xi32, #tpu.memory_space<hbm>>
        tpu.enqueue_dma source(%dma_start3A_465 : memref<96xi32, #tpu.memory_space<hbm>>) target(%arg14 : memref<96xi32, #tpu.memory_space<vmem>>) target_semaphore(%arg34 : memref<!tpu.dma_semaphore, #tpu.memory_space<semaphore_mem>>)
        %mul3A_466 = arith.constant 96 : i32
        %mul3A_467 = arith.muli %add3A_460, %mul3A_466 : i32
        %add3A_468 = arith.addi %mul3A_14, %mul3A_467 : i32
        %dma_start3A_469 = tpu.memref_slice %arg4[%add3A_468] : memref<331776xi32, #tpu.memory_space<hbm>> -> memref<96xi32, #tpu.memory_space<hbm>>
        %dma_start3A_470 = tpu.memref_slice %arg4[%add3A_468] : memref<331776xi32, #tpu.memory_space<hbm>> -> memref<96xi32, #tpu.memory_space<hbm>>
        tpu.enqueue_dma source(%dma_start3A_470 : memref<96xi32, #tpu.memory_space<hbm>>) target(%arg20 : memref<96xi32, #tpu.memory_space<vmem>>) target_semaphore(%arg34 : memref<!tpu.dma_semaphore, #tpu.memory_space<semaphore_mem>>)
      } else {
      }
      %add3A_422 = arith.constant 3 : i32
      %add3A_423 = arith.addi %add3A_403, %add3A_422 : i32
      %lt3A_424 = arith.constant 216 : i32
      %lt3A_425 = arith.cmpi slt, %add3A_423, %lt3A_424 : i32
      %convert_element_type3A_426 = arith.extui %lt3A_425 : i1 to i32
      %cond3A_427 = arith.constant 0 : i32
      %cond3A_428 = arith.cmpi ne, %convert_element_type3A_426, %cond3A_427 : i32
      scf.if %cond3A_428 {
        %add3A_459 = arith.constant 3 : i32
        %add3A_460 = arith.addi %add3A_403, %add3A_459 : i32
        %mul3A_461 = arith.constant 96 : i32
        %mul3A_462 = arith.muli %add3A_460, %mul3A_461 : i32
        %add3A_463 = arith.addi %add3A, %mul3A_462 : i32
        %dma_wait3A_464 = tpu.memref_slice %arg3[%add3A_463] : memref<663552xi32, #tpu.memory_space<hbm>> -> memref<96xi32, #tpu.memory_space<hbm>>
        %dma_wait3A_465 = tpu.memref_slice %arg3[%add3A_463] : memref<663552xi32, #tpu.memory_space<hbm>> -> memref<96xi32, #tpu.memory_space<hbm>>
        tpu.wait_dma2 semaphore(%arg32 : memref<!tpu.dma_semaphore, #tpu.memory_space<semaphore_mem>>) src(%dma_wait3A_465 : memref<96xi32, #tpu.memory_space<hbm>>) dst(%arg12 : memref<96xi32, #tpu.memory_space<vmem>>)
        %mul3A_466 = arith.constant 96 : i32
        %mul3A_467 = arith.muli %add3A_460, %mul3A_466 : i32
        %add3A_468 = arith.addi %mul3A_14, %mul3A_467 : i32
        %dma_wait3A_469 = tpu.memref_slice %arg4[%add3A_468] : memref<331776xi32, #tpu.memory_space<hbm>> -> memref<96xi32, #tpu.memory_space<hbm>>
        %dma_wait3A_470 = tpu.memref_slice %arg4[%add3A_468] : memref<331776xi32, #tpu.memory_space<hbm>> -> memref<96xi32, #tpu.memory_space<hbm>>
        tpu.wait_dma2 semaphore(%arg32 : memref<!tpu.dma_semaphore, #tpu.memory_space<semaphore_mem>>) src(%dma_wait3A_470 : memref<96xi32, #tpu.memory_space<hbm>>) dst(%arg18 : memref<96xi32, #tpu.memory_space<vmem>>)
        %dma_start3A_471 = arith.constant 0 : i32
        %dma_start3A_472 = arith.constant 0 : i32
        %dma_start3A_473 = tpu.memref_slice %arg2[%dma_start3A_471, %dma_start3A_472] : memref<20000x128xf32, #tpu.memory_space<hbm>> -> memref<20000x128xf32, #tpu.memory_space<hbm>>
        tpu.enqueue_indirect_dma source(%dma_start3A_473 : memref<20000x128xf32, #tpu.memory_space<hbm>>) target(%arg8 : memref<96x128xf32, #tpu.memory_space<vmem>>) offsets(%arg12 : memref<96xi32, #tpu.memory_space<vmem>>) semaphore(%arg24 : memref<!tpu.dma_semaphore, #tpu.memory_space<semaphore_mem>>)
      } else {
      }
      %mul3A_429 = arith.constant 12 : i32
      %mul3A_430 = arith.muli %mul3A_429, %scan3A_109 : i32
      %add3A_431 = arith.constant 11 : i32
      %add3A_432 = arith.addi %mul3A_430, %add3A_431 : i32
      %dma_wait3A_433 = arith.constant 0 : i32
      %dma_wait3A_434 = arith.constant 0 : i32
      %dma_wait3A_435 = tpu.memref_slice %arg2[%dma_wait3A_433, %dma_wait3A_434] : memref<20000x128xf32, #tpu.memory_space<hbm>> -> memref<20000x128xf32, #tpu.memory_space<hbm>>
      tpu.wait_indirect_dma semaphore(%arg26 : memref<!tpu.dma_semaphore, #tpu.memory_space<semaphore_mem>>) src(%dma_wait3A_435 : memref<20000x128xf32, #tpu.memory_space<hbm>>) dst(%arg10 : memref<96x128xf32, #tpu.memory_space<vmem>>)
      %dma_start3A_436 = arith.constant 0 : i32
      %dma_start3A_437 = arith.constant 0 : i32
      %dma_start3A_438 = tpu.memref_slice %arg6[%dma_start3A_436, %dma_start3A_437] : memref<10008x128xf32, #tpu.memory_space<vmem_shared>> -> memref<10008x128xf32, #tpu.memory_space<vmem_shared>>
      tpu.enqueue_indirect_dma source(%arg10 : memref<96x128xf32, #tpu.memory_space<vmem>>) target(%dma_start3A_438 : memref<10008x128xf32, #tpu.memory_space<vmem_shared>>) offsets(%arg22 : memref<96xi32, #tpu.memory_space<vmem>>) semaphore(%arg30 : memref<!tpu.dma_semaphore, #tpu.memory_space<semaphore_mem>>) {add = true}
      %ge3A_439 = arith.constant 1 : i32
      %ge3A_440 = arith.cmpi sge, %add3A_432, %ge3A_439 : i32
      %convert_element_type3A_441 = arith.extui %ge3A_440 : i1 to i32
      %cond3A_442 = arith.constant 0 : i32
      %cond3A_443 = arith.cmpi ne, %convert_element_type3A_441, %cond3A_442 : i32
      scf.if %cond3A_443 {
        %dma_wait3A_459 = arith.constant 0 : i32
        %dma_wait3A_460 = arith.constant 0 : i32
        %dma_wait3A_461 = tpu.memref_slice %arg6[%dma_wait3A_459, %dma_wait3A_460] : memref<10008x128xf32, #tpu.memory_space<vmem_shared>> -> memref<10008x128xf32, #tpu.memory_space<vmem_shared>>
        tpu.wait_indirect_dma semaphore(%arg29 : memref<!tpu.dma_semaphore, #tpu.memory_space<semaphore_mem>>) src(%arg9 : memref<96x128xf32, #tpu.memory_space<vmem>>) dst(%dma_wait3A_461 : memref<10008x128xf32, #tpu.memory_space<vmem_shared>>)
      } else {
      }
      %add3A_444 = arith.constant 5 : i32
      %add3A_445 = arith.addi %add3A_432, %add3A_444 : i32
      %lt3A_446 = arith.constant 216 : i32
      %lt3A_447 = arith.cmpi slt, %add3A_445, %lt3A_446 : i32
      %convert_element_type3A_448 = arith.extui %lt3A_447 : i1 to i32
      %cond3A_449 = arith.constant 0 : i32
      %cond3A_450 = arith.cmpi ne, %convert_element_type3A_448, %cond3A_449 : i32
      scf.if %cond3A_450 {
        %add3A_459 = arith.constant 5 : i32
        %add3A_460 = arith.addi %add3A_432, %add3A_459 : i32
        %mul3A_461 = arith.constant 96 : i32
        %mul3A_462 = arith.muli %add3A_460, %mul3A_461 : i32
        %add3A_463 = arith.addi %add3A, %mul3A_462 : i32
        %dma_start3A_464 = tpu.memref_slice %arg3[%add3A_463] : memref<663552xi32, #tpu.memory_space<hbm>> -> memref<96xi32, #tpu.memory_space<hbm>>
        %dma_start3A_465 = tpu.memref_slice %arg3[%add3A_463] : memref<663552xi32, #tpu.memory_space<hbm>> -> memref<96xi32, #tpu.memory_space<hbm>>
        tpu.enqueue_dma source(%dma_start3A_465 : memref<96xi32, #tpu.memory_space<hbm>>) target(%arg15 : memref<96xi32, #tpu.memory_space<vmem>>) target_semaphore(%arg35 : memref<!tpu.dma_semaphore, #tpu.memory_space<semaphore_mem>>)
        %mul3A_466 = arith.constant 96 : i32
        %mul3A_467 = arith.muli %add3A_460, %mul3A_466 : i32
        %add3A_468 = arith.addi %mul3A_14, %mul3A_467 : i32
        %dma_start3A_469 = tpu.memref_slice %arg4[%add3A_468] : memref<331776xi32, #tpu.memory_space<hbm>> -> memref<96xi32, #tpu.memory_space<hbm>>
        %dma_start3A_470 = tpu.memref_slice %arg4[%add3A_468] : memref<331776xi32, #tpu.memory_space<hbm>> -> memref<96xi32, #tpu.memory_space<hbm>>
        tpu.enqueue_dma source(%dma_start3A_470 : memref<96xi32, #tpu.memory_space<hbm>>) target(%arg21 : memref<96xi32, #tpu.memory_space<vmem>>) target_semaphore(%arg35 : memref<!tpu.dma_semaphore, #tpu.memory_space<semaphore_mem>>)
      } else {
      }
      %add3A_451 = arith.constant 3 : i32
      %add3A_452 = arith.addi %add3A_432, %add3A_451 : i32
      %lt3A_453 = arith.constant 216 : i32
      %lt3A_454 = arith.cmpi slt, %add3A_452, %lt3A_453 : i32
      %convert_element_type3A_455 = arith.extui %lt3A_454 : i1 to i32
      %cond3A_456 = arith.constant 0 : i32
      %cond3A_457 = arith.cmpi ne, %convert_element_type3A_455, %cond3A_456 : i32
      scf.if %cond3A_457 {
        %add3A_459 = arith.constant 3 : i32
        %add3A_460 = arith.addi %add3A_432, %add3A_459 : i32
        %mul3A_461 = arith.constant 96 : i32
        %mul3A_462 = arith.muli %add3A_460, %mul3A_461 : i32
        %add3A_463 = arith.addi %add3A, %mul3A_462 : i32
        %dma_wait3A_464 = tpu.memref_slice %arg3[%add3A_463] : memref<663552xi32, #tpu.memory_space<hbm>> -> memref<96xi32, #tpu.memory_space<hbm>>
        %dma_wait3A_465 = tpu.memref_slice %arg3[%add3A_463] : memref<663552xi32, #tpu.memory_space<hbm>> -> memref<96xi32, #tpu.memory_space<hbm>>
        tpu.wait_dma2 semaphore(%arg33 : memref<!tpu.dma_semaphore, #tpu.memory_space<semaphore_mem>>) src(%dma_wait3A_465 : memref<96xi32, #tpu.memory_space<hbm>>) dst(%arg13 : memref<96xi32, #tpu.memory_space<vmem>>)
        %mul3A_466 = arith.constant 96 : i32
        %mul3A_467 = arith.muli %add3A_460, %mul3A_466 : i32
        %add3A_468 = arith.addi %mul3A_14, %mul3A_467 : i32
        %dma_wait3A_469 = tpu.memref_slice %arg4[%add3A_468] : memref<331776xi32, #tpu.memory_space<hbm>> -> memref<96xi32, #tpu.memory_space<hbm>>
        %dma_wait3A_470 = tpu.memref_slice %arg4[%add3A_468] : memref<331776xi32, #tpu.memory_space<hbm>> -> memref<96xi32, #tpu.memory_space<hbm>>
        tpu.wait_dma2 semaphore(%arg33 : memref<!tpu.dma_semaphore, #tpu.memory_space<semaphore_mem>>) src(%dma_wait3A_470 : memref<96xi32, #tpu.memory_space<hbm>>) dst(%arg19 : memref<96xi32, #tpu.memory_space<vmem>>)
        %dma_start3A_471 = arith.constant 0 : i32
        %dma_start3A_472 = arith.constant 0 : i32
        %dma_start3A_473 = tpu.memref_slice %arg2[%dma_start3A_471, %dma_start3A_472] : memref<20000x128xf32, #tpu.memory_space<hbm>> -> memref<20000x128xf32, #tpu.memory_space<hbm>>
        tpu.enqueue_indirect_dma source(%dma_start3A_473 : memref<20000x128xf32, #tpu.memory_space<hbm>>) target(%arg9 : memref<96x128xf32, #tpu.memory_space<vmem>>) offsets(%arg13 : memref<96xi32, #tpu.memory_space<vmem>>) semaphore(%arg25 : memref<!tpu.dma_semaphore, #tpu.memory_space<semaphore_mem>>)
      } else {
      }
      %scan3A_458 = arith.constant 0 : i32
      scf.yield %scan3A_458 : i32
    }
    %scan3A_94 = arith.constant 18 : i32
    %dma_wait3A_95 = arith.constant 0 : i32
    %dma_wait3A_96 = arith.constant 0 : i32
    %dma_wait3A_97 = tpu.memref_slice %arg6[%dma_wait3A_95, %dma_wait3A_96] : memref<10008x128xf32, #tpu.memory_space<vmem_shared>> -> memref<10008x128xf32, #tpu.memory_space<vmem_shared>>
    tpu.wait_indirect_dma semaphore(%arg30 : memref<!tpu.dma_semaphore, #tpu.memory_space<semaphore_mem>>) src(%arg10 : memref<96x128xf32, #tpu.memory_space<vmem>>) dst(%dma_wait3A_97 : memref<10008x128xf32, #tpu.memory_space<vmem_shared>>)
    %barrier3A_98 = arith.constant 0 : index
    tpu.barrier barrier_id(%barrier3A_98)
    %lt3A_99 = arith.constant 15 : i32
    %lt3A_100 = arith.cmpi slt, %arg1, %lt3A_99 : i32
    %convert_element_type3A_101 = arith.extui %lt3A_100 : i1 to i32
    %cond3A_102 = arith.constant 0 : i32
    %cond3A_103 = arith.cmpi ne, %convert_element_type3A_101, %cond3A_102 : i32
    scf.if %cond3A_103 {
      %mul3A_109 = arith.constant 632 : i32
      %mul3A_110 = arith.muli %arg1, %mul3A_109 : i32
      %mul3A_111 = arith.constant 632 : i32
      %mul3A_112 = arith.muli %arg1, %mul3A_111 : i32
      "tpu.region"() ({
        %run_scoped3A = tpu.sem_alloc : memref<!tpu.dma_semaphore, #tpu.memory_space<semaphore_mem>>
        %dma_start3A_113 = arith.constant 0 : i32
        %dma_start3A_114 = tpu.memref_slice %arg5[%arg0, %mul3A_112, %dma_start3A_113] : memref<2x10008x128xf32, #tpu.memory_space<hbm>> -> memref<1x632x128xf32, #tpu.memory_space<hbm>>
        %dma_start3A_115 = tpu.memref_squeeze %dma_start3A_114 : memref<1x632x128xf32, #tpu.memory_space<hbm>> -> memref<632x128xf32, #tpu.memory_space<hbm>>
        %dma_start3A_116 = arith.constant 0 : i32
        %dma_start3A_117 = tpu.memref_slice %arg6[%mul3A_110, %dma_start3A_116] : memref<10008x128xf32, #tpu.memory_space<vmem_shared>> -> memref<632x128xf32, #tpu.memory_space<vmem_shared>>
        tpu.enqueue_dma source(%dma_start3A_117 : memref<632x128xf32, #tpu.memory_space<vmem_shared>>) target(%dma_start3A_115 : memref<632x128xf32, #tpu.memory_space<hbm>>) target_semaphore(%run_scoped3A : memref<!tpu.dma_semaphore, #tpu.memory_space<semaphore_mem>>)
        %dma_wait3A_118 = arith.constant 0 : i32
        %dma_wait3A_119 = tpu.memref_slice %arg5[%arg0, %mul3A_112, %dma_wait3A_118] : memref<2x10008x128xf32, #tpu.memory_space<hbm>> -> memref<1x632x128xf32, #tpu.memory_space<hbm>>
        %dma_wait3A_120 = tpu.memref_squeeze %dma_wait3A_119 : memref<1x632x128xf32, #tpu.memory_space<hbm>> -> memref<632x128xf32, #tpu.memory_space<hbm>>
        %dma_wait3A_121 = arith.constant 0 : i32
        %dma_wait3A_122 = tpu.memref_slice %arg6[%mul3A_110, %dma_wait3A_121] : memref<10008x128xf32, #tpu.memory_space<vmem_shared>> -> memref<632x128xf32, #tpu.memory_space<vmem_shared>>
        tpu.wait_dma2 semaphore(%run_scoped3A : memref<!tpu.dma_semaphore, #tpu.memory_space<semaphore_mem>>) src(%dma_wait3A_122 : memref<632x128xf32, #tpu.memory_space<vmem_shared>>) dst(%dma_wait3A_120 : memref<632x128xf32, #tpu.memory_space<hbm>>)
        tpu.yield
      }) : () -> ()
    } else {
    }
    %eq3A_104 = arith.constant 15 : i32
    %eq3A_105 = arith.cmpi eq, %arg1, %eq3A_104 : i32
    %convert_element_type3A_106 = arith.extui %eq3A_105 : i1 to i32
    %cond3A_107 = arith.constant 0 : i32
    %cond3A_108 = arith.cmpi ne, %convert_element_type3A_106, %cond3A_107 : i32
    scf.if %cond3A_108 {
      %mul3A_109 = arith.constant 632 : i32
      %mul3A_110 = arith.muli %arg1, %mul3A_109 : i32
      %mul3A_111 = arith.constant 632 : i32
      %mul3A_112 = arith.muli %arg1, %mul3A_111 : i32
      "tpu.region"() ({
        %run_scoped3A = tpu.sem_alloc : memref<!tpu.dma_semaphore, #tpu.memory_space<semaphore_mem>>
        %dma_start3A_113 = arith.constant 0 : i32
        %dma_start3A_114 = tpu.memref_slice %arg5[%arg0, %mul3A_112, %dma_start3A_113] : memref<2x10008x128xf32, #tpu.memory_space<hbm>> -> memref<1x528x128xf32, #tpu.memory_space<hbm>>
        %dma_start3A_115 = tpu.memref_squeeze %dma_start3A_114 : memref<1x528x128xf32, #tpu.memory_space<hbm>> -> memref<528x128xf32, #tpu.memory_space<hbm>>
        %dma_start3A_116 = arith.constant 0 : i32
        %dma_start3A_117 = tpu.memref_slice %arg6[%mul3A_110, %dma_start3A_116] : memref<10008x128xf32, #tpu.memory_space<vmem_shared>> -> memref<528x128xf32, #tpu.memory_space<vmem_shared>>
        tpu.enqueue_dma source(%dma_start3A_117 : memref<528x128xf32, #tpu.memory_space<vmem_shared>>) target(%dma_start3A_115 : memref<528x128xf32, #tpu.memory_space<hbm>>) target_semaphore(%run_scoped3A : memref<!tpu.dma_semaphore, #tpu.memory_space<semaphore_mem>>)
        %dma_wait3A_118 = arith.constant 0 : i32
        %dma_wait3A_119 = tpu.memref_slice %arg5[%arg0, %mul3A_112, %dma_wait3A_118] : memref<2x10008x128xf32, #tpu.memory_space<hbm>> -> memref<1x528x128xf32, #tpu.memory_space<hbm>>
        %dma_wait3A_120 = tpu.memref_squeeze %dma_wait3A_119 : memref<1x528x128xf32, #tpu.memory_space<hbm>> -> memref<528x128xf32, #tpu.memory_space<hbm>>
        %dma_wait3A_121 = arith.constant 0 : i32
        %dma_wait3A_122 = tpu.memref_slice %arg6[%mul3A_110, %dma_wait3A_121] : memref<10008x128xf32, #tpu.memory_space<vmem_shared>> -> memref<528x128xf32, #tpu.memory_space<vmem_shared>>
        tpu.wait_dma2 semaphore(%run_scoped3A : memref<!tpu.dma_semaphore, #tpu.memory_space<semaphore_mem>>) src(%dma_wait3A_122 : memref<528x128xf32, #tpu.memory_space<vmem_shared>>) dst(%dma_wait3A_120 : memref<528x128xf32, #tpu.memory_space<hbm>>)
        tpu.yield
      }) : () -> ()
    } else {
    }
    return
  }
}

#map = affine_map<(d0, d1) -> (0, 0)>
#map1 = affine_map<(d0, d1) -> (0)>
#map2 = affine_map<(d0, d1) -> (0, 0, 0)>
module attributes {stable_mosaic.version = 14 : i64} {
  func.func @_agg_body(%arg0: i32, %arg1: i32, %arg2: memref<20000x128xf32, #tpu.memory_space<hbm>>, %arg3: memref<663552xi32, #tpu.memory_space<hbm>>, %arg4: memref<331776xi32, #tpu.memory_space<hbm>>, %arg5: memref<2x10008x128xf32, #tpu.memory_space<hbm>>, %arg6: memref<10008x128xf32, #tpu.memory_space<vmem_shared>>, %arg7: memref<96x128xf32, #tpu.memory_space<vmem>>, %arg8: memref<96x128xf32, #tpu.memory_space<vmem>>, %arg9: memref<96x128xf32, #tpu.memory_space<vmem>>, %arg10: memref<96x128xf32, #tpu.memory_space<vmem>>, %arg11: memref<96xi32, #tpu.memory_space<vmem>>, %arg12: memref<96xi32, #tpu.memory_space<vmem>>, %arg13: memref<96xi32, #tpu.memory_space<vmem>>, %arg14: memref<96xi32, #tpu.memory_space<vmem>>, %arg15: memref<96xi32, #tpu.memory_space<vmem>>, %arg16: memref<96xi32, #tpu.memory_space<vmem>>, %arg17: memref<96xi32, #tpu.memory_space<vmem>>, %arg18: memref<96xi32, #tpu.memory_space<vmem>>, %arg19: memref<96xi32, #tpu.memory_space<vmem>>, %arg20: memref<96xi32, #tpu.memory_space<vmem>>, %arg21: memref<96xi32, #tpu.memory_space<vmem>>, %arg22: memref<96xi32, #tpu.memory_space<vmem>>, %arg23: memref<!tpu.dma_semaphore, #tpu.memory_space<semaphore_mem>>, %arg24: memref<!tpu.dma_semaphore, #tpu.memory_space<semaphore_mem>>, %arg25: memref<!tpu.dma_semaphore, #tpu.memory_space<semaphore_mem>>, %arg26: memref<!tpu.dma_semaphore, #tpu.memory_space<semaphore_mem>>, %arg27: memref<!tpu.dma_semaphore, #tpu.memory_space<semaphore_mem>>, %arg28: memref<!tpu.dma_semaphore, #tpu.memory_space<semaphore_mem>>, %arg29: memref<!tpu.dma_semaphore, #tpu.memory_space<semaphore_mem>>, %arg30: memref<!tpu.dma_semaphore, #tpu.memory_space<semaphore_mem>>, %arg31: memref<!tpu.dma_semaphore, #tpu.memory_space<semaphore_mem>>, %arg32: memref<!tpu.dma_semaphore, #tpu.memory_space<semaphore_mem>>, %arg33: memref<!tpu.dma_semaphore, #tpu.memory_space<semaphore_mem>>, %arg34: memref<!tpu.dma_semaphore, #tpu.memory_space<semaphore_mem>>, %arg35: memref<!tpu.dma_semaphore, #tpu.memory_space<semaphore_mem>>, %arg36: memref<!tpu.dma_semaphore, #tpu.memory_space<semaphore_mem>>) attributes {dimension_semantics = [#tpu.dimension_semantics<core_parallel>, #tpu.dimension_semantics<subcore_parallel>], iteration_bounds = array<i64: 2, 16>, scalar_prefetch = 0 : i64, scratch_operands = 31 : i64, tpu.core_type = #tpu.core_type<sc_vector_subcore>, window_params = [{transform_indices = #map}, {transform_indices = #map1}, {transform_indices = #map1}, {transform_indices = #map2}]} {
    %scan3A = arith.constant 0 : i32
    %scan3A_0 = arith.constant 0 : i32
    %scan3A_1 = arith.constant 96 : i32
    %scan3A_2 = arith.addi %scan3A_0, %scan3A_1 : i32
    %scan3A_3 = arith.constant 1 : i32
    %scan3A_4 = scf.for %scan3A_109 = %scan3A_0 to %scan3A_2 step %scan3A_3 iter_args(%scan3A_110 = %scan3A) -> (i32)  : i32 {
      %broadcast_in_dim3A = arith.constant 0.000000e+00 : f32
      %broadcast_in_dim3A_111 = vector.broadcast %broadcast_in_dim3A : f32 to vector<16xf32>
      %swap3A = arith.index_cast %scan3A_109 : i32 to index
      %swap3A_112 = arith.constant 0 : index
      %swap3A_113 = tpu.vector_load %arg7[%swap3A, %swap3A_112] {strides = array<i32>} : memref<96x128xf32, #tpu.memory_space<vmem>>, vector<1x16xf32>,
      %swap3A_114 = vector.shape_cast %swap3A_113 : vector<1x16xf32> to vector<16xf32>
      %swap3A_115 = vector.shape_cast %broadcast_in_dim3A_111 : vector<16xf32> to vector<1x16xf32>
      tpu.vector_store %arg7[%swap3A, %swap3A_112], %swap3A_115 {strides = array<i32>} : memref<96x128xf32, #tpu.memory_space<vmem>>, vector<1x16xf32>,
      %broadcast_in_dim3A_116 = arith.constant 0.000000e+00 : f32
      %broadcast_in_dim3A_117 = vector.broadcast %broadcast_in_dim3A_116 : f32 to vector<16xf32>
      %swap3A_118 = arith.index_cast %scan3A_109 : i32 to index
      %swap3A_119 = arith.constant 16 : index
      %swap3A_120 = tpu.vector_load %arg7[%swap3A_118, %swap3A_119] {strides = array<i32>} : memref<96x128xf32, #tpu.memory_space<vmem>>, vector<1x16xf32>,
      %swap3A_121 = vector.shape_cast %swap3A_120 : vector<1x16xf32> to vector<16xf32>
      %swap3A_122 = vector.shape_cast %broadcast_in_dim3A_117 : vector<16xf32> to vector<1x16xf32>
      tpu.vector_store %arg7[%swap3A_118, %swap3A_119], %swap3A_122 {strides = array<i32>} : memref<96x128xf32, #tpu.memory_space<vmem>>, vector<1x16xf32>,
      %broadcast_in_dim3A_123 = arith.constant 0.000000e+00 : f32
      %broadcast_in_dim3A_124 = vector.broadcast %broadcast_in_dim3A_123 : f32 to vector<16xf32>
      %swap3A_125 = arith.index_cast %scan3A_109 : i32 to index
      %swap3A_126 = arith.constant 32 : index
      %swap3A_127 = tpu.vector_load %arg7[%swap3A_125, %swap3A_126] {strides = array<i32>} : memref<96x128xf32, #tpu.memory_space<vmem>>, vector<1x16xf32>,
      %swap3A_128 = vector.shape_cast %swap3A_127 : vector<1x16xf32> to vector<16xf32>
      %swap3A_129 = vector.shape_cast %broadcast_in_dim3A_124 : vector<16xf32> to vector<1x16xf32>
      tpu.vector_store %arg7[%swap3A_125, %swap3A_126], %swap3A_129 {strides = array<i32>} : memref<96x128xf32, #tpu.memory_space<vmem>>, vector<1x16xf32>,
      %broadcast_in_dim3A_130 = arith.constant 0.000000e+00 : f32
      %broadcast_in_dim3A_131 = vector.broadcast %broadcast_in_dim3A_130 : f32 to vector<16xf32>
      %swap3A_132 = arith.index_cast %scan3A_109 : i32 to index
      %swap3A_133 = arith.constant 48 : index
      %swap3A_134 = tpu.vector_load %arg7[%swap3A_132, %swap3A_133] {strides = array<i32>} : memref<96x128xf32, #tpu.memory_space<vmem>>, vector<1x16xf32>,
      %swap3A_135 = vector.shape_cast %swap3A_134 : vector<1x16xf32> to vector<16xf32>
      %swap3A_136 = vector.shape_cast %broadcast_in_dim3A_131 : vector<16xf32> to vector<1x16xf32>
      tpu.vector_store %arg7[%swap3A_132, %swap3A_133], %swap3A_136 {strides = array<i32>} : memref<96x128xf32, #tpu.memory_space<vmem>>, vector<1x16xf32>,
      %broadcast_in_dim3A_137 = arith.constant 0.000000e+00 : f32
      %broadcast_in_dim3A_138 = vector.broadcast %broadcast_in_dim3A_137 : f32 to vector<16xf32>
      %swap3A_139 = arith.index_cast %scan3A_109 : i32 to index
      %swap3A_140 = arith.constant 64 : index
      %swap3A_141 = tpu.vector_load %arg7[%swap3A_139, %swap3A_140] {strides = array<i32>} : memref<96x128xf32, #tpu.memory_space<vmem>>, vector<1x16xf32>,
      %swap3A_142 = vector.shape_cast %swap3A_141 : vector<1x16xf32> to vector<16xf32>
      %swap3A_143 = vector.shape_cast %broadcast_in_dim3A_138 : vector<16xf32> to vector<1x16xf32>
      tpu.vector_store %arg7[%swap3A_139, %swap3A_140], %swap3A_143 {strides = array<i32>} : memref<96x128xf32, #tpu.memory_space<vmem>>, vector<1x16xf32>,
      %broadcast_in_dim3A_144 = arith.constant 0.000000e+00 : f32
      %broadcast_in_dim3A_145 = vector.broadcast %broadcast_in_dim3A_144 : f32 to vector<16xf32>
      %swap3A_146 = arith.index_cast %scan3A_109 : i32 to index
      %swap3A_147 = arith.constant 80 : index
      %swap3A_148 = tpu.vector_load %arg7[%swap3A_146, %swap3A_147] {strides = array<i32>} : memref<96x128xf32, #tpu.memory_space<vmem>>, vector<1x16xf32>,
      %swap3A_149 = vector.shape_cast %swap3A_148 : vector<1x16xf32> to vector<16xf32>
      %swap3A_150 = vector.shape_cast %broadcast_in_dim3A_145 : vector<16xf32> to vector<1x16xf32>
      tpu.vector_store %arg7[%swap3A_146, %swap3A_147], %swap3A_150 {strides = array<i32>} : memref<96x128xf32, #tpu.memory_space<vmem>>, vector<1x16xf32>,
      %broadcast_in_dim3A_151 = arith.constant 0.000000e+00 : f32
      %broadcast_in_dim3A_152 = vector.broadcast %broadcast_in_dim3A_151 : f32 to vector<16xf32>
      %swap3A_153 = arith.index_cast %scan3A_109 : i32 to index
      %swap3A_154 = arith.constant 96 : index
      %swap3A_155 = tpu.vector_load %arg7[%swap3A_153, %swap3A_154] {strides = array<i32>} : memref<96x128xf32, #tpu.memory_space<vmem>>, vector<1x16xf32>,
      %swap3A_156 = vector.shape_cast %swap3A_155 : vector<1x16xf32> to vector<16xf32>
      %swap3A_157 = vector.shape_cast %broadcast_in_dim3A_152 : vector<16xf32> to vector<1x16xf32>
      tpu.vector_store %arg7[%swap3A_153, %swap3A_154], %swap3A_157 {strides = array<i32>} : memref<96x128xf32, #tpu.memory_space<vmem>>, vector<1x16xf32>,
      %broadcast_in_dim3A_158 = arith.constant 0.000000e+00 : f32
      %broadcast_in_dim3A_159 = vector.broadcast %broadcast_in_dim3A_158 : f32 to vector<16xf32>
      %swap3A_160 = arith.index_cast %scan3A_109 : i32 to index
      %swap3A_161 = arith.constant 112 : index
      %swap3A_162 = tpu.vector_load %arg7[%swap3A_160, %swap3A_161] {strides = array<i32>} : memref<96x128xf32, #tpu.memory_space<vmem>>, vector<1x16xf32>,
      %swap3A_163 = vector.shape_cast %swap3A_162 : vector<1x16xf32> to vector<16xf32>
      %swap3A_164 = vector.shape_cast %broadcast_in_dim3A_159 : vector<16xf32> to vector<1x16xf32>
      tpu.vector_store %arg7[%swap3A_160, %swap3A_161], %swap3A_164 {strides = array<i32>} : memref<96x128xf32, #tpu.memory_space<vmem>>, vector<1x16xf32>,
      %scan3A_165 = arith.constant 0 : i32
      scf.yield %scan3A_165 : i32
    }
    %scan3A_5 = arith.constant 96 : i32
    %mul3A = arith.constant 632 : i32
    %mul3A_6 = arith.muli %arg1, %mul3A : i32
    %lt3A = arith.constant 15 : i32
    %lt3A_7 = arith.cmpi slt, %arg1, %lt3A : i32
    %convert_element_type3A = arith.extui %lt3A_7 : i1 to i32
    %cond3A = arith.constant 0 : i32
    %cond3A_8 = arith.cmpi ne, %convert_element_type3A, %cond3A : i32
    scf.if %cond3A_8 {
      %add3A_109 = arith.constant 0 : i32
      %add3A_110 = arith.addi %mul3A_6, %add3A_109 : i32
      "tpu.region"() ({
        %run_scoped3A = tpu.sem_alloc : memref<!tpu.dma_semaphore, #tpu.memory_space<semaphore_mem>>
        %dma_start3A_123 = arith.constant 0 : i32
        %dma_start3A_124 = tpu.memref_slice %arg6[%add3A_110, %dma_start3A_123] : memref<10008x128xf32, #tpu.memory_space<vmem_shared>> -> memref<96x128xf32, #tpu.memory_space<vmem_shared>>
        %dma_start3A_125 = arith.constant 0 : i32
        %dma_start3A_126 = tpu.memref_slice %arg6[%add3A_110, %dma_start3A_125] : memref<10008x128xf32, #tpu.memory_space<vmem_shared>> -> memref<96x128xf32, #tpu.memory_space<vmem_shared>>
        tpu.enqueue_dma source(%arg7 : memref<96x128xf32, #tpu.memory_space<vmem>>) target(%dma_start3A_126 : memref<96x128xf32, #tpu.memory_space<vmem_shared>>) target_semaphore(%run_scoped3A : memref<!tpu.dma_semaphore, #tpu.memory_space<semaphore_mem>>)
        %dma_wait3A_127 = arith.constant 0 : i32
        %dma_wait3A_128 = tpu.memref_slice %arg6[%add3A_110, %dma_wait3A_127] : memref<10008x128xf32, #tpu.memory_space<vmem_shared>> -> memref<96x128xf32, #tpu.memory_space<vmem_shared>>
        %dma_wait3A_129 = arith.constant 0 : i32
        %dma_wait3A_130 = tpu.memref_slice %arg6[%add3A_110, %dma_wait3A_129] : memref<10008x128xf32, #tpu.memory_space<vmem_shared>> -> memref<96x128xf32, #tpu.memory_space<vmem_shared>>
        tpu.wait_dma2 semaphore(%run_scoped3A : memref<!tpu.dma_semaphore, #tpu.memory_space<semaphore_mem>>) src(%arg7 : memref<96x128xf32, #tpu.memory_space<vmem>>) dst(%dma_wait3A_130 : memref<96x128xf32, #tpu.memory_space<vmem_shared>>)
        tpu.yield
      }) : () -> ()
      %add3A_111 = arith.constant 96 : i32
      %add3A_112 = arith.addi %mul3A_6, %add3A_111 : i32
      "tpu.region"() ({
        %run_scoped3A = tpu.sem_alloc : memref<!tpu.dma_semaphore, #tpu.memory_space<semaphore_mem>>
        %dma_start3A_123 = arith.constant 0 : i32
        %dma_start3A_124 = tpu.memref_slice %arg6[%add3A_112, %dma_start3A_123] : memref<10008x128xf32, #tpu.memory_space<vmem_shared>> -> memref<96x128xf32, #tpu.memory_space<vmem_shared>>
        %dma_start3A_125 = arith.constant 0 : i32
        %dma_start3A_126 = tpu.memref_slice %arg6[%add3A_112, %dma_start3A_125] : memref<10008x128xf32, #tpu.memory_space<vmem_shared>> -> memref<96x128xf32, #tpu.memory_space<vmem_shared>>
        tpu.enqueue_dma source(%arg7 : memref<96x128xf32, #tpu.memory_space<vmem>>) target(%dma_start3A_126 : memref<96x128xf32, #tpu.memory_space<vmem_shared>>) target_semaphore(%run_scoped3A : memref<!tpu.dma_semaphore, #tpu.memory_space<semaphore_mem>>)
        %dma_wait3A_127 = arith.constant 0 : i32
        %dma_wait3A_128 = tpu.memref_slice %arg6[%add3A_112, %dma_wait3A_127] : memref<10008x128xf32, #tpu.memory_space<vmem_shared>> -> memref<96x128xf32, #tpu.memory_space<vmem_shared>>
        %dma_wait3A_129 = arith.constant 0 : i32
        %dma_wait3A_130 = tpu.memref_slice %arg6[%add3A_112, %dma_wait3A_129] : memref<10008x128xf32, #tpu.memory_space<vmem_shared>> -> memref<96x128xf32, #tpu.memory_space<vmem_shared>>
        tpu.wait_dma2 semaphore(%run_scoped3A : memref<!tpu.dma_semaphore, #tpu.memory_space<semaphore_mem>>) src(%arg7 : memref<96x128xf32, #tpu.memory_space<vmem>>) dst(%dma_wait3A_130 : memref<96x128xf32, #tpu.memory_space<vmem_shared>>)
        tpu.yield
      }) : () -> ()
      %add3A_113 = arith.constant 192 : i32
      %add3A_114 = arith.addi %mul3A_6, %add3A_113 : i32
      "tpu.region"() ({
        %run_scoped3A = tpu.sem_alloc : memref<!tpu.dma_semaphore, #tpu.memory_space<semaphore_mem>>
        %dma_start3A_123 = arith.constant 0 : i32
        %dma_start3A_124 = tpu.memref_slice %arg6[%add3A_114, %dma_start3A_123] : memref<10008x128xf32, #tpu.memory_space<vmem_shared>> -> memref<96x128xf32, #tpu.memory_space<vmem_shared>>
        %dma_start3A_125 = arith.constant 0 : i32
        %dma_start3A_126 = tpu.memref_slice %arg6[%add3A_114, %dma_start3A_125] : memref<10008x128xf32, #tpu.memory_space<vmem_shared>> -> memref<96x128xf32, #tpu.memory_space<vmem_shared>>
        tpu.enqueue_dma source(%arg7 : memref<96x128xf32, #tpu.memory_space<vmem>>) target(%dma_start3A_126 : memref<96x128xf32, #tpu.memory_space<vmem_shared>>) target_semaphore(%run_scoped3A : memref<!tpu.dma_semaphore, #tpu.memory_space<semaphore_mem>>)
        %dma_wait3A_127 = arith.constant 0 : i32
        %dma_wait3A_128 = tpu.memref_slice %arg6[%add3A_114, %dma_wait3A_127] : memref<10008x128xf32, #tpu.memory_space<vmem_shared>> -> memref<96x128xf32, #tpu.memory_space<vmem_shared>>
        %dma_wait3A_129 = arith.constant 0 : i32
        %dma_wait3A_130 = tpu.memref_slice %arg6[%add3A_114, %dma_wait3A_129] : memref<10008x128xf32, #tpu.memory_space<vmem_shared>> -> memref<96x128xf32, #tpu.memory_space<vmem_shared>>
        tpu.wait_dma2 semaphore(%run_scoped3A : memref<!tpu.dma_semaphore, #tpu.memory_space<semaphore_mem>>) src(%arg7 : memref<96x128xf32, #tpu.memory_space<vmem>>) dst(%dma_wait3A_130 : memref<96x128xf32, #tpu.memory_space<vmem_shared>>)
        tpu.yield
      }) : () -> ()
      %add3A_115 = arith.constant 288 : i32
      %add3A_116 = arith.addi %mul3A_6, %add3A_115 : i32
      "tpu.region"() ({
        %run_scoped3A = tpu.sem_alloc : memref<!tpu.dma_semaphore, #tpu.memory_space<semaphore_mem>>
        %dma_start3A_123 = arith.constant 0 : i32
        %dma_start3A_124 = tpu.memref_slice %arg6[%add3A_116, %dma_start3A_123] : memref<10008x128xf32, #tpu.memory_space<vmem_shared>> -> memref<96x128xf32, #tpu.memory_space<vmem_shared>>
        %dma_start3A_125 = arith.constant 0 : i32
        %dma_start3A_126 = tpu.memref_slice %arg6[%add3A_116, %dma_start3A_125] : memref<10008x128xf32, #tpu.memory_space<vmem_shared>> -> memref<96x128xf32, #tpu.memory_space<vmem_shared>>
        tpu.enqueue_dma source(%arg7 : memref<96x128xf32, #tpu.memory_space<vmem>>) target(%dma_start3A_126 : memref<96x128xf32, #tpu.memory_space<vmem_shared>>) target_semaphore(%run_scoped3A : memref<!tpu.dma_semaphore, #tpu.memory_space<semaphore_mem>>)
        %dma_wait3A_127 = arith.constant 0 : i32
        %dma_wait3A_128 = tpu.memref_slice %arg6[%add3A_116, %dma_wait3A_127] : memref<10008x128xf32, #tpu.memory_space<vmem_shared>> -> memref<96x128xf32, #tpu.memory_space<vmem_shared>>
        %dma_wait3A_129 = arith.constant 0 : i32
        %dma_wait3A_130 = tpu.memref_slice %arg6[%add3A_116, %dma_wait3A_129] : memref<10008x128xf32, #tpu.memory_space<vmem_shared>> -> memref<96x128xf32, #tpu.memory_space<vmem_shared>>
        tpu.wait_dma2 semaphore(%run_scoped3A : memref<!tpu.dma_semaphore, #tpu.memory_space<semaphore_mem>>) src(%arg7 : memref<96x128xf32, #tpu.memory_space<vmem>>) dst(%dma_wait3A_130 : memref<96x128xf32, #tpu.memory_space<vmem_shared>>)
        tpu.yield
      }) : () -> ()
      %add3A_117 = arith.constant 384 : i32
      %add3A_118 = arith.addi %mul3A_6, %add3A_117 : i32
      "tpu.region"() ({
        %run_scoped3A = tpu.sem_alloc : memref<!tpu.dma_semaphore, #tpu.memory_space<semaphore_mem>>
        %dma_start3A_123 = arith.constant 0 : i32
        %dma_start3A_124 = tpu.memref_slice %arg6[%add3A_118, %dma_start3A_123] : memref<10008x128xf32, #tpu.memory_space<vmem_shared>> -> memref<96x128xf32, #tpu.memory_space<vmem_shared>>
        %dma_start3A_125 = arith.constant 0 : i32
        %dma_start3A_126 = tpu.memref_slice %arg6[%add3A_118, %dma_start3A_125] : memref<10008x128xf32, #tpu.memory_space<vmem_shared>> -> memref<96x128xf32, #tpu.memory_space<vmem_shared>>
        tpu.enqueue_dma source(%arg7 : memref<96x128xf32, #tpu.memory_space<vmem>>) target(%dma_start3A_126 : memref<96x128xf32, #tpu.memory_space<vmem_shared>>) target_semaphore(%run_scoped3A : memref<!tpu.dma_semaphore, #tpu.memory_space<semaphore_mem>>)
        %dma_wait3A_127 = arith.constant 0 : i32
        %dma_wait3A_128 = tpu.memref_slice %arg6[%add3A_118, %dma_wait3A_127] : memref<10008x128xf32, #tpu.memory_space<vmem_shared>> -> memref<96x128xf32, #tpu.memory_space<vmem_shared>>
        %dma_wait3A_129 = arith.constant 0 : i32
        %dma_wait3A_130 = tpu.memref_slice %arg6[%add3A_118, %dma_wait3A_129] : memref<10008x128xf32, #tpu.memory_space<vmem_shared>> -> memref<96x128xf32, #tpu.memory_space<vmem_shared>>
        tpu.wait_dma2 semaphore(%run_scoped3A : memref<!tpu.dma_semaphore, #tpu.memory_space<semaphore_mem>>) src(%arg7 : memref<96x128xf32, #tpu.memory_space<vmem>>) dst(%dma_wait3A_130 : memref<96x128xf32, #tpu.memory_space<vmem_shared>>)
        tpu.yield
      }) : () -> ()
      %add3A_119 = arith.constant 480 : i32
      %add3A_120 = arith.addi %mul3A_6, %add3A_119 : i32
      "tpu.region"() ({
        %run_scoped3A = tpu.sem_alloc : memref<!tpu.dma_semaphore, #tpu.memory_space<semaphore_mem>>
        %dma_start3A_123 = arith.constant 0 : i32
        %dma_start3A_124 = tpu.memref_slice %arg6[%add3A_120, %dma_start3A_123] : memref<10008x128xf32, #tpu.memory_space<vmem_shared>> -> memref<96x128xf32, #tpu.memory_space<vmem_shared>>
        %dma_start3A_125 = arith.constant 0 : i32
        %dma_start3A_126 = tpu.memref_slice %arg6[%add3A_120, %dma_start3A_125] : memref<10008x128xf32, #tpu.memory_space<vmem_shared>> -> memref<96x128xf32, #tpu.memory_space<vmem_shared>>
        tpu.enqueue_dma source(%arg7 : memref<96x128xf32, #tpu.memory_space<vmem>>) target(%dma_start3A_126 : memref<96x128xf32, #tpu.memory_space<vmem_shared>>) target_semaphore(%run_scoped3A : memref<!tpu.dma_semaphore, #tpu.memory_space<semaphore_mem>>)
        %dma_wait3A_127 = arith.constant 0 : i32
        %dma_wait3A_128 = tpu.memref_slice %arg6[%add3A_120, %dma_wait3A_127] : memref<10008x128xf32, #tpu.memory_space<vmem_shared>> -> memref<96x128xf32, #tpu.memory_space<vmem_shared>>
        %dma_wait3A_129 = arith.constant 0 : i32
        %dma_wait3A_130 = tpu.memref_slice %arg6[%add3A_120, %dma_wait3A_129] : memref<10008x128xf32, #tpu.memory_space<vmem_shared>> -> memref<96x128xf32, #tpu.memory_space<vmem_shared>>
        tpu.wait_dma2 semaphore(%run_scoped3A : memref<!tpu.dma_semaphore, #tpu.memory_space<semaphore_mem>>) src(%arg7 : memref<96x128xf32, #tpu.memory_space<vmem>>) dst(%dma_wait3A_130 : memref<96x128xf32, #tpu.memory_space<vmem_shared>>)
        tpu.yield
      }) : () -> ()
      %add3A_121 = arith.constant 576 : i32
      %add3A_122 = arith.addi %mul3A_6, %add3A_121 : i32
      "tpu.region"() ({
        %run_scoped3A = tpu.sem_alloc : memref<!tpu.dma_semaphore, #tpu.memory_space<semaphore_mem>>
        %dma_start3A_123 = arith.constant 0 : i32
        %dma_start3A_124 = arith.constant 0 : i32
        %dma_start3A_125 = tpu.memref_slice %arg7[%dma_start3A_123, %dma_start3A_124] : memref<96x128xf32, #tpu.memory_space<vmem>> -> memref<56x128xf32, #tpu.memory_space<vmem>>
        %dma_start3A_126 = arith.constant 0 : i32
        %dma_start3A_127 = tpu.memref_slice %arg6[%add3A_122, %dma_start3A_126] : memref<10008x128xf32, #tpu.memory_space<vmem_shared>> -> memref<56x128xf32, #tpu.memory_space<vmem_shared>>
        %dma_start3A_128 = arith.constant 0 : i32
        %dma_start3A_129 = tpu.memref_slice %arg6[%add3A_122, %dma_start3A_128] : memref<10008x128xf32, #tpu.memory_space<vmem_shared>> -> memref<56x128xf32, #tpu.memory_space<vmem_shared>>
        %dma_start3A_130 = arith.constant 0 : i32
        %dma_start3A_131 = arith.constant 0 : i32
        %dma_start3A_132 = tpu.memref_slice %arg7[%dma_start3A_130, %dma_start3A_131] : memref<96x128xf32, #tpu.memory_space<vmem>> -> memref<56x128xf32, #tpu.memory_space<vmem>>
        tpu.enqueue_dma source(%dma_start3A_132 : memref<56x128xf32, #tpu.memory_space<vmem>>) target(%dma_start3A_129 : memref<56x128xf32, #tpu.memory_space<vmem_shared>>) target_semaphore(%run_scoped3A : memref<!tpu.dma_semaphore, #tpu.memory_space<semaphore_mem>>)
        %dma_wait3A_133 = arith.constant 0 : i32
        %dma_wait3A_134 = arith.constant 0 : i32
        %dma_wait3A_135 = tpu.memref_slice %arg7[%dma_wait3A_133, %dma_wait3A_134] : memref<96x128xf32, #tpu.memory_space<vmem>> -> memref<56x128xf32, #tpu.memory_space<vmem>>
        %dma_wait3A_136 = arith.constant 0 : i32
        %dma_wait3A_137 = tpu.memref_slice %arg6[%add3A_122, %dma_wait3A_136] : memref<10008x128xf32, #tpu.memory_space<vmem_shared>> -> memref<56x128xf32, #tpu.memory_space<vmem_shared>>
        %dma_wait3A_138 = arith.constant 0 : i32
        %dma_wait3A_139 = tpu.memref_slice %arg6[%add3A_122, %dma_wait3A_138] : memref<10008x128xf32, #tpu.memory_space<vmem_shared>> -> memref<56x128xf32, #tpu.memory_space<vmem_shared>>
        %dma_wait3A_140 = arith.constant 0 : i32
        %dma_wait3A_141 = arith.constant 0 : i32
        %dma_wait3A_142 = tpu.memref_slice %arg7[%dma_wait3A_140, %dma_wait3A_141] : memref<96x128xf32, #tpu.memory_space<vmem>> -> memref<56x128xf32, #tpu.memory_space<vmem>>
        tpu.wait_dma2 semaphore(%run_scoped3A : memref<!tpu.dma_semaphore, #tpu.memory_space<semaphore_mem>>) src(%dma_wait3A_142 : memref<56x128xf32, #tpu.memory_space<vmem>>) dst(%dma_wait3A_139 : memref<56x128xf32, #tpu.memory_space<vmem_shared>>)
        tpu.yield
      }) : () -> ()
    } else {
    }
    %eq3A = arith.constant 15 : i32
    %eq3A_9 = arith.cmpi eq, %arg1, %eq3A : i32
    %convert_element_type3A_10 = arith.extui %eq3A_9 : i1 to i32
    %cond3A_11 = arith.constant 0 : i32
    %cond3A_12 = arith.cmpi ne, %convert_element_type3A_10, %cond3A_11 : i32
    scf.if %cond3A_12 {
      %add3A_109 = arith.constant 0 : i32
      %add3A_110 = arith.addi %mul3A_6, %add3A_109 : i32
      "tpu.region"() ({
        %run_scoped3A = tpu.sem_alloc : memref<!tpu.dma_semaphore, #tpu.memory_space<semaphore_mem>>
        %dma_start3A_121 = arith.constant 0 : i32
        %dma_start3A_122 = tpu.memref_slice %arg6[%add3A_110, %dma_start3A_121] : memref<10008x128xf32, #tpu.memory_space<vmem_shared>> -> memref<96x128xf32, #tpu.memory_space<vmem_shared>>
        %dma_start3A_123 = arith.constant 0 : i32
        %dma_start3A_124 = tpu.memref_slice %arg6[%add3A_110, %dma_start3A_123] : memref<10008x128xf32, #tpu.memory_space<vmem_shared>> -> memref<96x128xf32, #tpu.memory_space<vmem_shared>>
        tpu.enqueue_dma source(%arg7 : memref<96x128xf32, #tpu.memory_space<vmem>>) target(%dma_start3A_124 : memref<96x128xf32, #tpu.memory_space<vmem_shared>>) target_semaphore(%run_scoped3A : memref<!tpu.dma_semaphore, #tpu.memory_space<semaphore_mem>>)
        %dma_wait3A_125 = arith.constant 0 : i32
        %dma_wait3A_126 = tpu.memref_slice %arg6[%add3A_110, %dma_wait3A_125] : memref<10008x128xf32, #tpu.memory_space<vmem_shared>> -> memref<96x128xf32, #tpu.memory_space<vmem_shared>>
        %dma_wait3A_127 = arith.constant 0 : i32
        %dma_wait3A_128 = tpu.memref_slice %arg6[%add3A_110, %dma_wait3A_127] : memref<10008x128xf32, #tpu.memory_space<vmem_shared>> -> memref<96x128xf32, #tpu.memory_space<vmem_shared>>
        tpu.wait_dma2 semaphore(%run_scoped3A : memref<!tpu.dma_semaphore, #tpu.memory_space<semaphore_mem>>) src(%arg7 : memref<96x128xf32, #tpu.memory_space<vmem>>) dst(%dma_wait3A_128 : memref<96x128xf32, #tpu.memory_space<vmem_shared>>)
        tpu.yield
      }) : () -> ()
      %add3A_111 = arith.constant 96 : i32
      %add3A_112 = arith.addi %mul3A_6, %add3A_111 : i32
      "tpu.region"() ({
        %run_scoped3A = tpu.sem_alloc : memref<!tpu.dma_semaphore, #tpu.memory_space<semaphore_mem>>
        %dma_start3A_121 = arith.constant 0 : i32
        %dma_start3A_122 = tpu.memref_slice %arg6[%add3A_112, %dma_start3A_121] : memref<10008x128xf32, #tpu.memory_space<vmem_shared>> -> memref<96x128xf32, #tpu.memory_space<vmem_shared>>
        %dma_start3A_123 = arith.constant 0 : i32
        %dma_start3A_124 = tpu.memref_slice %arg6[%add3A_112, %dma_start3A_123] : memref<10008x128xf32, #tpu.memory_space<vmem_shared>> -> memref<96x128xf32, #tpu.memory_space<vmem_shared>>
        tpu.enqueue_dma source(%arg7 : memref<96x128xf32, #tpu.memory_space<vmem>>) target(%dma_start3A_124 : memref<96x128xf32, #tpu.memory_space<vmem_shared>>) target_semaphore(%run_scoped3A : memref<!tpu.dma_semaphore, #tpu.memory_space<semaphore_mem>>)
        %dma_wait3A_125 = arith.constant 0 : i32
        %dma_wait3A_126 = tpu.memref_slice %arg6[%add3A_112, %dma_wait3A_125] : memref<10008x128xf32, #tpu.memory_space<vmem_shared>> -> memref<96x128xf32, #tpu.memory_space<vmem_shared>>
        %dma_wait3A_127 = arith.constant 0 : i32
        %dma_wait3A_128 = tpu.memref_slice %arg6[%add3A_112, %dma_wait3A_127] : memref<10008x128xf32, #tpu.memory_space<vmem_shared>> -> memref<96x128xf32, #tpu.memory_space<vmem_shared>>
        tpu.wait_dma2 semaphore(%run_scoped3A : memref<!tpu.dma_semaphore, #tpu.memory_space<semaphore_mem>>) src(%arg7 : memref<96x128xf32, #tpu.memory_space<vmem>>) dst(%dma_wait3A_128 : memref<96x128xf32, #tpu.memory_space<vmem_shared>>)
        tpu.yield
      }) : () -> ()
      %add3A_113 = arith.constant 192 : i32
      %add3A_114 = arith.addi %mul3A_6, %add3A_113 : i32
      "tpu.region"() ({
        %run_scoped3A = tpu.sem_alloc : memref<!tpu.dma_semaphore, #tpu.memory_space<semaphore_mem>>
        %dma_start3A_121 = arith.constant 0 : i32
        %dma_start3A_122 = tpu.memref_slice %arg6[%add3A_114, %dma_start3A_121] : memref<10008x128xf32, #tpu.memory_space<vmem_shared>> -> memref<96x128xf32, #tpu.memory_space<vmem_shared>>
        %dma_start3A_123 = arith.constant 0 : i32
        %dma_start3A_124 = tpu.memref_slice %arg6[%add3A_114, %dma_start3A_123] : memref<10008x128xf32, #tpu.memory_space<vmem_shared>> -> memref<96x128xf32, #tpu.memory_space<vmem_shared>>
        tpu.enqueue_dma source(%arg7 : memref<96x128xf32, #tpu.memory_space<vmem>>) target(%dma_start3A_124 : memref<96x128xf32, #tpu.memory_space<vmem_shared>>) target_semaphore(%run_scoped3A : memref<!tpu.dma_semaphore, #tpu.memory_space<semaphore_mem>>)
        %dma_wait3A_125 = arith.constant 0 : i32
        %dma_wait3A_126 = tpu.memref_slice %arg6[%add3A_114, %dma_wait3A_125] : memref<10008x128xf32, #tpu.memory_space<vmem_shared>> -> memref<96x128xf32, #tpu.memory_space<vmem_shared>>
        %dma_wait3A_127 = arith.constant 0 : i32
        %dma_wait3A_128 = tpu.memref_slice %arg6[%add3A_114, %dma_wait3A_127] : memref<10008x128xf32, #tpu.memory_space<vmem_shared>> -> memref<96x128xf32, #tpu.memory_space<vmem_shared>>
        tpu.wait_dma2 semaphore(%run_scoped3A : memref<!tpu.dma_semaphore, #tpu.memory_space<semaphore_mem>>) src(%arg7 : memref<96x128xf32, #tpu.memory_space<vmem>>) dst(%dma_wait3A_128 : memref<96x128xf32, #tpu.memory_space<vmem_shared>>)
        tpu.yield
      }) : () -> ()
      %add3A_115 = arith.constant 288 : i32
      %add3A_116 = arith.addi %mul3A_6, %add3A_115 : i32
      "tpu.region"() ({
        %run_scoped3A = tpu.sem_alloc : memref<!tpu.dma_semaphore, #tpu.memory_space<semaphore_mem>>
        %dma_start3A_121 = arith.constant 0 : i32
        %dma_start3A_122 = tpu.memref_slice %arg6[%add3A_116, %dma_start3A_121] : memref<10008x128xf32, #tpu.memory_space<vmem_shared>> -> memref<96x128xf32, #tpu.memory_space<vmem_shared>>
        %dma_start3A_123 = arith.constant 0 : i32
        %dma_start3A_124 = tpu.memref_slice %arg6[%add3A_116, %dma_start3A_123] : memref<10008x128xf32, #tpu.memory_space<vmem_shared>> -> memref<96x128xf32, #tpu.memory_space<vmem_shared>>
        tpu.enqueue_dma source(%arg7 : memref<96x128xf32, #tpu.memory_space<vmem>>) target(%dma_start3A_124 : memref<96x128xf32, #tpu.memory_space<vmem_shared>>) target_semaphore(%run_scoped3A : memref<!tpu.dma_semaphore, #tpu.memory_space<semaphore_mem>>)
        %dma_wait3A_125 = arith.constant 0 : i32
        %dma_wait3A_126 = tpu.memref_slice %arg6[%add3A_116, %dma_wait3A_125] : memref<10008x128xf32, #tpu.memory_space<vmem_shared>> -> memref<96x128xf32, #tpu.memory_space<vmem_shared>>
        %dma_wait3A_127 = arith.constant 0 : i32
        %dma_wait3A_128 = tpu.memref_slice %arg6[%add3A_116, %dma_wait3A_127] : memref<10008x128xf32, #tpu.memory_space<vmem_shared>> -> memref<96x128xf32, #tpu.memory_space<vmem_shared>>
        tpu.wait_dma2 semaphore(%run_scoped3A : memref<!tpu.dma_semaphore, #tpu.memory_space<semaphore_mem>>) src(%arg7 : memref<96x128xf32, #tpu.memory_space<vmem>>) dst(%dma_wait3A_128 : memref<96x128xf32, #tpu.memory_space<vmem_shared>>)
        tpu.yield
      }) : () -> ()
      %add3A_117 = arith.constant 384 : i32
      %add3A_118 = arith.addi %mul3A_6, %add3A_117 : i32
      "tpu.region"() ({
        %run_scoped3A = tpu.sem_alloc : memref<!tpu.dma_semaphore, #tpu.memory_space<semaphore_mem>>
        %dma_start3A_121 = arith.constant 0 : i32
        %dma_start3A_122 = tpu.memref_slice %arg6[%add3A_118, %dma_start3A_121] : memref<10008x128xf32, #tpu.memory_space<vmem_shared>> -> memref<96x128xf32, #tpu.memory_space<vmem_shared>>
        %dma_start3A_123 = arith.constant 0 : i32
        %dma_start3A_124 = tpu.memref_slice %arg6[%add3A_118, %dma_start3A_123] : memref<10008x128xf32, #tpu.memory_space<vmem_shared>> -> memref<96x128xf32, #tpu.memory_space<vmem_shared>>
        tpu.enqueue_dma source(%arg7 : memref<96x128xf32, #tpu.memory_space<vmem>>) target(%dma_start3A_124 : memref<96x128xf32, #tpu.memory_space<vmem_shared>>) target_semaphore(%run_scoped3A : memref<!tpu.dma_semaphore, #tpu.memory_space<semaphore_mem>>)
        %dma_wait3A_125 = arith.constant 0 : i32
        %dma_wait3A_126 = tpu.memref_slice %arg6[%add3A_118, %dma_wait3A_125] : memref<10008x128xf32, #tpu.memory_space<vmem_shared>> -> memref<96x128xf32, #tpu.memory_space<vmem_shared>>
        %dma_wait3A_127 = arith.constant 0 : i32
        %dma_wait3A_128 = tpu.memref_slice %arg6[%add3A_118, %dma_wait3A_127] : memref<10008x128xf32, #tpu.memory_space<vmem_shared>> -> memref<96x128xf32, #tpu.memory_space<vmem_shared>>
        tpu.wait_dma2 semaphore(%run_scoped3A : memref<!tpu.dma_semaphore, #tpu.memory_space<semaphore_mem>>) src(%arg7 : memref<96x128xf32, #tpu.memory_space<vmem>>) dst(%dma_wait3A_128 : memref<96x128xf32, #tpu.memory_space<vmem_shared>>)
        tpu.yield
      }) : () -> ()
      %add3A_119 = arith.constant 480 : i32
      %add3A_120 = arith.addi %mul3A_6, %add3A_119 : i32
      "tpu.region"() ({
        %run_scoped3A = tpu.sem_alloc : memref<!tpu.dma_semaphore, #tpu.memory_space<semaphore_mem>>
        %dma_start3A_121 = arith.constant 0 : i32
        %dma_start3A_122 = arith.constant 0 : i32
        %dma_start3A_123 = tpu.memref_slice %arg7[%dma_start3A_121, %dma_start3A_122] : memref<96x128xf32, #tpu.memory_space<vmem>> -> memref<48x128xf32, #tpu.memory_space<vmem>>
        %dma_start3A_124 = arith.constant 0 : i32
        %dma_start3A_125 = tpu.memref_slice %arg6[%add3A_120, %dma_start3A_124] : memref<10008x128xf32, #tpu.memory_space<vmem_shared>> -> memref<48x128xf32, #tpu.memory_space<vmem_shared>>
        %dma_start3A_126 = arith.constant 0 : i32
        %dma_start3A_127 = tpu.memref_slice %arg6[%add3A_120, %dma_start3A_126] : memref<10008x128xf32, #tpu.memory_space<vmem_shared>> -> memref<48x128xf32, #tpu.memory_space<vmem_shared>>
        %dma_start3A_128 = arith.constant 0 : i32
        %dma_start3A_129 = arith.constant 0 : i32
        %dma_start3A_130 = tpu.memref_slice %arg7[%dma_start3A_128, %dma_start3A_129] : memref<96x128xf32, #tpu.memory_space<vmem>> -> memref<48x128xf32, #tpu.memory_space<vmem>>
        tpu.enqueue_dma source(%dma_start3A_130 : memref<48x128xf32, #tpu.memory_space<vmem>>) target(%dma_start3A_127 : memref<48x128xf32, #tpu.memory_space<vmem_shared>>) target_semaphore(%run_scoped3A : memref<!tpu.dma_semaphore, #tpu.memory_space<semaphore_mem>>)
        %dma_wait3A_131 = arith.constant 0 : i32
        %dma_wait3A_132 = arith.constant 0 : i32
        %dma_wait3A_133 = tpu.memref_slice %arg7[%dma_wait3A_131, %dma_wait3A_132] : memref<96x128xf32, #tpu.memory_space<vmem>> -> memref<48x128xf32, #tpu.memory_space<vmem>>
        %dma_wait3A_134 = arith.constant 0 : i32
        %dma_wait3A_135 = tpu.memref_slice %arg6[%add3A_120, %dma_wait3A_134] : memref<10008x128xf32, #tpu.memory_space<vmem_shared>> -> memref<48x128xf32, #tpu.memory_space<vmem_shared>>
        %dma_wait3A_136 = arith.constant 0 : i32
        %dma_wait3A_137 = tpu.memref_slice %arg6[%add3A_120, %dma_wait3A_136] : memref<10008x128xf32, #tpu.memory_space<vmem_shared>> -> memref<48x128xf32, #tpu.memory_space<vmem_shared>>
        %dma_wait3A_138 = arith.constant 0 : i32
        %dma_wait3A_139 = arith.constant 0 : i32
        %dma_wait3A_140 = tpu.memref_slice %arg7[%dma_wait3A_138, %dma_wait3A_139] : memref<96x128xf32, #tpu.memory_space<vmem>> -> memref<48x128xf32, #tpu.memory_space<vmem>>
        tpu.wait_dma2 semaphore(%run_scoped3A : memref<!tpu.dma_semaphore, #tpu.memory_space<semaphore_mem>>) src(%dma_wait3A_140 : memref<48x128xf32, #tpu.memory_space<vmem>>) dst(%dma_wait3A_137 : memref<48x128xf32, #tpu.memory_space<vmem_shared>>)
        tpu.yield
      }) : () -> ()
    } else {
    }
    %barrier3A = arith.constant 0 : index
    tpu.barrier barrier_id(%barrier3A)
    %mul3A_13 = arith.constant 20736 : i32
    %mul3A_14 = arith.muli %arg1, %mul3A_13 : i32
    %mul3A_15 = arith.constant 331776 : i32
    %mul3A_16 = arith.muli %arg0, %mul3A_15 : i32
    %add3A = arith.addi %mul3A_16, %mul3A_14 : i32
    %add3A_17 = arith.constant 0 : i32
    %add3A_18 = arith.addi %add3A, %add3A_17 : i32
    %dma_start3A = tpu.memref_slice %arg3[%add3A_18] : memref<663552xi32, #tpu.memory_space<hbm>> -> memref<96xi32, #tpu.memory_space<hbm>>
    %dma_start3A_19 = tpu.memref_slice %arg3[%add3A_18] : memref<663552xi32, #tpu.memory_space<hbm>> -> memref<96xi32, #tpu.memory_space<hbm>>
    tpu.enqueue_dma source(%dma_start3A_19 : memref<96xi32, #tpu.memory_space<hbm>>) target(%arg11 : memref<96xi32, #tpu.memory_space<vmem>>) target_semaphore(%arg31 : memref<!tpu.dma_semaphore, #tpu.memory_space<semaphore_mem>>)
    %add3A_20 = arith.constant 0 : i32
    %add3A_21 = arith.addi %mul3A_14, %add3A_20 : i32
    %dma_start3A_22 = tpu.memref_slice %arg4[%add3A_21] : memref<331776xi32, #tpu.memory_space<hbm>> -> memref<96xi32, #tpu.memory_space<hbm>>
    %dma_start3A_23 = tpu.memref_slice %arg4[%add3A_21] : memref<331776xi32, #tpu.memory_space<hbm>> -> memref<96xi32, #tpu.memory_space<hbm>>
    tpu.enqueue_dma source(%dma_start3A_23 : memref<96xi32, #tpu.memory_space<hbm>>) target(%arg17 : memref<96xi32, #tpu.memory_space<vmem>>) target_semaphore(%arg31 : memref<!tpu.dma_semaphore, #tpu.memory_space<semaphore_mem>>)
    %add3A_24 = arith.constant 96 : i32
    %add3A_25 = arith.addi %add3A, %add3A_24 : i32
    %dma_start3A_26 = tpu.memref_slice %arg3[%add3A_25] : memref<663552xi32, #tpu.memory_space<hbm>> -> memref<96xi32, #tpu.memory_space<hbm>>
    %dma_start3A_27 = tpu.memref_slice %arg3[%add3A_25] : memref<663552xi32, #tpu.memory_space<hbm>> -> memref<96xi32, #tpu.memory_space<hbm>>
    tpu.enqueue_dma source(%dma_start3A_27 : memref<96xi32, #tpu.memory_space<hbm>>) target(%arg12 : memref<96xi32, #tpu.memory_space<vmem>>) target_semaphore(%arg32 : memref<!tpu.dma_semaphore, #tpu.memory_space<semaphore_mem>>)
    %add3A_28 = arith.constant 96 : i32
    %add3A_29 = arith.addi %mul3A_14, %add3A_28 : i32
    %dma_start3A_30 = tpu.memref_slice %arg4[%add3A_29] : memref<331776xi32, #tpu.memory_space<hbm>> -> memref<96xi32, #tpu.memory_space<hbm>>
    %dma_start3A_31 = tpu.memref_slice %arg4[%add3A_29] : memref<331776xi32, #tpu.memory_space<hbm>> -> memref<96xi32, #tpu.memory_space<hbm>>
    tpu.enqueue_dma source(%dma_start3A_31 : memref<96xi32, #tpu.memory_space<hbm>>) target(%arg18 : memref<96xi32, #tpu.memory_space<vmem>>) target_semaphore(%arg32 : memref<!tpu.dma_semaphore, #tpu.memory_space<semaphore_mem>>)
    %add3A_32 = arith.constant 192 : i32
    %add3A_33 = arith.addi %add3A, %add3A_32 : i32
    %dma_start3A_34 = tpu.memref_slice %arg3[%add3A_33] : memref<663552xi32, #tpu.memory_space<hbm>> -> memref<96xi32, #tpu.memory_space<hbm>>
    %dma_start3A_35 = tpu.memref_slice %arg3[%add3A_33] : memref<663552xi32, #tpu.memory_space<hbm>> -> memref<96xi32, #tpu.memory_space<hbm>>
    tpu.enqueue_dma source(%dma_start3A_35 : memref<96xi32, #tpu.memory_space<hbm>>) target(%arg13 : memref<96xi32, #tpu.memory_space<vmem>>) target_semaphore(%arg33 : memref<!tpu.dma_semaphore, #tpu.memory_space<semaphore_mem>>)
    %add3A_36 = arith.constant 192 : i32
    %add3A_37 = arith.addi %mul3A_14, %add3A_36 : i32
    %dma_start3A_38 = tpu.memref_slice %arg4[%add3A_37] : memref<331776xi32, #tpu.memory_space<hbm>> -> memref<96xi32, #tpu.memory_space<hbm>>
    %dma_start3A_39 = tpu.memref_slice %arg4[%add3A_37] : memref<331776xi32, #tpu.memory_space<hbm>> -> memref<96xi32, #tpu.memory_space<hbm>>
    tpu.enqueue_dma source(%dma_start3A_39 : memref<96xi32, #tpu.memory_space<hbm>>) target(%arg19 : memref<96xi32, #tpu.memory_space<vmem>>) target_semaphore(%arg33 : memref<!tpu.dma_semaphore, #tpu.memory_space<semaphore_mem>>)
    %add3A_40 = arith.constant 288 : i32
    %add3A_41 = arith.addi %add3A, %add3A_40 : i32
    %dma_start3A_42 = tpu.memref_slice %arg3[%add3A_41] : memref<663552xi32, #tpu.memory_space<hbm>> -> memref<96xi32, #tpu.memory_space<hbm>>
    %dma_start3A_43 = tpu.memref_slice %arg3[%add3A_41] : memref<663552xi32, #tpu.memory_space<hbm>> -> memref<96xi32, #tpu.memory_space<hbm>>
    tpu.enqueue_dma source(%dma_start3A_43 : memref<96xi32, #tpu.memory_space<hbm>>) target(%arg14 : memref<96xi32, #tpu.memory_space<vmem>>) target_semaphore(%arg34 : memref<!tpu.dma_semaphore, #tpu.memory_space<semaphore_mem>>)
    %add3A_44 = arith.constant 288 : i32
    %add3A_45 = arith.addi %mul3A_14, %add3A_44 : i32
    %dma_start3A_46 = tpu.memref_slice %arg4[%add3A_45] : memref<331776xi32, #tpu.memory_space<hbm>> -> memref<96xi32, #tpu.memory_space<hbm>>
    %dma_start3A_47 = tpu.memref_slice %arg4[%add3A_45] : memref<331776xi32, #tpu.memory_space<hbm>> -> memref<96xi32, #tpu.memory_space<hbm>>
    tpu.enqueue_dma source(%dma_start3A_47 : memref<96xi32, #tpu.memory_space<hbm>>) target(%arg20 : memref<96xi32, #tpu.memory_space<vmem>>) target_semaphore(%arg34 : memref<!tpu.dma_semaphore, #tpu.memory_space<semaphore_mem>>)
    %add3A_48 = arith.constant 384 : i32
    %add3A_49 = arith.addi %add3A, %add3A_48 : i32
    %dma_start3A_50 = tpu.memref_slice %arg3[%add3A_49] : memref<663552xi32, #tpu.memory_space<hbm>> -> memref<96xi32, #tpu.memory_space<hbm>>
    %dma_start3A_51 = tpu.memref_slice %arg3[%add3A_49] : memref<663552xi32, #tpu.memory_space<hbm>> -> memref<96xi32, #tpu.memory_space<hbm>>
    tpu.enqueue_dma source(%dma_start3A_51 : memref<96xi32, #tpu.memory_space<hbm>>) target(%arg15 : memref<96xi32, #tpu.memory_space<vmem>>) target_semaphore(%arg35 : memref<!tpu.dma_semaphore, #tpu.memory_space<semaphore_mem>>)
    %add3A_52 = arith.constant 384 : i32
    %add3A_53 = arith.addi %mul3A_14, %add3A_52 : i32
    %dma_start3A_54 = tpu.memref_slice %arg4[%add3A_53] : memref<331776xi32, #tpu.memory_space<hbm>> -> memref<96xi32, #tpu.memory_space<hbm>>
    %dma_start3A_55 = tpu.memref_slice %arg4[%add3A_53] : memref<331776xi32, #tpu.memory_space<hbm>> -> memref<96xi32, #tpu.memory_space<hbm>>
    tpu.enqueue_dma source(%dma_start3A_55 : memref<96xi32, #tpu.memory_space<hbm>>) target(%arg21 : memref<96xi32, #tpu.memory_space<vmem>>) target_semaphore(%arg35 : memref<!tpu.dma_semaphore, #tpu.memory_space<semaphore_mem>>)
    %add3A_56 = arith.constant 0 : i32
    %add3A_57 = arith.addi %add3A, %add3A_56 : i32
    %dma_wait3A = tpu.memref_slice %arg3[%add3A_57] : memref<663552xi32, #tpu.memory_space<hbm>> -> memref<96xi32, #tpu.memory_space<hbm>>
    %dma_wait3A_58 = tpu.memref_slice %arg3[%add3A_57] : memref<663552xi32, #tpu.memory_space<hbm>> -> memref<96xi32, #tpu.memory_space<hbm>>
    tpu.wait_dma2 semaphore(%arg31 : memref<!tpu.dma_semaphore, #tpu.memory_space<semaphore_mem>>) src(%dma_wait3A_58 : memref<96xi32, #tpu.memory_space<hbm>>) dst(%arg11 : memref<96xi32, #tpu.memory_space<vmem>>)
    %add3A_59 = arith.constant 0 : i32
    %add3A_60 = arith.addi %mul3A_14, %add3A_59 : i32
    %dma_wait3A_61 = tpu.memref_slice %arg4[%add3A_60] : memref<331776xi32, #tpu.memory_space<hbm>> -> memref<96xi32, #tpu.memory_space<hbm>>
    %dma_wait3A_62 = tpu.memref_slice %arg4[%add3A_60] : memref<331776xi32, #tpu.memory_space<hbm>> -> memref<96xi32, #tpu.memory_space<hbm>>
    tpu.wait_dma2 semaphore(%arg31 : memref<!tpu.dma_semaphore, #tpu.memory_space<semaphore_mem>>) src(%dma_wait3A_62 : memref<96xi32, #tpu.memory_space<hbm>>) dst(%arg17 : memref<96xi32, #tpu.memory_space<vmem>>)
    %dma_start3A_63 = arith.constant 0 : i32
    %dma_start3A_64 = arith.constant 0 : i32
    %dma_start3A_65 = tpu.memref_slice %arg2[%dma_start3A_63, %dma_start3A_64] : memref<20000x128xf32, #tpu.memory_space<hbm>> -> memref<20000x128xf32, #tpu.memory_space<hbm>>
    tpu.enqueue_indirect_dma source(%dma_start3A_65 : memref<20000x128xf32, #tpu.memory_space<hbm>>) target(%arg7 : memref<96x128xf32, #tpu.memory_space<vmem>>) offsets(%arg11 : memref<96xi32, #tpu.memory_space<vmem>>) semaphore(%arg23 : memref<!tpu.dma_semaphore, #tpu.memory_space<semaphore_mem>>)
    %add3A_66 = arith.constant 96 : i32
    %add3A_67 = arith.addi %add3A, %add3A_66 : i32
    %dma_wait3A_68 = tpu.memref_slice %arg3[%add3A_67] : memref<663552xi32, #tpu.memory_space<hbm>> -> memref<96xi32, #tpu.memory_space<hbm>>
    %dma_wait3A_69 = tpu.memref_slice %arg3[%add3A_67] : memref<663552xi32, #tpu.memory_space<hbm>> -> memref<96xi32, #tpu.memory_space<hbm>>
    tpu.wait_dma2 semaphore(%arg32 : memref<!tpu.dma_semaphore, #tpu.memory_space<semaphore_mem>>) src(%dma_wait3A_69 : memref<96xi32, #tpu.memory_space<hbm>>) dst(%arg12 : memref<96xi32, #tpu.memory_space<vmem>>)
    %add3A_70 = arith.constant 96 : i32
    %add3A_71 = arith.addi %mul3A_14, %add3A_70 : i32
    %dma_wait3A_72 = tpu.memref_slice %arg4[%add3A_71] : memref<331776xi32, #tpu.memory_space<hbm>> -> memref<96xi32, #tpu.memory_space<hbm>>
    %dma_wait3A_73 = tpu.memref_slice %arg4[%add3A_71] : memref<331776xi32, #tpu.memory_space<hbm>> -> memref<96xi32, #tpu.memory_space<hbm>>
    tpu.wait_dma2 semaphore(%arg32 : memref<!tpu.dma_semaphore, #tpu.memory_space<semaphore_mem>>) src(%dma_wait3A_73 : memref<96xi32, #tpu.memory_space<hbm>>) dst(%arg18 : memref<96xi32, #tpu.memory_space<vmem>>)
    %dma_start3A_74 = arith.constant 0 : i32
    %dma_start3A_75 = arith.constant 0 : i32
    %dma_start3A_76 = tpu.memref_slice %arg2[%dma_start3A_74, %dma_start3A_75] : memref<20000x128xf32, #tpu.memory_space<hbm>> -> memref<20000x128xf32, #tpu.memory_space<hbm>>
    tpu.enqueue_indirect_dma source(%dma_start3A_76 : memref<20000x128xf32, #tpu.memory_space<hbm>>) target(%arg8 : memref<96x128xf32, #tpu.memory_space<vmem>>) offsets(%arg12 : memref<96xi32, #tpu.memory_space<vmem>>) semaphore(%arg24 : memref<!tpu.dma_semaphore, #tpu.memory_space<semaphore_mem>>)
    %add3A_77 = arith.constant 192 : i32
    %add3A_78 = arith.addi %add3A, %add3A_77 : i32
    %dma_wait3A_79 = tpu.memref_slice %arg3[%add3A_78] : memref<663552xi32, #tpu.memory_space<hbm>> -> memref<96xi32, #tpu.memory_space<hbm>>
    %dma_wait3A_80 = tpu.memref_slice %arg3[%add3A_78] : memref<663552xi32, #tpu.memory_space<hbm>> -> memref<96xi32, #tpu.memory_space<hbm>>
    tpu.wait_dma2 semaphore(%arg33 : memref<!tpu.dma_semaphore, #tpu.memory_space<semaphore_mem>>) src(%dma_wait3A_80 : memref<96xi32, #tpu.memory_space<hbm>>) dst(%arg13 : memref<96xi32, #tpu.memory_space<vmem>>)
    %add3A_81 = arith.constant 192 : i32
    %add3A_82 = arith.addi %mul3A_14, %add3A_81 : i32
    %dma_wait3A_83 = tpu.memref_slice %arg4[%add3A_82] : memref<331776xi32, #tpu.memory_space<hbm>> -> memref<96xi32, #tpu.memory_space<hbm>>
    %dma_wait3A_84 = tpu.memref_slice %arg4[%add3A_82] : memref<331776xi32, #tpu.memory_space<hbm>> -> memref<96xi32, #tpu.memory_space<hbm>>
    tpu.wait_dma2 semaphore(%arg33 : memref<!tpu.dma_semaphore, #tpu.memory_space<semaphore_mem>>) src(%dma_wait3A_84 : memref<96xi32, #tpu.memory_space<hbm>>) dst(%arg19 : memref<96xi32, #tpu.memory_space<vmem>>)
    %dma_start3A_85 = arith.constant 0 : i32
    %dma_start3A_86 = arith.constant 0 : i32
    %dma_start3A_87 = tpu.memref_slice %arg2[%dma_start3A_85, %dma_start3A_86] : memref<20000x128xf32, #tpu.memory_space<hbm>> -> memref<20000x128xf32, #tpu.memory_space<hbm>>
    tpu.enqueue_indirect_dma source(%dma_start3A_87 : memref<20000x128xf32, #tpu.memory_space<hbm>>) target(%arg9 : memref<96x128xf32, #tpu.memory_space<vmem>>) offsets(%arg13 : memref<96xi32, #tpu.memory_space<vmem>>) semaphore(%arg25 : memref<!tpu.dma_semaphore, #tpu.memory_space<semaphore_mem>>)
    %scan3A_88 = arith.constant 0 : i32
    %scan3A_89 = arith.constant 0 : i32
    %scan3A_90 = arith.constant 18 : i32
    %scan3A_91 = arith.addi %scan3A_89, %scan3A_90 : i32
    %scan3A_92 = arith.constant 1 : i32
    %scan3A_93 = scf.for %scan3A_109 = %scan3A_89 to %scan3A_91 step %scan3A_92 iter_args(%scan3A_110 = %scan3A_88) -> (i32)  : i32 {
      %mul3A_111 = arith.constant 12 : i32
      %mul3A_112 = arith.muli %mul3A_111, %scan3A_109 : i32
      %add3A_113 = arith.constant 0 : i32
      %add3A_114 = arith.addi %mul3A_112, %add3A_113 : i32
      %dma_wait3A_115 = arith.constant 0 : i32
      %dma_wait3A_116 = arith.constant 0 : i32
      %dma_wait3A_117 = tpu.memref_slice %arg2[%dma_wait3A_115, %dma_wait3A_116] : memref<20000x128xf32, #tpu.memory_space<hbm>> -> memref<20000x128xf32, #tpu.memory_space<hbm>>
      tpu.wait_indirect_dma semaphore(%arg23 : memref<!tpu.dma_semaphore, #tpu.memory_space<semaphore_mem>>) src(%dma_wait3A_117 : memref<20000x128xf32, #tpu.memory_space<hbm>>) dst(%arg7 : memref<96x128xf32, #tpu.memory_space<vmem>>)
      %dma_start3A_118 = arith.constant 0 : i32
      %dma_start3A_119 = arith.constant 0 : i32
      %dma_start3A_120 = tpu.memref_slice %arg6[%dma_start3A_118, %dma_start3A_119] : memref<10008x128xf32, #tpu.memory_space<vmem_shared>> -> memref<10008x128xf32, #tpu.memory_space<vmem_shared>>
      tpu.enqueue_indirect_dma source(%arg7 : memref<96x128xf32, #tpu.memory_space<vmem>>) target(%dma_start3A_120 : memref<10008x128xf32, #tpu.memory_space<vmem_shared>>) offsets(%arg17 : memref<96xi32, #tpu.memory_space<vmem>>) semaphore(%arg27 : memref<!tpu.dma_semaphore, #tpu.memory_space<semaphore_mem>>) {add = true}
      %ge3A = arith.constant 1 : i32
      %ge3A_121 = arith.cmpi sge, %add3A_114, %ge3A : i32
      %convert_element_type3A_122 = arith.extui %ge3A_121 : i1 to i32
      %cond3A_123 = arith.constant 0 : i32
      %cond3A_124 = arith.cmpi ne, %convert_element_type3A_122, %cond3A_123 : i32
      scf.if %cond3A_124 {
        %dma_wait3A_459 = arith.constant 0 : i32
        %dma_wait3A_460 = arith.constant 0 : i32
        %dma_wait3A_461 = tpu.memref_slice %arg6[%dma_wait3A_459, %dma_wait3A_460] : memref<10008x128xf32, #tpu.memory_space<vmem_shared>> -> memref<10008x128xf32, #tpu.memory_space<vmem_shared>>
        tpu.wait_indirect_dma semaphore(%arg30 : memref<!tpu.dma_semaphore, #tpu.memory_space<semaphore_mem>>) src(%arg10 : memref<96x128xf32, #tpu.memory_space<vmem>>) dst(%dma_wait3A_461 : memref<10008x128xf32, #tpu.memory_space<vmem_shared>>)
      } else {
      }
      %add3A_125 = arith.constant 5 : i32
      %add3A_126 = arith.addi %add3A_114, %add3A_125 : i32
      %lt3A_127 = arith.constant 216 : i32
      %lt3A_128 = arith.cmpi slt, %add3A_126, %lt3A_127 : i32
      %convert_element_type3A_129 = arith.extui %lt3A_128 : i1 to i32
      %cond3A_130 = arith.constant 0 : i32
      %cond3A_131 = arith.cmpi ne, %convert_element_type3A_129, %cond3A_130 : i32
      scf.if %cond3A_131 {
        %add3A_459 = arith.constant 5 : i32
        %add3A_460 = arith.addi %add3A_114, %add3A_459 : i32
        %mul3A_461 = arith.constant 96 : i32
        %mul3A_462 = arith.muli %add3A_460, %mul3A_461 : i32
        %add3A_463 = arith.addi %add3A, %mul3A_462 : i32
        %dma_start3A_464 = tpu.memref_slice %arg3[%add3A_463] : memref<663552xi32, #tpu.memory_space<hbm>> -> memref<96xi32, #tpu.memory_space<hbm>>
        %dma_start3A_465 = tpu.memref_slice %arg3[%add3A_463] : memref<663552xi32, #tpu.memory_space<hbm>> -> memref<96xi32, #tpu.memory_space<hbm>>
        tpu.enqueue_dma source(%dma_start3A_465 : memref<96xi32, #tpu.memory_space<hbm>>) target(%arg16 : memref<96xi32, #tpu.memory_space<vmem>>) target_semaphore(%arg36 : memref<!tpu.dma_semaphore, #tpu.memory_space<semaphore_mem>>)
        %mul3A_466 = arith.constant 96 : i32
        %mul3A_467 = arith.muli %add3A_460, %mul3A_466 : i32
        %add3A_468 = arith.addi %mul3A_14, %mul3A_467 : i32
        %dma_start3A_469 = tpu.memref_slice %arg4[%add3A_468] : memref<331776xi32, #tpu.memory_space<hbm>> -> memref<96xi32, #tpu.memory_space<hbm>>
        %dma_start3A_470 = tpu.memref_slice %arg4[%add3A_468] : memref<331776xi32, #tpu.memory_space<hbm>> -> memref<96xi32, #tpu.memory_space<hbm>>
        tpu.enqueue_dma source(%dma_start3A_470 : memref<96xi32, #tpu.memory_space<hbm>>) target(%arg22 : memref<96xi32, #tpu.memory_space<vmem>>) target_semaphore(%arg36 : memref<!tpu.dma_semaphore, #tpu.memory_space<semaphore_mem>>)
      } else {
      }
      %add3A_132 = arith.constant 3 : i32
      %add3A_133 = arith.addi %add3A_114, %add3A_132 : i32
      %lt3A_134 = arith.constant 216 : i32
      %lt3A_135 = arith.cmpi slt, %add3A_133, %lt3A_134 : i32
      %convert_element_type3A_136 = arith.extui %lt3A_135 : i1 to i32
      %cond3A_137 = arith.constant 0 : i32
      %cond3A_138 = arith.cmpi ne, %convert_element_type3A_136, %cond3A_137 : i32
      scf.if %cond3A_138 {
        %add3A_459 = arith.constant 3 : i32
        %add3A_460 = arith.addi %add3A_114, %add3A_459 : i32
        %mul3A_461 = arith.constant 96 : i32
        %mul3A_462 = arith.muli %add3A_460, %mul3A_461 : i32
        %add3A_463 = arith.addi %add3A, %mul3A_462 : i32
        %dma_wait3A_464 = tpu.memref_slice %arg3[%add3A_463] : memref<663552xi32, #tpu.memory_space<hbm>> -> memref<96xi32, #tpu.memory_space<hbm>>
        %dma_wait3A_465 = tpu.memref_slice %arg3[%add3A_463] : memref<663552xi32, #tpu.memory_space<hbm>> -> memref<96xi32, #tpu.memory_space<hbm>>
        tpu.wait_dma2 semaphore(%arg34 : memref<!tpu.dma_semaphore, #tpu.memory_space<semaphore_mem>>) src(%dma_wait3A_465 : memref<96xi32, #tpu.memory_space<hbm>>) dst(%arg14 : memref<96xi32, #tpu.memory_space<vmem>>)
        %mul3A_466 = arith.constant 96 : i32
        %mul3A_467 = arith.muli %add3A_460, %mul3A_466 : i32
        %add3A_468 = arith.addi %mul3A_14, %mul3A_467 : i32
        %dma_wait3A_469 = tpu.memref_slice %arg4[%add3A_468] : memref<331776xi32, #tpu.memory_space<hbm>> -> memref<96xi32, #tpu.memory_space<hbm>>
        %dma_wait3A_470 = tpu.memref_slice %arg4[%add3A_468] : memref<331776xi32, #tpu.memory_space<hbm>> -> memref<96xi32, #tpu.memory_space<hbm>>
        tpu.wait_dma2 semaphore(%arg34 : memref<!tpu.dma_semaphore, #tpu.memory_space<semaphore_mem>>) src(%dma_wait3A_470 : memref<96xi32, #tpu.memory_space<hbm>>) dst(%arg20 : memref<96xi32, #tpu.memory_space<vmem>>)
        %dma_start3A_471 = arith.constant 0 : i32
        %dma_start3A_472 = arith.constant 0 : i32
        %dma_start3A_473 = tpu.memref_slice %arg2[%dma_start3A_471, %dma_start3A_472] : memref<20000x128xf32, #tpu.memory_space<hbm>> -> memref<20000x128xf32, #tpu.memory_space<hbm>>
        tpu.enqueue_indirect_dma source(%dma_start3A_473 : memref<20000x128xf32, #tpu.memory_space<hbm>>) target(%arg10 : memref<96x128xf32, #tpu.memory_space<vmem>>) offsets(%arg14 : memref<96xi32, #tpu.memory_space<vmem>>) semaphore(%arg26 : memref<!tpu.dma_semaphore, #tpu.memory_space<semaphore_mem>>)
      } else {
      }
      %mul3A_139 = arith.constant 12 : i32
      %mul3A_140 = arith.muli %mul3A_139, %scan3A_109 : i32
      %add3A_141 = arith.constant 1 : i32
      %add3A_142 = arith.addi %mul3A_140, %add3A_141 : i32
      %dma_wait3A_143 = arith.constant 0 : i32
      %dma_wait3A_144 = arith.constant 0 : i32
      %dma_wait3A_145 = tpu.memref_slice %arg2[%dma_wait3A_143, %dma_wait3A_144] : memref<20000x128xf32, #tpu.memory_space<hbm>> -> memref<20000x128xf32, #tpu.memory_space<hbm>>
      tpu.wait_indirect_dma semaphore(%arg24 : memref<!tpu.dma_semaphore, #tpu.memory_space<semaphore_mem>>) src(%dma_wait3A_145 : memref<20000x128xf32, #tpu.memory_space<hbm>>) dst(%arg8 : memref<96x128xf32, #tpu.memory_space<vmem>>)
      %dma_start3A_146 = arith.constant 0 : i32
      %dma_start3A_147 = arith.constant 0 : i32
      %dma_start3A_148 = tpu.memref_slice %arg6[%dma_start3A_146, %dma_start3A_147] : memref<10008x128xf32, #tpu.memory_space<vmem_shared>> -> memref<10008x128xf32, #tpu.memory_space<vmem_shared>>
      tpu.enqueue_indirect_dma source(%arg8 : memref<96x128xf32, #tpu.memory_space<vmem>>) target(%dma_start3A_148 : memref<10008x128xf32, #tpu.memory_space<vmem_shared>>) offsets(%arg18 : memref<96xi32, #tpu.memory_space<vmem>>) semaphore(%arg28 : memref<!tpu.dma_semaphore, #tpu.memory_space<semaphore_mem>>) {add = true}
      %ge3A_149 = arith.constant 1 : i32
      %ge3A_150 = arith.cmpi sge, %add3A_142, %ge3A_149 : i32
      %convert_element_type3A_151 = arith.extui %ge3A_150 : i1 to i32
      %cond3A_152 = arith.constant 0 : i32
      %cond3A_153 = arith.cmpi ne, %convert_element_type3A_151, %cond3A_152 : i32
      scf.if %cond3A_153 {
        %dma_wait3A_459 = arith.constant 0 : i32
        %dma_wait3A_460 = arith.constant 0 : i32
        %dma_wait3A_461 = tpu.memref_slice %arg6[%dma_wait3A_459, %dma_wait3A_460] : memref<10008x128xf32, #tpu.memory_space<vmem_shared>> -> memref<10008x128xf32, #tpu.memory_space<vmem_shared>>
        tpu.wait_indirect_dma semaphore(%arg27 : memref<!tpu.dma_semaphore, #tpu.memory_space<semaphore_mem>>) src(%arg7 : memref<96x128xf32, #tpu.memory_space<vmem>>) dst(%dma_wait3A_461 : memref<10008x128xf32, #tpu.memory_space<vmem_shared>>)
      } else {
      }
      %add3A_154 = arith.constant 5 : i32
      %add3A_155 = arith.addi %add3A_142, %add3A_154 : i32
      %lt3A_156 = arith.constant 216 : i32
      %lt3A_157 = arith.cmpi slt, %add3A_155, %lt3A_156 : i32
      %convert_element_type3A_158 = arith.extui %lt3A_157 : i1 to i32
      %cond3A_159 = arith.constant 0 : i32
      %cond3A_160 = arith.cmpi ne, %convert_element_type3A_158, %cond3A_159 : i32
      scf.if %cond3A_160 {
        %add3A_459 = arith.constant 5 : i32
        %add3A_460 = arith.addi %add3A_142, %add3A_459 : i32
        %mul3A_461 = arith.constant 96 : i32
        %mul3A_462 = arith.muli %add3A_460, %mul3A_461 : i32
        %add3A_463 = arith.addi %add3A, %mul3A_462 : i32
        %dma_start3A_464 = tpu.memref_slice %arg3[%add3A_463] : memref<663552xi32, #tpu.memory_space<hbm>> -> memref<96xi32, #tpu.memory_space<hbm>>
        %dma_start3A_465 = tpu.memref_slice %arg3[%add3A_463] : memref<663552xi32, #tpu.memory_space<hbm>> -> memref<96xi32, #tpu.memory_space<hbm>>
        tpu.enqueue_dma source(%dma_start3A_465 : memref<96xi32, #tpu.memory_space<hbm>>) target(%arg11 : memref<96xi32, #tpu.memory_space<vmem>>) target_semaphore(%arg31 : memref<!tpu.dma_semaphore, #tpu.memory_space<semaphore_mem>>)
        %mul3A_466 = arith.constant 96 : i32
        %mul3A_467 = arith.muli %add3A_460, %mul3A_466 : i32
        %add3A_468 = arith.addi %mul3A_14, %mul3A_467 : i32
        %dma_start3A_469 = tpu.memref_slice %arg4[%add3A_468] : memref<331776xi32, #tpu.memory_space<hbm>> -> memref<96xi32, #tpu.memory_space<hbm>>
        %dma_start3A_470 = tpu.memref_slice %arg4[%add3A_468] : memref<331776xi32, #tpu.memory_space<hbm>> -> memref<96xi32, #tpu.memory_space<hbm>>
        tpu.enqueue_dma source(%dma_start3A_470 : memref<96xi32, #tpu.memory_space<hbm>>) target(%arg17 : memref<96xi32, #tpu.memory_space<vmem>>) target_semaphore(%arg31 : memref<!tpu.dma_semaphore, #tpu.memory_space<semaphore_mem>>)
      } else {
      }
      %add3A_161 = arith.constant 3 : i32
      %add3A_162 = arith.addi %add3A_142, %add3A_161 : i32
      %lt3A_163 = arith.constant 216 : i32
      %lt3A_164 = arith.cmpi slt, %add3A_162, %lt3A_163 : i32
      %convert_element_type3A_165 = arith.extui %lt3A_164 : i1 to i32
      %cond3A_166 = arith.constant 0 : i32
      %cond3A_167 = arith.cmpi ne, %convert_element_type3A_165, %cond3A_166 : i32
      scf.if %cond3A_167 {
        %add3A_459 = arith.constant 3 : i32
        %add3A_460 = arith.addi %add3A_142, %add3A_459 : i32
        %mul3A_461 = arith.constant 96 : i32
        %mul3A_462 = arith.muli %add3A_460, %mul3A_461 : i32
        %add3A_463 = arith.addi %add3A, %mul3A_462 : i32
        %dma_wait3A_464 = tpu.memref_slice %arg3[%add3A_463] : memref<663552xi32, #tpu.memory_space<hbm>> -> memref<96xi32, #tpu.memory_space<hbm>>
        %dma_wait3A_465 = tpu.memref_slice %arg3[%add3A_463] : memref<663552xi32, #tpu.memory_space<hbm>> -> memref<96xi32, #tpu.memory_space<hbm>>
        tpu.wait_dma2 semaphore(%arg35 : memref<!tpu.dma_semaphore, #tpu.memory_space<semaphore_mem>>) src(%dma_wait3A_465 : memref<96xi32, #tpu.memory_space<hbm>>) dst(%arg15 : memref<96xi32, #tpu.memory_space<vmem>>)
        %mul3A_466 = arith.constant 96 : i32
        %mul3A_467 = arith.muli %add3A_460, %mul3A_466 : i32
        %add3A_468 = arith.addi %mul3A_14, %mul3A_467 : i32
        %dma_wait3A_469 = tpu.memref_slice %arg4[%add3A_468] : memref<331776xi32, #tpu.memory_space<hbm>> -> memref<96xi32, #tpu.memory_space<hbm>>
        %dma_wait3A_470 = tpu.memref_slice %arg4[%add3A_468] : memref<331776xi32, #tpu.memory_space<hbm>> -> memref<96xi32, #tpu.memory_space<hbm>>
        tpu.wait_dma2 semaphore(%arg35 : memref<!tpu.dma_semaphore, #tpu.memory_space<semaphore_mem>>) src(%dma_wait3A_470 : memref<96xi32, #tpu.memory_space<hbm>>) dst(%arg21 : memref<96xi32, #tpu.memory_space<vmem>>)
        %dma_start3A_471 = arith.constant 0 : i32
        %dma_start3A_472 = arith.constant 0 : i32
        %dma_start3A_473 = tpu.memref_slice %arg2[%dma_start3A_471, %dma_start3A_472] : memref<20000x128xf32, #tpu.memory_space<hbm>> -> memref<20000x128xf32, #tpu.memory_space<hbm>>
        tpu.enqueue_indirect_dma source(%dma_start3A_473 : memref<20000x128xf32, #tpu.memory_space<hbm>>) target(%arg7 : memref<96x128xf32, #tpu.memory_space<vmem>>) offsets(%arg15 : memref<96xi32, #tpu.memory_space<vmem>>) semaphore(%arg23 : memref<!tpu.dma_semaphore, #tpu.memory_space<semaphore_mem>>)
      } else {
      }
      %mul3A_168 = arith.constant 12 : i32
      %mul3A_169 = arith.muli %mul3A_168, %scan3A_109 : i32
      %add3A_170 = arith.constant 2 : i32
      %add3A_171 = arith.addi %mul3A_169, %add3A_170 : i32
      %dma_wait3A_172 = arith.constant 0 : i32
      %dma_wait3A_173 = arith.constant 0 : i32
      %dma_wait3A_174 = tpu.memref_slice %arg2[%dma_wait3A_172, %dma_wait3A_173] : memref<20000x128xf32, #tpu.memory_space<hbm>> -> memref<20000x128xf32, #tpu.memory_space<hbm>>
      tpu.wait_indirect_dma semaphore(%arg25 : memref<!tpu.dma_semaphore, #tpu.memory_space<semaphore_mem>>) src(%dma_wait3A_174 : memref<20000x128xf32, #tpu.memory_space<hbm>>) dst(%arg9 : memref<96x128xf32, #tpu.memory_space<vmem>>)
      %dma_start3A_175 = arith.constant 0 : i32
      %dma_start3A_176 = arith.constant 0 : i32
      %dma_start3A_177 = tpu.memref_slice %arg6[%dma_start3A_175, %dma_start3A_176] : memref<10008x128xf32, #tpu.memory_space<vmem_shared>> -> memref<10008x128xf32, #tpu.memory_space<vmem_shared>>
      tpu.enqueue_indirect_dma source(%arg9 : memref<96x128xf32, #tpu.memory_space<vmem>>) target(%dma_start3A_177 : memref<10008x128xf32, #tpu.memory_space<vmem_shared>>) offsets(%arg19 : memref<96xi32, #tpu.memory_space<vmem>>) semaphore(%arg29 : memref<!tpu.dma_semaphore, #tpu.memory_space<semaphore_mem>>) {add = true}
      %ge3A_178 = arith.constant 1 : i32
      %ge3A_179 = arith.cmpi sge, %add3A_171, %ge3A_178 : i32
      %convert_element_type3A_180 = arith.extui %ge3A_179 : i1 to i32
      %cond3A_181 = arith.constant 0 : i32
      %cond3A_182 = arith.cmpi ne, %convert_element_type3A_180, %cond3A_181 : i32
      scf.if %cond3A_182 {
        %dma_wait3A_459 = arith.constant 0 : i32
        %dma_wait3A_460 = arith.constant 0 : i32
        %dma_wait3A_461 = tpu.memref_slice %arg6[%dma_wait3A_459, %dma_wait3A_460] : memref<10008x128xf32, #tpu.memory_space<vmem_shared>> -> memref<10008x128xf32, #tpu.memory_space<vmem_shared>>
        tpu.wait_indirect_dma semaphore(%arg28 : memref<!tpu.dma_semaphore, #tpu.memory_space<semaphore_mem>>) src(%arg8 : memref<96x128xf32, #tpu.memory_space<vmem>>) dst(%dma_wait3A_461 : memref<10008x128xf32, #tpu.memory_space<vmem_shared>>)
      } else {
      }
      %add3A_183 = arith.constant 5 : i32
      %add3A_184 = arith.addi %add3A_171, %add3A_183 : i32
      %lt3A_185 = arith.constant 216 : i32
      %lt3A_186 = arith.cmpi slt, %add3A_184, %lt3A_185 : i32
      %convert_element_type3A_187 = arith.extui %lt3A_186 : i1 to i32
      %cond3A_188 = arith.constant 0 : i32
      %cond3A_189 = arith.cmpi ne, %convert_element_type3A_187, %cond3A_188 : i32
      scf.if %cond3A_189 {
        %add3A_459 = arith.constant 5 : i32
        %add3A_460 = arith.addi %add3A_171, %add3A_459 : i32
        %mul3A_461 = arith.constant 96 : i32
        %mul3A_462 = arith.muli %add3A_460, %mul3A_461 : i32
        %add3A_463 = arith.addi %add3A, %mul3A_462 : i32
        %dma_start3A_464 = tpu.memref_slice %arg3[%add3A_463] : memref<663552xi32, #tpu.memory_space<hbm>> -> memref<96xi32, #tpu.memory_space<hbm>>
        %dma_start3A_465 = tpu.memref_slice %arg3[%add3A_463] : memref<663552xi32, #tpu.memory_space<hbm>> -> memref<96xi32, #tpu.memory_space<hbm>>
        tpu.enqueue_dma source(%dma_start3A_465 : memref<96xi32, #tpu.memory_space<hbm>>) target(%arg12 : memref<96xi32, #tpu.memory_space<vmem>>) target_semaphore(%arg32 : memref<!tpu.dma_semaphore, #tpu.memory_space<semaphore_mem>>)
        %mul3A_466 = arith.constant 96 : i32
        %mul3A_467 = arith.muli %add3A_460, %mul3A_466 : i32
        %add3A_468 = arith.addi %mul3A_14, %mul3A_467 : i32
        %dma_start3A_469 = tpu.memref_slice %arg4[%add3A_468] : memref<331776xi32, #tpu.memory_space<hbm>> -> memref<96xi32, #tpu.memory_space<hbm>>
        %dma_start3A_470 = tpu.memref_slice %arg4[%add3A_468] : memref<331776xi32, #tpu.memory_space<hbm>> -> memref<96xi32, #tpu.memory_space<hbm>>
        tpu.enqueue_dma source(%dma_start3A_470 : memref<96xi32, #tpu.memory_space<hbm>>) target(%arg18 : memref<96xi32, #tpu.memory_space<vmem>>) target_semaphore(%arg32 : memref<!tpu.dma_semaphore, #tpu.memory_space<semaphore_mem>>)
      } else {
      }
      %add3A_190 = arith.constant 3 : i32
      %add3A_191 = arith.addi %add3A_171, %add3A_190 : i32
      %lt3A_192 = arith.constant 216 : i32
      %lt3A_193 = arith.cmpi slt, %add3A_191, %lt3A_192 : i32
      %convert_element_type3A_194 = arith.extui %lt3A_193 : i1 to i32
      %cond3A_195 = arith.constant 0 : i32
      %cond3A_196 = arith.cmpi ne, %convert_element_type3A_194, %cond3A_195 : i32
      scf.if %cond3A_196 {
        %add3A_459 = arith.constant 3 : i32
        %add3A_460 = arith.addi %add3A_171, %add3A_459 : i32
        %mul3A_461 = arith.constant 96 : i32
        %mul3A_462 = arith.muli %add3A_460, %mul3A_461 : i32
        %add3A_463 = arith.addi %add3A, %mul3A_462 : i32
        %dma_wait3A_464 = tpu.memref_slice %arg3[%add3A_463] : memref<663552xi32, #tpu.memory_space<hbm>> -> memref<96xi32, #tpu.memory_space<hbm>>
        %dma_wait3A_465 = tpu.memref_slice %arg3[%add3A_463] : memref<663552xi32, #tpu.memory_space<hbm>> -> memref<96xi32, #tpu.memory_space<hbm>>
        tpu.wait_dma2 semaphore(%arg36 : memref<!tpu.dma_semaphore, #tpu.memory_space<semaphore_mem>>) src(%dma_wait3A_465 : memref<96xi32, #tpu.memory_space<hbm>>) dst(%arg16 : memref<96xi32, #tpu.memory_space<vmem>>)
        %mul3A_466 = arith.constant 96 : i32
        %mul3A_467 = arith.muli %add3A_460, %mul3A_466 : i32
        %add3A_468 = arith.addi %mul3A_14, %mul3A_467 : i32
        %dma_wait3A_469 = tpu.memref_slice %arg4[%add3A_468] : memref<331776xi32, #tpu.memory_space<hbm>> -> memref<96xi32, #tpu.memory_space<hbm>>
        %dma_wait3A_470 = tpu.memref_slice %arg4[%add3A_468] : memref<331776xi32, #tpu.memory_space<hbm>> -> memref<96xi32, #tpu.memory_space<hbm>>
        tpu.wait_dma2 semaphore(%arg36 : memref<!tpu.dma_semaphore, #tpu.memory_space<semaphore_mem>>) src(%dma_wait3A_470 : memref<96xi32, #tpu.memory_space<hbm>>) dst(%arg22 : memref<96xi32, #tpu.memory_space<vmem>>)
        %dma_start3A_471 = arith.constant 0 : i32
        %dma_start3A_472 = arith.constant 0 : i32
        %dma_start3A_473 = tpu.memref_slice %arg2[%dma_start3A_471, %dma_start3A_472] : memref<20000x128xf32, #tpu.memory_space<hbm>> -> memref<20000x128xf32, #tpu.memory_space<hbm>>
        tpu.enqueue_indirect_dma source(%dma_start3A_473 : memref<20000x128xf32, #tpu.memory_space<hbm>>) target(%arg8 : memref<96x128xf32, #tpu.memory_space<vmem>>) offsets(%arg16 : memref<96xi32, #tpu.memory_space<vmem>>) semaphore(%arg24 : memref<!tpu.dma_semaphore, #tpu.memory_space<semaphore_mem>>)
      } else {
      }
      %mul3A_197 = arith.constant 12 : i32
      %mul3A_198 = arith.muli %mul3A_197, %scan3A_109 : i32
      %add3A_199 = arith.constant 3 : i32
      %add3A_200 = arith.addi %mul3A_198, %add3A_199 : i32
      %dma_wait3A_201 = arith.constant 0 : i32
      %dma_wait3A_202 = arith.constant 0 : i32
      %dma_wait3A_203 = tpu.memref_slice %arg2[%dma_wait3A_201, %dma_wait3A_202] : memref<20000x128xf32, #tpu.memory_space<hbm>> -> memref<20000x128xf32, #tpu.memory_space<hbm>>
      tpu.wait_indirect_dma semaphore(%arg26 : memref<!tpu.dma_semaphore, #tpu.memory_space<semaphore_mem>>) src(%dma_wait3A_203 : memref<20000x128xf32, #tpu.memory_space<hbm>>) dst(%arg10 : memref<96x128xf32, #tpu.memory_space<vmem>>)
      %dma_start3A_204 = arith.constant 0 : i32
      %dma_start3A_205 = arith.constant 0 : i32
      %dma_start3A_206 = tpu.memref_slice %arg6[%dma_start3A_204, %dma_start3A_205] : memref<10008x128xf32, #tpu.memory_space<vmem_shared>> -> memref<10008x128xf32, #tpu.memory_space<vmem_shared>>
      tpu.enqueue_indirect_dma source(%arg10 : memref<96x128xf32, #tpu.memory_space<vmem>>) target(%dma_start3A_206 : memref<10008x128xf32, #tpu.memory_space<vmem_shared>>) offsets(%arg20 : memref<96xi32, #tpu.memory_space<vmem>>) semaphore(%arg30 : memref<!tpu.dma_semaphore, #tpu.memory_space<semaphore_mem>>) {add = true}
      %ge3A_207 = arith.constant 1 : i32
      %ge3A_208 = arith.cmpi sge, %add3A_200, %ge3A_207 : i32
      %convert_element_type3A_209 = arith.extui %ge3A_208 : i1 to i32
      %cond3A_210 = arith.constant 0 : i32
      %cond3A_211 = arith.cmpi ne, %convert_element_type3A_209, %cond3A_210 : i32
      scf.if %cond3A_211 {
        %dma_wait3A_459 = arith.constant 0 : i32
        %dma_wait3A_460 = arith.constant 0 : i32
        %dma_wait3A_461 = tpu.memref_slice %arg6[%dma_wait3A_459, %dma_wait3A_460] : memref<10008x128xf32, #tpu.memory_space<vmem_shared>> -> memref<10008x128xf32, #tpu.memory_space<vmem_shared>>
        tpu.wait_indirect_dma semaphore(%arg29 : memref<!tpu.dma_semaphore, #tpu.memory_space<semaphore_mem>>) src(%arg9 : memref<96x128xf32, #tpu.memory_space<vmem>>) dst(%dma_wait3A_461 : memref<10008x128xf32, #tpu.memory_space<vmem_shared>>)
      } else {
      }
      %add3A_212 = arith.constant 5 : i32
      %add3A_213 = arith.addi %add3A_200, %add3A_212 : i32
      %lt3A_214 = arith.constant 216 : i32
      %lt3A_215 = arith.cmpi slt, %add3A_213, %lt3A_214 : i32
      %convert_element_type3A_216 = arith.extui %lt3A_215 : i1 to i32
      %cond3A_217 = arith.constant 0 : i32
      %cond3A_218 = arith.cmpi ne, %convert_element_type3A_216, %cond3A_217 : i32
      scf.if %cond3A_218 {
        %add3A_459 = arith.constant 5 : i32
        %add3A_460 = arith.addi %add3A_200, %add3A_459 : i32
        %mul3A_461 = arith.constant 96 : i32
        %mul3A_462 = arith.muli %add3A_460, %mul3A_461 : i32
        %add3A_463 = arith.addi %add3A, %mul3A_462 : i32
        %dma_start3A_464 = tpu.memref_slice %arg3[%add3A_463] : memref<663552xi32, #tpu.memory_space<hbm>> -> memref<96xi32, #tpu.memory_space<hbm>>
        %dma_start3A_465 = tpu.memref_slice %arg3[%add3A_463] : memref<663552xi32, #tpu.memory_space<hbm>> -> memref<96xi32, #tpu.memory_space<hbm>>
        tpu.enqueue_dma source(%dma_start3A_465 : memref<96xi32, #tpu.memory_space<hbm>>) target(%arg13 : memref<96xi32, #tpu.memory_space<vmem>>) target_semaphore(%arg33 : memref<!tpu.dma_semaphore, #tpu.memory_space<semaphore_mem>>)
        %mul3A_466 = arith.constant 96 : i32
        %mul3A_467 = arith.muli %add3A_460, %mul3A_466 : i32
        %add3A_468 = arith.addi %mul3A_14, %mul3A_467 : i32
        %dma_start3A_469 = tpu.memref_slice %arg4[%add3A_468] : memref<331776xi32, #tpu.memory_space<hbm>> -> memref<96xi32, #tpu.memory_space<hbm>>
        %dma_start3A_470 = tpu.memref_slice %arg4[%add3A_468] : memref<331776xi32, #tpu.memory_space<hbm>> -> memref<96xi32, #tpu.memory_space<hbm>>
        tpu.enqueue_dma source(%dma_start3A_470 : memref<96xi32, #tpu.memory_space<hbm>>) target(%arg19 : memref<96xi32, #tpu.memory_space<vmem>>) target_semaphore(%arg33 : memref<!tpu.dma_semaphore, #tpu.memory_space<semaphore_mem>>)
      } else {
      }
      %add3A_219 = arith.constant 3 : i32
      %add3A_220 = arith.addi %add3A_200, %add3A_219 : i32
      %lt3A_221 = arith.constant 216 : i32
      %lt3A_222 = arith.cmpi slt, %add3A_220, %lt3A_221 : i32
      %convert_element_type3A_223 = arith.extui %lt3A_222 : i1 to i32
      %cond3A_224 = arith.constant 0 : i32
      %cond3A_225 = arith.cmpi ne, %convert_element_type3A_223, %cond3A_224 : i32
      scf.if %cond3A_225 {
        %add3A_459 = arith.constant 3 : i32
        %add3A_460 = arith.addi %add3A_200, %add3A_459 : i32
        %mul3A_461 = arith.constant 96 : i32
        %mul3A_462 = arith.muli %add3A_460, %mul3A_461 : i32
        %add3A_463 = arith.addi %add3A, %mul3A_462 : i32
        %dma_wait3A_464 = tpu.memref_slice %arg3[%add3A_463] : memref<663552xi32, #tpu.memory_space<hbm>> -> memref<96xi32, #tpu.memory_space<hbm>>
        %dma_wait3A_465 = tpu.memref_slice %arg3[%add3A_463] : memref<663552xi32, #tpu.memory_space<hbm>> -> memref<96xi32, #tpu.memory_space<hbm>>
        tpu.wait_dma2 semaphore(%arg31 : memref<!tpu.dma_semaphore, #tpu.memory_space<semaphore_mem>>) src(%dma_wait3A_465 : memref<96xi32, #tpu.memory_space<hbm>>) dst(%arg11 : memref<96xi32, #tpu.memory_space<vmem>>)
        %mul3A_466 = arith.constant 96 : i32
        %mul3A_467 = arith.muli %add3A_460, %mul3A_466 : i32
        %add3A_468 = arith.addi %mul3A_14, %mul3A_467 : i32
        %dma_wait3A_469 = tpu.memref_slice %arg4[%add3A_468] : memref<331776xi32, #tpu.memory_space<hbm>> -> memref<96xi32, #tpu.memory_space<hbm>>
        %dma_wait3A_470 = tpu.memref_slice %arg4[%add3A_468] : memref<331776xi32, #tpu.memory_space<hbm>> -> memref<96xi32, #tpu.memory_space<hbm>>
        tpu.wait_dma2 semaphore(%arg31 : memref<!tpu.dma_semaphore, #tpu.memory_space<semaphore_mem>>) src(%dma_wait3A_470 : memref<96xi32, #tpu.memory_space<hbm>>) dst(%arg17 : memref<96xi32, #tpu.memory_space<vmem>>)
        %dma_start3A_471 = arith.constant 0 : i32
        %dma_start3A_472 = arith.constant 0 : i32
        %dma_start3A_473 = tpu.memref_slice %arg2[%dma_start3A_471, %dma_start3A_472] : memref<20000x128xf32, #tpu.memory_space<hbm>> -> memref<20000x128xf32, #tpu.memory_space<hbm>>
        tpu.enqueue_indirect_dma source(%dma_start3A_473 : memref<20000x128xf32, #tpu.memory_space<hbm>>) target(%arg9 : memref<96x128xf32, #tpu.memory_space<vmem>>) offsets(%arg11 : memref<96xi32, #tpu.memory_space<vmem>>) semaphore(%arg25 : memref<!tpu.dma_semaphore, #tpu.memory_space<semaphore_mem>>)
      } else {
      }
      %mul3A_226 = arith.constant 12 : i32
      %mul3A_227 = arith.muli %mul3A_226, %scan3A_109 : i32
      %add3A_228 = arith.constant 4 : i32
      %add3A_229 = arith.addi %mul3A_227, %add3A_228 : i32
      %dma_wait3A_230 = arith.constant 0 : i32
      %dma_wait3A_231 = arith.constant 0 : i32
      %dma_wait3A_232 = tpu.memref_slice %arg2[%dma_wait3A_230, %dma_wait3A_231] : memref<20000x128xf32, #tpu.memory_space<hbm>> -> memref<20000x128xf32, #tpu.memory_space<hbm>>
      tpu.wait_indirect_dma semaphore(%arg23 : memref<!tpu.dma_semaphore, #tpu.memory_space<semaphore_mem>>) src(%dma_wait3A_232 : memref<20000x128xf32, #tpu.memory_space<hbm>>) dst(%arg7 : memref<96x128xf32, #tpu.memory_space<vmem>>)
      %dma_start3A_233 = arith.constant 0 : i32
      %dma_start3A_234 = arith.constant 0 : i32
      %dma_start3A_235 = tpu.memref_slice %arg6[%dma_start3A_233, %dma_start3A_234] : memref<10008x128xf32, #tpu.memory_space<vmem_shared>> -> memref<10008x128xf32, #tpu.memory_space<vmem_shared>>
      tpu.enqueue_indirect_dma source(%arg7 : memref<96x128xf32, #tpu.memory_space<vmem>>) target(%dma_start3A_235 : memref<10008x128xf32, #tpu.memory_space<vmem_shared>>) offsets(%arg21 : memref<96xi32, #tpu.memory_space<vmem>>) semaphore(%arg27 : memref<!tpu.dma_semaphore, #tpu.memory_space<semaphore_mem>>) {add = true}
      %ge3A_236 = arith.constant 1 : i32
      %ge3A_237 = arith.cmpi sge, %add3A_229, %ge3A_236 : i32
      %convert_element_type3A_238 = arith.extui %ge3A_237 : i1 to i32
      %cond3A_239 = arith.constant 0 : i32
      %cond3A_240 = arith.cmpi ne, %convert_element_type3A_238, %cond3A_239 : i32
      scf.if %cond3A_240 {
        %dma_wait3A_459 = arith.constant 0 : i32
        %dma_wait3A_460 = arith.constant 0 : i32
        %dma_wait3A_461 = tpu.memref_slice %arg6[%dma_wait3A_459, %dma_wait3A_460] : memref<10008x128xf32, #tpu.memory_space<vmem_shared>> -> memref<10008x128xf32, #tpu.memory_space<vmem_shared>>
        tpu.wait_indirect_dma semaphore(%arg30 : memref<!tpu.dma_semaphore, #tpu.memory_space<semaphore_mem>>) src(%arg10 : memref<96x128xf32, #tpu.memory_space<vmem>>) dst(%dma_wait3A_461 : memref<10008x128xf32, #tpu.memory_space<vmem_shared>>)
      } else {
      }
      %add3A_241 = arith.constant 5 : i32
      %add3A_242 = arith.addi %add3A_229, %add3A_241 : i32
      %lt3A_243 = arith.constant 216 : i32
      %lt3A_244 = arith.cmpi slt, %add3A_242, %lt3A_243 : i32
      %convert_element_type3A_245 = arith.extui %lt3A_244 : i1 to i32
      %cond3A_246 = arith.constant 0 : i32
      %cond3A_247 = arith.cmpi ne, %convert_element_type3A_245, %cond3A_246 : i32
      scf.if %cond3A_247 {
        %add3A_459 = arith.constant 5 : i32
        %add3A_460 = arith.addi %add3A_229, %add3A_459 : i32
        %mul3A_461 = arith.constant 96 : i32
        %mul3A_462 = arith.muli %add3A_460, %mul3A_461 : i32
        %add3A_463 = arith.addi %add3A, %mul3A_462 : i32
        %dma_start3A_464 = tpu.memref_slice %arg3[%add3A_463] : memref<663552xi32, #tpu.memory_space<hbm>> -> memref<96xi32, #tpu.memory_space<hbm>>
        %dma_start3A_465 = tpu.memref_slice %arg3[%add3A_463] : memref<663552xi32, #tpu.memory_space<hbm>> -> memref<96xi32, #tpu.memory_space<hbm>>
        tpu.enqueue_dma source(%dma_start3A_465 : memref<96xi32, #tpu.memory_space<hbm>>) target(%arg14 : memref<96xi32, #tpu.memory_space<vmem>>) target_semaphore(%arg34 : memref<!tpu.dma_semaphore, #tpu.memory_space<semaphore_mem>>)
        %mul3A_466 = arith.constant 96 : i32
        %mul3A_467 = arith.muli %add3A_460, %mul3A_466 : i32
        %add3A_468 = arith.addi %mul3A_14, %mul3A_467 : i32
        %dma_start3A_469 = tpu.memref_slice %arg4[%add3A_468] : memref<331776xi32, #tpu.memory_space<hbm>> -> memref<96xi32, #tpu.memory_space<hbm>>
        %dma_start3A_470 = tpu.memref_slice %arg4[%add3A_468] : memref<331776xi32, #tpu.memory_space<hbm>> -> memref<96xi32, #tpu.memory_space<hbm>>
        tpu.enqueue_dma source(%dma_start3A_470 : memref<96xi32, #tpu.memory_space<hbm>>) target(%arg20 : memref<96xi32, #tpu.memory_space<vmem>>) target_semaphore(%arg34 : memref<!tpu.dma_semaphore, #tpu.memory_space<semaphore_mem>>)
      } else {
      }
      %add3A_248 = arith.constant 3 : i32
      %add3A_249 = arith.addi %add3A_229, %add3A_248 : i32
      %lt3A_250 = arith.constant 216 : i32
      %lt3A_251 = arith.cmpi slt, %add3A_249, %lt3A_250 : i32
      %convert_element_type3A_252 = arith.extui %lt3A_251 : i1 to i32
      %cond3A_253 = arith.constant 0 : i32
      %cond3A_254 = arith.cmpi ne, %convert_element_type3A_252, %cond3A_253 : i32
      scf.if %cond3A_254 {
        %add3A_459 = arith.constant 3 : i32
        %add3A_460 = arith.addi %add3A_229, %add3A_459 : i32
        %mul3A_461 = arith.constant 96 : i32
        %mul3A_462 = arith.muli %add3A_460, %mul3A_461 : i32
        %add3A_463 = arith.addi %add3A, %mul3A_462 : i32
        %dma_wait3A_464 = tpu.memref_slice %arg3[%add3A_463] : memref<663552xi32, #tpu.memory_space<hbm>> -> memref<96xi32, #tpu.memory_space<hbm>>
        %dma_wait3A_465 = tpu.memref_slice %arg3[%add3A_463] : memref<663552xi32, #tpu.memory_space<hbm>> -> memref<96xi32, #tpu.memory_space<hbm>>
        tpu.wait_dma2 semaphore(%arg32 : memref<!tpu.dma_semaphore, #tpu.memory_space<semaphore_mem>>) src(%dma_wait3A_465 : memref<96xi32, #tpu.memory_space<hbm>>) dst(%arg12 : memref<96xi32, #tpu.memory_space<vmem>>)
        %mul3A_466 = arith.constant 96 : i32
        %mul3A_467 = arith.muli %add3A_460, %mul3A_466 : i32
        %add3A_468 = arith.addi %mul3A_14, %mul3A_467 : i32
        %dma_wait3A_469 = tpu.memref_slice %arg4[%add3A_468] : memref<331776xi32, #tpu.memory_space<hbm>> -> memref<96xi32, #tpu.memory_space<hbm>>
        %dma_wait3A_470 = tpu.memref_slice %arg4[%add3A_468] : memref<331776xi32, #tpu.memory_space<hbm>> -> memref<96xi32, #tpu.memory_space<hbm>>
        tpu.wait_dma2 semaphore(%arg32 : memref<!tpu.dma_semaphore, #tpu.memory_space<semaphore_mem>>) src(%dma_wait3A_470 : memref<96xi32, #tpu.memory_space<hbm>>) dst(%arg18 : memref<96xi32, #tpu.memory_space<vmem>>)
        %dma_start3A_471 = arith.constant 0 : i32
        %dma_start3A_472 = arith.constant 0 : i32
        %dma_start3A_473 = tpu.memref_slice %arg2[%dma_start3A_471, %dma_start3A_472] : memref<20000x128xf32, #tpu.memory_space<hbm>> -> memref<20000x128xf32, #tpu.memory_space<hbm>>
        tpu.enqueue_indirect_dma source(%dma_start3A_473 : memref<20000x128xf32, #tpu.memory_space<hbm>>) target(%arg10 : memref<96x128xf32, #tpu.memory_space<vmem>>) offsets(%arg12 : memref<96xi32, #tpu.memory_space<vmem>>) semaphore(%arg26 : memref<!tpu.dma_semaphore, #tpu.memory_space<semaphore_mem>>)
      } else {
      }
      %mul3A_255 = arith.constant 12 : i32
      %mul3A_256 = arith.muli %mul3A_255, %scan3A_109 : i32
      %add3A_257 = arith.constant 5 : i32
      %add3A_258 = arith.addi %mul3A_256, %add3A_257 : i32
      %dma_wait3A_259 = arith.constant 0 : i32
      %dma_wait3A_260 = arith.constant 0 : i32
      %dma_wait3A_261 = tpu.memref_slice %arg2[%dma_wait3A_259, %dma_wait3A_260] : memref<20000x128xf32, #tpu.memory_space<hbm>> -> memref<20000x128xf32, #tpu.memory_space<hbm>>
      tpu.wait_indirect_dma semaphore(%arg24 : memref<!tpu.dma_semaphore, #tpu.memory_space<semaphore_mem>>) src(%dma_wait3A_261 : memref<20000x128xf32, #tpu.memory_space<hbm>>) dst(%arg8 : memref<96x128xf32, #tpu.memory_space<vmem>>)
      %dma_start3A_262 = arith.constant 0 : i32
      %dma_start3A_263 = arith.constant 0 : i32
      %dma_start3A_264 = tpu.memref_slice %arg6[%dma_start3A_262, %dma_start3A_263] : memref<10008x128xf32, #tpu.memory_space<vmem_shared>> -> memref<10008x128xf32, #tpu.memory_space<vmem_shared>>
      tpu.enqueue_indirect_dma source(%arg8 : memref<96x128xf32, #tpu.memory_space<vmem>>) target(%dma_start3A_264 : memref<10008x128xf32, #tpu.memory_space<vmem_shared>>) offsets(%arg22 : memref<96xi32, #tpu.memory_space<vmem>>) semaphore(%arg28 : memref<!tpu.dma_semaphore, #tpu.memory_space<semaphore_mem>>) {add = true}
      %ge3A_265 = arith.constant 1 : i32
      %ge3A_266 = arith.cmpi sge, %add3A_258, %ge3A_265 : i32
      %convert_element_type3A_267 = arith.extui %ge3A_266 : i1 to i32
      %cond3A_268 = arith.constant 0 : i32
      %cond3A_269 = arith.cmpi ne, %convert_element_type3A_267, %cond3A_268 : i32
      scf.if %cond3A_269 {
        %dma_wait3A_459 = arith.constant 0 : i32
        %dma_wait3A_460 = arith.constant 0 : i32
        %dma_wait3A_461 = tpu.memref_slice %arg6[%dma_wait3A_459, %dma_wait3A_460] : memref<10008x128xf32, #tpu.memory_space<vmem_shared>> -> memref<10008x128xf32, #tpu.memory_space<vmem_shared>>
        tpu.wait_indirect_dma semaphore(%arg27 : memref<!tpu.dma_semaphore, #tpu.memory_space<semaphore_mem>>) src(%arg7 : memref<96x128xf32, #tpu.memory_space<vmem>>) dst(%dma_wait3A_461 : memref<10008x128xf32, #tpu.memory_space<vmem_shared>>)
      } else {
      }
      %add3A_270 = arith.constant 5 : i32
      %add3A_271 = arith.addi %add3A_258, %add3A_270 : i32
      %lt3A_272 = arith.constant 216 : i32
      %lt3A_273 = arith.cmpi slt, %add3A_271, %lt3A_272 : i32
      %convert_element_type3A_274 = arith.extui %lt3A_273 : i1 to i32
      %cond3A_275 = arith.constant 0 : i32
      %cond3A_276 = arith.cmpi ne, %convert_element_type3A_274, %cond3A_275 : i32
      scf.if %cond3A_276 {
        %add3A_459 = arith.constant 5 : i32
        %add3A_460 = arith.addi %add3A_258, %add3A_459 : i32
        %mul3A_461 = arith.constant 96 : i32
        %mul3A_462 = arith.muli %add3A_460, %mul3A_461 : i32
        %add3A_463 = arith.addi %add3A, %mul3A_462 : i32
        %dma_start3A_464 = tpu.memref_slice %arg3[%add3A_463] : memref<663552xi32, #tpu.memory_space<hbm>> -> memref<96xi32, #tpu.memory_space<hbm>>
        %dma_start3A_465 = tpu.memref_slice %arg3[%add3A_463] : memref<663552xi32, #tpu.memory_space<hbm>> -> memref<96xi32, #tpu.memory_space<hbm>>
        tpu.enqueue_dma source(%dma_start3A_465 : memref<96xi32, #tpu.memory_space<hbm>>) target(%arg15 : memref<96xi32, #tpu.memory_space<vmem>>) target_semaphore(%arg35 : memref<!tpu.dma_semaphore, #tpu.memory_space<semaphore_mem>>)
        %mul3A_466 = arith.constant 96 : i32
        %mul3A_467 = arith.muli %add3A_460, %mul3A_466 : i32
        %add3A_468 = arith.addi %mul3A_14, %mul3A_467 : i32
        %dma_start3A_469 = tpu.memref_slice %arg4[%add3A_468] : memref<331776xi32, #tpu.memory_space<hbm>> -> memref<96xi32, #tpu.memory_space<hbm>>
        %dma_start3A_470 = tpu.memref_slice %arg4[%add3A_468] : memref<331776xi32, #tpu.memory_space<hbm>> -> memref<96xi32, #tpu.memory_space<hbm>>
        tpu.enqueue_dma source(%dma_start3A_470 : memref<96xi32, #tpu.memory_space<hbm>>) target(%arg21 : memref<96xi32, #tpu.memory_space<vmem>>) target_semaphore(%arg35 : memref<!tpu.dma_semaphore, #tpu.memory_space<semaphore_mem>>)
      } else {
      }
      %add3A_277 = arith.constant 3 : i32
      %add3A_278 = arith.addi %add3A_258, %add3A_277 : i32
      %lt3A_279 = arith.constant 216 : i32
      %lt3A_280 = arith.cmpi slt, %add3A_278, %lt3A_279 : i32
      %convert_element_type3A_281 = arith.extui %lt3A_280 : i1 to i32
      %cond3A_282 = arith.constant 0 : i32
      %cond3A_283 = arith.cmpi ne, %convert_element_type3A_281, %cond3A_282 : i32
      scf.if %cond3A_283 {
        %add3A_459 = arith.constant 3 : i32
        %add3A_460 = arith.addi %add3A_258, %add3A_459 : i32
        %mul3A_461 = arith.constant 96 : i32
        %mul3A_462 = arith.muli %add3A_460, %mul3A_461 : i32
        %add3A_463 = arith.addi %add3A, %mul3A_462 : i32
        %dma_wait3A_464 = tpu.memref_slice %arg3[%add3A_463] : memref<663552xi32, #tpu.memory_space<hbm>> -> memref<96xi32, #tpu.memory_space<hbm>>
        %dma_wait3A_465 = tpu.memref_slice %arg3[%add3A_463] : memref<663552xi32, #tpu.memory_space<hbm>> -> memref<96xi32, #tpu.memory_space<hbm>>
        tpu.wait_dma2 semaphore(%arg33 : memref<!tpu.dma_semaphore, #tpu.memory_space<semaphore_mem>>) src(%dma_wait3A_465 : memref<96xi32, #tpu.memory_space<hbm>>) dst(%arg13 : memref<96xi32, #tpu.memory_space<vmem>>)
        %mul3A_466 = arith.constant 96 : i32
        %mul3A_467 = arith.muli %add3A_460, %mul3A_466 : i32
        %add3A_468 = arith.addi %mul3A_14, %mul3A_467 : i32
        %dma_wait3A_469 = tpu.memref_slice %arg4[%add3A_468] : memref<331776xi32, #tpu.memory_space<hbm>> -> memref<96xi32, #tpu.memory_space<hbm>>
        %dma_wait3A_470 = tpu.memref_slice %arg4[%add3A_468] : memref<331776xi32, #tpu.memory_space<hbm>> -> memref<96xi32, #tpu.memory_space<hbm>>
        tpu.wait_dma2 semaphore(%arg33 : memref<!tpu.dma_semaphore, #tpu.memory_space<semaphore_mem>>) src(%dma_wait3A_470 : memref<96xi32, #tpu.memory_space<hbm>>) dst(%arg19 : memref<96xi32, #tpu.memory_space<vmem>>)
        %dma_start3A_471 = arith.constant 0 : i32
        %dma_start3A_472 = arith.constant 0 : i32
        %dma_start3A_473 = tpu.memref_slice %arg2[%dma_start3A_471, %dma_start3A_472] : memref<20000x128xf32, #tpu.memory_space<hbm>> -> memref<20000x128xf32, #tpu.memory_space<hbm>>
        tpu.enqueue_indirect_dma source(%dma_start3A_473 : memref<20000x128xf32, #tpu.memory_space<hbm>>) target(%arg7 : memref<96x128xf32, #tpu.memory_space<vmem>>) offsets(%arg13 : memref<96xi32, #tpu.memory_space<vmem>>) semaphore(%arg23 : memref<!tpu.dma_semaphore, #tpu.memory_space<semaphore_mem>>)
      } else {
      }
      %mul3A_284 = arith.constant 12 : i32
      %mul3A_285 = arith.muli %mul3A_284, %scan3A_109 : i32
      %add3A_286 = arith.constant 6 : i32
      %add3A_287 = arith.addi %mul3A_285, %add3A_286 : i32
      %dma_wait3A_288 = arith.constant 0 : i32
      %dma_wait3A_289 = arith.constant 0 : i32
      %dma_wait3A_290 = tpu.memref_slice %arg2[%dma_wait3A_288, %dma_wait3A_289] : memref<20000x128xf32, #tpu.memory_space<hbm>> -> memref<20000x128xf32, #tpu.memory_space<hbm>>
      tpu.wait_indirect_dma semaphore(%arg25 : memref<!tpu.dma_semaphore, #tpu.memory_space<semaphore_mem>>) src(%dma_wait3A_290 : memref<20000x128xf32, #tpu.memory_space<hbm>>) dst(%arg9 : memref<96x128xf32, #tpu.memory_space<vmem>>)
      %dma_start3A_291 = arith.constant 0 : i32
      %dma_start3A_292 = arith.constant 0 : i32
      %dma_start3A_293 = tpu.memref_slice %arg6[%dma_start3A_291, %dma_start3A_292] : memref<10008x128xf32, #tpu.memory_space<vmem_shared>> -> memref<10008x128xf32, #tpu.memory_space<vmem_shared>>
      tpu.enqueue_indirect_dma source(%arg9 : memref<96x128xf32, #tpu.memory_space<vmem>>) target(%dma_start3A_293 : memref<10008x128xf32, #tpu.memory_space<vmem_shared>>) offsets(%arg17 : memref<96xi32, #tpu.memory_space<vmem>>) semaphore(%arg29 : memref<!tpu.dma_semaphore, #tpu.memory_space<semaphore_mem>>) {add = true}
      %ge3A_294 = arith.constant 1 : i32
      %ge3A_295 = arith.cmpi sge, %add3A_287, %ge3A_294 : i32
      %convert_element_type3A_296 = arith.extui %ge3A_295 : i1 to i32
      %cond3A_297 = arith.constant 0 : i32
      %cond3A_298 = arith.cmpi ne, %convert_element_type3A_296, %cond3A_297 : i32
      scf.if %cond3A_298 {
        %dma_wait3A_459 = arith.constant 0 : i32
        %dma_wait3A_460 = arith.constant 0 : i32
        %dma_wait3A_461 = tpu.memref_slice %arg6[%dma_wait3A_459, %dma_wait3A_460] : memref<10008x128xf32, #tpu.memory_space<vmem_shared>> -> memref<10008x128xf32, #tpu.memory_space<vmem_shared>>
        tpu.wait_indirect_dma semaphore(%arg28 : memref<!tpu.dma_semaphore, #tpu.memory_space<semaphore_mem>>) src(%arg8 : memref<96x128xf32, #tpu.memory_space<vmem>>) dst(%dma_wait3A_461 : memref<10008x128xf32, #tpu.memory_space<vmem_shared>>)
      } else {
      }
      %add3A_299 = arith.constant 5 : i32
      %add3A_300 = arith.addi %add3A_287, %add3A_299 : i32
      %lt3A_301 = arith.constant 216 : i32
      %lt3A_302 = arith.cmpi slt, %add3A_300, %lt3A_301 : i32
      %convert_element_type3A_303 = arith.extui %lt3A_302 : i1 to i32
      %cond3A_304 = arith.constant 0 : i32
      %cond3A_305 = arith.cmpi ne, %convert_element_type3A_303, %cond3A_304 : i32
      scf.if %cond3A_305 {
        %add3A_459 = arith.constant 5 : i32
        %add3A_460 = arith.addi %add3A_287, %add3A_459 : i32
        %mul3A_461 = arith.constant 96 : i32
        %mul3A_462 = arith.muli %add3A_460, %mul3A_461 : i32
        %add3A_463 = arith.addi %add3A, %mul3A_462 : i32
        %dma_start3A_464 = tpu.memref_slice %arg3[%add3A_463] : memref<663552xi32, #tpu.memory_space<hbm>> -> memref<96xi32, #tpu.memory_space<hbm>>
        %dma_start3A_465 = tpu.memref_slice %arg3[%add3A_463] : memref<663552xi32, #tpu.memory_space<hbm>> -> memref<96xi32, #tpu.memory_space<hbm>>
        tpu.enqueue_dma source(%dma_start3A_465 : memref<96xi32, #tpu.memory_space<hbm>>) target(%arg16 : memref<96xi32, #tpu.memory_space<vmem>>) target_semaphore(%arg36 : memref<!tpu.dma_semaphore, #tpu.memory_space<semaphore_mem>>)
        %mul3A_466 = arith.constant 96 : i32
        %mul3A_467 = arith.muli %add3A_460, %mul3A_466 : i32
        %add3A_468 = arith.addi %mul3A_14, %mul3A_467 : i32
        %dma_start3A_469 = tpu.memref_slice %arg4[%add3A_468] : memref<331776xi32, #tpu.memory_space<hbm>> -> memref<96xi32, #tpu.memory_space<hbm>>
        %dma_start3A_470 = tpu.memref_slice %arg4[%add3A_468] : memref<331776xi32, #tpu.memory_space<hbm>> -> memref<96xi32, #tpu.memory_space<hbm>>
        tpu.enqueue_dma source(%dma_start3A_470 : memref<96xi32, #tpu.memory_space<hbm>>) target(%arg22 : memref<96xi32, #tpu.memory_space<vmem>>) target_semaphore(%arg36 : memref<!tpu.dma_semaphore, #tpu.memory_space<semaphore_mem>>)
      } else {
      }
      %add3A_306 = arith.constant 3 : i32
      %add3A_307 = arith.addi %add3A_287, %add3A_306 : i32
      %lt3A_308 = arith.constant 216 : i32
      %lt3A_309 = arith.cmpi slt, %add3A_307, %lt3A_308 : i32
      %convert_element_type3A_310 = arith.extui %lt3A_309 : i1 to i32
      %cond3A_311 = arith.constant 0 : i32
      %cond3A_312 = arith.cmpi ne, %convert_element_type3A_310, %cond3A_311 : i32
      scf.if %cond3A_312 {
        %add3A_459 = arith.constant 3 : i32
        %add3A_460 = arith.addi %add3A_287, %add3A_459 : i32
        %mul3A_461 = arith.constant 96 : i32
        %mul3A_462 = arith.muli %add3A_460, %mul3A_461 : i32
        %add3A_463 = arith.addi %add3A, %mul3A_462 : i32
        %dma_wait3A_464 = tpu.memref_slice %arg3[%add3A_463] : memref<663552xi32, #tpu.memory_space<hbm>> -> memref<96xi32, #tpu.memory_space<hbm>>
        %dma_wait3A_465 = tpu.memref_slice %arg3[%add3A_463] : memref<663552xi32, #tpu.memory_space<hbm>> -> memref<96xi32, #tpu.memory_space<hbm>>
        tpu.wait_dma2 semaphore(%arg34 : memref<!tpu.dma_semaphore, #tpu.memory_space<semaphore_mem>>) src(%dma_wait3A_465 : memref<96xi32, #tpu.memory_space<hbm>>) dst(%arg14 : memref<96xi32, #tpu.memory_space<vmem>>)
        %mul3A_466 = arith.constant 96 : i32
        %mul3A_467 = arith.muli %add3A_460, %mul3A_466 : i32
        %add3A_468 = arith.addi %mul3A_14, %mul3A_467 : i32
        %dma_wait3A_469 = tpu.memref_slice %arg4[%add3A_468] : memref<331776xi32, #tpu.memory_space<hbm>> -> memref<96xi32, #tpu.memory_space<hbm>>
        %dma_wait3A_470 = tpu.memref_slice %arg4[%add3A_468] : memref<331776xi32, #tpu.memory_space<hbm>> -> memref<96xi32, #tpu.memory_space<hbm>>
        tpu.wait_dma2 semaphore(%arg34 : memref<!tpu.dma_semaphore, #tpu.memory_space<semaphore_mem>>) src(%dma_wait3A_470 : memref<96xi32, #tpu.memory_space<hbm>>) dst(%arg20 : memref<96xi32, #tpu.memory_space<vmem>>)
        %dma_start3A_471 = arith.constant 0 : i32
        %dma_start3A_472 = arith.constant 0 : i32
        %dma_start3A_473 = tpu.memref_slice %arg2[%dma_start3A_471, %dma_start3A_472] : memref<20000x128xf32, #tpu.memory_space<hbm>> -> memref<20000x128xf32, #tpu.memory_space<hbm>>
        tpu.enqueue_indirect_dma source(%dma_start3A_473 : memref<20000x128xf32, #tpu.memory_space<hbm>>) target(%arg8 : memref<96x128xf32, #tpu.memory_space<vmem>>) offsets(%arg14 : memref<96xi32, #tpu.memory_space<vmem>>) semaphore(%arg24 : memref<!tpu.dma_semaphore, #tpu.memory_space<semaphore_mem>>)
      } else {
      }
      %mul3A_313 = arith.constant 12 : i32
      %mul3A_314 = arith.muli %mul3A_313, %scan3A_109 : i32
      %add3A_315 = arith.constant 7 : i32
      %add3A_316 = arith.addi %mul3A_314, %add3A_315 : i32
      %dma_wait3A_317 = arith.constant 0 : i32
      %dma_wait3A_318 = arith.constant 0 : i32
      %dma_wait3A_319 = tpu.memref_slice %arg2[%dma_wait3A_317, %dma_wait3A_318] : memref<20000x128xf32, #tpu.memory_space<hbm>> -> memref<20000x128xf32, #tpu.memory_space<hbm>>
      tpu.wait_indirect_dma semaphore(%arg26 : memref<!tpu.dma_semaphore, #tpu.memory_space<semaphore_mem>>) src(%dma_wait3A_319 : memref<20000x128xf32, #tpu.memory_space<hbm>>) dst(%arg10 : memref<96x128xf32, #tpu.memory_space<vmem>>)
      %dma_start3A_320 = arith.constant 0 : i32
      %dma_start3A_321 = arith.constant 0 : i32
      %dma_start3A_322 = tpu.memref_slice %arg6[%dma_start3A_320, %dma_start3A_321] : memref<10008x128xf32, #tpu.memory_space<vmem_shared>> -> memref<10008x128xf32, #tpu.memory_space<vmem_shared>>
      tpu.enqueue_indirect_dma source(%arg10 : memref<96x128xf32, #tpu.memory_space<vmem>>) target(%dma_start3A_322 : memref<10008x128xf32, #tpu.memory_space<vmem_shared>>) offsets(%arg18 : memref<96xi32, #tpu.memory_space<vmem>>) semaphore(%arg30 : memref<!tpu.dma_semaphore, #tpu.memory_space<semaphore_mem>>) {add = true}
      %ge3A_323 = arith.constant 1 : i32
      %ge3A_324 = arith.cmpi sge, %add3A_316, %ge3A_323 : i32
      %convert_element_type3A_325 = arith.extui %ge3A_324 : i1 to i32
      %cond3A_326 = arith.constant 0 : i32
      %cond3A_327 = arith.cmpi ne, %convert_element_type3A_325, %cond3A_326 : i32
      scf.if %cond3A_327 {
        %dma_wait3A_459 = arith.constant 0 : i32
        %dma_wait3A_460 = arith.constant 0 : i32
        %dma_wait3A_461 = tpu.memref_slice %arg6[%dma_wait3A_459, %dma_wait3A_460] : memref<10008x128xf32, #tpu.memory_space<vmem_shared>> -> memref<10008x128xf32, #tpu.memory_space<vmem_shared>>
        tpu.wait_indirect_dma semaphore(%arg29 : memref<!tpu.dma_semaphore, #tpu.memory_space<semaphore_mem>>) src(%arg9 : memref<96x128xf32, #tpu.memory_space<vmem>>) dst(%dma_wait3A_461 : memref<10008x128xf32, #tpu.memory_space<vmem_shared>>)
      } else {
      }
      %add3A_328 = arith.constant 5 : i32
      %add3A_329 = arith.addi %add3A_316, %add3A_328 : i32
      %lt3A_330 = arith.constant 216 : i32
      %lt3A_331 = arith.cmpi slt, %add3A_329, %lt3A_330 : i32
      %convert_element_type3A_332 = arith.extui %lt3A_331 : i1 to i32
      %cond3A_333 = arith.constant 0 : i32
      %cond3A_334 = arith.cmpi ne, %convert_element_type3A_332, %cond3A_333 : i32
      scf.if %cond3A_334 {
        %add3A_459 = arith.constant 5 : i32
        %add3A_460 = arith.addi %add3A_316, %add3A_459 : i32
        %mul3A_461 = arith.constant 96 : i32
        %mul3A_462 = arith.muli %add3A_460, %mul3A_461 : i32
        %add3A_463 = arith.addi %add3A, %mul3A_462 : i32
        %dma_start3A_464 = tpu.memref_slice %arg3[%add3A_463] : memref<663552xi32, #tpu.memory_space<hbm>> -> memref<96xi32, #tpu.memory_space<hbm>>
        %dma_start3A_465 = tpu.memref_slice %arg3[%add3A_463] : memref<663552xi32, #tpu.memory_space<hbm>> -> memref<96xi32, #tpu.memory_space<hbm>>
        tpu.enqueue_dma source(%dma_start3A_465 : memref<96xi32, #tpu.memory_space<hbm>>) target(%arg11 : memref<96xi32, #tpu.memory_space<vmem>>) target_semaphore(%arg31 : memref<!tpu.dma_semaphore, #tpu.memory_space<semaphore_mem>>)
        %mul3A_466 = arith.constant 96 : i32
        %mul3A_467 = arith.muli %add3A_460, %mul3A_466 : i32
        %add3A_468 = arith.addi %mul3A_14, %mul3A_467 : i32
        %dma_start3A_469 = tpu.memref_slice %arg4[%add3A_468] : memref<331776xi32, #tpu.memory_space<hbm>> -> memref<96xi32, #tpu.memory_space<hbm>>
        %dma_start3A_470 = tpu.memref_slice %arg4[%add3A_468] : memref<331776xi32, #tpu.memory_space<hbm>> -> memref<96xi32, #tpu.memory_space<hbm>>
        tpu.enqueue_dma source(%dma_start3A_470 : memref<96xi32, #tpu.memory_space<hbm>>) target(%arg17 : memref<96xi32, #tpu.memory_space<vmem>>) target_semaphore(%arg31 : memref<!tpu.dma_semaphore, #tpu.memory_space<semaphore_mem>>)
      } else {
      }
      %add3A_335 = arith.constant 3 : i32
      %add3A_336 = arith.addi %add3A_316, %add3A_335 : i32
      %lt3A_337 = arith.constant 216 : i32
      %lt3A_338 = arith.cmpi slt, %add3A_336, %lt3A_337 : i32
      %convert_element_type3A_339 = arith.extui %lt3A_338 : i1 to i32
      %cond3A_340 = arith.constant 0 : i32
      %cond3A_341 = arith.cmpi ne, %convert_element_type3A_339, %cond3A_340 : i32
      scf.if %cond3A_341 {
        %add3A_459 = arith.constant 3 : i32
        %add3A_460 = arith.addi %add3A_316, %add3A_459 : i32
        %mul3A_461 = arith.constant 96 : i32
        %mul3A_462 = arith.muli %add3A_460, %mul3A_461 : i32
        %add3A_463 = arith.addi %add3A, %mul3A_462 : i32
        %dma_wait3A_464 = tpu.memref_slice %arg3[%add3A_463] : memref<663552xi32, #tpu.memory_space<hbm>> -> memref<96xi32, #tpu.memory_space<hbm>>
        %dma_wait3A_465 = tpu.memref_slice %arg3[%add3A_463] : memref<663552xi32, #tpu.memory_space<hbm>> -> memref<96xi32, #tpu.memory_space<hbm>>
        tpu.wait_dma2 semaphore(%arg35 : memref<!tpu.dma_semaphore, #tpu.memory_space<semaphore_mem>>) src(%dma_wait3A_465 : memref<96xi32, #tpu.memory_space<hbm>>) dst(%arg15 : memref<96xi32, #tpu.memory_space<vmem>>)
        %mul3A_466 = arith.constant 96 : i32
        %mul3A_467 = arith.muli %add3A_460, %mul3A_466 : i32
        %add3A_468 = arith.addi %mul3A_14, %mul3A_467 : i32
        %dma_wait3A_469 = tpu.memref_slice %arg4[%add3A_468] : memref<331776xi32, #tpu.memory_space<hbm>> -> memref<96xi32, #tpu.memory_space<hbm>>
        %dma_wait3A_470 = tpu.memref_slice %arg4[%add3A_468] : memref<331776xi32, #tpu.memory_space<hbm>> -> memref<96xi32, #tpu.memory_space<hbm>>
        tpu.wait_dma2 semaphore(%arg35 : memref<!tpu.dma_semaphore, #tpu.memory_space<semaphore_mem>>) src(%dma_wait3A_470 : memref<96xi32, #tpu.memory_space<hbm>>) dst(%arg21 : memref<96xi32, #tpu.memory_space<vmem>>)
        %dma_start3A_471 = arith.constant 0 : i32
        %dma_start3A_472 = arith.constant 0 : i32
        %dma_start3A_473 = tpu.memref_slice %arg2[%dma_start3A_471, %dma_start3A_472] : memref<20000x128xf32, #tpu.memory_space<hbm>> -> memref<20000x128xf32, #tpu.memory_space<hbm>>
        tpu.enqueue_indirect_dma source(%dma_start3A_473 : memref<20000x128xf32, #tpu.memory_space<hbm>>) target(%arg9 : memref<96x128xf32, #tpu.memory_space<vmem>>) offsets(%arg15 : memref<96xi32, #tpu.memory_space<vmem>>) semaphore(%arg25 : memref<!tpu.dma_semaphore, #tpu.memory_space<semaphore_mem>>)
      } else {
      }
      %mul3A_342 = arith.constant 12 : i32
      %mul3A_343 = arith.muli %mul3A_342, %scan3A_109 : i32
      %add3A_344 = arith.constant 8 : i32
      %add3A_345 = arith.addi %mul3A_343, %add3A_344 : i32
      %dma_wait3A_346 = arith.constant 0 : i32
      %dma_wait3A_347 = arith.constant 0 : i32
      %dma_wait3A_348 = tpu.memref_slice %arg2[%dma_wait3A_346, %dma_wait3A_347] : memref<20000x128xf32, #tpu.memory_space<hbm>> -> memref<20000x128xf32, #tpu.memory_space<hbm>>
      tpu.wait_indirect_dma semaphore(%arg23 : memref<!tpu.dma_semaphore, #tpu.memory_space<semaphore_mem>>) src(%dma_wait3A_348 : memref<20000x128xf32, #tpu.memory_space<hbm>>) dst(%arg7 : memref<96x128xf32, #tpu.memory_space<vmem>>)
      %dma_start3A_349 = arith.constant 0 : i32
      %dma_start3A_350 = arith.constant 0 : i32
      %dma_start3A_351 = tpu.memref_slice %arg6[%dma_start3A_349, %dma_start3A_350] : memref<10008x128xf32, #tpu.memory_space<vmem_shared>> -> memref<10008x128xf32, #tpu.memory_space<vmem_shared>>
      tpu.enqueue_indirect_dma source(%arg7 : memref<96x128xf32, #tpu.memory_space<vmem>>) target(%dma_start3A_351 : memref<10008x128xf32, #tpu.memory_space<vmem_shared>>) offsets(%arg19 : memref<96xi32, #tpu.memory_space<vmem>>) semaphore(%arg27 : memref<!tpu.dma_semaphore, #tpu.memory_space<semaphore_mem>>) {add = true}
      %ge3A_352 = arith.constant 1 : i32
      %ge3A_353 = arith.cmpi sge, %add3A_345, %ge3A_352 : i32
      %convert_element_type3A_354 = arith.extui %ge3A_353 : i1 to i32
      %cond3A_355 = arith.constant 0 : i32
      %cond3A_356 = arith.cmpi ne, %convert_element_type3A_354, %cond3A_355 : i32
      scf.if %cond3A_356 {
        %dma_wait3A_459 = arith.constant 0 : i32
        %dma_wait3A_460 = arith.constant 0 : i32
        %dma_wait3A_461 = tpu.memref_slice %arg6[%dma_wait3A_459, %dma_wait3A_460] : memref<10008x128xf32, #tpu.memory_space<vmem_shared>> -> memref<10008x128xf32, #tpu.memory_space<vmem_shared>>
        tpu.wait_indirect_dma semaphore(%arg30 : memref<!tpu.dma_semaphore, #tpu.memory_space<semaphore_mem>>) src(%arg10 : memref<96x128xf32, #tpu.memory_space<vmem>>) dst(%dma_wait3A_461 : memref<10008x128xf32, #tpu.memory_space<vmem_shared>>)
      } else {
      }
      %add3A_357 = arith.constant 5 : i32
      %add3A_358 = arith.addi %add3A_345, %add3A_357 : i32
      %lt3A_359 = arith.constant 216 : i32
      %lt3A_360 = arith.cmpi slt, %add3A_358, %lt3A_359 : i32
      %convert_element_type3A_361 = arith.extui %lt3A_360 : i1 to i32
      %cond3A_362 = arith.constant 0 : i32
      %cond3A_363 = arith.cmpi ne, %convert_element_type3A_361, %cond3A_362 : i32
      scf.if %cond3A_363 {
        %add3A_459 = arith.constant 5 : i32
        %add3A_460 = arith.addi %add3A_345, %add3A_459 : i32
        %mul3A_461 = arith.constant 96 : i32
        %mul3A_462 = arith.muli %add3A_460, %mul3A_461 : i32
        %add3A_463 = arith.addi %add3A, %mul3A_462 : i32
        %dma_start3A_464 = tpu.memref_slice %arg3[%add3A_463] : memref<663552xi32, #tpu.memory_space<hbm>> -> memref<96xi32, #tpu.memory_space<hbm>>
        %dma_start3A_465 = tpu.memref_slice %arg3[%add3A_463] : memref<663552xi32, #tpu.memory_space<hbm>> -> memref<96xi32, #tpu.memory_space<hbm>>
        tpu.enqueue_dma source(%dma_start3A_465 : memref<96xi32, #tpu.memory_space<hbm>>) target(%arg12 : memref<96xi32, #tpu.memory_space<vmem>>) target_semaphore(%arg32 : memref<!tpu.dma_semaphore, #tpu.memory_space<semaphore_mem>>)
        %mul3A_466 = arith.constant 96 : i32
        %mul3A_467 = arith.muli %add3A_460, %mul3A_466 : i32
        %add3A_468 = arith.addi %mul3A_14, %mul3A_467 : i32
        %dma_start3A_469 = tpu.memref_slice %arg4[%add3A_468] : memref<331776xi32, #tpu.memory_space<hbm>> -> memref<96xi32, #tpu.memory_space<hbm>>
        %dma_start3A_470 = tpu.memref_slice %arg4[%add3A_468] : memref<331776xi32, #tpu.memory_space<hbm>> -> memref<96xi32, #tpu.memory_space<hbm>>
        tpu.enqueue_dma source(%dma_start3A_470 : memref<96xi32, #tpu.memory_space<hbm>>) target(%arg18 : memref<96xi32, #tpu.memory_space<vmem>>) target_semaphore(%arg32 : memref<!tpu.dma_semaphore, #tpu.memory_space<semaphore_mem>>)
      } else {
      }
      %add3A_364 = arith.constant 3 : i32
      %add3A_365 = arith.addi %add3A_345, %add3A_364 : i32
      %lt3A_366 = arith.constant 216 : i32
      %lt3A_367 = arith.cmpi slt, %add3A_365, %lt3A_366 : i32
      %convert_element_type3A_368 = arith.extui %lt3A_367 : i1 to i32
      %cond3A_369 = arith.constant 0 : i32
      %cond3A_370 = arith.cmpi ne, %convert_element_type3A_368, %cond3A_369 : i32
      scf.if %cond3A_370 {
        %add3A_459 = arith.constant 3 : i32
        %add3A_460 = arith.addi %add3A_345, %add3A_459 : i32
        %mul3A_461 = arith.constant 96 : i32
        %mul3A_462 = arith.muli %add3A_460, %mul3A_461 : i32
        %add3A_463 = arith.addi %add3A, %mul3A_462 : i32
        %dma_wait3A_464 = tpu.memref_slice %arg3[%add3A_463] : memref<663552xi32, #tpu.memory_space<hbm>> -> memref<96xi32, #tpu.memory_space<hbm>>
        %dma_wait3A_465 = tpu.memref_slice %arg3[%add3A_463] : memref<663552xi32, #tpu.memory_space<hbm>> -> memref<96xi32, #tpu.memory_space<hbm>>
        tpu.wait_dma2 semaphore(%arg36 : memref<!tpu.dma_semaphore, #tpu.memory_space<semaphore_mem>>) src(%dma_wait3A_465 : memref<96xi32, #tpu.memory_space<hbm>>) dst(%arg16 : memref<96xi32, #tpu.memory_space<vmem>>)
        %mul3A_466 = arith.constant 96 : i32
        %mul3A_467 = arith.muli %add3A_460, %mul3A_466 : i32
        %add3A_468 = arith.addi %mul3A_14, %mul3A_467 : i32
        %dma_wait3A_469 = tpu.memref_slice %arg4[%add3A_468] : memref<331776xi32, #tpu.memory_space<hbm>> -> memref<96xi32, #tpu.memory_space<hbm>>
        %dma_wait3A_470 = tpu.memref_slice %arg4[%add3A_468] : memref<331776xi32, #tpu.memory_space<hbm>> -> memref<96xi32, #tpu.memory_space<hbm>>
        tpu.wait_dma2 semaphore(%arg36 : memref<!tpu.dma_semaphore, #tpu.memory_space<semaphore_mem>>) src(%dma_wait3A_470 : memref<96xi32, #tpu.memory_space<hbm>>) dst(%arg22 : memref<96xi32, #tpu.memory_space<vmem>>)
        %dma_start3A_471 = arith.constant 0 : i32
        %dma_start3A_472 = arith.constant 0 : i32
        %dma_start3A_473 = tpu.memref_slice %arg2[%dma_start3A_471, %dma_start3A_472] : memref<20000x128xf32, #tpu.memory_space<hbm>> -> memref<20000x128xf32, #tpu.memory_space<hbm>>
        tpu.enqueue_indirect_dma source(%dma_start3A_473 : memref<20000x128xf32, #tpu.memory_space<hbm>>) target(%arg10 : memref<96x128xf32, #tpu.memory_space<vmem>>) offsets(%arg16 : memref<96xi32, #tpu.memory_space<vmem>>) semaphore(%arg26 : memref<!tpu.dma_semaphore, #tpu.memory_space<semaphore_mem>>)
      } else {
      }
      %mul3A_371 = arith.constant 12 : i32
      %mul3A_372 = arith.muli %mul3A_371, %scan3A_109 : i32
      %add3A_373 = arith.constant 9 : i32
      %add3A_374 = arith.addi %mul3A_372, %add3A_373 : i32
      %dma_wait3A_375 = arith.constant 0 : i32
      %dma_wait3A_376 = arith.constant 0 : i32
      %dma_wait3A_377 = tpu.memref_slice %arg2[%dma_wait3A_375, %dma_wait3A_376] : memref<20000x128xf32, #tpu.memory_space<hbm>> -> memref<20000x128xf32, #tpu.memory_space<hbm>>
      tpu.wait_indirect_dma semaphore(%arg24 : memref<!tpu.dma_semaphore, #tpu.memory_space<semaphore_mem>>) src(%dma_wait3A_377 : memref<20000x128xf32, #tpu.memory_space<hbm>>) dst(%arg8 : memref<96x128xf32, #tpu.memory_space<vmem>>)
      %dma_start3A_378 = arith.constant 0 : i32
      %dma_start3A_379 = arith.constant 0 : i32
      %dma_start3A_380 = tpu.memref_slice %arg6[%dma_start3A_378, %dma_start3A_379] : memref<10008x128xf32, #tpu.memory_space<vmem_shared>> -> memref<10008x128xf32, #tpu.memory_space<vmem_shared>>
      tpu.enqueue_indirect_dma source(%arg8 : memref<96x128xf32, #tpu.memory_space<vmem>>) target(%dma_start3A_380 : memref<10008x128xf32, #tpu.memory_space<vmem_shared>>) offsets(%arg20 : memref<96xi32, #tpu.memory_space<vmem>>) semaphore(%arg28 : memref<!tpu.dma_semaphore, #tpu.memory_space<semaphore_mem>>) {add = true}
      %ge3A_381 = arith.constant 1 : i32
      %ge3A_382 = arith.cmpi sge, %add3A_374, %ge3A_381 : i32
      %convert_element_type3A_383 = arith.extui %ge3A_382 : i1 to i32
      %cond3A_384 = arith.constant 0 : i32
      %cond3A_385 = arith.cmpi ne, %convert_element_type3A_383, %cond3A_384 : i32
      scf.if %cond3A_385 {
        %dma_wait3A_459 = arith.constant 0 : i32
        %dma_wait3A_460 = arith.constant 0 : i32
        %dma_wait3A_461 = tpu.memref_slice %arg6[%dma_wait3A_459, %dma_wait3A_460] : memref<10008x128xf32, #tpu.memory_space<vmem_shared>> -> memref<10008x128xf32, #tpu.memory_space<vmem_shared>>
        tpu.wait_indirect_dma semaphore(%arg27 : memref<!tpu.dma_semaphore, #tpu.memory_space<semaphore_mem>>) src(%arg7 : memref<96x128xf32, #tpu.memory_space<vmem>>) dst(%dma_wait3A_461 : memref<10008x128xf32, #tpu.memory_space<vmem_shared>>)
      } else {
      }
      %add3A_386 = arith.constant 5 : i32
      %add3A_387 = arith.addi %add3A_374, %add3A_386 : i32
      %lt3A_388 = arith.constant 216 : i32
      %lt3A_389 = arith.cmpi slt, %add3A_387, %lt3A_388 : i32
      %convert_element_type3A_390 = arith.extui %lt3A_389 : i1 to i32
      %cond3A_391 = arith.constant 0 : i32
      %cond3A_392 = arith.cmpi ne, %convert_element_type3A_390, %cond3A_391 : i32
      scf.if %cond3A_392 {
        %add3A_459 = arith.constant 5 : i32
        %add3A_460 = arith.addi %add3A_374, %add3A_459 : i32
        %mul3A_461 = arith.constant 96 : i32
        %mul3A_462 = arith.muli %add3A_460, %mul3A_461 : i32
        %add3A_463 = arith.addi %add3A, %mul3A_462 : i32
        %dma_start3A_464 = tpu.memref_slice %arg3[%add3A_463] : memref<663552xi32, #tpu.memory_space<hbm>> -> memref<96xi32, #tpu.memory_space<hbm>>
        %dma_start3A_465 = tpu.memref_slice %arg3[%add3A_463] : memref<663552xi32, #tpu.memory_space<hbm>> -> memref<96xi32, #tpu.memory_space<hbm>>
        tpu.enqueue_dma source(%dma_start3A_465 : memref<96xi32, #tpu.memory_space<hbm>>) target(%arg13 : memref<96xi32, #tpu.memory_space<vmem>>) target_semaphore(%arg33 : memref<!tpu.dma_semaphore, #tpu.memory_space<semaphore_mem>>)
        %mul3A_466 = arith.constant 96 : i32
        %mul3A_467 = arith.muli %add3A_460, %mul3A_466 : i32
        %add3A_468 = arith.addi %mul3A_14, %mul3A_467 : i32
        %dma_start3A_469 = tpu.memref_slice %arg4[%add3A_468] : memref<331776xi32, #tpu.memory_space<hbm>> -> memref<96xi32, #tpu.memory_space<hbm>>
        %dma_start3A_470 = tpu.memref_slice %arg4[%add3A_468] : memref<331776xi32, #tpu.memory_space<hbm>> -> memref<96xi32, #tpu.memory_space<hbm>>
        tpu.enqueue_dma source(%dma_start3A_470 : memref<96xi32, #tpu.memory_space<hbm>>) target(%arg19 : memref<96xi32, #tpu.memory_space<vmem>>) target_semaphore(%arg33 : memref<!tpu.dma_semaphore, #tpu.memory_space<semaphore_mem>>)
      } else {
      }
      %add3A_393 = arith.constant 3 : i32
      %add3A_394 = arith.addi %add3A_374, %add3A_393 : i32
      %lt3A_395 = arith.constant 216 : i32
      %lt3A_396 = arith.cmpi slt, %add3A_394, %lt3A_395 : i32
      %convert_element_type3A_397 = arith.extui %lt3A_396 : i1 to i32
      %cond3A_398 = arith.constant 0 : i32
      %cond3A_399 = arith.cmpi ne, %convert_element_type3A_397, %cond3A_398 : i32
      scf.if %cond3A_399 {
        %add3A_459 = arith.constant 3 : i32
        %add3A_460 = arith.addi %add3A_374, %add3A_459 : i32
        %mul3A_461 = arith.constant 96 : i32
        %mul3A_462 = arith.muli %add3A_460, %mul3A_461 : i32
        %add3A_463 = arith.addi %add3A, %mul3A_462 : i32
        %dma_wait3A_464 = tpu.memref_slice %arg3[%add3A_463] : memref<663552xi32, #tpu.memory_space<hbm>> -> memref<96xi32, #tpu.memory_space<hbm>>
        %dma_wait3A_465 = tpu.memref_slice %arg3[%add3A_463] : memref<663552xi32, #tpu.memory_space<hbm>> -> memref<96xi32, #tpu.memory_space<hbm>>
        tpu.wait_dma2 semaphore(%arg31 : memref<!tpu.dma_semaphore, #tpu.memory_space<semaphore_mem>>) src(%dma_wait3A_465 : memref<96xi32, #tpu.memory_space<hbm>>) dst(%arg11 : memref<96xi32, #tpu.memory_space<vmem>>)
        %mul3A_466 = arith.constant 96 : i32
        %mul3A_467 = arith.muli %add3A_460, %mul3A_466 : i32
        %add3A_468 = arith.addi %mul3A_14, %mul3A_467 : i32
        %dma_wait3A_469 = tpu.memref_slice %arg4[%add3A_468] : memref<331776xi32, #tpu.memory_space<hbm>> -> memref<96xi32, #tpu.memory_space<hbm>>
        %dma_wait3A_470 = tpu.memref_slice %arg4[%add3A_468] : memref<331776xi32, #tpu.memory_space<hbm>> -> memref<96xi32, #tpu.memory_space<hbm>>
        tpu.wait_dma2 semaphore(%arg31 : memref<!tpu.dma_semaphore, #tpu.memory_space<semaphore_mem>>) src(%dma_wait3A_470 : memref<96xi32, #tpu.memory_space<hbm>>) dst(%arg17 : memref<96xi32, #tpu.memory_space<vmem>>)
        %dma_start3A_471 = arith.constant 0 : i32
        %dma_start3A_472 = arith.constant 0 : i32
        %dma_start3A_473 = tpu.memref_slice %arg2[%dma_start3A_471, %dma_start3A_472] : memref<20000x128xf32, #tpu.memory_space<hbm>> -> memref<20000x128xf32, #tpu.memory_space<hbm>>
        tpu.enqueue_indirect_dma source(%dma_start3A_473 : memref<20000x128xf32, #tpu.memory_space<hbm>>) target(%arg7 : memref<96x128xf32, #tpu.memory_space<vmem>>) offsets(%arg11 : memref<96xi32, #tpu.memory_space<vmem>>) semaphore(%arg23 : memref<!tpu.dma_semaphore, #tpu.memory_space<semaphore_mem>>)
      } else {
      }
      %mul3A_400 = arith.constant 12 : i32
      %mul3A_401 = arith.muli %mul3A_400, %scan3A_109 : i32
      %add3A_402 = arith.constant 10 : i32
      %add3A_403 = arith.addi %mul3A_401, %add3A_402 : i32
      %dma_wait3A_404 = arith.constant 0 : i32
      %dma_wait3A_405 = arith.constant 0 : i32
      %dma_wait3A_406 = tpu.memref_slice %arg2[%dma_wait3A_404, %dma_wait3A_405] : memref<20000x128xf32, #tpu.memory_space<hbm>> -> memref<20000x128xf32, #tpu.memory_space<hbm>>
      tpu.wait_indirect_dma semaphore(%arg25 : memref<!tpu.dma_semaphore, #tpu.memory_space<semaphore_mem>>) src(%dma_wait3A_406 : memref<20000x128xf32, #tpu.memory_space<hbm>>) dst(%arg9 : memref<96x128xf32, #tpu.memory_space<vmem>>)
      %dma_start3A_407 = arith.constant 0 : i32
      %dma_start3A_408 = arith.constant 0 : i32
      %dma_start3A_409 = tpu.memref_slice %arg6[%dma_start3A_407, %dma_start3A_408] : memref<10008x128xf32, #tpu.memory_space<vmem_shared>> -> memref<10008x128xf32, #tpu.memory_space<vmem_shared>>
      tpu.enqueue_indirect_dma source(%arg9 : memref<96x128xf32, #tpu.memory_space<vmem>>) target(%dma_start3A_409 : memref<10008x128xf32, #tpu.memory_space<vmem_shared>>) offsets(%arg21 : memref<96xi32, #tpu.memory_space<vmem>>) semaphore(%arg29 : memref<!tpu.dma_semaphore, #tpu.memory_space<semaphore_mem>>) {add = true}
      %ge3A_410 = arith.constant 1 : i32
      %ge3A_411 = arith.cmpi sge, %add3A_403, %ge3A_410 : i32
      %convert_element_type3A_412 = arith.extui %ge3A_411 : i1 to i32
      %cond3A_413 = arith.constant 0 : i32
      %cond3A_414 = arith.cmpi ne, %convert_element_type3A_412, %cond3A_413 : i32
      scf.if %cond3A_414 {
        %dma_wait3A_459 = arith.constant 0 : i32
        %dma_wait3A_460 = arith.constant 0 : i32
        %dma_wait3A_461 = tpu.memref_slice %arg6[%dma_wait3A_459, %dma_wait3A_460] : memref<10008x128xf32, #tpu.memory_space<vmem_shared>> -> memref<10008x128xf32, #tpu.memory_space<vmem_shared>>
        tpu.wait_indirect_dma semaphore(%arg28 : memref<!tpu.dma_semaphore, #tpu.memory_space<semaphore_mem>>) src(%arg8 : memref<96x128xf32, #tpu.memory_space<vmem>>) dst(%dma_wait3A_461 : memref<10008x128xf32, #tpu.memory_space<vmem_shared>>)
      } else {
      }
      %add3A_415 = arith.constant 5 : i32
      %add3A_416 = arith.addi %add3A_403, %add3A_415 : i32
      %lt3A_417 = arith.constant 216 : i32
      %lt3A_418 = arith.cmpi slt, %add3A_416, %lt3A_417 : i32
      %convert_element_type3A_419 = arith.extui %lt3A_418 : i1 to i32
      %cond3A_420 = arith.constant 0 : i32
      %cond3A_421 = arith.cmpi ne, %convert_element_type3A_419, %cond3A_420 : i32
      scf.if %cond3A_421 {
        %add3A_459 = arith.constant 5 : i32
        %add3A_460 = arith.addi %add3A_403, %add3A_459 : i32
        %mul3A_461 = arith.constant 96 : i32
        %mul3A_462 = arith.muli %add3A_460, %mul3A_461 : i32
        %add3A_463 = arith.addi %add3A, %mul3A_462 : i32
        %dma_start3A_464 = tpu.memref_slice %arg3[%add3A_463] : memref<663552xi32, #tpu.memory_space<hbm>> -> memref<96xi32, #tpu.memory_space<hbm>>
        %dma_start3A_465 = tpu.memref_slice %arg3[%add3A_463] : memref<663552xi32, #tpu.memory_space<hbm>> -> memref<96xi32, #tpu.memory_space<hbm>>
        tpu.enqueue_dma source(%dma_start3A_465 : memref<96xi32, #tpu.memory_space<hbm>>) target(%arg14 : memref<96xi32, #tpu.memory_space<vmem>>) target_semaphore(%arg34 : memref<!tpu.dma_semaphore, #tpu.memory_space<semaphore_mem>>)
        %mul3A_466 = arith.constant 96 : i32
        %mul3A_467 = arith.muli %add3A_460, %mul3A_466 : i32
        %add3A_468 = arith.addi %mul3A_14, %mul3A_467 : i32
        %dma_start3A_469 = tpu.memref_slice %arg4[%add3A_468] : memref<331776xi32, #tpu.memory_space<hbm>> -> memref<96xi32, #tpu.memory_space<hbm>>
        %dma_start3A_470 = tpu.memref_slice %arg4[%add3A_468] : memref<331776xi32, #tpu.memory_space<hbm>> -> memref<96xi32, #tpu.memory_space<hbm>>
        tpu.enqueue_dma source(%dma_start3A_470 : memref<96xi32, #tpu.memory_space<hbm>>) target(%arg20 : memref<96xi32, #tpu.memory_space<vmem>>) target_semaphore(%arg34 : memref<!tpu.dma_semaphore, #tpu.memory_space<semaphore_mem>>)
      } else {
      }
      %add3A_422 = arith.constant 3 : i32
      %add3A_423 = arith.addi %add3A_403, %add3A_422 : i32
      %lt3A_424 = arith.constant 216 : i32
      %lt3A_425 = arith.cmpi slt, %add3A_423, %lt3A_424 : i32
      %convert_element_type3A_426 = arith.extui %lt3A_425 : i1 to i32
      %cond3A_427 = arith.constant 0 : i32
      %cond3A_428 = arith.cmpi ne, %convert_element_type3A_426, %cond3A_427 : i32
      scf.if %cond3A_428 {
        %add3A_459 = arith.constant 3 : i32
        %add3A_460 = arith.addi %add3A_403, %add3A_459 : i32
        %mul3A_461 = arith.constant 96 : i32
        %mul3A_462 = arith.muli %add3A_460, %mul3A_461 : i32
        %add3A_463 = arith.addi %add3A, %mul3A_462 : i32
        %dma_wait3A_464 = tpu.memref_slice %arg3[%add3A_463] : memref<663552xi32, #tpu.memory_space<hbm>> -> memref<96xi32, #tpu.memory_space<hbm>>
        %dma_wait3A_465 = tpu.memref_slice %arg3[%add3A_463] : memref<663552xi32, #tpu.memory_space<hbm>> -> memref<96xi32, #tpu.memory_space<hbm>>
        tpu.wait_dma2 semaphore(%arg32 : memref<!tpu.dma_semaphore, #tpu.memory_space<semaphore_mem>>) src(%dma_wait3A_465 : memref<96xi32, #tpu.memory_space<hbm>>) dst(%arg12 : memref<96xi32, #tpu.memory_space<vmem>>)
        %mul3A_466 = arith.constant 96 : i32
        %mul3A_467 = arith.muli %add3A_460, %mul3A_466 : i32
        %add3A_468 = arith.addi %mul3A_14, %mul3A_467 : i32
        %dma_wait3A_469 = tpu.memref_slice %arg4[%add3A_468] : memref<331776xi32, #tpu.memory_space<hbm>> -> memref<96xi32, #tpu.memory_space<hbm>>
        %dma_wait3A_470 = tpu.memref_slice %arg4[%add3A_468] : memref<331776xi32, #tpu.memory_space<hbm>> -> memref<96xi32, #tpu.memory_space<hbm>>
        tpu.wait_dma2 semaphore(%arg32 : memref<!tpu.dma_semaphore, #tpu.memory_space<semaphore_mem>>) src(%dma_wait3A_470 : memref<96xi32, #tpu.memory_space<hbm>>) dst(%arg18 : memref<96xi32, #tpu.memory_space<vmem>>)
        %dma_start3A_471 = arith.constant 0 : i32
        %dma_start3A_472 = arith.constant 0 : i32
        %dma_start3A_473 = tpu.memref_slice %arg2[%dma_start3A_471, %dma_start3A_472] : memref<20000x128xf32, #tpu.memory_space<hbm>> -> memref<20000x128xf32, #tpu.memory_space<hbm>>
        tpu.enqueue_indirect_dma source(%dma_start3A_473 : memref<20000x128xf32, #tpu.memory_space<hbm>>) target(%arg8 : memref<96x128xf32, #tpu.memory_space<vmem>>) offsets(%arg12 : memref<96xi32, #tpu.memory_space<vmem>>) semaphore(%arg24 : memref<!tpu.dma_semaphore, #tpu.memory_space<semaphore_mem>>)
      } else {
      }
      %mul3A_429 = arith.constant 12 : i32
      %mul3A_430 = arith.muli %mul3A_429, %scan3A_109 : i32
      %add3A_431 = arith.constant 11 : i32
      %add3A_432 = arith.addi %mul3A_430, %add3A_431 : i32
      %dma_wait3A_433 = arith.constant 0 : i32
      %dma_wait3A_434 = arith.constant 0 : i32
      %dma_wait3A_435 = tpu.memref_slice %arg2[%dma_wait3A_433, %dma_wait3A_434] : memref<20000x128xf32, #tpu.memory_space<hbm>> -> memref<20000x128xf32, #tpu.memory_space<hbm>>
      tpu.wait_indirect_dma semaphore(%arg26 : memref<!tpu.dma_semaphore, #tpu.memory_space<semaphore_mem>>) src(%dma_wait3A_435 : memref<20000x128xf32, #tpu.memory_space<hbm>>) dst(%arg10 : memref<96x128xf32, #tpu.memory_space<vmem>>)
      %dma_start3A_436 = arith.constant 0 : i32
      %dma_start3A_437 = arith.constant 0 : i32
      %dma_start3A_438 = tpu.memref_slice %arg6[%dma_start3A_436, %dma_start3A_437] : memref<10008x128xf32, #tpu.memory_space<vmem_shared>> -> memref<10008x128xf32, #tpu.memory_space<vmem_shared>>
      tpu.enqueue_indirect_dma source(%arg10 : memref<96x128xf32, #tpu.memory_space<vmem>>) target(%dma_start3A_438 : memref<10008x128xf32, #tpu.memory_space<vmem_shared>>) offsets(%arg22 : memref<96xi32, #tpu.memory_space<vmem>>) semaphore(%arg30 : memref<!tpu.dma_semaphore, #tpu.memory_space<semaphore_mem>>) {add = true}
      %ge3A_439 = arith.constant 1 : i32
      %ge3A_440 = arith.cmpi sge, %add3A_432, %ge3A_439 : i32
      %convert_element_type3A_441 = arith.extui %ge3A_440 : i1 to i32
      %cond3A_442 = arith.constant 0 : i32
      %cond3A_443 = arith.cmpi ne, %convert_element_type3A_441, %cond3A_442 : i32
      scf.if %cond3A_443 {
        %dma_wait3A_459 = arith.constant 0 : i32
        %dma_wait3A_460 = arith.constant 0 : i32
        %dma_wait3A_461 = tpu.memref_slice %arg6[%dma_wait3A_459, %dma_wait3A_460] : memref<10008x128xf32, #tpu.memory_space<vmem_shared>> -> memref<10008x128xf32, #tpu.memory_space<vmem_shared>>
        tpu.wait_indirect_dma semaphore(%arg29 : memref<!tpu.dma_semaphore, #tpu.memory_space<semaphore_mem>>) src(%arg9 : memref<96x128xf32, #tpu.memory_space<vmem>>) dst(%dma_wait3A_461 : memref<10008x128xf32, #tpu.memory_space<vmem_shared>>)
      } else {
      }
      %add3A_444 = arith.constant 5 : i32
      %add3A_445 = arith.addi %add3A_432, %add3A_444 : i32
      %lt3A_446 = arith.constant 216 : i32
      %lt3A_447 = arith.cmpi slt, %add3A_445, %lt3A_446 : i32
      %convert_element_type3A_448 = arith.extui %lt3A_447 : i1 to i32
      %cond3A_449 = arith.constant 0 : i32
      %cond3A_450 = arith.cmpi ne, %convert_element_type3A_448, %cond3A_449 : i32
      scf.if %cond3A_450 {
        %add3A_459 = arith.constant 5 : i32
        %add3A_460 = arith.addi %add3A_432, %add3A_459 : i32
        %mul3A_461 = arith.constant 96 : i32
        %mul3A_462 = arith.muli %add3A_460, %mul3A_461 : i32
        %add3A_463 = arith.addi %add3A, %mul3A_462 : i32
        %dma_start3A_464 = tpu.memref_slice %arg3[%add3A_463] : memref<663552xi32, #tpu.memory_space<hbm>> -> memref<96xi32, #tpu.memory_space<hbm>>
        %dma_start3A_465 = tpu.memref_slice %arg3[%add3A_463] : memref<663552xi32, #tpu.memory_space<hbm>> -> memref<96xi32, #tpu.memory_space<hbm>>
        tpu.enqueue_dma source(%dma_start3A_465 : memref<96xi32, #tpu.memory_space<hbm>>) target(%arg15 : memref<96xi32, #tpu.memory_space<vmem>>) target_semaphore(%arg35 : memref<!tpu.dma_semaphore, #tpu.memory_space<semaphore_mem>>)
        %mul3A_466 = arith.constant 96 : i32
        %mul3A_467 = arith.muli %add3A_460, %mul3A_466 : i32
        %add3A_468 = arith.addi %mul3A_14, %mul3A_467 : i32
        %dma_start3A_469 = tpu.memref_slice %arg4[%add3A_468] : memref<331776xi32, #tpu.memory_space<hbm>> -> memref<96xi32, #tpu.memory_space<hbm>>
        %dma_start3A_470 = tpu.memref_slice %arg4[%add3A_468] : memref<331776xi32, #tpu.memory_space<hbm>> -> memref<96xi32, #tpu.memory_space<hbm>>
        tpu.enqueue_dma source(%dma_start3A_470 : memref<96xi32, #tpu.memory_space<hbm>>) target(%arg21 : memref<96xi32, #tpu.memory_space<vmem>>) target_semaphore(%arg35 : memref<!tpu.dma_semaphore, #tpu.memory_space<semaphore_mem>>)
      } else {
      }
      %add3A_451 = arith.constant 3 : i32
      %add3A_452 = arith.addi %add3A_432, %add3A_451 : i32
      %lt3A_453 = arith.constant 216 : i32
      %lt3A_454 = arith.cmpi slt, %add3A_452, %lt3A_453 : i32
      %convert_element_type3A_455 = arith.extui %lt3A_454 : i1 to i32
      %cond3A_456 = arith.constant 0 : i32
      %cond3A_457 = arith.cmpi ne, %convert_element_type3A_455, %cond3A_456 : i32
      scf.if %cond3A_457 {
        %add3A_459 = arith.constant 3 : i32
        %add3A_460 = arith.addi %add3A_432, %add3A_459 : i32
        %mul3A_461 = arith.constant 96 : i32
        %mul3A_462 = arith.muli %add3A_460, %mul3A_461 : i32
        %add3A_463 = arith.addi %add3A, %mul3A_462 : i32
        %dma_wait3A_464 = tpu.memref_slice %arg3[%add3A_463] : memref<663552xi32, #tpu.memory_space<hbm>> -> memref<96xi32, #tpu.memory_space<hbm>>
        %dma_wait3A_465 = tpu.memref_slice %arg3[%add3A_463] : memref<663552xi32, #tpu.memory_space<hbm>> -> memref<96xi32, #tpu.memory_space<hbm>>
        tpu.wait_dma2 semaphore(%arg33 : memref<!tpu.dma_semaphore, #tpu.memory_space<semaphore_mem>>) src(%dma_wait3A_465 : memref<96xi32, #tpu.memory_space<hbm>>) dst(%arg13 : memref<96xi32, #tpu.memory_space<vmem>>)
        %mul3A_466 = arith.constant 96 : i32
        %mul3A_467 = arith.muli %add3A_460, %mul3A_466 : i32
        %add3A_468 = arith.addi %mul3A_14, %mul3A_467 : i32
        %dma_wait3A_469 = tpu.memref_slice %arg4[%add3A_468] : memref<331776xi32, #tpu.memory_space<hbm>> -> memref<96xi32, #tpu.memory_space<hbm>>
        %dma_wait3A_470 = tpu.memref_slice %arg4[%add3A_468] : memref<331776xi32, #tpu.memory_space<hbm>> -> memref<96xi32, #tpu.memory_space<hbm>>
        tpu.wait_dma2 semaphore(%arg33 : memref<!tpu.dma_semaphore, #tpu.memory_space<semaphore_mem>>) src(%dma_wait3A_470 : memref<96xi32, #tpu.memory_space<hbm>>) dst(%arg19 : memref<96xi32, #tpu.memory_space<vmem>>)
        %dma_start3A_471 = arith.constant 0 : i32
        %dma_start3A_472 = arith.constant 0 : i32
        %dma_start3A_473 = tpu.memref_slice %arg2[%dma_start3A_471, %dma_start3A_472] : memref<20000x128xf32, #tpu.memory_space<hbm>> -> memref<20000x128xf32, #tpu.memory_space<hbm>>
        tpu.enqueue_indirect_dma source(%dma_start3A_473 : memref<20000x128xf32, #tpu.memory_space<hbm>>) target(%arg9 : memref<96x128xf32, #tpu.memory_space<vmem>>) offsets(%arg13 : memref<96xi32, #tpu.memory_space<vmem>>) semaphore(%arg25 : memref<!tpu.dma_semaphore, #tpu.memory_space<semaphore_mem>>)
      } else {
      }
      %scan3A_458 = arith.constant 0 : i32
      scf.yield %scan3A_458 : i32
    }
    %scan3A_94 = arith.constant 18 : i32
    %dma_wait3A_95 = arith.constant 0 : i32
    %dma_wait3A_96 = arith.constant 0 : i32
    %dma_wait3A_97 = tpu.memref_slice %arg6[%dma_wait3A_95, %dma_wait3A_96] : memref<10008x128xf32, #tpu.memory_space<vmem_shared>> -> memref<10008x128xf32, #tpu.memory_space<vmem_shared>>
    tpu.wait_indirect_dma semaphore(%arg30 : memref<!tpu.dma_semaphore, #tpu.memory_space<semaphore_mem>>) src(%arg10 : memref<96x128xf32, #tpu.memory_space<vmem>>) dst(%dma_wait3A_97 : memref<10008x128xf32, #tpu.memory_space<vmem_shared>>)
    %barrier3A_98 = arith.constant 0 : index
    tpu.barrier barrier_id(%barrier3A_98)
    %lt3A_99 = arith.constant 15 : i32
    %lt3A_100 = arith.cmpi slt, %arg1, %lt3A_99 : i32
    %convert_element_type3A_101 = arith.extui %lt3A_100 : i1 to i32
    %cond3A_102 = arith.constant 0 : i32
    %cond3A_103 = arith.cmpi ne, %convert_element_type3A_101, %cond3A_102 : i32
    scf.if %cond3A_103 {
      %mul3A_109 = arith.constant 632 : i32
      %mul3A_110 = arith.muli %arg1, %mul3A_109 : i32
      %mul3A_111 = arith.constant 632 : i32
      %mul3A_112 = arith.muli %arg1, %mul3A_111 : i32
      "tpu.region"() ({
        %run_scoped3A = tpu.sem_alloc : memref<!tpu.dma_semaphore, #tpu.memory_space<semaphore_mem>>
        %dma_start3A_113 = arith.constant 0 : i32
        %dma_start3A_114 = tpu.memref_slice %arg5[%arg0, %mul3A_112, %dma_start3A_113] : memref<2x10008x128xf32, #tpu.memory_space<hbm>> -> memref<1x632x128xf32, #tpu.memory_space<hbm>>
        %dma_start3A_115 = tpu.memref_squeeze %dma_start3A_114 : memref<1x632x128xf32, #tpu.memory_space<hbm>> -> memref<632x128xf32, #tpu.memory_space<hbm>>
        %dma_start3A_116 = arith.constant 0 : i32
        %dma_start3A_117 = tpu.memref_slice %arg6[%mul3A_110, %dma_start3A_116] : memref<10008x128xf32, #tpu.memory_space<vmem_shared>> -> memref<632x128xf32, #tpu.memory_space<vmem_shared>>
        tpu.enqueue_dma source(%dma_start3A_117 : memref<632x128xf32, #tpu.memory_space<vmem_shared>>) target(%dma_start3A_115 : memref<632x128xf32, #tpu.memory_space<hbm>>) target_semaphore(%run_scoped3A : memref<!tpu.dma_semaphore, #tpu.memory_space<semaphore_mem>>)
        %dma_wait3A_118 = arith.constant 0 : i32
        %dma_wait3A_119 = tpu.memref_slice %arg5[%arg0, %mul3A_112, %dma_wait3A_118] : memref<2x10008x128xf32, #tpu.memory_space<hbm>> -> memref<1x632x128xf32, #tpu.memory_space<hbm>>
        %dma_wait3A_120 = tpu.memref_squeeze %dma_wait3A_119 : memref<1x632x128xf32, #tpu.memory_space<hbm>> -> memref<632x128xf32, #tpu.memory_space<hbm>>
        %dma_wait3A_121 = arith.constant 0 : i32
        %dma_wait3A_122 = tpu.memref_slice %arg6[%mul3A_110, %dma_wait3A_121] : memref<10008x128xf32, #tpu.memory_space<vmem_shared>> -> memref<632x128xf32, #tpu.memory_space<vmem_shared>>
        tpu.wait_dma2 semaphore(%run_scoped3A : memref<!tpu.dma_semaphore, #tpu.memory_space<semaphore_mem>>) src(%dma_wait3A_122 : memref<632x128xf32, #tpu.memory_space<vmem_shared>>) dst(%dma_wait3A_120 : memref<632x128xf32, #tpu.memory_space<hbm>>)
        tpu.yield
      }) : () -> ()
    } else {
    }
    %eq3A_104 = arith.constant 15 : i32
    %eq3A_105 = arith.cmpi eq, %arg1, %eq3A_104 : i32
    %convert_element_type3A_106 = arith.extui %eq3A_105 : i1 to i32
    %cond3A_107 = arith.constant 0 : i32
    %cond3A_108 = arith.cmpi ne, %convert_element_type3A_106, %cond3A_107 : i32
    scf.if %cond3A_108 {
      %mul3A_109 = arith.constant 632 : i32
      %mul3A_110 = arith.muli %arg1, %mul3A_109 : i32
      %mul3A_111 = arith.constant 632 : i32
      %mul3A_112 = arith.muli %arg1, %mul3A_111 : i32
      "tpu.region"() ({
        %run_scoped3A = tpu.sem_alloc : memref<!tpu.dma_semaphore, #tpu.memory_space<semaphore_mem>>
        %dma_start3A_113 = arith.constant 0 : i32
        %dma_start3A_114 = tpu.memref_slice %arg5[%arg0, %mul3A_112, %dma_start3A_113] : memref<2x10008x128xf32, #tpu.memory_space<hbm>> -> memref<1x528x128xf32, #tpu.memory_space<hbm>>
        %dma_start3A_115 = tpu.memref_squeeze %dma_start3A_114 : memref<1x528x128xf32, #tpu.memory_space<hbm>> -> memref<528x128xf32, #tpu.memory_space<hbm>>
        %dma_start3A_116 = arith.constant 0 : i32
        %dma_start3A_117 = tpu.memref_slice %arg6[%mul3A_110, %dma_start3A_116] : memref<10008x128xf32, #tpu.memory_space<vmem_shared>> -> memref<528x128xf32, #tpu.memory_space<vmem_shared>>
        tpu.enqueue_dma source(%dma_start3A_117 : memref<528x128xf32, #tpu.memory_space<vmem_shared>>) target(%dma_start3A_115 : memref<528x128xf32, #tpu.memory_space<hbm>>) target_semaphore(%run_scoped3A : memref<!tpu.dma_semaphore, #tpu.memory_space<semaphore_mem>>)
        %dma_wait3A_118 = arith.constant 0 : i32
        %dma_wait3A_119 = tpu.memref_slice %arg5[%arg0, %mul3A_112, %dma_wait3A_118] : memref<2x10008x128xf32, #tpu.memory_space<hbm>> -> memref<1x528x128xf32, #tpu.memory_space<hbm>>
        %dma_wait3A_120 = tpu.memref_squeeze %dma_wait3A_119 : memref<1x528x128xf32, #tpu.memory_space<hbm>> -> memref<528x128xf32, #tpu.memory_space<hbm>>
        %dma_wait3A_121 = arith.constant 0 : i32
        %dma_wait3A_122 = tpu.memref_slice %arg6[%mul3A_110, %dma_wait3A_121] : memref<10008x128xf32, #tpu.memory_space<vmem_shared>> -> memref<528x128xf32, #tpu.memory_space<vmem_shared>>
        tpu.wait_dma2 semaphore(%run_scoped3A : memref<!tpu.dma_semaphore, #tpu.memory_space<semaphore_mem>>) src(%dma_wait3A_122 : memref<528x128xf32, #tpu.memory_space<vmem_shared>>) dst(%dma_wait3A_120 : memref<528x128xf32, #tpu.memory_space<hbm>>)
        tpu.yield
      }) : () -> ()
    } else {
    }
    return
  }
}

#map = affine_map<(d0, d1) -> (0)>
#map1 = affine_map<(d0, d1) -> (0, 0)>
module attributes {stable_mosaic.version = 14 : i64} {
  func.func @_deg_body(%arg0: i32, %arg1: i32, %arg2: memref<331776xi32, #tpu.memory_space<hbm>>, %arg3: memref<20224x16xf32, #tpu.memory_space<hbm>>, %arg4: memref<10112x16xf32, #tpu.memory_space<vmem_shared>>, %arg5: memref<632x16xf32, #tpu.memory_space<vmem>>, %arg6: memref<96x16xf32, #tpu.memory_space<vmem>>, %arg7: memref<96xi32, #tpu.memory_space<vmem>>, %arg8: memref<96xi32, #tpu.memory_space<vmem>>, %arg9: memref<96xi32, #tpu.memory_space<vmem>>, %arg10: memref<96xi32, #tpu.memory_space<vmem>>, %arg11: memref<!tpu.dma_semaphore, #tpu.memory_space<semaphore_mem>>, %arg12: memref<!tpu.dma_semaphore, #tpu.memory_space<semaphore_mem>>, %arg13: memref<!tpu.dma_semaphore, #tpu.memory_space<semaphore_mem>>, %arg14: memref<!tpu.dma_semaphore, #tpu.memory_space<semaphore_mem>>, %arg15: memref<!tpu.dma_semaphore, #tpu.memory_space<semaphore_mem>>, %arg16: memref<!tpu.dma_semaphore, #tpu.memory_space<semaphore_mem>>, %arg17: memref<!tpu.dma_semaphore, #tpu.memory_space<semaphore_mem>>, %arg18: memref<!tpu.dma_semaphore, #tpu.memory_space<semaphore_mem>>) attributes {dimension_semantics = [#tpu.dimension_semantics<core_parallel>, #tpu.dimension_semantics<subcore_parallel>], iteration_bounds = array<i64: 2, 16>, scalar_prefetch = 0 : i64, scratch_operands = 15 : i64, tpu.core_type = #tpu.core_type<sc_vector_subcore>, window_params = [{transform_indices = #map}, {transform_indices = #map1}]} {
    %scan3A = arith.constant 0 : i32
    %scan3A_0 = arith.constant 0 : i32
    %scan3A_1 = arith.constant 632 : i32
    %scan3A_2 = arith.addi %scan3A_0, %scan3A_1 : i32
    %scan3A_3 = arith.constant 1 : i32
    %scan3A_4 = scf.for %scan3A_45 = %scan3A_0 to %scan3A_2 step %scan3A_3 iter_args(%scan3A_46 = %scan3A) -> (i32)  : i32 {
      %broadcast_in_dim3A = arith.constant 0.000000e+00 : f32
      %broadcast_in_dim3A_47 = vector.broadcast %broadcast_in_dim3A : f32 to vector<16xf32>
      %swap3A = arith.index_cast %scan3A_45 : i32 to index
      %swap3A_48 = arith.constant 0 : index
      %swap3A_49 = tpu.vector_load %arg5[%swap3A, %swap3A_48] {strides = array<i32>} : memref<632x16xf32, #tpu.memory_space<vmem>>, vector<1x16xf32>,
      %swap3A_50 = vector.shape_cast %swap3A_49 : vector<1x16xf32> to vector<16xf32>
      %swap3A_51 = vector.shape_cast %broadcast_in_dim3A_47 : vector<16xf32> to vector<1x16xf32>
      tpu.vector_store %arg5[%swap3A, %swap3A_48], %swap3A_51 {strides = array<i32>} : memref<632x16xf32, #tpu.memory_space<vmem>>, vector<1x16xf32>,
      %scan3A_52 = arith.constant 0 : i32
      scf.yield %scan3A_52 : i32
    }
    %scan3A_5 = arith.constant 632 : i32
    %scan3A_6 = arith.constant 0 : i32
    %scan3A_7 = arith.constant 0 : i32
    %scan3A_8 = arith.constant 96 : i32
    %scan3A_9 = arith.addi %scan3A_7, %scan3A_8 : i32
    %scan3A_10 = arith.constant 1 : i32
    %scan3A_11 = scf.for %scan3A_45 = %scan3A_7 to %scan3A_9 step %scan3A_10 iter_args(%scan3A_46 = %scan3A_6) -> (i32)  : i32 {
      %broadcast_in_dim3A = arith.constant 1.000000e+00 : f32
      %broadcast_in_dim3A_47 = vector.broadcast %broadcast_in_dim3A : f32 to vector<16xf32>
      %swap3A = arith.index_cast %scan3A_45 : i32 to index
      %swap3A_48 = arith.constant 0 : index
      %swap3A_49 = tpu.vector_load %arg6[%swap3A, %swap3A_48] {strides = array<i32>} : memref<96x16xf32, #tpu.memory_space<vmem>>, vector<1x16xf32>,
      %swap3A_50 = vector.shape_cast %swap3A_49 : vector<1x16xf32> to vector<16xf32>
      %swap3A_51 = vector.shape_cast %broadcast_in_dim3A_47 : vector<16xf32> to vector<1x16xf32>
      tpu.vector_store %arg6[%swap3A, %swap3A_48], %swap3A_51 {strides = array<i32>} : memref<96x16xf32, #tpu.memory_space<vmem>>, vector<1x16xf32>,
      %scan3A_52 = arith.constant 0 : i32
      scf.yield %scan3A_52 : i32
    }
    %scan3A_12 = arith.constant 96 : i32
    %mul3A = arith.constant 632 : i32
    %mul3A_13 = arith.muli %arg1, %mul3A : i32
    "tpu.region"() ({
      %run_scoped3A = tpu.sem_alloc : memref<!tpu.dma_semaphore, #tpu.memory_space<semaphore_mem>>
      %dma_start3A_45 = arith.constant 0 : i32
      %dma_start3A_46 = tpu.memref_slice %arg4[%mul3A_13, %dma_start3A_45] : memref<10112x16xf32, #tpu.memory_space<vmem_shared>> -> memref<632x16xf32, #tpu.memory_space<vmem_shared>>
      %dma_start3A_47 = arith.constant 0 : i32
      %dma_start3A_48 = tpu.memref_slice %arg4[%mul3A_13, %dma_start3A_47] : memref<10112x16xf32, #tpu.memory_space<vmem_shared>> -> memref<632x16xf32, #tpu.memory_space<vmem_shared>>
      tpu.enqueue_dma source(%arg5 : memref<632x16xf32, #tpu.memory_space<vmem>>) target(%dma_start3A_48 : memref<632x16xf32, #tpu.memory_space<vmem_shared>>) target_semaphore(%run_scoped3A : memref<!tpu.dma_semaphore, #tpu.memory_space<semaphore_mem>>)
      %dma_wait3A_49 = arith.constant 0 : i32
      %dma_wait3A_50 = tpu.memref_slice %arg4[%mul3A_13, %dma_wait3A_49] : memref<10112x16xf32, #tpu.memory_space<vmem_shared>> -> memref<632x16xf32, #tpu.memory_space<vmem_shared>>
      %dma_wait3A_51 = arith.constant 0 : i32
      %dma_wait3A_52 = tpu.memref_slice %arg4[%mul3A_13, %dma_wait3A_51] : memref<10112x16xf32, #tpu.memory_space<vmem_shared>> -> memref<632x16xf32, #tpu.memory_space<vmem_shared>>
      tpu.wait_dma2 semaphore(%run_scoped3A : memref<!tpu.dma_semaphore, #tpu.memory_space<semaphore_mem>>) src(%arg5 : memref<632x16xf32, #tpu.memory_space<vmem>>) dst(%dma_wait3A_52 : memref<632x16xf32, #tpu.memory_space<vmem_shared>>)
      tpu.yield
    }) : () -> ()
    %barrier3A = arith.constant 0 : index
    tpu.barrier barrier_id(%barrier3A)
    %mul3A_14 = arith.constant 165888 : i32
    %mul3A_15 = arith.muli %arg0, %mul3A_14 : i32
    %mul3A_16 = arith.constant 10368 : i32
    %mul3A_17 = arith.muli %arg1, %mul3A_16 : i32
    %add3A = arith.addi %mul3A_15, %mul3A_17 : i32
    %add3A_18 = arith.constant 0 : i32
    %add3A_19 = arith.addi %add3A, %add3A_18 : i32
    %dma_start3A = tpu.memref_slice %arg2[%add3A_19] : memref<331776xi32, #tpu.memory_space<hbm>> -> memref<96xi32, #tpu.memory_space<hbm>>
    %dma_start3A_20 = tpu.memref_slice %arg2[%add3A_19] : memref<331776xi32, #tpu.memory_space<hbm>> -> memref<96xi32, #tpu.memory_space<hbm>>
    tpu.enqueue_dma source(%dma_start3A_20 : memref<96xi32, #tpu.memory_space<hbm>>) target(%arg7 : memref<96xi32, #tpu.memory_space<vmem>>) target_semaphore(%arg11 : memref<!tpu.dma_semaphore, #tpu.memory_space<semaphore_mem>>)
    %add3A_21 = arith.constant 96 : i32
    %add3A_22 = arith.addi %add3A, %add3A_21 : i32
    %dma_start3A_23 = tpu.memref_slice %arg2[%add3A_22] : memref<331776xi32, #tpu.memory_space<hbm>> -> memref<96xi32, #tpu.memory_space<hbm>>
    %dma_start3A_24 = tpu.memref_slice %arg2[%add3A_22] : memref<331776xi32, #tpu.memory_space<hbm>> -> memref<96xi32, #tpu.memory_space<hbm>>
    tpu.enqueue_dma source(%dma_start3A_24 : memref<96xi32, #tpu.memory_space<hbm>>) target(%arg8 : memref<96xi32, #tpu.memory_space<vmem>>) target_semaphore(%arg12 : memref<!tpu.dma_semaphore, #tpu.memory_space<semaphore_mem>>)
    %scan3A_25 = arith.constant 0 : i32
    %scan3A_26 = arith.constant 0 : i32
    %scan3A_27 = arith.constant 27 : i32
    %scan3A_28 = arith.addi %scan3A_26, %scan3A_27 : i32
    %scan3A_29 = arith.constant 1 : i32
    %scan3A_30 = scf.for %scan3A_45 = %scan3A_26 to %scan3A_28 step %scan3A_29 iter_args(%scan3A_46 = %scan3A_25) -> (i32)  : i32 {
      %mul3A_47 = arith.constant 4 : i32
      %mul3A_48 = arith.muli %mul3A_47, %scan3A_45 : i32
      %add3A_49 = arith.constant 0 : i32
      %add3A_50 = arith.addi %mul3A_48, %add3A_49 : i32
      %mul3A_51 = arith.constant 96 : i32
      %mul3A_52 = arith.muli %add3A_50, %mul3A_51 : i32
      %add3A_53 = arith.addi %add3A, %mul3A_52 : i32
      %dma_wait3A_54 = tpu.memref_slice %arg2[%add3A_53] : memref<331776xi32, #tpu.memory_space<hbm>> -> memref<96xi32, #tpu.memory_space<hbm>>
      %dma_wait3A_55 = tpu.memref_slice %arg2[%add3A_53] : memref<331776xi32, #tpu.memory_space<hbm>> -> memref<96xi32, #tpu.memory_space<hbm>>
      tpu.wait_dma2 semaphore(%arg11 : memref<!tpu.dma_semaphore, #tpu.memory_space<semaphore_mem>>) src(%dma_wait3A_55 : memref<96xi32, #tpu.memory_space<hbm>>) dst(%arg7 : memref<96xi32, #tpu.memory_space<vmem>>)
      %dma_start3A_56 = arith.constant 0 : i32
      %dma_start3A_57 = arith.constant 0 : i32
      %dma_start3A_58 = tpu.memref_slice %arg4[%dma_start3A_56, %dma_start3A_57] : memref<10112x16xf32, #tpu.memory_space<vmem_shared>> -> memref<10112x16xf32, #tpu.memory_space<vmem_shared>>
      tpu.enqueue_indirect_dma source(%arg6 : memref<96x16xf32, #tpu.memory_space<vmem>>) target(%dma_start3A_58 : memref<10112x16xf32, #tpu.memory_space<vmem_shared>>) offsets(%arg7 : memref<96xi32, #tpu.memory_space<vmem>>) semaphore(%arg15 : memref<!tpu.dma_semaphore, #tpu.memory_space<semaphore_mem>>) {add = true}
      %ge3A = arith.constant 2 : i32
      %ge3A_59 = arith.cmpi sge, %add3A_50, %ge3A : i32
      %convert_element_type3A = arith.extui %ge3A_59 : i1 to i32
      %cond3A = arith.constant 0 : i32
      %cond3A_60 = arith.cmpi ne, %convert_element_type3A, %cond3A : i32
      scf.if %cond3A_60 {
        %dma_wait3A_140 = arith.constant 0 : i32
        %dma_wait3A_141 = arith.constant 0 : i32
        %dma_wait3A_142 = tpu.memref_slice %arg4[%dma_wait3A_140, %dma_wait3A_141] : memref<10112x16xf32, #tpu.memory_space<vmem_shared>> -> memref<10112x16xf32, #tpu.memory_space<vmem_shared>>
        tpu.wait_indirect_dma semaphore(%arg17 : memref<!tpu.dma_semaphore, #tpu.memory_space<semaphore_mem>>) src(%arg6 : memref<96x16xf32, #tpu.memory_space<vmem>>) dst(%dma_wait3A_142 : memref<10112x16xf32, #tpu.memory_space<vmem_shared>>)
      } else {
      }
      %add3A_61 = arith.constant 2 : i32
      %add3A_62 = arith.addi %add3A_50, %add3A_61 : i32
      %lt3A = arith.constant 108 : i32
      %lt3A_63 = arith.cmpi slt, %add3A_62, %lt3A : i32
      %convert_element_type3A_64 = arith.extui %lt3A_63 : i1 to i32
      %cond3A_65 = arith.constant 0 : i32
      %cond3A_66 = arith.cmpi ne, %convert_element_type3A_64, %cond3A_65 : i32
      scf.if %cond3A_66 {
        %add3A_140 = arith.constant 2 : i32
        %add3A_141 = arith.addi %add3A_50, %add3A_140 : i32
        %mul3A_142 = arith.constant 96 : i32
        %mul3A_143 = arith.muli %add3A_141, %mul3A_142 : i32
        %add3A_144 = arith.addi %add3A, %mul3A_143 : i32
        %dma_start3A_145 = tpu.memref_slice %arg2[%add3A_144] : memref<331776xi32, #tpu.memory_space<hbm>> -> memref<96xi32, #tpu.memory_space<hbm>>
        %dma_start3A_146 = tpu.memref_slice %arg2[%add3A_144] : memref<331776xi32, #tpu.memory_space<hbm>> -> memref<96xi32, #tpu.memory_space<hbm>>
        tpu.enqueue_dma source(%dma_start3A_146 : memref<96xi32, #tpu.memory_space<hbm>>) target(%arg9 : memref<96xi32, #tpu.memory_space<vmem>>) target_semaphore(%arg13 : memref<!tpu.dma_semaphore, #tpu.memory_space<semaphore_mem>>)
      } else {
      }
      %mul3A_67 = arith.constant 4 : i32
      %mul3A_68 = arith.muli %mul3A_67, %scan3A_45 : i32
      %add3A_69 = arith.constant 1 : i32
      %add3A_70 = arith.addi %mul3A_68, %add3A_69 : i32
      %mul3A_71 = arith.constant 96 : i32
      %mul3A_72 = arith.muli %add3A_70, %mul3A_71 : i32
      %add3A_73 = arith.addi %add3A, %mul3A_72 : i32
      %dma_wait3A_74 = tpu.memref_slice %arg2[%add3A_73] : memref<331776xi32, #tpu.memory_space<hbm>> -> memref<96xi32, #tpu.memory_space<hbm>>
      %dma_wait3A_75 = tpu.memref_slice %arg2[%add3A_73] : memref<331776xi32, #tpu.memory_space<hbm>> -> memref<96xi32, #tpu.memory_space<hbm>>
      tpu.wait_dma2 semaphore(%arg12 : memref<!tpu.dma_semaphore, #tpu.memory_space<semaphore_mem>>) src(%dma_wait3A_75 : memref<96xi32, #tpu.memory_space<hbm>>) dst(%arg8 : memref<96xi32, #tpu.memory_space<vmem>>)
      %dma_start3A_76 = arith.constant 0 : i32
      %dma_start3A_77 = arith.constant 0 : i32
      %dma_start3A_78 = tpu.memref_slice %arg4[%dma_start3A_76, %dma_start3A_77] : memref<10112x16xf32, #tpu.memory_space<vmem_shared>> -> memref<10112x16xf32, #tpu.memory_space<vmem_shared>>
      tpu.enqueue_indirect_dma source(%arg6 : memref<96x16xf32, #tpu.memory_space<vmem>>) target(%dma_start3A_78 : memref<10112x16xf32, #tpu.memory_space<vmem_shared>>) offsets(%arg8 : memref<96xi32, #tpu.memory_space<vmem>>) semaphore(%arg16 : memref<!tpu.dma_semaphore, #tpu.memory_space<semaphore_mem>>) {add = true}
      %ge3A_79 = arith.constant 2 : i32
      %ge3A_80 = arith.cmpi sge, %add3A_70, %ge3A_79 : i32
      %convert_element_type3A_81 = arith.extui %ge3A_80 : i1 to i32
      %cond3A_82 = arith.constant 0 : i32
      %cond3A_83 = arith.cmpi ne, %convert_element_type3A_81, %cond3A_82 : i32
      scf.if %cond3A_83 {
        %dma_wait3A_140 = arith.constant 0 : i32
        %dma_wait3A_141 = arith.constant 0 : i32
        %dma_wait3A_142 = tpu.memref_slice %arg4[%dma_wait3A_140, %dma_wait3A_141] : memref<10112x16xf32, #tpu.memory_space<vmem_shared>> -> memref<10112x16xf32, #tpu.memory_space<vmem_shared>>
        tpu.wait_indirect_dma semaphore(%arg18 : memref<!tpu.dma_semaphore, #tpu.memory_space<semaphore_mem>>) src(%arg6 : memref<96x16xf32, #tpu.memory_space<vmem>>) dst(%dma_wait3A_142 : memref<10112x16xf32, #tpu.memory_space<vmem_shared>>)
      } else {
      }
      %add3A_84 = arith.constant 2 : i32
      %add3A_85 = arith.addi %add3A_70, %add3A_84 : i32
      %lt3A_86 = arith.constant 108 : i32
      %lt3A_87 = arith.cmpi slt, %add3A_85, %lt3A_86 : i32
      %convert_element_type3A_88 = arith.extui %lt3A_87 : i1 to i32
      %cond3A_89 = arith.constant 0 : i32
      %cond3A_90 = arith.cmpi ne, %convert_element_type3A_88, %cond3A_89 : i32
      scf.if %cond3A_90 {
        %add3A_140 = arith.constant 2 : i32
        %add3A_141 = arith.addi %add3A_70, %add3A_140 : i32
        %mul3A_142 = arith.constant 96 : i32
        %mul3A_143 = arith.muli %add3A_141, %mul3A_142 : i32
        %add3A_144 = arith.addi %add3A, %mul3A_143 : i32
        %dma_start3A_145 = tpu.memref_slice %arg2[%add3A_144] : memref<331776xi32, #tpu.memory_space<hbm>> -> memref<96xi32, #tpu.memory_space<hbm>>
        %dma_start3A_146 = tpu.memref_slice %arg2[%add3A_144] : memref<331776xi32, #tpu.memory_space<hbm>> -> memref<96xi32, #tpu.memory_space<hbm>>
        tpu.enqueue_dma source(%dma_start3A_146 : memref<96xi32, #tpu.memory_space<hbm>>) target(%arg10 : memref<96xi32, #tpu.memory_space<vmem>>) target_semaphore(%arg14 : memref<!tpu.dma_semaphore, #tpu.memory_space<semaphore_mem>>)
      } else {
      }
      %mul3A_91 = arith.constant 4 : i32
      %mul3A_92 = arith.muli %mul3A_91, %scan3A_45 : i32
      %add3A_93 = arith.constant 2 : i32
      %add3A_94 = arith.addi %mul3A_92, %add3A_93 : i32
      %mul3A_95 = arith.constant 96 : i32
      %mul3A_96 = arith.muli %add3A_94, %mul3A_95 : i32
      %add3A_97 = arith.addi %add3A, %mul3A_96 : i32
      %dma_wait3A_98 = tpu.memref_slice %arg2[%add3A_97] : memref<331776xi32, #tpu.memory_space<hbm>> -> memref<96xi32, #tpu.memory_space<hbm>>
      %dma_wait3A_99 = tpu.memref_slice %arg2[%add3A_97] : memref<331776xi32, #tpu.memory_space<hbm>> -> memref<96xi32, #tpu.memory_space<hbm>>
      tpu.wait_dma2 semaphore(%arg13 : memref<!tpu.dma_semaphore, #tpu.memory_space<semaphore_mem>>) src(%dma_wait3A_99 : memref<96xi32, #tpu.memory_space<hbm>>) dst(%arg9 : memref<96xi32, #tpu.memory_space<vmem>>)
      %dma_start3A_100 = arith.constant 0 : i32
      %dma_start3A_101 = arith.constant 0 : i32
      %dma_start3A_102 = tpu.memref_slice %arg4[%dma_start3A_100, %dma_start3A_101] : memref<10112x16xf32, #tpu.memory_space<vmem_shared>> -> memref<10112x16xf32, #tpu.memory_space<vmem_shared>>
      tpu.enqueue_indirect_dma source(%arg6 : memref<96x16xf32, #tpu.memory_space<vmem>>) target(%dma_start3A_102 : memref<10112x16xf32, #tpu.memory_space<vmem_shared>>) offsets(%arg9 : memref<96xi32, #tpu.memory_space<vmem>>) semaphore(%arg17 : memref<!tpu.dma_semaphore, #tpu.memory_space<semaphore_mem>>) {add = true}
      %ge3A_103 = arith.constant 2 : i32
      %ge3A_104 = arith.cmpi sge, %add3A_94, %ge3A_103 : i32
      %convert_element_type3A_105 = arith.extui %ge3A_104 : i1 to i32
      %cond3A_106 = arith.constant 0 : i32
      %cond3A_107 = arith.cmpi ne, %convert_element_type3A_105, %cond3A_106 : i32
      scf.if %cond3A_107 {
        %dma_wait3A_140 = arith.constant 0 : i32
        %dma_wait3A_141 = arith.constant 0 : i32
        %dma_wait3A_142 = tpu.memref_slice %arg4[%dma_wait3A_140, %dma_wait3A_141] : memref<10112x16xf32, #tpu.memory_space<vmem_shared>> -> memref<10112x16xf32, #tpu.memory_space<vmem_shared>>
        tpu.wait_indirect_dma semaphore(%arg15 : memref<!tpu.dma_semaphore, #tpu.memory_space<semaphore_mem>>) src(%arg6 : memref<96x16xf32, #tpu.memory_space<vmem>>) dst(%dma_wait3A_142 : memref<10112x16xf32, #tpu.memory_space<vmem_shared>>)
      } else {
      }
      %add3A_108 = arith.constant 2 : i32
      %add3A_109 = arith.addi %add3A_94, %add3A_108 : i32
      %lt3A_110 = arith.constant 108 : i32
      %lt3A_111 = arith.cmpi slt, %add3A_109, %lt3A_110 : i32
      %convert_element_type3A_112 = arith.extui %lt3A_111 : i1 to i32
      %cond3A_113 = arith.constant 0 : i32
      %cond3A_114 = arith.cmpi ne, %convert_element_type3A_112, %cond3A_113 : i32
      scf.if %cond3A_114 {
        %add3A_140 = arith.constant 2 : i32
        %add3A_141 = arith.addi %add3A_94, %add3A_140 : i32
        %mul3A_142 = arith.constant 96 : i32
        %mul3A_143 = arith.muli %add3A_141, %mul3A_142 : i32
        %add3A_144 = arith.addi %add3A, %mul3A_143 : i32
        %dma_start3A_145 = tpu.memref_slice %arg2[%add3A_144] : memref<331776xi32, #tpu.memory_space<hbm>> -> memref<96xi32, #tpu.memory_space<hbm>>
        %dma_start3A_146 = tpu.memref_slice %arg2[%add3A_144] : memref<331776xi32, #tpu.memory_space<hbm>> -> memref<96xi32, #tpu.memory_space<hbm>>
        tpu.enqueue_dma source(%dma_start3A_146 : memref<96xi32, #tpu.memory_space<hbm>>) target(%arg7 : memref<96xi32, #tpu.memory_space<vmem>>) target_semaphore(%arg11 : memref<!tpu.dma_semaphore, #tpu.memory_space<semaphore_mem>>)
      } else {
      }
      %mul3A_115 = arith.constant 4 : i32
      %mul3A_116 = arith.muli %mul3A_115, %scan3A_45 : i32
      %add3A_117 = arith.constant 3 : i32
      %add3A_118 = arith.addi %mul3A_116, %add3A_117 : i32
      %mul3A_119 = arith.constant 96 : i32
      %mul3A_120 = arith.muli %add3A_118, %mul3A_119 : i32
      %add3A_121 = arith.addi %add3A, %mul3A_120 : i32
      %dma_wait3A_122 = tpu.memref_slice %arg2[%add3A_121] : memref<331776xi32, #tpu.memory_space<hbm>> -> memref<96xi32, #tpu.memory_space<hbm>>
      %dma_wait3A_123 = tpu.memref_slice %arg2[%add3A_121] : memref<331776xi32, #tpu.memory_space<hbm>> -> memref<96xi32, #tpu.memory_space<hbm>>
      tpu.wait_dma2 semaphore(%arg14 : memref<!tpu.dma_semaphore, #tpu.memory_space<semaphore_mem>>) src(%dma_wait3A_123 : memref<96xi32, #tpu.memory_space<hbm>>) dst(%arg10 : memref<96xi32, #tpu.memory_space<vmem>>)
      %dma_start3A_124 = arith.constant 0 : i32
      %dma_start3A_125 = arith.constant 0 : i32
      %dma_start3A_126 = tpu.memref_slice %arg4[%dma_start3A_124, %dma_start3A_125] : memref<10112x16xf32, #tpu.memory_space<vmem_shared>> -> memref<10112x16xf32, #tpu.memory_space<vmem_shared>>
      tpu.enqueue_indirect_dma source(%arg6 : memref<96x16xf32, #tpu.memory_space<vmem>>) target(%dma_start3A_126 : memref<10112x16xf32, #tpu.memory_space<vmem_shared>>) offsets(%arg10 : memref<96xi32, #tpu.memory_space<vmem>>) semaphore(%arg18 : memref<!tpu.dma_semaphore, #tpu.memory_space<semaphore_mem>>) {add = true}
      %ge3A_127 = arith.constant 2 : i32
      %ge3A_128 = arith.cmpi sge, %add3A_118, %ge3A_127 : i32
      %convert_element_type3A_129 = arith.extui %ge3A_128 : i1 to i32
      %cond3A_130 = arith.constant 0 : i32
      %cond3A_131 = arith.cmpi ne, %convert_element_type3A_129, %cond3A_130 : i32
      scf.if %cond3A_131 {
        %dma_wait3A_140 = arith.constant 0 : i32
        %dma_wait3A_141 = arith.constant 0 : i32
        %dma_wait3A_142 = tpu.memref_slice %arg4[%dma_wait3A_140, %dma_wait3A_141] : memref<10112x16xf32, #tpu.memory_space<vmem_shared>> -> memref<10112x16xf32, #tpu.memory_space<vmem_shared>>
        tpu.wait_indirect_dma semaphore(%arg16 : memref<!tpu.dma_semaphore, #tpu.memory_space<semaphore_mem>>) src(%arg6 : memref<96x16xf32, #tpu.memory_space<vmem>>) dst(%dma_wait3A_142 : memref<10112x16xf32, #tpu.memory_space<vmem_shared>>)
      } else {
      }
      %add3A_132 = arith.constant 2 : i32
      %add3A_133 = arith.addi %add3A_118, %add3A_132 : i32
      %lt3A_134 = arith.constant 108 : i32
      %lt3A_135 = arith.cmpi slt, %add3A_133, %lt3A_134 : i32
      %convert_element_type3A_136 = arith.extui %lt3A_135 : i1 to i32
      %cond3A_137 = arith.constant 0 : i32
      %cond3A_138 = arith.cmpi ne, %convert_element_type3A_136, %cond3A_137 : i32
      scf.if %cond3A_138 {
        %add3A_140 = arith.constant 2 : i32
        %add3A_141 = arith.addi %add3A_118, %add3A_140 : i32
        %mul3A_142 = arith.constant 96 : i32
        %mul3A_143 = arith.muli %add3A_141, %mul3A_142 : i32
        %add3A_144 = arith.addi %add3A, %mul3A_143 : i32
        %dma_start3A_145 = tpu.memref_slice %arg2[%add3A_144] : memref<331776xi32, #tpu.memory_space<hbm>> -> memref<96xi32, #tpu.memory_space<hbm>>
        %dma_start3A_146 = tpu.memref_slice %arg2[%add3A_144] : memref<331776xi32, #tpu.memory_space<hbm>> -> memref<96xi32, #tpu.memory_space<hbm>>
        tpu.enqueue_dma source(%dma_start3A_146 : memref<96xi32, #tpu.memory_space<hbm>>) target(%arg8 : memref<96xi32, #tpu.memory_space<vmem>>) target_semaphore(%arg12 : memref<!tpu.dma_semaphore, #tpu.memory_space<semaphore_mem>>)
      } else {
      }
      %scan3A_139 = arith.constant 0 : i32
      scf.yield %scan3A_139 : i32
    }
    %scan3A_31 = arith.constant 27 : i32
    %dma_wait3A = arith.constant 0 : i32
    %dma_wait3A_32 = arith.constant 0 : i32
    %dma_wait3A_33 = tpu.memref_slice %arg4[%dma_wait3A, %dma_wait3A_32] : memref<10112x16xf32, #tpu.memory_space<vmem_shared>> -> memref<10112x16xf32, #tpu.memory_space<vmem_shared>>
    tpu.wait_indirect_dma semaphore(%arg17 : memref<!tpu.dma_semaphore, #tpu.memory_space<semaphore_mem>>) src(%arg6 : memref<96x16xf32, #tpu.memory_space<vmem>>) dst(%dma_wait3A_33 : memref<10112x16xf32, #tpu.memory_space<vmem_shared>>)
    %dma_wait3A_34 = arith.constant 0 : i32
    %dma_wait3A_35 = arith.constant 0 : i32
    %dma_wait3A_36 = tpu.memref_slice %arg4[%dma_wait3A_34, %dma_wait3A_35] : memref<10112x16xf32, #tpu.memory_space<vmem_shared>> -> memref<10112x16xf32, #tpu.memory_space<vmem_shared>>
    tpu.wait_indirect_dma semaphore(%arg18 : memref<!tpu.dma_semaphore, #tpu.memory_space<semaphore_mem>>) src(%arg6 : memref<96x16xf32, #tpu.memory_space<vmem>>) dst(%dma_wait3A_36 : memref<10112x16xf32, #tpu.memory_space<vmem_shared>>)
    %barrier3A_37 = arith.constant 0 : index
    tpu.barrier barrier_id(%barrier3A_37)
    %mul3A_38 = arith.constant 632 : i32
    %mul3A_39 = arith.muli %arg1, %mul3A_38 : i32
    %mul3A_40 = arith.constant 10112 : i32
    %mul3A_41 = arith.muli %arg0, %mul3A_40 : i32
    %mul3A_42 = arith.constant 632 : i32
    %mul3A_43 = arith.muli %arg1, %mul3A_42 : i32
    %add3A_44 = arith.addi %mul3A_41, %mul3A_43 : i32
    "tpu.region"() ({
      %run_scoped3A = tpu.sem_alloc : memref<!tpu.dma_semaphore, #tpu.memory_space<semaphore_mem>>
      %dma_start3A_45 = arith.constant 0 : i32
      %dma_start3A_46 = tpu.memref_slice %arg3[%add3A_44, %dma_start3A_45] : memref<20224x16xf32, #tpu.memory_space<hbm>> -> memref<632x16xf32, #tpu.memory_space<hbm>>
      %dma_start3A_47 = arith.constant 0 : i32
      %dma_start3A_48 = tpu.memref_slice %arg4[%mul3A_39, %dma_start3A_47] : memref<10112x16xf32, #tpu.memory_space<vmem_shared>> -> memref<632x16xf32, #tpu.memory_space<vmem_shared>>
      tpu.enqueue_dma source(%dma_start3A_48 : memref<632x16xf32, #tpu.memory_space<vmem_shared>>) target(%dma_start3A_46 : memref<632x16xf32, #tpu.memory_space<hbm>>) target_semaphore(%run_scoped3A : memref<!tpu.dma_semaphore, #tpu.memory_space<semaphore_mem>>)
      %dma_wait3A_49 = arith.constant 0 : i32
      %dma_wait3A_50 = tpu.memref_slice %arg3[%add3A_44, %dma_wait3A_49] : memref<20224x16xf32, #tpu.memory_space<hbm>> -> memref<632x16xf32, #tpu.memory_space<hbm>>
      %dma_wait3A_51 = arith.constant 0 : i32
      %dma_wait3A_52 = tpu.memref_slice %arg4[%mul3A_39, %dma_wait3A_51] : memref<10112x16xf32, #tpu.memory_space<vmem_shared>> -> memref<632x16xf32, #tpu.memory_space<vmem_shared>>
      tpu.wait_dma2 semaphore(%run_scoped3A : memref<!tpu.dma_semaphore, #tpu.memory_space<semaphore_mem>>) src(%dma_wait3A_52 : memref<632x16xf32, #tpu.memory_space<vmem_shared>>) dst(%dma_wait3A_50 : memref<632x16xf32, #tpu.memory_space<hbm>>)
      tpu.yield
    }) : () -> ()
    return
  }
}

module attributes {stable_mosaic.version = 14 : i64} {
  func.func @_mm1_body(%arg0: i32, %arg1: memref<1000x128xf32, #tpu.memory_space<vmem>>, %arg2: memref<128x256xf32, #tpu.memory_space<vmem>>, %arg3: memref<2x1000x16xf32, #tpu.memory_space<vmem>>, %arg4: memref<1000x256xf32, #tpu.memory_space<vmem>>) attributes {dimension_semantics = [#tpu.dimension_semantics<arbitrary>], iteration_bounds = array<i64: 10>, scalar_prefetch = 0 : i64, scratch_operands = 0 : i64, tpu.core_type = #tpu.core_type<tc>, window_params = [{transform_indices = @transform_0, window_bounds = array<i64: 1000, 128>}, {pipeline_mode = #tpu.pipeline_mode<synchronous>, transform_indices = @transform_1, window_bounds = array<i64: 128, 256>}, {transform_indices = @transform_2, window_bounds = array<i64: 2, 1000, 16>}, {transform_indices = @transform_3, window_bounds = array<i64: 1000, 256>}]} {
    %get3A = arith.constant 0 : index
    %get3A_0 = arith.constant 0 : index
    %get3A_1 = arith.constant 0 : index
    %get3A_2 = vector.load %arg3[%get3A, %get3A_0, %get3A_1] : memref<2x1000x16xf32, #tpu.memory_space<vmem>>, vector<1x1000x1xf32>
    %get3A_3 = vector.shape_cast %get3A_2 : vector<1x1000x1xf32> to vector<1000x1xf32>
    %get3A_4 = arith.constant 1 : index
    %get3A_5 = arith.constant 0 : index
    %get3A_6 = arith.constant 0 : index
    %get3A_7 = vector.load %arg3[%get3A_4, %get3A_5, %get3A_6] : memref<2x1000x16xf32, #tpu.memory_space<vmem>>, vector<1x1000x1xf32>
    %get3A_8 = vector.shape_cast %get3A_7 : vector<1x1000x1xf32> to vector<1000x1xf32>
    %add3A = arith.addf %get3A_3, %get3A_8 : vector<1000x1xf32>
    %rsqrt3A = math.rsqrt %add3A : vector<1000x1xf32>
    %get3A_9 = arith.constant 0 : index
    %get3A_10 = arith.constant 0 : index
    %get3A_11 = vector.load %arg1[%get3A_9, %get3A_10] : memref<1000x128xf32, #tpu.memory_space<vmem>>, vector<1000x128xf32>
    %get3A_12 = arith.constant 0 : index
    %get3A_13 = arith.constant 0 : index
    %get3A_14 = vector.load %arg2[%get3A_12, %get3A_13] : memref<128x256xf32, #tpu.memory_space<vmem>>, vector<128x256xf32>
    %dot_general3A = arith.constant dense<0.000000e+00> : vector<1000x256xf32>
    %dot_general3A_15 = tpu.matmul %get3A_11, %get3A_14, %dot_general3A {dimension_numbers = #tpu.dot_dimension_numbers<[1], [0], [0], [1], [0, 0, 1, 1], [], []>, transpose_lhs_hint = false} : vector<1000x128xf32>, vector<128x256xf32>, vector<1000x256xf32> -> vector<1000x256xf32>
    %mul3A = vector.broadcast %rsqrt3A : vector<1000x1xf32> to vector<1000x256xf32>
    %mul3A_16 = arith.mulf %dot_general3A_15, %mul3A : vector<1000x256xf32>
    %swap3A = arith.constant 0 : index
    %swap3A_17 = arith.constant 0 : index
    %swap3A_18 = vector.load %arg4[%swap3A, %swap3A_17] : memref<1000x256xf32, #tpu.memory_space<vmem>>, vector<1000x256xf32>
    tpu.vector_store %arg4[%swap3A, %swap3A_17], %mul3A_16 {strides = array<i32>} : memref<1000x256xf32, #tpu.memory_space<vmem>>, vector<1000x256xf32>,
    return
  }
  func.func @transform_0(%arg0: i32) -> (i32, i32) {
    %c0_i32 = arith.constant 0 : i32
    %c0_i32_0 = arith.constant 0 : i32
    return %arg0, %c0_i32 : i32, i32
  }
  func.func @transform_1(%arg0: i32) -> (i32, i32) {
    %c0_i32 = arith.constant 0 : i32
    %c0_i32_0 = arith.constant 0 : i32
    %c0_i32_1 = arith.constant 0 : i32
    return %c0_i32, %c0_i32_0 : i32, i32
  }
  func.func @transform_2(%arg0: i32) -> (i32, i32, i32) {
    %c0_i32 = arith.constant 0 : i32
    %c0_i32_0 = arith.constant 0 : i32
    %c0_i32_1 = arith.constant 0 : i32
    return %c0_i32, %arg0, %c0_i32_0 : i32, i32, i32
  }
  func.func @transform_3(%arg0: i32) -> (i32, i32) {
    %c0_i32 = arith.constant 0 : i32
    %c0_i32_0 = arith.constant 0 : i32
    return %arg0, %c0_i32 : i32, i32
  }
}

module attributes {stable_mosaic.version = 14 : i64} {
  func.func @_mm2_body(%arg0: i32, %arg1: memref<1x1000x128xf32, #tpu.memory_space<vmem>>, %arg2: memref<1x1000x128xf32, #tpu.memory_space<vmem>>, %arg3: memref<256x256xf32, #tpu.memory_space<vmem>>, %arg4: memref<2x1000x16xf32, #tpu.memory_space<vmem>>, %arg5: memref<1x256xf32, #tpu.memory_space<vmem>>, %arg6: memref<1x256xf32, #tpu.memory_space<vmem>>, %arg7: memref<1000x256xf32, #tpu.memory_space<vmem>>) attributes {dimension_semantics = [#tpu.dimension_semantics<arbitrary>], iteration_bounds = array<i64: 10>, scalar_prefetch = 0 : i64, scratch_operands = 0 : i64, tpu.core_type = #tpu.core_type<tc>, window_params = [{transform_indices = @transform_0, window_bounds = array<i64: 1, 1000, 128>}, {transform_indices = @transform_1, window_bounds = array<i64: 1, 1000, 128>}, {pipeline_mode = #tpu.pipeline_mode<synchronous>, transform_indices = @transform_2, window_bounds = array<i64: 256, 256>}, {transform_indices = @transform_3, window_bounds = array<i64: 2, 1000, 16>}, {pipeline_mode = #tpu.pipeline_mode<synchronous>, transform_indices = @transform_4, window_bounds = array<i64: 1, 256>}, {pipeline_mode = #tpu.pipeline_mode<synchronous>, transform_indices = @transform_5, window_bounds = array<i64: 1, 256>}, {transform_indices = @transform_6, window_bounds = array<i64: 1000, 256>}]} {
    %get3A = arith.constant 0 : index
    %get3A_0 = arith.constant 0 : index
    %get3A_1 = arith.constant 0 : index
    %get3A_2 = vector.load %arg4[%get3A, %get3A_0, %get3A_1] : memref<2x1000x16xf32, #tpu.memory_space<vmem>>, vector<1x1000x1xf32>
    %get3A_3 = vector.shape_cast %get3A_2 : vector<1x1000x1xf32> to vector<1000x1xf32>
    %get3A_4 = arith.constant 1 : index
    %get3A_5 = arith.constant 0 : index
    %get3A_6 = arith.constant 0 : index
    %get3A_7 = vector.load %arg4[%get3A_4, %get3A_5, %get3A_6] : memref<2x1000x16xf32, #tpu.memory_space<vmem>>, vector<1x1000x1xf32>
    %get3A_8 = vector.shape_cast %get3A_7 : vector<1x1000x1xf32> to vector<1000x1xf32>
    %add3A = arith.addf %get3A_3, %get3A_8 : vector<1000x1xf32>
    %rsqrt3A = math.rsqrt %add3A : vector<1000x1xf32>
    %get3A_9 = arith.constant 0 : index
    %get3A_10 = arith.constant 0 : index
    %get3A_11 = arith.constant 0 : index
    %get3A_12 = vector.load %arg1[%get3A_9, %get3A_10, %get3A_11] : memref<1x1000x128xf32, #tpu.memory_space<vmem>>, vector<1x1000x128xf32>
    %get3A_13 = vector.shape_cast %get3A_12 : vector<1x1000x128xf32> to vector<1000x128xf32>
    %get3A_14 = arith.constant 0 : index
    %get3A_15 = arith.constant 0 : index
    %get3A_16 = arith.constant 0 : index
    %get3A_17 = vector.load %arg2[%get3A_14, %get3A_15, %get3A_16] : memref<1x1000x128xf32, #tpu.memory_space<vmem>>, vector<1x1000x128xf32>
    %get3A_18 = vector.shape_cast %get3A_17 : vector<1x1000x128xf32> to vector<1000x128xf32>
    %concatenate3A = tpu.concatenate %get3A_13, %get3A_18 in 1 : vector<1000x128xf32>, vector<1000x128xf32> -> vector<1000x256xf32>
    %mul3A = vector.broadcast %rsqrt3A : vector<1000x1xf32> to vector<1000x256xf32>
    %mul3A_19 = arith.mulf %concatenate3A, %mul3A : vector<1000x256xf32>
    %get3A_20 = arith.constant 0 : index
    %get3A_21 = arith.constant 0 : index
    %get3A_22 = vector.load %arg5[%get3A_20, %get3A_21] : memref<1x256xf32, #tpu.memory_space<vmem>>, vector<1x256xf32>
    %mul3A_23 = vector.broadcast %get3A_22 : vector<1x256xf32> to vector<1000x256xf32>
    %mul3A_24 = arith.mulf %mul3A_19, %mul3A_23 : vector<1000x256xf32>
    %get3A_25 = arith.constant 0 : index
    %get3A_26 = arith.constant 0 : index
    %get3A_27 = vector.load %arg6[%get3A_25, %get3A_26] : memref<1x256xf32, #tpu.memory_space<vmem>>, vector<1x256xf32>
    %add3A_28 = vector.broadcast %get3A_27 : vector<1x256xf32> to vector<1000x256xf32>
    %add3A_29 = arith.addf %mul3A_24, %add3A_28 : vector<1000x256xf32>
    %max3A = arith.constant 0.000000e+00 : f32
    %max3A_30 = vector.broadcast %max3A : f32 to vector<1000x256xf32>
    %max3A_31 = arith.maximumf %add3A_29, %max3A_30 : vector<1000x256xf32>
    %get3A_32 = arith.constant 0 : index
    %get3A_33 = arith.constant 0 : index
    %get3A_34 = vector.load %arg3[%get3A_32, %get3A_33] : memref<256x256xf32, #tpu.memory_space<vmem>>, vector<256x256xf32>
    %dot_general3A = arith.constant dense<0.000000e+00> : vector<1000x256xf32>
    %dot_general3A_35 = tpu.matmul %max3A_31, %get3A_34, %dot_general3A {dimension_numbers = #tpu.dot_dimension_numbers<[1], [0], [0], [1], [0, 0, 1, 1], [], []>, transpose_lhs_hint = false} : vector<1000x256xf32>, vector<256x256xf32>, vector<1000x256xf32> -> vector<1000x256xf32>
    %mul3A_36 = vector.broadcast %rsqrt3A : vector<1000x1xf32> to vector<1000x256xf32>
    %mul3A_37 = arith.mulf %dot_general3A_35, %mul3A_36 : vector<1000x256xf32>
    %swap3A = arith.constant 0 : index
    %swap3A_38 = arith.constant 0 : index
    %swap3A_39 = vector.load %arg7[%swap3A, %swap3A_38] : memref<1000x256xf32, #tpu.memory_space<vmem>>, vector<1000x256xf32>
    tpu.vector_store %arg7[%swap3A, %swap3A_38], %mul3A_37 {strides = array<i32>} : memref<1000x256xf32, #tpu.memory_space<vmem>>, vector<1000x256xf32>,
    return
  }
  func.func @transform_0(%arg0: i32) -> (i32, i32, i32) {
    %c0_i32 = arith.constant 0 : i32
    %c0_i32_0 = arith.constant 0 : i32
    %c0_i32_1 = arith.constant 0 : i32
    return %c0_i32, %arg0, %c0_i32_0 : i32, i32, i32
  }
  func.func @transform_1(%arg0: i32) -> (i32, i32, i32) {
    %c1_i32 = arith.constant 1 : i32
    %c0_i32 = arith.constant 0 : i32
    %c0_i32_0 = arith.constant 0 : i32
    return %c1_i32, %arg0, %c0_i32 : i32, i32, i32
  }
  func.func @transform_2(%arg0: i32) -> (i32, i32) {
    %c0_i32 = arith.constant 0 : i32
    %c0_i32_0 = arith.constant 0 : i32
    %c0_i32_1 = arith.constant 0 : i32
    return %c0_i32, %c0_i32_0 : i32, i32
  }
  func.func @transform_3(%arg0: i32) -> (i32, i32, i32) {
    %c0_i32 = arith.constant 0 : i32
    %c0_i32_0 = arith.constant 0 : i32
    %c0_i32_1 = arith.constant 0 : i32
    return %c0_i32, %arg0, %c0_i32_0 : i32, i32, i32
  }
  func.func @transform_4(%arg0: i32) -> (i32, i32) {
    %c0_i32 = arith.constant 0 : i32
    %c0_i32_0 = arith.constant 0 : i32
    %c0_i32_1 = arith.constant 0 : i32
    return %c0_i32, %c0_i32_0 : i32, i32
  }
  func.func @transform_5(%arg0: i32) -> (i32, i32) {
    %c0_i32 = arith.constant 0 : i32
    %c0_i32_0 = arith.constant 0 : i32
    %c0_i32_1 = arith.constant 0 : i32
    return %c0_i32, %c0_i32_0 : i32, i32
  }
  func.func @transform_6(%arg0: i32) -> (i32, i32) {
    %c0_i32 = arith.constant 0 : i32
    %c0_i32_0 = arith.constant 0 : i32
    return %arg0, %c0_i32 : i32, i32
  }
}

module attributes {stable_mosaic.version = 14 : i64} {
  func.func @_mm3_body(%arg0: i32, %arg1: memref<1x1000x128xf32, #tpu.memory_space<vmem>>, %arg2: memref<1x1000x128xf32, #tpu.memory_space<vmem>>, %arg3: memref<256x128xf32, #tpu.memory_space<vmem>>, %arg4: memref<2x1000x16xf32, #tpu.memory_space<vmem>>, %arg5: memref<1x256xf32, #tpu.memory_space<vmem>>, %arg6: memref<1x256xf32, #tpu.memory_space<vmem>>, %arg7: memref<1x128xf32, #tpu.memory_space<vmem>>, %arg8: memref<1000x128xf32, #tpu.memory_space<vmem>>) attributes {dimension_semantics = [#tpu.dimension_semantics<arbitrary>], iteration_bounds = array<i64: 10>, scalar_prefetch = 0 : i64, scratch_operands = 0 : i64, tpu.core_type = #tpu.core_type<tc>, window_params = [{transform_indices = @transform_0, window_bounds = array<i64: 1, 1000, 128>}, {transform_indices = @transform_1, window_bounds = array<i64: 1, 1000, 128>}, {pipeline_mode = #tpu.pipeline_mode<synchronous>, transform_indices = @transform_2, window_bounds = array<i64: 256, 128>}, {transform_indices = @transform_3, window_bounds = array<i64: 2, 1000, 16>}, {pipeline_mode = #tpu.pipeline_mode<synchronous>, transform_indices = @transform_4, window_bounds = array<i64: 1, 256>}, {pipeline_mode = #tpu.pipeline_mode<synchronous>, transform_indices = @transform_5, window_bounds = array<i64: 1, 256>}, {pipeline_mode = #tpu.pipeline_mode<synchronous>, transform_indices = @transform_6, window_bounds = array<i64: 1, 128>}, {transform_indices = @transform_7, window_bounds = array<i64: 1000, 128>}]} {
    %get3A = arith.constant 0 : index
    %get3A_0 = arith.constant 0 : index
    %get3A_1 = arith.constant 0 : index
    %get3A_2 = vector.load %arg4[%get3A, %get3A_0, %get3A_1] : memref<2x1000x16xf32, #tpu.memory_space<vmem>>, vector<1x1000x1xf32>
    %get3A_3 = vector.shape_cast %get3A_2 : vector<1x1000x1xf32> to vector<1000x1xf32>
    %get3A_4 = arith.constant 1 : index
    %get3A_5 = arith.constant 0 : index
    %get3A_6 = arith.constant 0 : index
    %get3A_7 = vector.load %arg4[%get3A_4, %get3A_5, %get3A_6] : memref<2x1000x16xf32, #tpu.memory_space<vmem>>, vector<1x1000x1xf32>
    %get3A_8 = vector.shape_cast %get3A_7 : vector<1x1000x1xf32> to vector<1000x1xf32>
    %add3A = arith.addf %get3A_3, %get3A_8 : vector<1000x1xf32>
    %rsqrt3A = math.rsqrt %add3A : vector<1000x1xf32>
    %get3A_9 = arith.constant 0 : index
    %get3A_10 = arith.constant 0 : index
    %get3A_11 = arith.constant 0 : index
    %get3A_12 = vector.load %arg1[%get3A_9, %get3A_10, %get3A_11] : memref<1x1000x128xf32, #tpu.memory_space<vmem>>, vector<1x1000x128xf32>
    %get3A_13 = vector.shape_cast %get3A_12 : vector<1x1000x128xf32> to vector<1000x128xf32>
    %get3A_14 = arith.constant 0 : index
    %get3A_15 = arith.constant 0 : index
    %get3A_16 = arith.constant 0 : index
    %get3A_17 = vector.load %arg2[%get3A_14, %get3A_15, %get3A_16] : memref<1x1000x128xf32, #tpu.memory_space<vmem>>, vector<1x1000x128xf32>
    %get3A_18 = vector.shape_cast %get3A_17 : vector<1x1000x128xf32> to vector<1000x128xf32>
    %concatenate3A = tpu.concatenate %get3A_13, %get3A_18 in 1 : vector<1000x128xf32>, vector<1000x128xf32> -> vector<1000x256xf32>
    %mul3A = vector.broadcast %rsqrt3A : vector<1000x1xf32> to vector<1000x256xf32>
    %mul3A_19 = arith.mulf %concatenate3A, %mul3A : vector<1000x256xf32>
    %get3A_20 = arith.constant 0 : index
    %get3A_21 = arith.constant 0 : index
    %get3A_22 = vector.load %arg5[%get3A_20, %get3A_21] : memref<1x256xf32, #tpu.memory_space<vmem>>, vector<1x256xf32>
    %mul3A_23 = vector.broadcast %get3A_22 : vector<1x256xf32> to vector<1000x256xf32>
    %mul3A_24 = arith.mulf %mul3A_19, %mul3A_23 : vector<1000x256xf32>
    %get3A_25 = arith.constant 0 : index
    %get3A_26 = arith.constant 0 : index
    %get3A_27 = vector.load %arg6[%get3A_25, %get3A_26] : memref<1x256xf32, #tpu.memory_space<vmem>>, vector<1x256xf32>
    %add3A_28 = vector.broadcast %get3A_27 : vector<1x256xf32> to vector<1000x256xf32>
    %add3A_29 = arith.addf %mul3A_24, %add3A_28 : vector<1000x256xf32>
    %max3A = arith.constant 0.000000e+00 : f32
    %max3A_30 = vector.broadcast %max3A : f32 to vector<1000x256xf32>
    %max3A_31 = arith.maximumf %add3A_29, %max3A_30 : vector<1000x256xf32>
    %get3A_32 = arith.constant 0 : index
    %get3A_33 = arith.constant 0 : index
    %get3A_34 = vector.load %arg3[%get3A_32, %get3A_33] : memref<256x128xf32, #tpu.memory_space<vmem>>, vector<256x128xf32>
    %dot_general3A = arith.constant dense<0.000000e+00> : vector<1000x128xf32>
    %dot_general3A_35 = tpu.matmul %max3A_31, %get3A_34, %dot_general3A {dimension_numbers = #tpu.dot_dimension_numbers<[1], [0], [0], [1], [0, 0, 1, 1], [], []>, transpose_lhs_hint = false} : vector<1000x256xf32>, vector<256x128xf32>, vector<1000x128xf32> -> vector<1000x128xf32>
    %get3A_36 = arith.constant 0 : index
    %get3A_37 = arith.constant 0 : index
    %get3A_38 = vector.load %arg7[%get3A_36, %get3A_37] : memref<1x128xf32, #tpu.memory_space<vmem>>, vector<1x128xf32>
    %add3A_39 = vector.broadcast %get3A_38 : vector<1x128xf32> to vector<1000x128xf32>
    %add3A_40 = arith.addf %dot_general3A_35, %add3A_39 : vector<1000x128xf32>
    %swap3A = arith.constant 0 : index
    %swap3A_41 = arith.constant 0 : index
    %swap3A_42 = vector.load %arg8[%swap3A, %swap3A_41] : memref<1000x128xf32, #tpu.memory_space<vmem>>, vector<1000x128xf32>
    tpu.vector_store %arg8[%swap3A, %swap3A_41], %add3A_40 {strides = array<i32>} : memref<1000x128xf32, #tpu.memory_space<vmem>>, vector<1000x128xf32>,
    return
  }
  func.func @transform_0(%arg0: i32) -> (i32, i32, i32) {
    %c0_i32 = arith.constant 0 : i32
    %c0_i32_0 = arith.constant 0 : i32
    %c0_i32_1 = arith.constant 0 : i32
    return %c0_i32, %arg0, %c0_i32_0 : i32, i32, i32
  }
  func.func @transform_1(%arg0: i32) -> (i32, i32, i32) {
    %c1_i32 = arith.constant 1 : i32
    %c0_i32 = arith.constant 0 : i32
    %c0_i32_0 = arith.constant 0 : i32
    return %c1_i32, %arg0, %c0_i32 : i32, i32, i32
  }
  func.func @transform_2(%arg0: i32) -> (i32, i32) {
    %c0_i32 = arith.constant 0 : i32
    %c0_i32_0 = arith.constant 0 : i32
    %c0_i32_1 = arith.constant 0 : i32
    return %c0_i32, %c0_i32_0 : i32, i32
  }
  func.func @transform_3(%arg0: i32) -> (i32, i32, i32) {
    %c0_i32 = arith.constant 0 : i32
    %c0_i32_0 = arith.constant 0 : i32
    %c0_i32_1 = arith.constant 0 : i32
    return %c0_i32, %arg0, %c0_i32_0 : i32, i32, i32
  }
  func.func @transform_4(%arg0: i32) -> (i32, i32) {
    %c0_i32 = arith.constant 0 : i32
    %c0_i32_0 = arith.constant 0 : i32
    %c0_i32_1 = arith.constant 0 : i32
    return %c0_i32, %c0_i32_0 : i32, i32
  }
  func.func @transform_5(%arg0: i32) -> (i32, i32) {
    %c0_i32 = arith.constant 0 : i32
    %c0_i32_0 = arith.constant 0 : i32
    %c0_i32_1 = arith.constant 0 : i32
    return %c0_i32, %c0_i32_0 : i32, i32
  }
  func.func @transform_6(%arg0: i32) -> (i32, i32) {
    %c0_i32 = arith.constant 0 : i32
    %c0_i32_0 = arith.constant 0 : i32
    %c0_i32_1 = arith.constant 0 : i32
    return %c0_i32, %c0_i32_0 : i32, i32
  }
  func.func @transform_7(%arg0: i32) -> (i32, i32) {
    %c0_i32 = arith.constant 0 : i32
    %c0_i32_0 = arith.constant 0 : i32
    return %arg0, %c0_i32 : i32, i32
  }
}

</mosaic_0001>

<sc_bundles>
// kernel: kernel.11.cloned.1.call-start
scs
__scs_entry_jumppad:
0x0: {  	(pc) =	sbr.rel $0x88, $3  }
0x1: {  	(tag) =	ssettag $0x0;
	lr =	simm.s32 $0x1  }
0x2: {  	[smem:$0x3F95] =	sst lr;
	_ =	strace $0xD0000000  }
0x3: {  	_ = 	snop  }
0x4: {  	_ = 	snop  }
0x5: {  	_ = 	snop  }
0x6: {  	_ = 	snop  }
0x7: {  	_ = 	snop  }
__scs_overlays_trampoline_lowered:
0x8: {  	[smem:$0x3FA4] =	sst s0  }
0x9: {  	[smem:$0x3FA5] =	sst s1  }
0xa: {  	[smem:$0x3FA6] =	sst s2  }
0xb: {  	[smem:$0x3FA7] =	sst s3  }
0xc: {  	[smem:$0x3FA8] =	sst s4  }
0xd: {  	[smem:$0x3FA9] =	sst s5  }
0xe: {  	[smem:$0x3FAA] =	sst s6  }
0xf: {  	[smem:$0x3FAB] =	sst s7  }
0x10: {  	[smem:$0x3FAC] =	sst s8  }
0x11: {  	[smem:$0x3FAD] =	sst s9;
	s0 =	simm.s32 @!p0 $0x0  }
0x12: {  	s1 =	sld [smem:$0x3F93];
	s0 =	simm.s32 @p0 $0x1  }
0x13: {  	[smem:$0x3FAE] =	sst s0;
	s0 =	simm.s32 @!p1 $0x0  }
0x14: {  	s2 =	sld [smem:$0x3F92];
	s0 =	simm.s32 @p1 $0x1  }
0x15: {  	[smem:$0x3FAF] =	sst s0;
	s0 =	simm.s32 @!p2 $0x0  }
0x16: {  	s3 =	sld [smem:$0x3FDB];
	s0 =	simm.s32 @p2 $0x1  }
0x17: {  	s4 =	simm.s32 $0x1BF5;
	[smem:$0x3FB1] =	sst s0  }
0x18: {  	s0 =	sld [smem:$0x3F94];
	_ =	swait.ge [sflag:s4], $0x0  }
0x19: {  	s7 =	sld [smem:$0x3F95]  }
0x1a: {  	s8 =	sadd.s32 $0xFFFFE003, lr  }
0x1b: {  	s9 =	sadd.s32 $0xFFFFFEF7, lr;
	s5 =	simm.s32 $0xFFFFFFFF;
	p2 =	slt.u32 s8, $0xFFFFF086  }
0x1c: {  	p1 =	slt.u32 s9, $0xF7A;
	s5 =	simm.s32 @!p2 $0x0  }
0x1d: {  	s5 =	simm.s32 @p1 $0x1;
	p0 =	seq.s32 s7, s2  }
0x1e: {  	s7 =	smul.u32 @!p0 $0xF7A, s2;
	p2 =	seq.s32 @!p0 s5, $0x0  }
0x1f: {  	s9 =	smul.u32 $0xF7A, s1;
	s8 =	simm.s32 @!p0 $0x1BF5;
	p2 =	por !p2, p0  }
0x20: {  	[sflag:s8] =	ssyncset.s32 @!p0 $0xFFFFF086;
	s6 =	sadd.s32 @!p0 s3, s7;
	s7 =	simm.s32 @!p0 $0x108  }
0x21: {  	s3 =	sadd.s32 s3, s9;
	s6 =	sadd.s32 @!p0 $0x88, s6;
	s7 =	simm.s32 @p2 $0x1082  }
0x22: {  	[simem:s7], [sflag:s8] =	dma.local @!p0 [hbm:s6], $0xF7A  }
0x23: {  	s9 =	sor.u32 $0xD0000000, s2;
	s6 =	simm.s32 $0x108;
	_ =	swait.ge @!p0 [sflag:s8], $0x0  }
0x24: {  	s3 =	sadd.s32 $0x88, s3;
	s6 =	simm.s32 @!p1 $0x1082;
	[sflag:s4] =	ssyncset.s32 $0xFFFFF086  }
0x25: {  	[simem:s6], [sflag:s4] =	dma.local [hbm:s3], $0xF7A  }
0x26: {  	[smem:$0x3F95] =	sst s1;
	(tag) =	ssettag s2;
	_ =	strace s9  }
0x27: {  	s1 =	sld [smem:$0x3FA5]  }
0x28: {  	s2 =	sld [smem:$0x3FA6]  }
0x29: {  	s4 =	sld [smem:$0x3FA8]  }
0x2a: {  	p0 =	seq.s32 s5, $0x0;
	s5 =	sld [smem:$0x3FA9]  }
0x2b: {  	s6 =	sld [smem:$0x3FAA]  }
0x2c: {  	s7 =	sld [smem:$0x3FAB]  }
0x2d: {  	s3 =	simm.s32 $0x108;
	s8 =	sld [smem:$0x3FAC]  }
0x2e: {  	s3 =	simm.s32 @!p0 $0x1082;
	s9 =	sld [smem:$0x3FAD]  }
0x2f: {  	lr =	sadd.s32 s0, s3;
	s0 =	sld [smem:$0x3FA4]  }
0x30: {  	s3 =	sld [smem:$0x3FA7]  }
0x31: {  	[smem:$0x3FB0] =	sst s10  }
0x32: {  	s10 =	sld [smem:$0x3FAE];
	_ =	sdelay $0x3  }
0x33: {  	p0 =	seq.s32 s10, $0x1;
	s10 =	sld [smem:$0x3FB0];
	_ =	sdelay $0x3  }
0x34: {  	[smem:$0x3FB0] =	sst s10  }
0x35: {  	s10 =	sld [smem:$0x3FAF];
	_ =	sdelay $0x3  }
0x36: {  	p1 =	seq.s32 s10, $0x1;
	s10 =	sld [smem:$0x3FB0];
	_ =	sdelay $0x3  }
0x37: {  	[smem:$0x3FB0] =	sst s10  }
0x38: {  	s10 =	sld [smem:$0x3FB1]  }
0x39: {  	_ = 	snop;
	(pc) =	sbr.ind lr, $3  }
0x3a: {  	_ = 	snop  }
0x3b: {  	_ = 	snop  }
0x3c: {  	p2 =	seq.s32 s10, $0x1;
	s10 =	sld [smem:$0x3FB0]  }
0x3d: {  	_ =	shalt  }
0x3e: {  	_ =	shalt  }
0x3f: {  	_ =	shalt  }
0x40: {  	_ =	shalt  }
0x41: {  	_ =	shalt  }
0x42: {  	_ =	shalt  }
0x43: {  	_ =	shalt  }
0x44: {  	_ =	shalt  }
0x45: {  	_ =	shalt  }
0x46: {  	_ =	shalt  }
0x47: {  	_ =	shalt  }
0x48: {  	_ =	shalt  }
0x49: {  	_ =	shalt  }
0x4a: {  	_ =	shalt  }
0x4b: {  	_ =	shalt  }
0x4c: {  	_ =	shalt  }
0x4d: {  	_ =	shalt  }
0x4e: {  	_ =	shalt  }
0x4f: {  	_ =	shalt  }
0x50: {  	_ =	shalt  }
0x51: {  	_ =	shalt  }
0x52: {  	_ =	shalt  }
0x53: {  	_ =	shalt  }
0x54: {  	_ =	shalt  }
0x55: {  	_ =	shalt  }
0x56: {  	_ =	shalt  }
0x57: {  	_ =	shalt  }
0x58: {  	_ =	shalt  }
0x59: {  	_ =	shalt  }
0x5a: {  	_ =	shalt  }
0x5b: {  	_ =	shalt  }
0x5c: {  	_ =	shalt  }
0x5d: {  	_ =	shalt  }
0x5e: {  	_ =	shalt  }
0x5f: {  	_ =	shalt  }
0x60: {  	_ =	shalt  }
0x61: {  	_ =	shalt  }
0x62: {  	_ =	shalt  }
0x63: {  	_ =	shalt  }
0x64: {  	_ =	shalt  }
0x65: {  	_ =	shalt  }
0x66: {  	_ =	shalt  }
0x67: {  	_ =	shalt  }
0x68: {  	_ =	shalt  }
0x69: {  	_ =	shalt  }
0x6a: {  	_ =	shalt  }
0x6b: {  	_ =	shalt  }
0x6c: {  	_ =	shalt  }
0x6d: {  	_ =	shalt  }
0x6e: {  	_ =	shalt  }
0x6f: {  	_ =	shalt  }
0x70: {  	_ =	shalt  }
0x71: {  	_ =	shalt  }
0x72: {  	_ =	shalt  }
0x73: {  	_ =	shalt  }
0x74: {  	_ =	shalt  }
0x75: {  	_ =	shalt  }
0x76: {  	_ =	shalt  }
0x77: {  	_ =	shalt  }
0x78: {  	_ =	shalt  }
0x79: {  	_ =	shalt  }
0x7a: {  	_ =	shalt  }
0x7b: {  	_ =	shalt  }
0x7c: {  	_ =	shalt  }
0x7d: {  	_ =	shalt  }
0x7e: {  	_ =	shalt  }
0x7f: {  	_ =	shalt  }
0x80: {  	_ =	shalt  }
0x81: {  	_ =	shalt  }
0x82: {  	_ =	shalt  }
0x83: {  	_ =	shalt  }
0x84: {  	_ =	shalt  }
0x85: {  	_ =	shalt  }
0x86: {  	_ =	shalt  }
0x87: {  	_ =	shalt  }
.Lfunc_end0:
.L_simem_size_0:
called_computation.1_lowered:
.L_overlay_start_0:
0x88: {  	s2 =	sld [smem:$0x3FD9]  }
0x89: {  	s3 =	sld [smem:$0x3FFE];
	_ =	sdelay $0x1  }
0x8a: {  	s1 =	srdreg.scid  }
0x8b: {  	s0 =	sand.u32 $0x1, s1  }
0x8c: {  	s17 =	sshll.u32 s0, $0xA;
	s2 =	sadd.s32 s3, s2  }
0x8d: {  	s2 =	sadd.s32 s2, s17  }
0x8e: {  	[smem:$0x3FBC] =	sst s2  }
0x8f: {  	_ = 	snop  }
0x90: {  	s2 =	sld [smem:$0x3FD0];
	(tm) =	ssettm $0x1  }
0x91: {  	s18 =	sld [smem:$0x3FFB];
	_ =	sdelay $0x3  }
0x92: {  	_ =	strace s18  }
0x93: {  	s3 =	sld [smem:$0x3FFC];
	_ =	sdelay $0x3  }
0x94: {  	_ =	strace s3  }
0x95: {  	s3 =	sld [smem:$0x3FFD];
	_ =	sdelay $0x3  }
0x96: {  	_ =	strace s3  }
0x97: {  	_ =	strace $0x8FFFFFFF  }
0x98: {  	s19 =	sld [smem:$0x3FDB];
	_ =	sdelay $0x1  }
0x99: {  	s4 =	simm.s32 $_scs_section_size  }
0x9a: {  	s5 =	simm.s32 $_size__tile_overlayer_lowered;
	s6 =	simm.s32 $_tile_overlayer_lowered  }
0x9b: {  	s22 =	simm.s32 $0x1BFF;
	s21 =	sshll.u32 s6, $0x1;
	s3 =	sadd.s32 s4, s19  }
0x9c: {  	s7 =	simm.s32 $0x0;
	s20 =	sshll.u32 s5, $0x1;
	s5 =	sadd.s32 s21, s3  }
0x9d: {  	[timem:s7], [sflag:s22] =	dma.local [hbm:s5], s20  }
0x9e: {  	_ =	swait.ge [sflag:s22], s20  }
0x9f: {  	s4 =	ssub.s32 $0x0, s20;
	[sflag:s22] =	ssyncset.done $0x0  }
0xa0: {  	[sflag:s22] =	ssyncadd.s32 s4;
	_ =	sdelay $0x1  }
0xa1: {  	s23 =	simm.s32 $0x1B8B  }
0xa2: {  	_ =	swait.ge [sflag:s23], $0x1  }
0xa3: {  	[sflag:s23] =	ssyncset.done $0x0  }
0xa4: {  	s25 =	simm.s32 $0x1B8E;
	s24 =	sld [smem:$0x3FFE];
	[sflag:s23] =	ssyncadd.s32 $0xFFFFFFFF  }
0xa5: {  	s26 =	simm.s32 $execute0_lowered;
	[smem:$0x3FD2] =	sst s25  }
0xa6: {  	s5 =	sshll.u32 s26, $0x1;
	_ =	strace $0x80000049;
	[dreg:$0x1] =	wrdreg $0xFFFFFFFF  }
0xa7: {  	s28 =	simm.s32 $_size_execute0_lowered;
	s3 =	sadd.s32 s3, s5;
	[dreg:$0x0] =	wrdreg $0x0  }
0xa8: {  	s5 =	sshll.u32 s28, $0x1;
	[dreg:$0x2] =	wrdreg s3  }
0xa9: {  	[dreg:$0x3] =	wrdreg s5  }
0xaa: {  	[dreg:$0x4] =	wrdreg $0xC0  }
0xab: {  	_ =	task [dreg:s7], $0x5FFFF  }
0xac: {  	[dreg:$0x1] =	wrdreg $0xFFFFFFFF  }
0xad: {  	[dreg:$0x0] =	wrdreg $0x60  }
0xae: {  	[dreg:$0x2] =	wrdreg s24  }
0xaf: {  	[dreg:$0x3] =	wrdreg s2  }
0xb0: {  	[dreg:$0x4] =	wrdreg $0x0  }
0xb1: {  	[dreg:$0x5] =	wrdreg $0x9  }
0xb2: {  	_ =	task.clear_ibuf [dreg:s7], $0x6FFFF;
	_ =	strace $0x90000049  }
0xb3: {  	s29 =	simm.s32 $0x9;
	_ =	strace $0x8000004B  }
0xb4: {  	_ =	swait.ge [sflag:s29], $0x1  }
0xb5: {  	[sflag:s29] =	ssyncadd.s32 $0xFFFFFFFF  }
0xb6: {  	_ =	strace $0x9000004B  }
0xb7: {  	_ =	sfence  }
0xb8: {  	s30 =	sld [smem:$0x0];
	_ =	sdelay $0x2  }
0xb9: {  	s31 =	sshll.u32 s1, $0xD;
	s1 =	sshrl.u32 s1, $0x2  }
0xba: {  	s3 =	sand.u32 $0x4000, s31;
	s1 =	sadd.s32 s1, s30  }
0xbb: {  	s0 =	sor.u32 s3, s0;
	s1 =	sshll.u32 s1, $0x11  }
0xbc: {  	s0 =	sor.u32 s1, s0  }
0xbd: {  	s0 =	sadd.s32 $0x8F2B, s0  }
0xbe: {  	[sflag:s0] =	ssyncadd.remote.s32 $0x1  }
0xbf: {  	_ =	sfence.sel $0xFFFF  }
0xc0: {  	[dreg:$0x0] =	wrdreg $0xFFFFFFFF;
	(pc) =	sbr.abs _section_cstart, $3  }
0xc1: {  	[dreg:$0x1] =	wrdreg $0xFFFFFFFF  }
0xc2: {  	_ =	task.clear_ibuf [dreg:s7], $0x2FFFF;
	_ =	strace $0x9FFFFFFF  }
0xc3: {  	(tm) =	ssettm $0x7FFFFFFF  }
tec
execute0_lowered:
.L_overlay_start_1:
0x0: {  	(tag) =	ssettag $0x1  }
0x1: {  	s0 =	rddreg [dreg:$0x0]  }
0x2: {  	s12 =	rddreg [dreg:$0x1];
	s13 =	stileid.u32  }
0x3: {  	s3 =	rddreg [dreg:$0x2];
	s2 =	smul.u32 $0x4F000, s13  }
0x4: {  	s1 =	simm.s32 $0x0;
	s22 =	srdreg.scid;
	s6 =	smul.u32 $0x5100, s13  }
0x5: {  	[smem:$0x7FF] =	sst s1;
	s5 =	sadd.s32 $0x5C800, s0;
	s11 =	smul.u32 $0x13C00, s13  }
0x6: {  	s1 =	sand.u32 $0x1, s22;
	s7 =	sadd.s32 $0x3600, s0;
	s26 =	smul.u32 $0xA20, s13  }
0x7: {  	s0 =	sadd.s32 $0xAAA00, s0;
	p0 =	seq.s32 s13, $0xF;
	s9 =	smul.u32 $0x51000, s1  }
0x8: {  	_ =	strace $0x8000004A;
	s8 =	ssub.s32 $0x2, s1;
	s1 =	smul.u32 $0x138C00, s1  }
0x9: {  	s10 =	sshrl.u32 s8, $0x1;
	s2 =	sshrl.u32 s2, $0x2;
	s9 =	sadd.s32 s6, s9  }
0xa: {  	s8 =	ssub.s32 s8, s10;
	s14 =	sadd.s32 s2, s3;
	s25 =	sadd.s32 s11, s1  }
0xb: {  	s6 =	sshrl.u32 s6, $0x3;
	s1 =	sshrl.u32 s1, $0x3;
	s23 =	sshrl.u32 s9, $0x3  }
0xc: {  	s24 =	sadd.s32 $0x3000, s14;
	s2 =	sshrl.u32 s25, $0x3;
	[dreg:$0x4] =	wrdreg s14  }
0xd: {  	s6 =	sadd.s32 s7, s6;
	s29 =	smax.u32 s8, $0x1;
	[dreg:$0x5] =	wrdreg s24  }
0xe: {  	s31 =	sadd.s32 $0x480, s9;
	s8 =	sadd.s32 $0x5A0, s9;
	[dreg:$0xa] =	wrdreg s29  }
0xf: {  	s15 =	sadd.s32 $0x600, s9;
	s13 =	sadd.s32 $0xF000, s14;
	[dreg:$0xb] =	wrdreg s31  }
0x10: {  	s20 =	sadd.s32 $0x3C0, s9;
	s21 =	sadd.s32 $0x360, s9;
	[dreg:$0x1a] =	wrdreg s13  }
0x11: {  	s10 =	sadd.s32 s12, s23;
	s2 =	sadd.s32 s0, s2;
	[dreg:$0x7] =	wrdreg s6  }
0x12: {  	s16 =	sshrl.u32 s8, $0x3;
	s8 =	sadd.s32 $0x9000, s14;
	[dreg:$0x8] =	wrdreg s2  }
0x13: {  	s17 =	sshrl.u32 s15, $0x3;
	s15 =	sadd.s32 $0x12B400, s3;
	[dreg:$0x18] =	wrdreg s8  }
0x14: {  	s22 =	sshrl.u32 s20, $0x3;
	s20 =	sadd.s32 $0x12000, s14;
	[dreg:$0x1c] =	wrdreg s15  }
0x15: {  	s23 =	sshrl.u32 s21, $0x3;
	s21 =	sadd.s32 $0x137400, s3;
	[smem:$0x7F4] =	sst s20  }
0x16: {  	s28 =	sadd.s32 $0x4E0, s9;
	s0 =	sadd.s32 s0, s1;
	[smem:$0x7F5] =	sst s21  }
0x17: {  	s1 =	sshrl.u32 s28, $0x3;
	s0 =	sadd.s32 $0x25080, s0;
	[dreg:$0x6] =	wrdreg s10  }
0x18: {  	s4 =	sadd.s32 s1, s12;
	[dreg:$0x9] =	wrdreg s0  }
0x19: {  	s18 =	sadd.s32 s17, s12;
	[dreg:$0xd] =	wrdreg s4  }
0x1a: {  	s19 =	sadd.s32 $0x420, s9;
	s24 =	sadd.s32 s23, s12;
	[dreg:$0x10] =	wrdreg s18  }
0x1b: {  	s25 =	sadd.s32 $0x300, s9;
	s17 =	sadd.s32 $0x12E400, s3;
	[dreg:$0x13] =	wrdreg s24  }
0x1c: {  	s28 =	sadd.s32 $0x240, s9;
	s23 =	sadd.s32 $0xC, s6;
	[dreg:$0x1d] =	wrdreg s17  }
0x1d: {  	s31 =	sshrl.u32 s28, $0x3;
	s28 =	sadd.s32 $0x24, s6;
	[smem:$0x7F7] =	sst s23  }
0x1e: {  	s0 =	sadd.s32 s26, s7;
	s7 =	sadd.s32 $0x540, s9;
	[smem:$0x7FB] =	sst s28  }
0x1f: {  	s26 =	sadd.s32 $0x2A0, s9;
	s2 =	sadd.s32 s31, s12;
	[dreg:$0xc] =	wrdreg s0  }
0x20: {  	s4 =	sadd.s32 $0x1E0, s9;
	s9 =	sadd.s32 $0xC000, s14;
	[dreg:$0x16] =	wrdreg s2  }
0x21: {  	s30 =	simm.s32 $0x2;
	s18 =	sadd.s32 $0x131400, s3;
	[dreg:$0x19] =	wrdreg s9  }
0x22: {  	s11 =	simm.s32 $0x0;
	s24 =	sadd.s32 $0x18, s10;
	[dreg:$0x1f] =	wrdreg s18  }
0x23: {  	s15 =	simm.s32 $0x138C0;
	s31 =	sadd.s32 $0x30, s6;
	[smem:$0x7F8] =	sst s24  }
0x24: {  	s0 =	sshrl.u32 s7, $0x3;
	s7 =	sadd.s32 $0x6000, s14;
	[smem:$0x7FD] =	sst s31  }
0x25: {  	s29 =	sshrl.u32 s26, $0x3;
	s26 =	sadd.s32 $0x24, s10;
	[dreg:$0x17] =	wrdreg s7  }
0x26: {  	s21 =	simm.s32 $0x168C0;
	s0 =	sadd.s32 s0, s12;
	[smem:$0x7FA] =	sst s26  }
0x27: {  	s8 =	simm.s32 $0xB;
	[dreg:$0xe] =	wrdreg s0;
	s0 =	sadd.s32 s16, s12  }
0x28: {  	s1 =	simm.s32 $0x0;
	s16 =	sadd.s32 $0x128400, s3;
	[dreg:$0xf] =	wrdreg s0  }
0x29: {  	s0 =	sshrl.u32 s19, $0x3;
	s19 =	sadd.s32 $0x134400, s3;
	[dreg:$0x1b] =	wrdreg s16  }
0x2a: {  	s24 =	simm.s32 $0x4;
	s0 =	sadd.s32 s0, s12;
	[smem:$0x7F3] =	sst s19  }
0x2b: {  	s3 =	simm.s32 $0x1FDC0;
	[dreg:$0x11] =	wrdreg s0;
	s0 =	sadd.s32 s22, s12  }
0x2c: {  	s19 =	simm.s32 $0xB;
	s22 =	sadd.s32 $0xC, s10;
	[dreg:$0x12] =	wrdreg s0  }
0x2d: {  	s0 =	sshrl.u32 s25, $0x3;
	[smem:$0x7F6] =	sst s22;
	s25 =	sadd.s32 $0x18, s6  }
.Ltmp0:
0x2e: {  	s0 =	sadd.s32 s0, s12;
	[smem:$0x7F9] =	sst s25;
	(pc) =	sbr.rel .LBB2_1-.Ltmp0, $4  }
0x2f: {  	s22 =	simm.s32 $0x168C0;
	[dreg:$0x14] =	wrdreg s0;
	s0 =	sadd.s32 s29, s12  }
0x30: {  	s29 =	sadd.s32 $0x30, s10;
	[dreg:$0x15] =	wrdreg s0;
	s0 =	sshrl.u32 s4, $0x3  }
0x31: {  	s10 =	simm.s32 $0x1FCC0;
	[smem:$0x7FC] =	sst s29;
	s0 =	sadd.s32 s0, s12  }
0x32: {  	v0 =	vimm.f32 $0.0e+00;
	s4 =	simm.s32 $0x1FD40;
	[dreg:$0x1e] =	wrdreg s0;
	s0 =	simm.s32 $0x60  }
.LBB2_6:
0x33: {  	s1 =	simm.s32 $0x8  }
0x34: {  	_ =	swait.ge [sflag:s1], $0x3000  }
0x35: {  	[sflag:s1] =	ssyncset.done $0x0  }
0x36: {  	[sflag:s1] =	ssyncadd.s32 $0xFFFFD000  }
0x37: {  	[bflag:$0x0] =	sbarrier.arrive $0xFFFF  }
0x38: {  	s16 =	rddreg [dreg:$0x1b]  }
0x39: {  	s9 =	simm.s32 @p0 $0x1FCF;
	s13 =	rddreg [dreg:$0x9];
	s7 =	sshrl.u32 @p0 s16, $0x3  }
0x3a: {  	[hbm:s13], [sflag:s9] =	dma.local @p0 [spmem:s7], $0x2100  }
0x3b: {  	s7 =	simm.s32 @p0 $0xF  }
0x3c: {  	_ =	swait.ge @p0 [sflag:s7], $0x2100  }
0x3d: {  	s9 =	stileid.u32;
	s14 =	rddreg [dreg:$0x4]  }
0x3e: {  	s9 =	sshll.u32 @!p0 s9, $0x6;
	[sflag:s7] =	ssyncset.done @p0 $0x0;
	s13 =	rddreg [dreg:$0x8]  }
0x3f: {  	[sflag:s7] =	ssyncadd.s32 @p0 $0xFFFFDF00;
	s7 =	sor.u32 @!p0 $0x1C0F, s9;
	s9 =	sshrl.u32 @!p0 s14, $0x3  }
0x40: {  	[hbm:s13], [sflag:s7] =	dma.local @!p0 [spmem:s9], $0x2780  }
0x41: {  	s7 =	simm.s32 @!p0 $0xF  }
0x42: {  	_ =	swait.ge @!p0 [sflag:s7], $0x2780  }
0x43: {  	s29 =	sld [smem:$0x7F2];
	_ =	sdelay $0x2  }
0x44: {  	s31 =	rddreg [dreg:$0xa];
	s1 =	sadd.s32 $0x1, s29  }
0x45: {  	p1 =	sne.s32 s1, s31  }
.Ltmp1:
0x46: {  	_ = 	snop;
	(pc) =	sbr.rel @!p1 .LBB2_7-.Ltmp1, $3  }
0x47: {  	_ =	sdelay $0x1  }
0x48: {  	[sflag:s7] =	ssyncset.done @!p0 $0x0  }
0x49: {  	s3 =	simm.s32 $0x1FDC0;
	s8 =	simm.s32 $0xB;
	[sflag:s7] =	ssyncadd.s32 @!p0 $0xFFFFD880  }
.LBB2_1:
0x4a: {  	[smem:$0x7F2] =	sst s1;
	s9 =	simm.s32 $0x0;
	s13 =	simm.s32 $0x200  }
.LBB2_2:
0x4b: {  	p1 =	sne.s32 s13, $0xBE00;
	[tilespmem:s9+$0x13930] =	vst v0  }
0x4c: {  	[tilespmem:s9+$0x138C0] =	vst v0  }
0x4d: {  	[tilespmem:s9+$0x138D0] =	vst v0  }
.Ltmp2:
0x4e: {  	[tilespmem:s9+$0x138E0] =	vst v0;
	(pc) =	sbr.rel @p1 .LBB2_2-.Ltmp2, $4  }
0x4f: {  	[tilespmem:s9+$0x138F0] =	vst v0  }
0x50: {  	[tilespmem:s9+$0x13900] =	vst v0  }
0x51: {  	[tilespmem:s9+$0x13910] =	vst v0  }
0x52: {  	[tilespmem:s9+$0x13920] =	vst v0;
	s9 =	sshra.s32 s13, $0x2;
	s13 =	sadd.s32 $0x200, s13  }
0x53: {  	[tilespmem:s9+$0x13930] =	vst v0  }
0x54: {  	[tilespmem:s9+$0x138C0] =	vst v0  }
0x55: {  	[tilespmem:s9+$0x138D0] =	vst v0  }
0x56: {  	[tilespmem:s9+$0x138E0] =	vst v0  }
0x57: {  	[tilespmem:s9+$0x138F0] =	vst v0  }
0x58: {  	[tilespmem:s9+$0x13900] =	vst v0  }
0x59: {  	[tilespmem:s9+$0x13910] =	vst v0  }
0x5a: {  	[tilespmem:s9+$0x13920] =	vst v0;
	s9 =	simm.s32 @p0 $0x138C0;
	s13 =	simm.s32 @p0 $0xF  }
0x5b: {  	[spmem:s16] =	stream.linear.scatter @p0 [tilespmem:s9], [sflag:$0xF], $0x3000, $0x38;
	[tilespmem:$0x1FEC0] =	vst v63  }
0x5c: {  	_ =	swait.ge @p0 [sflag:s13], $0x3000  }
0x5d: {  	[sflag:s13] =	ssyncset.done @p0 $0x0  }
0x5e: {  	s7 =	rddreg [dreg:$0x1c];
	[sflag:s13] =	ssyncadd.s32 @p0 $0xFFFFD000  }
0x5f: {  	[spmem:s7] =	stream.linear.scatter @p0 [tilespmem:s9], [sflag:$0xF], $0x3000, $0x38;
	[tilespmem:$0x1FEC0] =	vst v63  }
0x60: {  	_ =	swait.ge @p0 [sflag:s13], $0x3000  }
0x61: {  	[sflag:s13] =	ssyncset.done @p0 $0x0  }
0x62: {  	s7 =	rddreg [dreg:$0x1d];
	[sflag:s13] =	ssyncadd.s32 @p0 $0xFFFFD000  }
0x63: {  	[spmem:s7] =	stream.linear.scatter @p0 [tilespmem:s9], [sflag:$0xF], $0x3000, $0x38;
	[tilespmem:$0x1FEC0] =	vst v63  }
0x64: {  	_ =	swait.ge @p0 [sflag:s13], $0x3000  }
0x65: {  	[sflag:s13] =	ssyncset.done @p0 $0x0  }
0x66: {  	s7 =	rddreg [dreg:$0x1f];
	[sflag:s13] =	ssyncadd.s32 @p0 $0xFFFFD000  }
0x67: {  	[spmem:s7] =	stream.linear.scatter @p0 [tilespmem:s9], [sflag:$0xF], $0x3000, $0x38;
	[tilespmem:$0x1FEC0] =	vst v63  }
0x68: {  	_ =	swait.ge @p0 [sflag:s13], $0x3000  }
0x69: {  	s7 =	sld [smem:$0x7F3]  }
0x6a: {  	[sflag:s13] =	ssyncset.done @p0 $0x0  }
0x6b: {  	[sflag:s13] =	ssyncadd.s32 @p0 $0xFFFFD000  }
0x6c: {  	[spmem:s7] =	stream.linear.scatter @p0 [tilespmem:s9], [sflag:$0xF], $0x3000, $0x38;
	[tilespmem:$0x1FEC0] =	vst v63  }
0x6d: {  	_ =	swait.ge @p0 [sflag:s13], $0x3000  }
0x6e: {  	s7 =	sld [smem:$0x7F5]  }
0x6f: {  	[sflag:s13] =	ssyncset.done @p0 $0x0  }
0x70: {  	[sflag:s13] =	ssyncadd.s32 @p0 $0xFFFFD000  }
0x71: {  	[spmem:s7] =	stream.linear.scatter @p0 [tilespmem:s9], [sflag:$0xF], $0x1800, $0x38;
	[tilespmem:$0x1FEC0] =	vst v63  }
0x72: {  	_ =	swait.ge @p0 [sflag:s13], $0x1800  }
0x73: {  	[sflag:s13] =	ssyncset.done @p0 $0x0  }
0x74: {  	s9 =	simm.s32 @!p0 $0x138C0;
	[sflag:s13] =	ssyncadd.s32 @p0 $0xFFFFE800;
	s13 =	simm.s32 @!p0 $0xF  }
0x75: {  	[spmem:s14] =	stream.linear.scatter @!p0 [tilespmem:s9], [sflag:$0xF], $0x3000, $0x38;
	[tilespmem:$0x1FEC0] =	vst v63  }
0x76: {  	_ =	swait.ge @!p0 [sflag:s13], $0x3000  }
0x77: {  	[sflag:s13] =	ssyncset.done @!p0 $0x0  }
0x78: {  	s7 =	rddreg [dreg:$0x5];
	[sflag:s13] =	ssyncadd.s32 @!p0 $0xFFFFD000  }
0x79: {  	[spmem:s7] =	stream.linear.scatter @!p0 [tilespmem:s9], [sflag:$0xF], $0x3000, $0x38;
	[tilespmem:$0x1FEC0] =	vst v63  }
0x7a: {  	_ =	swait.ge @!p0 [sflag:s13], $0x3000  }
0x7b: {  	[sflag:s13] =	ssyncset.done @!p0 $0x0  }
0x7c: {  	s7 =	rddreg [dreg:$0x17];
	[sflag:s13] =	ssyncadd.s32 @!p0 $0xFFFFD000  }
0x7d: {  	[spmem:s7] =	stream.linear.scatter @!p0 [tilespmem:s9], [sflag:$0xF], $0x3000, $0x38;
	[tilespmem:$0x1FEC0] =	vst v63  }
0x7e: {  	_ =	swait.ge @!p0 [sflag:s13], $0x3000  }
0x7f: {  	[sflag:s13] =	ssyncset.done @!p0 $0x0  }
0x80: {  	s7 =	rddreg [dreg:$0x18];
	[sflag:s13] =	ssyncadd.s32 @!p0 $0xFFFFD000  }
0x81: {  	[spmem:s7] =	stream.linear.scatter @!p0 [tilespmem:s9], [sflag:$0xF], $0x3000, $0x38;
	[tilespmem:$0x1FEC0] =	vst v63  }
0x82: {  	_ =	swait.ge @!p0 [sflag:s13], $0x3000  }
0x83: {  	[sflag:s13] =	ssyncset.done @!p0 $0x0  }
0x84: {  	s7 =	rddreg [dreg:$0x19];
	[sflag:s13] =	ssyncadd.s32 @!p0 $0xFFFFD000  }
0x85: {  	[spmem:s7] =	stream.linear.scatter @!p0 [tilespmem:s9], [sflag:$0xF], $0x3000, $0x38;
	[tilespmem:$0x1FEC0] =	vst v63  }
0x86: {  	_ =	swait.ge @!p0 [sflag:s13], $0x3000  }
0x87: {  	[sflag:s13] =	ssyncset.done @!p0 $0x0  }
0x88: {  	s7 =	rddreg [dreg:$0x1a];
	[sflag:s13] =	ssyncadd.s32 @!p0 $0xFFFFD000  }
0x89: {  	[spmem:s7] =	stream.linear.scatter @!p0 [tilespmem:s9], [sflag:$0xF], $0x3000, $0x38;
	[tilespmem:$0x1FEC0] =	vst v63  }
0x8a: {  	_ =	swait.ge @!p0 [sflag:s13], $0x3000  }
0x8b: {  	s7 =	sld [smem:$0x7F4]  }
0x8c: {  	[sflag:s13] =	ssyncset.done @!p0 $0x0  }
0x8d: {  	[sflag:s13] =	ssyncadd.s32 @!p0 $0xFFFFD000  }
0x8e: {  	[spmem:s7] =	stream.linear.scatter @!p0 [tilespmem:s9], [sflag:$0xF], $0x1C00, $0x38;
	[tilespmem:$0x1FEC0] =	vst v63  }
0x8f: {  	_ =	swait.ge @!p0 [sflag:s13], $0x1C00  }
0x90: {  	[sflag:s13] =	ssyncset.done @!p0 $0x0  }
0x91: {  	[sflag:s13] =	ssyncadd.s32 @!p0 $0xFFFFE400  }
0x92: {  	[bflag:$0x0] =	sbarrier.arrive $0xFFFF  }
0x93: {  	s12 =	rddreg [dreg:$0x6]  }
0x94: {  	s14 =	simm.s32 $0x1F8C0;
	s13 =	simm.s32 $0x0;
	s28 =	rddreg [dreg:$0x7]  }
0x95: {  	[tilespmem:s14], [sflag:$0x9] =	stream.linear.gather [hbm4b:s12+s13], $0x60, $0x38;
	[tilespmem:$0x1FEC0] =	vst v63  }
0x96: {  	s6 =	simm.s32 $0x1FBC0;
	s29 =	sld [smem:$0x7F6]  }
0x97: {  	[tilespmem:s6], [sflag:$0x9] =	stream.linear.gather [hbm4b:s28+s13], $0x60, $0x38;
	[tilespmem:$0x1FEC0] =	vst v63  }
0x98: {  	s31 =	simm.s32 $0x1F940;
	s6 =	sld [smem:$0x7F7]  }
0x99: {  	[tilespmem:s31], [sflag:$0xA] =	stream.linear.gather [hbm4b:s29+s13], $0x60, $0x38;
	[tilespmem:$0x1FEC0] =	vst v63  }
0x9a: {  	s1 =	simm.s32 $0x1FC40;
	s12 =	sld [smem:$0x7F8]  }
0x9b: {  	[tilespmem:s1], [sflag:$0xA] =	stream.linear.gather [hbm4b:s6+s13], $0x60, $0x38;
	[tilespmem:$0x1FEC0] =	vst v63  }
0x9c: {  	s16 =	simm.s32 $0x1F9C0;
	s18 =	sld [smem:$0x7F9]  }
0x9d: {  	[tilespmem:s16], [sflag:$0xB] =	stream.linear.gather [hbm4b:s12+s13], $0x60, $0x38;
	[tilespmem:$0x1FEC0] =	vst v63  }
0x9e: {  	s20 =	sld [smem:$0x7FA]  }
0x9f: {  	[tilespmem:s10], [sflag:$0xB] =	stream.linear.gather [hbm4b:s18+s13], $0x60, $0x38;
	[tilespmem:$0x1FEC0] =	vst v63  }
0xa0: {  	s2 =	simm.s32 $0x1FA40;
	s23 =	sld [smem:$0x7FB]  }
0xa1: {  	[tilespmem:s2], [sflag:$0xC] =	stream.linear.gather [hbm4b:s20+s13], $0x60, $0x38;
	[tilespmem:$0x1FEC0] =	vst v63  }
0xa2: {  	s25 =	sld [smem:$0x7FC]  }
0xa3: {  	[tilespmem:s4], [sflag:$0xC] =	stream.linear.gather [hbm4b:s23+s13], $0x60, $0x38;
	[tilespmem:$0x1FEC0] =	vst v63  }
0xa4: {  	s17 =	simm.s32 $0x1FAC0;
	s26 =	sld [smem:$0x7FD]  }
0xa5: {  	[tilespmem:s17], [sflag:$0xD] =	stream.linear.gather [hbm4b:s25+s13], $0x60, $0x38;
	[tilespmem:$0x1FEC0] =	vst v63  }
0xa6: {  	s28 =	simm.s32 $0x9  }
0xa7: {  	[tilespmem:s3], [sflag:$0xD] =	stream.linear.gather [hbm4b:s26+s13], $0x60, $0x38;
	[tilespmem:$0x1FEC0] =	vst v63  }
0xa8: {  	_ =	swait.ge [sflag:s28], $0x60  }
0xa9: {  	[sflag:s28] =	ssyncset.done $0x0  }
0xaa: {  	[sflag:s28] =	ssyncadd.s32 $0xFFFFFFA0  }
0xab: {  	_ =	swait.ge [sflag:s28], $0x60  }
0xac: {  	[sflag:s28] =	ssyncset.done $0x0  }
0xad: {  	s29 =	simm.s32 $0xA;
	[sflag:s28] =	ssyncadd.s32 $0xFFFFFFA0  }
0xae: {  	[tilespmem:s15], [sflag:$0x1] =	stream.indirect.gather [hbm4b:s5+s0], $0x80, s14, s0, $0xb8;
	[tilespmem:$0x1FEC0] =	vst v63  }
0xaf: {  	_ =	swait.ge [sflag:s29], $0x60  }
0xb0: {  	[sflag:s29] =	ssyncset.done $0x0  }
0xb1: {  	[sflag:s29] =	ssyncadd.s32 $0xFFFFFFA0  }
0xb2: {  	_ =	swait.ge [sflag:s29], $0x60  }
0xb3: {  	[sflag:s29] =	ssyncset.done $0x0  }
0xb4: {  	[sflag:s29] =	ssyncadd.s32 $0xFFFFFFA0  }
0xb5: {  	[tilespmem:s21], [sflag:$0x2] =	stream.indirect.gather [hbm4b:s5+s0], $0x80, s31, s0, $0xb8;
	[tilespmem:$0x1FEC0] =	vst v63  }
0xb6: {  	_ =	swait.ge [sflag:s8], $0x60  }
0xb7: {  	[sflag:s8] =	ssyncset.done $0x0  }
0xb8: {  	[sflag:s8] =	ssyncadd.s32 $0xFFFFFFA0  }
0xb9: {  	_ =	swait.ge [sflag:s8], $0x60  }
0xba: {  	[sflag:s8] =	ssyncset.done $0x0;
	s31 =	rddreg [dreg:$0xb]  }
0xbb: {  	s15 =	simm.s32 $0x198C0;
	[sflag:s8] =	ssyncadd.s32 $0xFFFFFFA0;
	[smem:$0x7F1] =	sst s31  }
0xbc: {  	[tilespmem:s15], [sflag:$0x3] =	stream.indirect.gather [hbm4b:s5+s0], $0x80, s16, s0, $0xb8;
	[tilespmem:$0x1FEC0] =	vst v63  }
.LBB2_4:
0xbd: {  	s12 =	simm.s32 $0x1  }
0xbe: {  	_ =	swait.ge [sflag:s12], $0x3000  }
0xbf: {  	[sflag:s12] =	ssyncset.done $0x0  }
0xc0: {  	s2 =	simm.s32 $0x1FBC0;
	p1 =	seq.s32 s13, $0x0;
	[sflag:s12] =	ssyncadd.s32 $0xFFFFD000  }
0xc1: {  	s21 =	simm.s32 $0x138C0;
	s9 =	simm.s32 @!p1 $0x8;
	s1 =	rddreg [dreg:$0x2]  }
0xc2: {  	[spmem:s1] =	stream.indirect.scatter.add.f32 [tilespmem:s21], [sflag:$0x5], $0x80, s2, s0, $0xb8;
	[tilespmem:$0x1FEC0] =	vst v63  }
0xc3: {  	_ =	swait.ge @!p1 [sflag:s9], $0x3000  }
0xc4: {  	[sflag:s9] =	ssyncset.done @!p1 $0x0;
	s7 =	rddreg [dreg:$0x1e]  }
0xc5: {  	s20 =	rddreg [dreg:$0xc];
	[sflag:s9] =	ssyncadd.s32 @!p1 $0xFFFFD000  }
0xc6: {  	s6 =	sadd.s32 s13, s7;
	s7 =	simm.s32 $0x1FB40;
	s25 =	sadd.s32 s13, s20  }
0xc7: {  	[tilespmem:s7], [sflag:$0xE] =	stream.linear.gather [hbm4b:s6+s11], $0x60, $0x38;
	[tilespmem:$0x1FEC0] =	vst v63  }
0xc8: {  	s10 =	simm.s32 $0x1FE40;
	s23 =	simm.s32 $0xC;
	s8 =	sadd.s32 $0x3C, s25  }
0xc9: {  	[tilespmem:s10], [sflag:$0xE] =	stream.linear.gather [hbm4b:s8+s11], $0x60, $0x38;
	[tilespmem:$0x1FEC0] =	vst v63  }
0xca: {  	_ =	swait.ge [sflag:s23], $0x60  }
0xcb: {  	[sflag:s23] =	ssyncset.done $0x0  }
0xcc: {  	[sflag:s23] =	ssyncadd.s32 $0xFFFFFFA0  }
0xcd: {  	_ =	swait.ge [sflag:s23], $0x60  }
0xce: {  	[sflag:s23] =	ssyncset.done $0x0  }
0xcf: {  	s3 =	simm.s32 $0x1FA40;
	s14 =	simm.s32 $0x1C8C0;
	[sflag:s23] =	ssyncadd.s32 $0xFFFFFFA0  }
0xd0: {  	[tilespmem:s14], [sflag:$0x4] =	stream.indirect.gather [hbm4b:s5+s0], $0x80, s3, s0, $0xb8;
	[tilespmem:$0x1FEC0] =	vst v63  }
0xd1: {  	_ =	swait.ge [sflag:s30], $0x3000  }
0xd2: {  	[sflag:s30] =	ssyncset.done $0x0  }
0xd3: {  	s16 =	simm.s32 $0x1FC40;
	s3 =	simm.s32 $0x5;
	[sflag:s30] =	ssyncadd.s32 $0xFFFFD000  }
0xd4: {  	[spmem:s1] =	stream.indirect.scatter.add.f32 [tilespmem:s22], [sflag:$0x6], $0x80, s16, s0, $0xb8;
	[tilespmem:$0x1FEC0] =	vst v63  }
0xd5: {  	_ =	swait.ge [sflag:s3], $0x3000  }
0xd6: {  	[sflag:s3] =	ssyncset.done $0x0;
	s18 =	rddreg [dreg:$0x16]  }
0xd7: {  	s14 =	simm.s32 $0x1F8C0;
	[sflag:s3] =	ssyncadd.s32 $0xFFFFD000;
	s28 =	sadd.s32 s13, s18  }
0xd8: {  	[tilespmem:s14], [sflag:$0x9] =	stream.linear.gather [hbm4b:s28+s11], $0x60, $0x38;
	[tilespmem:$0x1FEC0] =	vst v63  }
0xd9: {  	s4 =	simm.s32 $0x1FBC0;
	s29 =	sadd.s32 $0x48, s25;
	s10 =	simm.s32 $0xD  }
0xda: {  	[tilespmem:s4], [sflag:$0x9] =	stream.linear.gather [hbm4b:s29+s11], $0x60, $0x38;
	[tilespmem:$0x1FEC0] =	vst v63  }
0xdb: {  	_ =	swait.ge [sflag:s10], $0x60  }
0xdc: {  	[sflag:s10] =	ssyncset.done $0x0  }
0xdd: {  	[sflag:s10] =	ssyncadd.s32 $0xFFFFFFA0  }
0xde: {  	_ =	swait.ge [sflag:s10], $0x60  }
0xdf: {  	[sflag:s10] =	ssyncset.done $0x0  }
0xe0: {  	s28 =	simm.s32 $0x3;
	[sflag:s10] =	ssyncadd.s32 $0xFFFFFFA0  }
0xe1: {  	[tilespmem:s21], [sflag:$0x1] =	stream.indirect.gather [hbm4b:s5+s0], $0x80, s17, s0, $0xb8;
	[tilespmem:$0x1FEC0] =	vst v63  }
0xe2: {  	_ =	swait.ge [sflag:s28], $0x3000  }
0xe3: {  	[sflag:s28] =	ssyncset.done $0x0  }
0xe4: {  	s31 =	simm.s32 $0x1FCC0;
	s11 =	simm.s32 $0x6;
	[sflag:s28] =	ssyncadd.s32 $0xFFFFD000  }
0xe5: {  	[spmem:s1] =	stream.indirect.scatter.add.f32 [tilespmem:s15], [sflag:$0x7], $0x80, s31, s0, $0xb8;
	[tilespmem:$0x1FEC0] =	vst v63  }
0xe6: {  	_ =	swait.ge [sflag:s11], $0x3000  }
0xe7: {  	s18 =	simm.s32 $0x1F940;
	[sflag:s11] =	ssyncset.done $0x0;
	s2 =	rddreg [dreg:$0x15]  }
0xe8: {  	s31 =	simm.s32 $0x0;
	[sflag:s11] =	ssyncadd.s32 $0xFFFFD000;
	s4 =	sadd.s32 s13, s2  }
0xe9: {  	[tilespmem:s18], [sflag:$0xA] =	stream.linear.gather [hbm4b:s4+s31], $0x60, $0x38;
	[tilespmem:$0x1FEC0] =	vst v63  }
0xea: {  	s7 =	sadd.s32 $0x54, s25;
	s8 =	simm.s32 $0x1FC40;
	s4 =	simm.s32 $0xE  }
0xeb: {  	[tilespmem:s8], [sflag:$0xA] =	stream.linear.gather [hbm4b:s7+s31], $0x60, $0x38;
	[tilespmem:$0x1FEC0] =	vst v63  }
0xec: {  	_ =	swait.ge [sflag:s4], $0x60  }
0xed: {  	[sflag:s4] =	ssyncset.done $0x0  }
0xee: {  	[sflag:s4] =	ssyncadd.s32 $0xFFFFFFA0  }
0xef: {  	_ =	swait.ge [sflag:s4], $0x60  }
0xf0: {  	[sflag:s4] =	ssyncset.done $0x0  }
0xf1: {  	s6 =	simm.s32 $0x1FB40;
	[sflag:s4] =	ssyncadd.s32 $0xFFFFFFA0  }
0xf2: {  	[tilespmem:s22], [sflag:$0x2] =	stream.indirect.gather [hbm4b:s5+s0], $0x80, s6, s0, $0xb8;
	[tilespmem:$0x1FEC0] =	vst v63  }
0xf3: {  	_ =	swait.ge [sflag:s24], $0x3000  }
0xf4: {  	s26 =	simm.s32 $0x1C8C0;
	[sflag:s24] =	ssyncset.done $0x0  }
0xf5: {  	s16 =	simm.s32 $0x1FD40;
	s6 =	simm.s32 $0x7;
	[sflag:s24] =	ssyncadd.s32 $0xFFFFD000  }
0xf6: {  	[spmem:s1] =	stream.indirect.scatter.add.f32 [tilespmem:s26], [sflag:$0x8], $0x80, s16, s0, $0xb8;
	[tilespmem:$0x1FEC0] =	vst v63  }
0xf7: {  	_ =	swait.ge [sflag:s6], $0x3000  }
0xf8: {  	[sflag:s6] =	ssyncset.done $0x0;
	s2 =	rddreg [dreg:$0x14]  }
0xf9: {  	s8 =	simm.s32 $0x1F9C0;
	[sflag:s6] =	ssyncadd.s32 $0xFFFFD000;
	s7 =	sadd.s32 s13, s2  }
0xfa: {  	[tilespmem:s8], [sflag:$0xB] =	stream.linear.gather [hbm4b:s7+s31], $0x60, $0x38;
	[tilespmem:$0x1FEC0] =	vst v63  }
0xfb: {  	s29 =	simm.s32 $0x1FCC0;
	s2 =	sadd.s32 $0x60, s25;
	s7 =	simm.s32 $0x9  }
0xfc: {  	[tilespmem:s29], [sflag:$0xB] =	stream.linear.gather [hbm4b:s2+s31], $0x60, $0x38;
	[tilespmem:$0x1FEC0] =	vst v63  }
0xfd: {  	_ =	swait.ge [sflag:s7], $0x60  }
0xfe: {  	[sflag:s7] =	ssyncset.done $0x0  }
0xff: {  	[sflag:s7] =	ssyncadd.s32 $0xFFFFFFA0  }
0x100: {  	_ =	swait.ge [sflag:s7], $0x60  }
0x101: {  	[sflag:s7] =	ssyncset.done $0x0  }
0x102: {  	[sflag:s7] =	ssyncadd.s32 $0xFFFFFFA0  }
0x103: {  	[tilespmem:s15], [sflag:$0x3] =	stream.indirect.gather [hbm4b:s5+s0], $0x80, s14, s0, $0xb8;
	[tilespmem:$0x1FEC0] =	vst v63  }
0x104: {  	_ =	swait.ge [sflag:s12], $0x3000  }
0x105: {  	[sflag:s12] =	ssyncset.done $0x0  }
0x106: {  	s29 =	simm.s32 $0x8;
	s14 =	simm.s32 $0x1FDC0;
	[sflag:s12] =	ssyncadd.s32 $0xFFFFD000  }
0x107: {  	[spmem:s1] =	stream.indirect.scatter.add.f32 [tilespmem:s21], [sflag:$0x5], $0x80, s14, s0, $0xb8;
	[tilespmem:$0x1FEC0] =	vst v63  }
0x108: {  	_ =	swait.ge [sflag:s29], $0x3000  }
0x109: {  	[sflag:s29] =	ssyncset.done $0x0;
	s9 =	rddreg [dreg:$0x13]  }
0x10a: {  	s7 =	simm.s32 $0x1FA40;
	[sflag:s29] =	ssyncadd.s32 $0xFFFFD000;
	s2 =	sadd.s32 s13, s9  }
0x10b: {  	[tilespmem:s7], [sflag:$0xC] =	stream.linear.gather [hbm4b:s2+s31], $0x60, $0x38;
	[tilespmem:$0x1FEC0] =	vst v63  }
0x10c: {  	s16 =	simm.s32 $0x1FD40;
	s9 =	simm.s32 $0xA;
	s7 =	sadd.s32 $0x6C, s25  }
0x10d: {  	[tilespmem:s16], [sflag:$0xC] =	stream.linear.gather [hbm4b:s7+s31], $0x60, $0x38;
	[tilespmem:$0x1FEC0] =	vst v63  }
0x10e: {  	_ =	swait.ge [sflag:s9], $0x60  }
0x10f: {  	[sflag:s9] =	ssyncset.done $0x0  }
0x110: {  	[sflag:s9] =	ssyncadd.s32 $0xFFFFFFA0  }
0x111: {  	_ =	swait.ge [sflag:s9], $0x60  }
0x112: {  	[sflag:s9] =	ssyncset.done $0x0  }
0x113: {  	[sflag:s9] =	ssyncadd.s32 $0xFFFFFFA0  }
0x114: {  	[tilespmem:s26], [sflag:$0x4] =	stream.indirect.gather [hbm4b:s5+s0], $0x80, s18, s0, $0xb8;
	[tilespmem:$0x1FEC0] =	vst v63  }
0x115: {  	_ =	swait.ge [sflag:s30], $0x3000  }
0x116: {  	[sflag:s30] =	ssyncset.done $0x0  }
0x117: {  	s2 =	simm.s32 $0x1FE40;
	[sflag:s30] =	ssyncadd.s32 $0xFFFFD000  }
0x118: {  	[spmem:s1] =	stream.indirect.scatter.add.f32 [tilespmem:s22], [sflag:$0x6], $0x80, s2, s0, $0xb8;
	[tilespmem:$0x1FEC0] =	vst v63  }
0x119: {  	_ =	swait.ge [sflag:s3], $0x3000  }
0x11a: {  	[sflag:s3] =	ssyncset.done $0x0;
	s16 =	rddreg [dreg:$0x12]  }
0x11b: {  	[sflag:s3] =	ssyncadd.s32 $0xFFFFD000;
	s18 =	sadd.s32 s13, s16  }
0x11c: {  	[tilespmem:s17], [sflag:$0xD] =	stream.linear.gather [hbm4b:s18+s31], $0x60, $0x38;
	[tilespmem:$0x1FEC0] =	vst v63  }
0x11d: {  	s26 =	sadd.s32 $0x78, s25  }
0x11e: {  	[tilespmem:s14], [sflag:$0xD] =	stream.linear.gather [hbm4b:s26+s31], $0x60, $0x38;
	[tilespmem:$0x1FEC0] =	vst v63  }
0x11f: {  	_ =	swait.ge [sflag:s19], $0x60  }
0x120: {  	[sflag:s19] =	ssyncset.done $0x0  }
0x121: {  	[sflag:s19] =	ssyncadd.s32 $0xFFFFFFA0  }
0x122: {  	_ =	swait.ge [sflag:s19], $0x60  }
0x123: {  	[sflag:s19] =	ssyncset.done $0x0  }
0x124: {  	[sflag:s19] =	ssyncadd.s32 $0xFFFFFFA0  }
0x125: {  	[tilespmem:s21], [sflag:$0x1] =	stream.indirect.gather [hbm4b:s5+s0], $0x80, s8, s0, $0xb8;
	[tilespmem:$0x1FEC0] =	vst v63  }
0x126: {  	_ =	swait.ge [sflag:s28], $0x3000  }
0x127: {  	[sflag:s28] =	ssyncset.done $0x0  }
0x128: {  	[sflag:s28] =	ssyncadd.s32 $0xFFFFD000;
	s28 =	simm.s32 $0x1FBC0  }
0x129: {  	[spmem:s1] =	stream.indirect.scatter.add.f32 [tilespmem:s15], [sflag:$0x7], $0x80, s28, s0, $0xb8;
	[tilespmem:$0x1FEC0] =	vst v63  }
0x12a: {  	_ =	swait.ge [sflag:s11], $0x3000  }
0x12b: {  	[sflag:s11] =	ssyncset.done $0x0  }
0x12c: {  	s31 =	rddreg [dreg:$0x11];
	[sflag:s11] =	ssyncadd.s32 $0xFFFFD000  }
0x12d: {  	s11 =	simm.s32 $0x0;
	s7 =	sadd.s32 s13, s31;
	s31 =	simm.s32 $0x1FB40  }
0x12e: {  	[tilespmem:s31], [sflag:$0xE] =	stream.linear.gather [hbm4b:s7+s11], $0x60, $0x38;
	[tilespmem:$0x1FEC0] =	vst v63  }
0x12f: {  	s8 =	sadd.s32 $0x84, s25  }
0x130: {  	[tilespmem:s2], [sflag:$0xE] =	stream.linear.gather [hbm4b:s8+s11], $0x60, $0x38;
	[tilespmem:$0x1FEC0] =	vst v63  }
0x131: {  	_ =	swait.ge [sflag:s23], $0x60  }
0x132: {  	[sflag:s23] =	ssyncset.done $0x0  }
0x133: {  	[sflag:s23] =	ssyncadd.s32 $0xFFFFFFA0  }
0x134: {  	_ =	swait.ge [sflag:s23], $0x60  }
0x135: {  	[sflag:s23] =	ssyncset.done $0x0  }
0x136: {  	s14 =	simm.s32 $0x1FA40;
	[sflag:s23] =	ssyncadd.s32 $0xFFFFFFA0  }
0x137: {  	[tilespmem:s22], [sflag:$0x2] =	stream.indirect.gather [hbm4b:s5+s0], $0x80, s14, s0, $0xb8;
	[tilespmem:$0x1FEC0] =	vst v63  }
0x138: {  	_ =	swait.ge [sflag:s24], $0x3000  }
0x139: {  	[sflag:s24] =	ssyncset.done $0x0  }
0x13a: {  	s16 =	simm.s32 $0x1FC40;
	s2 =	simm.s32 $0x1C8C0;
	[sflag:s24] =	ssyncadd.s32 $0xFFFFD000  }
0x13b: {  	[spmem:s1] =	stream.indirect.scatter.add.f32 [tilespmem:s2], [sflag:$0x8], $0x80, s16, s0, $0xb8;
	[tilespmem:$0x1FEC0] =	vst v63  }
0x13c: {  	_ =	swait.ge [sflag:s6], $0x3000  }
0x13d: {  	s23 =	sld [smem:$0x7F1]  }
0x13e: {  	[sflag:s6] =	ssyncset.done $0x0  }
0x13f: {  	p1 =	seq.s32 s13, $0x990;
	[sflag:s6] =	ssyncadd.s32 $0xFFFFD000  }
0x140: {  	s26 =	simm.s32 @!p1 $0x0;
	s7 =	rddreg [dreg:$0x1];
	s9 =	sshrl.u32 @!p1 s23, $0x3  }
0x141: {  	s28 =	sadd.s32 @!p1 s13, s20;
	s14 =	sadd.s32 @!p1 s7, s9;
	s9 =	simm.s32 @!p1 $0x1F8C0  }
0x142: {  	[tilespmem:s9], [sflag:$0x9] =	stream.linear.gather @!p1 [hbm4b:s14+s26], $0x60, $0x38;
	[tilespmem:$0x1FEC0] =	vst v63  }
0x143: {  	s16 =	simm.s32 @!p1 $0x1FBC0;
	s14 =	sadd.s32 @!p1 $0x90, s28  }
0x144: {  	[tilespmem:s16], [sflag:$0x9] =	stream.linear.gather @!p1 [hbm4b:s14+s26], $0x60, $0x38;
	[tilespmem:$0x1FEC0] =	vst v63  }
0x145: {  	_ =	swait.ge [sflag:s10], $0x60  }
0x146: {  	[sflag:s10] =	ssyncset.done $0x0  }
0x147: {  	[sflag:s10] =	ssyncadd.s32 $0xFFFFFFA0  }
0x148: {  	_ =	swait.ge [sflag:s10], $0x60  }
0x149: {  	[sflag:s10] =	ssyncset.done $0x0  }
0x14a: {  	[sflag:s10] =	ssyncadd.s32 $0xFFFFFFA0  }
0x14b: {  	[tilespmem:s15], [sflag:$0x3] =	stream.indirect.gather [hbm4b:s5+s0], $0x80, s17, s0, $0xb8;
	[tilespmem:$0x1FEC0] =	vst v63  }
0x14c: {  	_ =	swait.ge [sflag:s12], $0x3000  }
0x14d: {  	[sflag:s12] =	ssyncset.done $0x0  }
0x14e: {  	s17 =	simm.s32 $0x1FCC0;
	[sflag:s12] =	ssyncadd.s32 $0xFFFFD000  }
0x14f: {  	[spmem:s1] =	stream.indirect.scatter.add.f32 [tilespmem:s21], [sflag:$0x5], $0x80, s17, s0, $0xb8;
	[tilespmem:$0x1FEC0] =	vst v63  }
0x150: {  	_ =	swait.ge [sflag:s29], $0x3000  }
0x151: {  	[sflag:s29] =	ssyncset.done $0x0;
	s7 =	rddreg [dreg:$0xd]  }
0x152: {  	s14 =	simm.s32 @!p1 $0x1F940;
	[sflag:s29] =	ssyncadd.s32 $0xFFFFD000;
	s16 =	sadd.s32 @!p1 s13, s7  }
0x153: {  	[tilespmem:s14], [sflag:$0xA] =	stream.linear.gather @!p1 [hbm4b:s16+s26], $0x60, $0x38;
	[tilespmem:$0x1FEC0] =	vst v63  }
0x154: {  	s17 =	simm.s32 @!p1 $0x1FC40;
	s16 =	sadd.s32 @!p1 $0x9C, s28  }
0x155: {  	[tilespmem:s17], [sflag:$0xA] =	stream.linear.gather @!p1 [hbm4b:s16+s26], $0x60, $0x38;
	[tilespmem:$0x1FEC0] =	vst v63  }
0x156: {  	_ =	swait.ge [sflag:s4], $0x60  }
0x157: {  	[sflag:s4] =	ssyncset.done $0x0  }
0x158: {  	[sflag:s4] =	ssyncadd.s32 $0xFFFFFFA0  }
0x159: {  	_ =	swait.ge [sflag:s4], $0x60  }
0x15a: {  	[sflag:s4] =	ssyncset.done $0x0  }
0x15b: {  	[sflag:s4] =	ssyncadd.s32 $0xFFFFFFA0  }
0x15c: {  	[tilespmem:s2], [sflag:$0x4] =	stream.indirect.gather [hbm4b:s5+s0], $0x80, s31, s0, $0xb8;
	[tilespmem:$0x1FEC0] =	vst v63  }
0x15d: {  	_ =	swait.ge [sflag:s30], $0x3000  }
0x15e: {  	[sflag:s30] =	ssyncset.done $0x0  }
0x15f: {  	s20 =	simm.s32 $0x1FD40;
	[sflag:s30] =	ssyncadd.s32 $0xFFFFD000  }
0x160: {  	[spmem:s1] =	stream.indirect.scatter.add.f32 [tilespmem:s22], [sflag:$0x6], $0x80, s20, s0, $0xb8;
	[tilespmem:$0x1FEC0] =	vst v63  }
0x161: {  	_ =	swait.ge [sflag:s3], $0x3000  }
0x162: {  	[sflag:s3] =	ssyncset.done $0x0  }
0x163: {  	s16 =	simm.s32 @p1 $0x3;
	[sflag:s3] =	ssyncadd.s32 $0xFFFFD000  }
0x164: {  	_ =	swait.ge @p1 [sflag:s16], $0x3000  }
0x165: {  	s7 =	simm.s32 @p1 $0x198C0;
	[sflag:s16] =	ssyncset.done @p1 $0x0  }
0x166: {  	s17 =	simm.s32 @p1 $0x1FDC0;
	[sflag:s16] =	ssyncadd.s32 @p1 $0xFFFFD000;
	s16 =	simm.s32 @p1 $0x60  }
0x167: {  	[spmem:s1] =	stream.indirect.scatter.add.f32 @p1 [tilespmem:s7], [sflag:$0x7], $0x80, s17, s16, $0xb8;
	[tilespmem:$0x1FEC0] =	vst v63  }
0x168: {  	s7 =	simm.s32 @p1 $0x6  }
0x169: {  	_ =	swait.ge @p1 [sflag:s7], $0x3000  }
0x16a: {  	[sflag:s7] =	ssyncset.done @p1 $0x0  }
0x16b: {  	[sflag:s7] =	ssyncadd.s32 @p1 $0xFFFFD000;
	s7 =	rddreg [dreg:$0xe]  }
0x16c: {  	s16 =	simm.s32 @!p1 $0x1F9C0;
	s7 =	sadd.s32 @!p1 s13, s7  }
0x16d: {  	[tilespmem:s16], [sflag:$0xB] =	stream.linear.gather @!p1 [hbm4b:s7+s26], $0x60, $0x38;
	[tilespmem:$0x1FEC0] =	vst v63  }
0x16e: {  	s7 =	sadd.s32 @!p1 $0xA8, s28;
	s16 =	simm.s32 @!p1 $0x1FCC0  }
0x16f: {  	[tilespmem:s16], [sflag:$0xB] =	stream.linear.gather @!p1 [hbm4b:s7+s26], $0x60, $0x38;
	[tilespmem:$0x1FEC0] =	vst v63  }
0x170: {  	s7 =	simm.s32 @!p1 $0x9  }
0x171: {  	_ =	swait.ge @!p1 [sflag:s7], $0x60  }
0x172: {  	[sflag:s7] =	ssyncset.done @!p1 $0x0  }
0x173: {  	[sflag:s7] =	ssyncadd.s32 @!p1 $0xFFFFFFA0  }
0x174: {  	_ =	swait.ge @!p1 [sflag:s7], $0x60  }
0x175: {  	[sflag:s7] =	ssyncset.done @!p1 $0x0  }
0x176: {  	s16 =	simm.s32 @!p1 $0x138C0;
	[sflag:s7] =	ssyncadd.s32 @!p1 $0xFFFFFFA0;
	s7 =	simm.s32 @!p1 $0x60  }
0x177: {  	[tilespmem:s16], [sflag:$0x1] =	stream.indirect.gather @!p1 [hbm4b:s5+s7], $0x80, s9, s7, $0xb8;
	[tilespmem:$0x1FEC0] =	vst v63  }
0x178: {  	s9 =	simm.s32 @!p1 $0x3  }
0x179: {  	_ =	swait.ge @!p1 [sflag:s9], $0x3000  }
0x17a: {  	[sflag:s9] =	ssyncset.done @!p1 $0x0  }
0x17b: {  	s16 =	simm.s32 @!p1 $0x198C0;
	[sflag:s9] =	ssyncadd.s32 @!p1 $0xFFFFD000;
	s9 =	simm.s32 @!p1 $0x1FDC0  }
0x17c: {  	[spmem:s1] =	stream.indirect.scatter.add.f32 @!p1 [tilespmem:s16], [sflag:$0x7], $0x80, s9, s7, $0xb8;
	[tilespmem:$0x1FEC0] =	vst v63  }
0x17d: {  	s9 =	simm.s32 @!p1 $0x6  }
0x17e: {  	_ =	swait.ge @!p1 [sflag:s9], $0x3000  }
0x17f: {  	[sflag:s9] =	ssyncset.done @!p1 $0x0  }
0x180: {  	[sflag:s9] =	ssyncadd.s32 @!p1 $0xFFFFD000;
	s9 =	rddreg [dreg:$0xf]  }
0x181: {  	s16 =	simm.s32 @!p1 $0x1FA40;
	s9 =	sadd.s32 @!p1 s13, s9  }
0x182: {  	[tilespmem:s16], [sflag:$0xC] =	stream.linear.gather @!p1 [hbm4b:s9+s26], $0x60, $0x38;
	[tilespmem:$0x1FEC0] =	vst v63  }
0x183: {  	s9 =	sadd.s32 @!p1 $0xB4, s28;
	s16 =	simm.s32 @!p1 $0x1FD40  }
0x184: {  	[tilespmem:s16], [sflag:$0xC] =	stream.linear.gather @!p1 [hbm4b:s9+s26], $0x60, $0x38;
	[tilespmem:$0x1FEC0] =	vst v63  }
0x185: {  	s9 =	simm.s32 @!p1 $0xA  }
0x186: {  	_ =	swait.ge @!p1 [sflag:s9], $0x60  }
0x187: {  	[sflag:s9] =	ssyncset.done @!p1 $0x0  }
0x188: {  	[sflag:s9] =	ssyncadd.s32 @!p1 $0xFFFFFFA0  }
0x189: {  	_ =	swait.ge @!p1 [sflag:s9], $0x60  }
0x18a: {  	[sflag:s9] =	ssyncset.done @!p1 $0x0  }
0x18b: {  	[sflag:s9] =	ssyncadd.s32 @!p1 $0xFFFFFFA0;
	s9 =	simm.s32 @!p1 $0x168C0  }
0x18c: {  	[tilespmem:s9], [sflag:$0x2] =	stream.indirect.gather @!p1 [hbm4b:s5+s7], $0x80, s14, s7, $0xb8;
	[tilespmem:$0x1FEC0] =	vst v63  }
0x18d: {  	_ =	swait.ge [sflag:s24], $0x3000  }
0x18e: {  	s18 =	simm.s32 $0x1FDC0;
	s29 =	simm.s32 $0x1C8C0;
	[sflag:s24] =	ssyncset.done $0x0  }
.Ltmp3:
0x18f: {  	s31 =	simm.s32 $0x1FE40;
	[sflag:s24] =	ssyncadd.s32 $0xFFFFD000;
	(pc) =	sbr.rel @p1 .LBB2_6-.Ltmp3, $4  }
0x190: {  	[spmem:s1] =	stream.indirect.scatter.add.f32 [tilespmem:s29], [sflag:$0x8], $0x80, s31, s0, $0xb8;
	[tilespmem:$0x1FEC0] =	vst v63  }
0x191: {  	s8 =	simm.s32 $0x1FAC0;
	s10 =	simm.s32 $0x1FCC0;
	_ =	swait.ge [sflag:s6], $0x3000  }
0x192: {  	s15 =	simm.s32 $0x138C0;
	s12 =	simm.s32 $0x198C0;
	[sflag:s6] =	ssyncset.done $0x0  }
0x193: {  	s21 =	simm.s32 $0x168C0;
	s4 =	simm.s32 $0x1FD40;
	[sflag:s6] =	ssyncadd.s32 $0xFFFFD000  }
0x194: {  	s7 =	rddreg [dreg:$0x10]  }
0x195: {  	s7 =	sadd.s32 s13, s7  }
0x196: {  	[tilespmem:s8], [sflag:$0xD] =	stream.linear.gather [hbm4b:s7+s11], $0x60, $0x38;
	[tilespmem:$0x1FEC0] =	vst v63  }
0x197: {  	s31 =	sadd.s32 $0xC0, s25  }
0x198: {  	[tilespmem:s18], [sflag:$0xD] =	stream.linear.gather [hbm4b:s31+s11], $0x60, $0x38;
	[tilespmem:$0x1FEC0] =	vst v63  }
0x199: {  	_ =	swait.ge [sflag:s19], $0x60  }
0x19a: {  	[sflag:s19] =	ssyncset.done $0x0  }
.Ltmp4:
0x19b: {  	[sflag:s19] =	ssyncadd.s32 $0xFFFFFFA0;
	(pc) =	sbr.rel .LBB2_4-.Ltmp4, $4  }
0x19c: {  	s1 =	simm.s32 $0x1F9C0;
	s23 =	sadd.s32 $0x480, s23;
	_ =	swait.ge [sflag:s19], $0x60  }
0x19d: {  	s17 =	simm.s32 $0x1FAC0;
	s15 =	simm.s32 $0x198C0;
	[sflag:s19] =	ssyncset.done $0x0  }
0x19e: {  	s13 =	sadd.s32 $0x90, s13;
	[smem:$0x7F1] =	sst s23;
	[sflag:s19] =	ssyncadd.s32 $0xFFFFFFA0  }
0x19f: {  	[tilespmem:s12], [sflag:$0x3] =	stream.indirect.gather [hbm4b:s5+s0], $0x80, s1, s0, $0xb8;
	[tilespmem:$0x1FEC0] =	vst v63  }
.LBB2_7:
0x1a0: {  	_ =	sfence.sel $0x180000  }
0x1a1: {  	[bflag:$0x0] =	sbarrier.arrive $0xFFFF  }
0x1a2: {  	_ =	strace $0x9000004A  }
0x1a3: {  	s0 =	stileid.u32;
	[bflag:$0x2] =	sbarrier.arrive $0xFFFF  }
0x1a4: {  	p0 =	sne.s32 s0, $0x0;
	s0 =	rddreg [dreg:$0x3]  }
0x1a5: {  	s0 =	sadd.s32 @!p0 $0x100000, s0  }
0x1a6: {  	[sflag:s0] =	ssyncadd.tile.s32 @!p0 $0x1;
	_ =	shalt  }
.Lfunc_end2:
_tile_overlayer_lowered:
.L_overlay_start_2:
0x1a7: {  	(tag) =	ssettag $0x2  }
0x1a8: {  	s0 =	rddreg [dreg:$0x0];
	s2 =	stileid.u32  }
0x1a9: {  	s1 =	rddreg [dreg:$0x1];
	p0 =	sne.s32 s2, $0x0  }
0x1aa: {  	s3 =	rddreg [dreg:$0x2];
	[bflag:$0x3] =	sbarrier.arrive $0xFFFF;
	s2 =	simm.s32 @!p0 $0x1C0F  }
0x1ab: {  	[timem:s3], [sflag:s2] =	dma.local @!p0 [hbm:s0], s1  }
0x1ac: {  	s0 =	simm.s32 @!p0 $0xF  }
0x1ad: {  	_ =	swait.ge @!p0 [sflag:s0], s1  }
0x1ae: {  	s1 =	ssub.s32 @!p0 $0x0, s1;
	[sflag:s0] =	ssyncset.done @!p0 $0x0  }
0x1af: {  	[sflag:s0] =	ssyncadd.s32 @!p0 s1  }
0x1b0: {  	[bflag:$0x3] =	sbarrier.arrive $0xFFFF  }
0x1b1: {  	_ =	shalt  }

// kernel: kernel.14.cloned.1.call-start
scs
__scs_entry_jumppad:
0x0: {  	(pc) =	sbr.rel $0x88, $3  }
0x1: {  	(tag) =	ssettag $0x0;
	lr =	simm.s32 $0x1  }
0x2: {  	[smem:$0x3F95] =	sst lr;
	_ =	strace $0xD0000000  }
0x3: {  	_ = 	snop  }
0x4: {  	_ = 	snop  }
0x5: {  	_ = 	snop  }
0x6: {  	_ = 	snop  }
0x7: {  	_ = 	snop  }
__scs_overlays_trampoline_lowered:
0x8: {  	[smem:$0x3FA4] =	sst s0  }
0x9: {  	[smem:$0x3FA5] =	sst s1  }
0xa: {  	[smem:$0x3FA6] =	sst s2  }
0xb: {  	[smem:$0x3FA7] =	sst s3  }
0xc: {  	[smem:$0x3FA8] =	sst s4  }
0xd: {  	[smem:$0x3FA9] =	sst s5  }
0xe: {  	[smem:$0x3FAA] =	sst s6  }
0xf: {  	[smem:$0x3FAB] =	sst s7  }
0x10: {  	[smem:$0x3FAC] =	sst s8  }
0x11: {  	[smem:$0x3FAD] =	sst s9;
	s0 =	simm.s32 @!p0 $0x0  }
0x12: {  	s1 =	sld [smem:$0x3F93];
	s0 =	simm.s32 @p0 $0x1  }
0x13: {  	[smem:$0x3FAE] =	sst s0;
	s0 =	simm.s32 @!p1 $0x0  }
0x14: {  	s2 =	sld [smem:$0x3F92];
	s0 =	simm.s32 @p1 $0x1  }
0x15: {  	[smem:$0x3FAF] =	sst s0;
	s0 =	simm.s32 @!p2 $0x0  }
0x16: {  	s3 =	sld [smem:$0x3FDB];
	s0 =	simm.s32 @p2 $0x1  }
0x17: {  	s4 =	simm.s32 $0x1BF5;
	[smem:$0x3FB1] =	sst s0  }
0x18: {  	s0 =	sld [smem:$0x3F94];
	_ =	swait.ge [sflag:s4], $0x0  }
0x19: {  	s7 =	sld [smem:$0x3F95]  }
0x1a: {  	s8 =	sadd.s32 $0xFFFFE003, lr  }
0x1b: {  	s9 =	sadd.s32 $0xFFFFFEF7, lr;
	s5 =	simm.s32 $0xFFFFFFFF;
	p2 =	slt.u32 s8, $0xFFFFF086  }
0x1c: {  	p1 =	slt.u32 s9, $0xF7A;
	s5 =	simm.s32 @!p2 $0x0  }
0x1d: {  	s5 =	simm.s32 @p1 $0x1;
	p0 =	seq.s32 s7, s2  }
0x1e: {  	s7 =	smul.u32 @!p0 $0xF7A, s2;
	p2 =	seq.s32 @!p0 s5, $0x0  }
0x1f: {  	s9 =	smul.u32 $0xF7A, s1;
	s8 =	simm.s32 @!p0 $0x1BF5;
	p2 =	por !p2, p0  }
0x20: {  	[sflag:s8] =	ssyncset.s32 @!p0 $0xFFFFF086;
	s6 =	sadd.s32 @!p0 s3, s7;
	s7 =	simm.s32 @!p0 $0x108  }
0x21: {  	s3 =	sadd.s32 s3, s9;
	s6 =	sadd.s32 @!p0 $0x88, s6;
	s7 =	simm.s32 @p2 $0x1082  }
0x22: {  	[simem:s7], [sflag:s8] =	dma.local @!p0 [hbm:s6], $0xF7A  }
0x23: {  	s9 =	sor.u32 $0xD0000000, s2;
	s6 =	simm.s32 $0x108;
	_ =	swait.ge @!p0 [sflag:s8], $0x0  }
0x24: {  	s3 =	sadd.s32 $0x88, s3;
	s6 =	simm.s32 @!p1 $0x1082;
	[sflag:s4] =	ssyncset.s32 $0xFFFFF086  }
0x25: {  	[simem:s6], [sflag:s4] =	dma.local [hbm:s3], $0xF7A  }
0x26: {  	[smem:$0x3F95] =	sst s1;
	(tag) =	ssettag s2;
	_ =	strace s9  }
0x27: {  	s1 =	sld [smem:$0x3FA5]  }
0x28: {  	s2 =	sld [smem:$0x3FA6]  }
0x29: {  	s4 =	sld [smem:$0x3FA8]  }
0x2a: {  	p0 =	seq.s32 s5, $0x0;
	s5 =	sld [smem:$0x3FA9]  }
0x2b: {  	s6 =	sld [smem:$0x3FAA]  }
0x2c: {  	s7 =	sld [smem:$0x3FAB]  }
0x2d: {  	s3 =	simm.s32 $0x108;
	s8 =	sld [smem:$0x3FAC]  }
0x2e: {  	s3 =	simm.s32 @!p0 $0x1082;
	s9 =	sld [smem:$0x3FAD]  }
0x2f: {  	lr =	sadd.s32 s0, s3;
	s0 =	sld [smem:$0x3FA4]  }
0x30: {  	s3 =	sld [smem:$0x3FA7]  }
0x31: {  	[smem:$0x3FB0] =	sst s10  }
0x32: {  	s10 =	sld [smem:$0x3FAE];
	_ =	sdelay $0x3  }
0x33: {  	p0 =	seq.s32 s10, $0x1;
	s10 =	sld [smem:$0x3FB0];
	_ =	sdelay $0x3  }
0x34: {  	[smem:$0x3FB0] =	sst s10  }
0x35: {  	s10 =	sld [smem:$0x3FAF];
	_ =	sdelay $0x3  }
0x36: {  	p1 =	seq.s32 s10, $0x1;
	s10 =	sld [smem:$0x3FB0];
	_ =	sdelay $0x3  }
0x37: {  	[smem:$0x3FB0] =	sst s10  }
0x38: {  	s10 =	sld [smem:$0x3FB1]  }
0x39: {  	_ = 	snop;
	(pc) =	sbr.ind lr, $3  }
0x3a: {  	_ = 	snop  }
0x3b: {  	_ = 	snop  }
0x3c: {  	p2 =	seq.s32 s10, $0x1;
	s10 =	sld [smem:$0x3FB0]  }
0x3d: {  	_ =	shalt  }
0x3e: {  	_ =	shalt  }
0x3f: {  	_ =	shalt  }
0x40: {  	_ =	shalt  }
0x41: {  	_ =	shalt  }
0x42: {  	_ =	shalt  }
0x43: {  	_ =	shalt  }
0x44: {  	_ =	shalt  }
0x45: {  	_ =	shalt  }
0x46: {  	_ =	shalt  }
0x47: {  	_ =	shalt  }
0x48: {  	_ =	shalt  }
0x49: {  	_ =	shalt  }
0x4a: {  	_ =	shalt  }
0x4b: {  	_ =	shalt  }
0x4c: {  	_ =	shalt  }
0x4d: {  	_ =	shalt  }
0x4e: {  	_ =	shalt  }
0x4f: {  	_ =	shalt  }
0x50: {  	_ =	shalt  }
0x51: {  	_ =	shalt  }
0x52: {  	_ =	shalt  }
0x53: {  	_ =	shalt  }
0x54: {  	_ =	shalt  }
0x55: {  	_ =	shalt  }
0x56: {  	_ =	shalt  }
0x57: {  	_ =	shalt  }
0x58: {  	_ =	shalt  }
0x59: {  	_ =	shalt  }
0x5a: {  	_ =	shalt  }
0x5b: {  	_ =	shalt  }
0x5c: {  	_ =	shalt  }
0x5d: {  	_ =	shalt  }
0x5e: {  	_ =	shalt  }
0x5f: {  	_ =	shalt  }
0x60: {  	_ =	shalt  }
0x61: {  	_ =	shalt  }
0x62: {  	_ =	shalt  }
0x63: {  	_ =	shalt  }
0x64: {  	_ =	shalt  }
0x65: {  	_ =	shalt  }
0x66: {  	_ =	shalt  }
0x67: {  	_ =	shalt  }
0x68: {  	_ =	shalt  }
0x69: {  	_ =	shalt  }
0x6a: {  	_ =	shalt  }
0x6b: {  	_ =	shalt  }
0x6c: {  	_ =	shalt  }
0x6d: {  	_ =	shalt  }
0x6e: {  	_ =	shalt  }
0x6f: {  	_ =	shalt  }
0x70: {  	_ =	shalt  }
0x71: {  	_ =	shalt  }
0x72: {  	_ =	shalt  }
0x73: {  	_ =	shalt  }
0x74: {  	_ =	shalt  }
0x75: {  	_ =	shalt  }
0x76: {  	_ =	shalt  }
0x77: {  	_ =	shalt  }
0x78: {  	_ =	shalt  }
0x79: {  	_ =	shalt  }
0x7a: {  	_ =	shalt  }
0x7b: {  	_ =	shalt  }
0x7c: {  	_ =	shalt  }
0x7d: {  	_ =	shalt  }
0x7e: {  	_ =	shalt  }
0x7f: {  	_ =	shalt  }
0x80: {  	_ =	shalt  }
0x81: {  	_ =	shalt  }
0x82: {  	_ =	shalt  }
0x83: {  	_ =	shalt  }
0x84: {  	_ =	shalt  }
0x85: {  	_ =	shalt  }
0x86: {  	_ =	shalt  }
0x87: {  	_ =	shalt  }
.Lfunc_end0:
.L_simem_size_0:
called_computation.2_lowered:
.L_overlay_start_0:
0x88: {  	s2 =	sld [smem:$0x3FD9]  }
0x89: {  	s3 =	sld [smem:$0x3FFE];
	_ =	sdelay $0x1  }
0x8a: {  	s1 =	srdreg.scid  }
0x8b: {  	s0 =	sand.u32 $0x1, s1  }
0x8c: {  	s17 =	sshll.u32 s0, $0xA;
	s2 =	sadd.s32 s3, s2  }
0x8d: {  	s2 =	sadd.s32 s2, s17  }
0x8e: {  	[smem:$0x3FBC] =	sst s2  }
0x8f: {  	_ = 	snop  }
0x90: {  	s2 =	sld [smem:$0x3FD0];
	(tm) =	ssettm $0x1  }
0x91: {  	s18 =	sld [smem:$0x3FFB];
	_ =	sdelay $0x3  }
0x92: {  	_ =	strace s18  }
0x93: {  	s3 =	sld [smem:$0x3FFC];
	_ =	sdelay $0x3  }
0x94: {  	_ =	strace s3  }
0x95: {  	s3 =	sld [smem:$0x3FFD];
	_ =	sdelay $0x3  }
0x96: {  	_ =	strace s3  }
0x97: {  	_ =	strace $0x8FFFFFFF  }
0x98: {  	s19 =	sld [smem:$0x3FDB];
	_ =	sdelay $0x1  }
0x99: {  	s4 =	simm.s32 $_scs_section_size  }
0x9a: {  	s5 =	simm.s32 $_size__tile_overlayer_lowered;
	s6 =	simm.s32 $_tile_overlayer_lowered  }
0x9b: {  	s22 =	simm.s32 $0x1BFF;
	s21 =	sshll.u32 s6, $0x1;
	s3 =	sadd.s32 s4, s19  }
0x9c: {  	s7 =	simm.s32 $0x0;
	s20 =	sshll.u32 s5, $0x1;
	s5 =	sadd.s32 s21, s3  }
0x9d: {  	[timem:s7], [sflag:s22] =	dma.local [hbm:s5], s20  }
0x9e: {  	_ =	swait.ge [sflag:s22], s20  }
0x9f: {  	s4 =	ssub.s32 $0x0, s20;
	[sflag:s22] =	ssyncset.done $0x0  }
0xa0: {  	[sflag:s22] =	ssyncadd.s32 s4;
	_ =	sdelay $0x1  }
0xa1: {  	s23 =	simm.s32 $0x1B8B  }
0xa2: {  	_ =	swait.ge [sflag:s23], $0x1  }
0xa3: {  	[sflag:s23] =	ssyncset.done $0x0  }
0xa4: {  	s25 =	simm.s32 $0x1B8E;
	s24 =	sld [smem:$0x3FFE];
	[sflag:s23] =	ssyncadd.s32 $0xFFFFFFFF  }
0xa5: {  	s26 =	simm.s32 $execute0_lowered;
	[smem:$0x3FD2] =	sst s25  }
0xa6: {  	s5 =	sshll.u32 s26, $0x1;
	_ =	strace $0x8000004C;
	[dreg:$0x1] =	wrdreg $0xFFFFFFFF  }
0xa7: {  	s28 =	simm.s32 $_size_execute0_lowered;
	s3 =	sadd.s32 s3, s5;
	[dreg:$0x0] =	wrdreg $0x0  }
0xa8: {  	s5 =	sshll.u32 s28, $0x1;
	[dreg:$0x2] =	wrdreg s3  }
0xa9: {  	[dreg:$0x3] =	wrdreg s5  }
0xaa: {  	[dreg:$0x4] =	wrdreg $0xC0  }
0xab: {  	_ =	task [dreg:s7], $0x5FFFF  }
0xac: {  	[dreg:$0x1] =	wrdreg $0xFFFFFFFF  }
0xad: {  	[dreg:$0x0] =	wrdreg $0x60  }
0xae: {  	[dreg:$0x2] =	wrdreg s24  }
0xaf: {  	[dreg:$0x3] =	wrdreg s2  }
0xb0: {  	[dreg:$0x4] =	wrdreg $0x0  }
0xb1: {  	[dreg:$0x5] =	wrdreg $0x9  }
0xb2: {  	_ =	task.clear_ibuf [dreg:s7], $0x6FFFF;
	_ =	strace $0x9000004C  }
0xb3: {  	s29 =	simm.s32 $0x9;
	_ =	strace $0x8000004E  }
0xb4: {  	_ =	swait.ge [sflag:s29], $0x1  }
0xb5: {  	[sflag:s29] =	ssyncadd.s32 $0xFFFFFFFF  }
0xb6: {  	_ =	strace $0x9000004E  }
0xb7: {  	_ =	sfence  }
0xb8: {  	s30 =	sld [smem:$0x0];
	_ =	sdelay $0x2  }
0xb9: {  	s31 =	sshll.u32 s1, $0xD;
	s1 =	sshrl.u32 s1, $0x2  }
0xba: {  	s3 =	sand.u32 $0x4000, s31;
	s1 =	sadd.s32 s1, s30  }
0xbb: {  	s0 =	sor.u32 s3, s0;
	s1 =	sshll.u32 s1, $0x11  }
0xbc: {  	s0 =	sor.u32 s1, s0  }
0xbd: {  	s0 =	sadd.s32 $0x8F2B, s0  }
0xbe: {  	[sflag:s0] =	ssyncadd.remote.s32 $0x1  }
0xbf: {  	_ =	sfence.sel $0xFFFF  }
0xc0: {  	[dreg:$0x0] =	wrdreg $0xFFFFFFFF;
	(pc) =	sbr.abs _section_cstart, $3  }
0xc1: {  	[dreg:$0x1] =	wrdreg $0xFFFFFFFF  }
0xc2: {  	_ =	task.clear_ibuf [dreg:s7], $0x2FFFF;
	_ =	strace $0x9FFFFFFF  }
0xc3: {  	(tm) =	ssettm $0x7FFFFFFF  }
tec
execute0_lowered:
.L_overlay_start_1:
0x0: {  	(tag) =	ssettag $0x1  }
0x1: {  	s0 =	rddreg [dreg:$0x0]  }
0x2: {  	s12 =	rddreg [dreg:$0x1];
	s13 =	stileid.u32  }
0x3: {  	s3 =	rddreg [dreg:$0x2];
	s2 =	smul.u32 $0x4F000, s13  }
0x4: {  	s1 =	simm.s32 $0x0;
	s22 =	srdreg.scid;
	s6 =	smul.u32 $0x5100, s13  }
0x5: {  	[smem:$0x7FF] =	sst s1;
	s5 =	sadd.s32 $0x5C800, s0;
	s11 =	smul.u32 $0x13C00, s13  }
0x6: {  	s1 =	sand.u32 $0x1, s22;
	s7 =	sadd.s32 $0x3600, s0;
	s26 =	smul.u32 $0xA20, s13  }
0x7: {  	s0 =	sadd.s32 $0xAAA00, s0;
	p0 =	seq.s32 s13, $0xF;
	s9 =	smul.u32 $0x51000, s1  }
0x8: {  	_ =	strace $0x8000004D;
	s8 =	ssub.s32 $0x2, s1;
	s1 =	smul.u32 $0x138C00, s1  }
0x9: {  	s10 =	sshrl.u32 s8, $0x1;
	s2 =	sshrl.u32 s2, $0x2;
	s9 =	sadd.s32 s6, s9  }
0xa: {  	s8 =	ssub.s32 s8, s10;
	s14 =	sadd.s32 s2, s3;
	s25 =	sadd.s32 s11, s1  }
0xb: {  	s6 =	sshrl.u32 s6, $0x3;
	s1 =	sshrl.u32 s1, $0x3;
	s23 =	sshrl.u32 s9, $0x3  }
0xc: {  	s24 =	sadd.s32 $0x3000, s14;
	s2 =	sshrl.u32 s25, $0x3;
	[dreg:$0x4] =	wrdreg s14  }
0xd: {  	s6 =	sadd.s32 s7, s6;
	s29 =	smax.u32 s8, $0x1;
	[dreg:$0x5] =	wrdreg s24  }
0xe: {  	s31 =	sadd.s32 $0x480, s9;
	s8 =	sadd.s32 $0x5A0, s9;
	[dreg:$0xa] =	wrdreg s29  }
0xf: {  	s15 =	sadd.s32 $0x600, s9;
	s13 =	sadd.s32 $0xF000, s14;
	[dreg:$0xb] =	wrdreg s31  }
0x10: {  	s20 =	sadd.s32 $0x3C0, s9;
	s21 =	sadd.s32 $0x360, s9;
	[dreg:$0x1a] =	wrdreg s13  }
0x11: {  	s10 =	sadd.s32 s12, s23;
	s2 =	sadd.s32 s0, s2;
	[dreg:$0x7] =	wrdreg s6  }
0x12: {  	s16 =	sshrl.u32 s8, $0x3;
	s8 =	sadd.s32 $0x9000, s14;
	[dreg:$0x8] =	wrdreg s2  }
0x13: {  	s17 =	sshrl.u32 s15, $0x3;
	s15 =	sadd.s32 $0x12B400, s3;
	[dreg:$0x18] =	wrdreg s8  }
0x14: {  	s22 =	sshrl.u32 s20, $0x3;
	s20 =	sadd.s32 $0x12000, s14;
	[dreg:$0x1c] =	wrdreg s15  }
0x15: {  	s23 =	sshrl.u32 s21, $0x3;
	s21 =	sadd.s32 $0x137400, s3;
	[smem:$0x7F4] =	sst s20  }
0x16: {  	s28 =	sadd.s32 $0x4E0, s9;
	s0 =	sadd.s32 s0, s1;
	[smem:$0x7F5] =	sst s21  }
0x17: {  	s1 =	sshrl.u32 s28, $0x3;
	s0 =	sadd.s32 $0x25080, s0;
	[dreg:$0x6] =	wrdreg s10  }
0x18: {  	s4 =	sadd.s32 s1, s12;
	[dreg:$0x9] =	wrdreg s0  }
0x19: {  	s18 =	sadd.s32 s17, s12;
	[dreg:$0xd] =	wrdreg s4  }
0x1a: {  	s19 =	sadd.s32 $0x420, s9;
	s24 =	sadd.s32 s23, s12;
	[dreg:$0x10] =	wrdreg s18  }
0x1b: {  	s25 =	sadd.s32 $0x300, s9;
	s17 =	sadd.s32 $0x12E400, s3;
	[dreg:$0x13] =	wrdreg s24  }
0x1c: {  	s28 =	sadd.s32 $0x240, s9;
	s23 =	sadd.s32 $0xC, s6;
	[dreg:$0x1d] =	wrdreg s17  }
0x1d: {  	s31 =	sshrl.u32 s28, $0x3;
	s28 =	sadd.s32 $0x24, s6;
	[smem:$0x7F7] =	sst s23  }
0x1e: {  	s0 =	sadd.s32 s26, s7;
	s7 =	sadd.s32 $0x540, s9;
	[smem:$0x7FB] =	sst s28  }
0x1f: {  	s26 =	sadd.s32 $0x2A0, s9;
	s2 =	sadd.s32 s31, s12;
	[dreg:$0xc] =	wrdreg s0  }
0x20: {  	s4 =	sadd.s32 $0x1E0, s9;
	s9 =	sadd.s32 $0xC000, s14;
	[dreg:$0x16] =	wrdreg s2  }
0x21: {  	s30 =	simm.s32 $0x2;
	s18 =	sadd.s32 $0x131400, s3;
	[dreg:$0x19] =	wrdreg s9  }
0x22: {  	s11 =	simm.s32 $0x0;
	s24 =	sadd.s32 $0x18, s10;
	[dreg:$0x1f] =	wrdreg s18  }
0x23: {  	s15 =	simm.s32 $0x138C0;
	s31 =	sadd.s32 $0x30, s6;
	[smem:$0x7F8] =	sst s24  }
0x24: {  	s0 =	sshrl.u32 s7, $0x3;
	s7 =	sadd.s32 $0x6000, s14;
	[smem:$0x7FD] =	sst s31  }
0x25: {  	s29 =	sshrl.u32 s26, $0x3;
	s26 =	sadd.s32 $0x24, s10;
	[dreg:$0x17] =	wrdreg s7  }
0x26: {  	s21 =	simm.s32 $0x168C0;
	s0 =	sadd.s32 s0, s12;
	[smem:$0x7FA] =	sst s26  }
0x27: {  	s8 =	simm.s32 $0xB;
	[dreg:$0xe] =	wrdreg s0;
	s0 =	sadd.s32 s16, s12  }
0x28: {  	s1 =	simm.s32 $0x0;
	s16 =	sadd.s32 $0x128400, s3;
	[dreg:$0xf] =	wrdreg s0  }
0x29: {  	s0 =	sshrl.u32 s19, $0x3;
	s19 =	sadd.s32 $0x134400, s3;
	[dreg:$0x1b] =	wrdreg s16  }
0x2a: {  	s24 =	simm.s32 $0x4;
	s0 =	sadd.s32 s0, s12;
	[smem:$0x7F3] =	sst s19  }
0x2b: {  	s3 =	simm.s32 $0x1FDC0;
	[dreg:$0x11] =	wrdreg s0;
	s0 =	sadd.s32 s22, s12  }
0x2c: {  	s19 =	simm.s32 $0xB;
	s22 =	sadd.s32 $0xC, s10;
	[dreg:$0x12] =	wrdreg s0  }
0x2d: {  	s0 =	sshrl.u32 s25, $0x3;
	[smem:$0x7F6] =	sst s22;
	s25 =	sadd.s32 $0x18, s6  }
.Ltmp0:
0x2e: {  	s0 =	sadd.s32 s0, s12;
	[smem:$0x7F9] =	sst s25;
	(pc) =	sbr.rel .LBB2_1-.Ltmp0, $4  }
0x2f: {  	s22 =	simm.s32 $0x168C0;
	[dreg:$0x14] =	wrdreg s0;
	s0 =	sadd.s32 s29, s12  }
0x30: {  	s29 =	sadd.s32 $0x30, s10;
	[dreg:$0x15] =	wrdreg s0;
	s0 =	sshrl.u32 s4, $0x3  }
0x31: {  	s10 =	simm.s32 $0x1FCC0;
	[smem:$0x7FC] =	sst s29;
	s0 =	sadd.s32 s0, s12  }
0x32: {  	v0 =	vimm.f32 $0.0e+00;
	s4 =	simm.s32 $0x1FD40;
	[dreg:$0x1e] =	wrdreg s0;
	s0 =	simm.s32 $0x60  }
.LBB2_6:
0x33: {  	s1 =	simm.s32 $0x8  }
0x34: {  	_ =	swait.ge [sflag:s1], $0x3000  }
0x35: {  	[sflag:s1] =	ssyncset.done $0x0  }
0x36: {  	[sflag:s1] =	ssyncadd.s32 $0xFFFFD000  }
0x37: {  	[bflag:$0x0] =	sbarrier.arrive $0xFFFF  }
0x38: {  	s16 =	rddreg [dreg:$0x1b]  }
0x39: {  	s9 =	simm.s32 @p0 $0x1FCF;
	s13 =	rddreg [dreg:$0x9];
	s7 =	sshrl.u32 @p0 s16, $0x3  }
0x3a: {  	[hbm:s13], [sflag:s9] =	dma.local @p0 [spmem:s7], $0x2100  }
0x3b: {  	s7 =	simm.s32 @p0 $0xF  }
0x3c: {  	_ =	swait.ge @p0 [sflag:s7], $0x2100  }
0x3d: {  	s9 =	stileid.u32;
	s14 =	rddreg [dreg:$0x4]  }
0x3e: {  	s9 =	sshll.u32 @!p0 s9, $0x6;
	[sflag:s7] =	ssyncset.done @p0 $0x0;
	s13 =	rddreg [dreg:$0x8]  }
0x3f: {  	[sflag:s7] =	ssyncadd.s32 @p0 $0xFFFFDF00;
	s7 =	sor.u32 @!p0 $0x1C0F, s9;
	s9 =	sshrl.u32 @!p0 s14, $0x3  }
0x40: {  	[hbm:s13], [sflag:s7] =	dma.local @!p0 [spmem:s9], $0x2780  }
0x41: {  	s7 =	simm.s32 @!p0 $0xF  }
0x42: {  	_ =	swait.ge @!p0 [sflag:s7], $0x2780  }
0x43: {  	s29 =	sld [smem:$0x7F2];
	_ =	sdelay $0x2  }
0x44: {  	s31 =	rddreg [dreg:$0xa];
	s1 =	sadd.s32 $0x1, s29  }
0x45: {  	p1 =	sne.s32 s1, s31  }
.Ltmp1:
0x46: {  	_ = 	snop;
	(pc) =	sbr.rel @!p1 .LBB2_7-.Ltmp1, $3  }
0x47: {  	_ =	sdelay $0x1  }
0x48: {  	[sflag:s7] =	ssyncset.done @!p0 $0x0  }
0x49: {  	s3 =	simm.s32 $0x1FDC0;
	s8 =	simm.s32 $0xB;
	[sflag:s7] =	ssyncadd.s32 @!p0 $0xFFFFD880  }
.LBB2_1:
0x4a: {  	[smem:$0x7F2] =	sst s1;
	s9 =	simm.s32 $0x0;
	s13 =	simm.s32 $0x200  }
.LBB2_2:
0x4b: {  	p1 =	sne.s32 s13, $0xBE00;
	[tilespmem:s9+$0x13930] =	vst v0  }
0x4c: {  	[tilespmem:s9+$0x138C0] =	vst v0  }
0x4d: {  	[tilespmem:s9+$0x138D0] =	vst v0  }
.Ltmp2:
0x4e: {  	[tilespmem:s9+$0x138E0] =	vst v0;
	(pc) =	sbr.rel @p1 .LBB2_2-.Ltmp2, $4  }
0x4f: {  	[tilespmem:s9+$0x138F0] =	vst v0  }
0x50: {  	[tilespmem:s9+$0x13900] =	vst v0  }
0x51: {  	[tilespmem:s9+$0x13910] =	vst v0  }
0x52: {  	[tilespmem:s9+$0x13920] =	vst v0;
	s9 =	sshra.s32 s13, $0x2;
	s13 =	sadd.s32 $0x200, s13  }
0x53: {  	[tilespmem:s9+$0x13930] =	vst v0  }
0x54: {  	[tilespmem:s9+$0x138C0] =	vst v0  }
0x55: {  	[tilespmem:s9+$0x138D0] =	vst v0  }
0x56: {  	[tilespmem:s9+$0x138E0] =	vst v0  }
0x57: {  	[tilespmem:s9+$0x138F0] =	vst v0  }
0x58: {  	[tilespmem:s9+$0x13900] =	vst v0  }
0x59: {  	[tilespmem:s9+$0x13910] =	vst v0  }
0x5a: {  	[tilespmem:s9+$0x13920] =	vst v0;
	s9 =	simm.s32 @p0 $0x138C0;
	s13 =	simm.s32 @p0 $0xF  }
0x5b: {  	[spmem:s16] =	stream.linear.scatter @p0 [tilespmem:s9], [sflag:$0xF], $0x3000, $0x38;
	[tilespmem:$0x1FEC0] =	vst v63  }
0x5c: {  	_ =	swait.ge @p0 [sflag:s13], $0x3000  }
0x5d: {  	[sflag:s13] =	ssyncset.done @p0 $0x0  }
0x5e: {  	s7 =	rddreg [dreg:$0x1c];
	[sflag:s13] =	ssyncadd.s32 @p0 $0xFFFFD000  }
0x5f: {  	[spmem:s7] =	stream.linear.scatter @p0 [tilespmem:s9], [sflag:$0xF], $0x3000, $0x38;
	[tilespmem:$0x1FEC0] =	vst v63  }
0x60: {  	_ =	swait.ge @p0 [sflag:s13], $0x3000  }
0x61: {  	[sflag:s13] =	ssyncset.done @p0 $0x0  }
0x62: {  	s7 =	rddreg [dreg:$0x1d];
	[sflag:s13] =	ssyncadd.s32 @p0 $0xFFFFD000  }
0x63: {  	[spmem:s7] =	stream.linear.scatter @p0 [tilespmem:s9], [sflag:$0xF], $0x3000, $0x38;
	[tilespmem:$0x1FEC0] =	vst v63  }
0x64: {  	_ =	swait.ge @p0 [sflag:s13], $0x3000  }
0x65: {  	[sflag:s13] =	ssyncset.done @p0 $0x0  }
0x66: {  	s7 =	rddreg [dreg:$0x1f];
	[sflag:s13] =	ssyncadd.s32 @p0 $0xFFFFD000  }
0x67: {  	[spmem:s7] =	stream.linear.scatter @p0 [tilespmem:s9], [sflag:$0xF], $0x3000, $0x38;
	[tilespmem:$0x1FEC0] =	vst v63  }
0x68: {  	_ =	swait.ge @p0 [sflag:s13], $0x3000  }
0x69: {  	s7 =	sld [smem:$0x7F3]  }
0x6a: {  	[sflag:s13] =	ssyncset.done @p0 $0x0  }
0x6b: {  	[sflag:s13] =	ssyncadd.s32 @p0 $0xFFFFD000  }
0x6c: {  	[spmem:s7] =	stream.linear.scatter @p0 [tilespmem:s9], [sflag:$0xF], $0x3000, $0x38;
	[tilespmem:$0x1FEC0] =	vst v63  }
0x6d: {  	_ =	swait.ge @p0 [sflag:s13], $0x3000  }
0x6e: {  	s7 =	sld [smem:$0x7F5]  }
0x6f: {  	[sflag:s13] =	ssyncset.done @p0 $0x0  }
0x70: {  	[sflag:s13] =	ssyncadd.s32 @p0 $0xFFFFD000  }
0x71: {  	[spmem:s7] =	stream.linear.scatter @p0 [tilespmem:s9], [sflag:$0xF], $0x1800, $0x38;
	[tilespmem:$0x1FEC0] =	vst v63  }
0x72: {  	_ =	swait.ge @p0 [sflag:s13], $0x1800  }
0x73: {  	[sflag:s13] =	ssyncset.done @p0 $0x0  }
0x74: {  	s9 =	simm.s32 @!p0 $0x138C0;
	[sflag:s13] =	ssyncadd.s32 @p0 $0xFFFFE800;
	s13 =	simm.s32 @!p0 $0xF  }
0x75: {  	[spmem:s14] =	stream.linear.scatter @!p0 [tilespmem:s9], [sflag:$0xF], $0x3000, $0x38;
	[tilespmem:$0x1FEC0] =	vst v63  }
0x76: {  	_ =	swait.ge @!p0 [sflag:s13], $0x3000  }
0x77: {  	[sflag:s13] =	ssyncset.done @!p0 $0x0  }
0x78: {  	s7 =	rddreg [dreg:$0x5];
	[sflag:s13] =	ssyncadd.s32 @!p0 $0xFFFFD000  }
0x79: {  	[spmem:s7] =	stream.linear.scatter @!p0 [tilespmem:s9], [sflag:$0xF], $0x3000, $0x38;
	[tilespmem:$0x1FEC0] =	vst v63  }
0x7a: {  	_ =	swait.ge @!p0 [sflag:s13], $0x3000  }
0x7b: {  	[sflag:s13] =	ssyncset.done @!p0 $0x0  }
0x7c: {  	s7 =	rddreg [dreg:$0x17];
	[sflag:s13] =	ssyncadd.s32 @!p0 $0xFFFFD000  }
0x7d: {  	[spmem:s7] =	stream.linear.scatter @!p0 [tilespmem:s9], [sflag:$0xF], $0x3000, $0x38;
	[tilespmem:$0x1FEC0] =	vst v63  }
0x7e: {  	_ =	swait.ge @!p0 [sflag:s13], $0x3000  }
0x7f: {  	[sflag:s13] =	ssyncset.done @!p0 $0x0  }
0x80: {  	s7 =	rddreg [dreg:$0x18];
	[sflag:s13] =	ssyncadd.s32 @!p0 $0xFFFFD000  }
0x81: {  	[spmem:s7] =	stream.linear.scatter @!p0 [tilespmem:s9], [sflag:$0xF], $0x3000, $0x38;
	[tilespmem:$0x1FEC0] =	vst v63  }
0x82: {  	_ =	swait.ge @!p0 [sflag:s13], $0x3000  }
0x83: {  	[sflag:s13] =	ssyncset.done @!p0 $0x0  }
0x84: {  	s7 =	rddreg [dreg:$0x19];
	[sflag:s13] =	ssyncadd.s32 @!p0 $0xFFFFD000  }
0x85: {  	[spmem:s7] =	stream.linear.scatter @!p0 [tilespmem:s9], [sflag:$0xF], $0x3000, $0x38;
	[tilespmem:$0x1FEC0] =	vst v63  }
0x86: {  	_ =	swait.ge @!p0 [sflag:s13], $0x3000  }
0x87: {  	[sflag:s13] =	ssyncset.done @!p0 $0x0  }
0x88: {  	s7 =	rddreg [dreg:$0x1a];
	[sflag:s13] =	ssyncadd.s32 @!p0 $0xFFFFD000  }
0x89: {  	[spmem:s7] =	stream.linear.scatter @!p0 [tilespmem:s9], [sflag:$0xF], $0x3000, $0x38;
	[tilespmem:$0x1FEC0] =	vst v63  }
0x8a: {  	_ =	swait.ge @!p0 [sflag:s13], $0x3000  }
0x8b: {  	s7 =	sld [smem:$0x7F4]  }
0x8c: {  	[sflag:s13] =	ssyncset.done @!p0 $0x0  }
0x8d: {  	[sflag:s13] =	ssyncadd.s32 @!p0 $0xFFFFD000  }
0x8e: {  	[spmem:s7] =	stream.linear.scatter @!p0 [tilespmem:s9], [sflag:$0xF], $0x1C00, $0x38;
	[tilespmem:$0x1FEC0] =	vst v63  }
0x8f: {  	_ =	swait.ge @!p0 [sflag:s13], $0x1C00  }
0x90: {  	[sflag:s13] =	ssyncset.done @!p0 $0x0  }
0x91: {  	[sflag:s13] =	ssyncadd.s32 @!p0 $0xFFFFE400  }
0x92: {  	[bflag:$0x0] =	sbarrier.arrive $0xFFFF  }
0x93: {  	s12 =	rddreg [dreg:$0x6]  }
0x94: {  	s14 =	simm.s32 $0x1F8C0;
	s13 =	simm.s32 $0x0;
	s28 =	rddreg [dreg:$0x7]  }
0x95: {  	[tilespmem:s14], [sflag:$0x9] =	stream.linear.gather [hbm4b:s12+s13], $0x60, $0x38;
	[tilespmem:$0x1FEC0] =	vst v63  }
0x96: {  	s6 =	simm.s32 $0x1FBC0;
	s29 =	sld [smem:$0x7F6]  }
0x97: {  	[tilespmem:s6], [sflag:$0x9] =	stream.linear.gather [hbm4b:s28+s13], $0x60, $0x38;
	[tilespmem:$0x1FEC0] =	vst v63  }
0x98: {  	s31 =	simm.s32 $0x1F940;
	s6 =	sld [smem:$0x7F7]  }
0x99: {  	[tilespmem:s31], [sflag:$0xA] =	stream.linear.gather [hbm4b:s29+s13], $0x60, $0x38;
	[tilespmem:$0x1FEC0] =	vst v63  }
0x9a: {  	s1 =	simm.s32 $0x1FC40;
	s12 =	sld [smem:$0x7F8]  }
0x9b: {  	[tilespmem:s1], [sflag:$0xA] =	stream.linear.gather [hbm4b:s6+s13], $0x60, $0x38;
	[tilespmem:$0x1FEC0] =	vst v63  }
0x9c: {  	s16 =	simm.s32 $0x1F9C0;
	s18 =	sld [smem:$0x7F9]  }
0x9d: {  	[tilespmem:s16], [sflag:$0xB] =	stream.linear.gather [hbm4b:s12+s13], $0x60, $0x38;
	[tilespmem:$0x1FEC0] =	vst v63  }
0x9e: {  	s20 =	sld [smem:$0x7FA]  }
0x9f: {  	[tilespmem:s10], [sflag:$0xB] =	stream.linear.gather [hbm4b:s18+s13], $0x60, $0x38;
	[tilespmem:$0x1FEC0] =	vst v63  }
0xa0: {  	s2 =	simm.s32 $0x1FA40;
	s23 =	sld [smem:$0x7FB]  }
0xa1: {  	[tilespmem:s2], [sflag:$0xC] =	stream.linear.gather [hbm4b:s20+s13], $0x60, $0x38;
	[tilespmem:$0x1FEC0] =	vst v63  }
0xa2: {  	s25 =	sld [smem:$0x7FC]  }
0xa3: {  	[tilespmem:s4], [sflag:$0xC] =	stream.linear.gather [hbm4b:s23+s13], $0x60, $0x38;
	[tilespmem:$0x1FEC0] =	vst v63  }
0xa4: {  	s17 =	simm.s32 $0x1FAC0;
	s26 =	sld [smem:$0x7FD]  }
0xa5: {  	[tilespmem:s17], [sflag:$0xD] =	stream.linear.gather [hbm4b:s25+s13], $0x60, $0x38;
	[tilespmem:$0x1FEC0] =	vst v63  }
0xa6: {  	s28 =	simm.s32 $0x9  }
0xa7: {  	[tilespmem:s3], [sflag:$0xD] =	stream.linear.gather [hbm4b:s26+s13], $0x60, $0x38;
	[tilespmem:$0x1FEC0] =	vst v63  }
0xa8: {  	_ =	swait.ge [sflag:s28], $0x60  }
0xa9: {  	[sflag:s28] =	ssyncset.done $0x0  }
0xaa: {  	[sflag:s28] =	ssyncadd.s32 $0xFFFFFFA0  }
0xab: {  	_ =	swait.ge [sflag:s28], $0x60  }
0xac: {  	[sflag:s28] =	ssyncset.done $0x0  }
0xad: {  	s29 =	simm.s32 $0xA;
	[sflag:s28] =	ssyncadd.s32 $0xFFFFFFA0  }
0xae: {  	[tilespmem:s15], [sflag:$0x1] =	stream.indirect.gather [hbm4b:s5+s0], $0x80, s14, s0, $0xb8;
	[tilespmem:$0x1FEC0] =	vst v63  }
0xaf: {  	_ =	swait.ge [sflag:s29], $0x60  }
0xb0: {  	[sflag:s29] =	ssyncset.done $0x0  }
0xb1: {  	[sflag:s29] =	ssyncadd.s32 $0xFFFFFFA0  }
0xb2: {  	_ =	swait.ge [sflag:s29], $0x60  }
0xb3: {  	[sflag:s29] =	ssyncset.done $0x0  }
0xb4: {  	[sflag:s29] =	ssyncadd.s32 $0xFFFFFFA0  }
0xb5: {  	[tilespmem:s21], [sflag:$0x2] =	stream.indirect.gather [hbm4b:s5+s0], $0x80, s31, s0, $0xb8;
	[tilespmem:$0x1FEC0] =	vst v63  }
0xb6: {  	_ =	swait.ge [sflag:s8], $0x60  }
0xb7: {  	[sflag:s8] =	ssyncset.done $0x0  }
0xb8: {  	[sflag:s8] =	ssyncadd.s32 $0xFFFFFFA0  }
0xb9: {  	_ =	swait.ge [sflag:s8], $0x60  }
0xba: {  	[sflag:s8] =	ssyncset.done $0x0;
	s31 =	rddreg [dreg:$0xb]  }
0xbb: {  	s15 =	simm.s32 $0x198C0;
	[sflag:s8] =	ssyncadd.s32 $0xFFFFFFA0;
	[smem:$0x7F1] =	sst s31  }
0xbc: {  	[tilespmem:s15], [sflag:$0x3] =	stream.indirect.gather [hbm4b:s5+s0], $0x80, s16, s0, $0xb8;
	[tilespmem:$0x1FEC0] =	vst v63  }
.LBB2_4:
0xbd: {  	s12 =	simm.s32 $0x1  }
0xbe: {  	_ =	swait.ge [sflag:s12], $0x3000  }
0xbf: {  	[sflag:s12] =	ssyncset.done $0x0  }
0xc0: {  	s2 =	simm.s32 $0x1FBC0;
	p1 =	seq.s32 s13, $0x0;
	[sflag:s12] =	ssyncadd.s32 $0xFFFFD000  }
0xc1: {  	s21 =	simm.s32 $0x138C0;
	s9 =	simm.s32 @!p1 $0x8;
	s1 =	rddreg [dreg:$0x2]  }
0xc2: {  	[spmem:s1] =	stream.indirect.scatter.add.f32 [tilespmem:s21], [sflag:$0x5], $0x80, s2, s0, $0xb8;
	[tilespmem:$0x1FEC0] =	vst v63  }
0xc3: {  	_ =	swait.ge @!p1 [sflag:s9], $0x3000  }
0xc4: {  	[sflag:s9] =	ssyncset.done @!p1 $0x0;
	s7 =	rddreg [dreg:$0x1e]  }
0xc5: {  	s20 =	rddreg [dreg:$0xc];
	[sflag:s9] =	ssyncadd.s32 @!p1 $0xFFFFD000  }
0xc6: {  	s6 =	sadd.s32 s13, s7;
	s7 =	simm.s32 $0x1FB40;
	s25 =	sadd.s32 s13, s20  }
0xc7: {  	[tilespmem:s7], [sflag:$0xE] =	stream.linear.gather [hbm4b:s6+s11], $0x60, $0x38;
	[tilespmem:$0x1FEC0] =	vst v63  }
0xc8: {  	s10 =	simm.s32 $0x1FE40;
	s23 =	simm.s32 $0xC;
	s8 =	sadd.s32 $0x3C, s25  }
0xc9: {  	[tilespmem:s10], [sflag:$0xE] =	stream.linear.gather [hbm4b:s8+s11], $0x60, $0x38;
	[tilespmem:$0x1FEC0] =	vst v63  }
0xca: {  	_ =	swait.ge [sflag:s23], $0x60  }
0xcb: {  	[sflag:s23] =	ssyncset.done $0x0  }
0xcc: {  	[sflag:s23] =	ssyncadd.s32 $0xFFFFFFA0  }
0xcd: {  	_ =	swait.ge [sflag:s23], $0x60  }
0xce: {  	[sflag:s23] =	ssyncset.done $0x0  }
0xcf: {  	s3 =	simm.s32 $0x1FA40;
	s14 =	simm.s32 $0x1C8C0;
	[sflag:s23] =	ssyncadd.s32 $0xFFFFFFA0  }
0xd0: {  	[tilespmem:s14], [sflag:$0x4] =	stream.indirect.gather [hbm4b:s5+s0], $0x80, s3, s0, $0xb8;
	[tilespmem:$0x1FEC0] =	vst v63  }
0xd1: {  	_ =	swait.ge [sflag:s30], $0x3000  }
0xd2: {  	[sflag:s30] =	ssyncset.done $0x0  }
0xd3: {  	s16 =	simm.s32 $0x1FC40;
	s3 =	simm.s32 $0x5;
	[sflag:s30] =	ssyncadd.s32 $0xFFFFD000  }
0xd4: {  	[spmem:s1] =	stream.indirect.scatter.add.f32 [tilespmem:s22], [sflag:$0x6], $0x80, s16, s0, $0xb8;
	[tilespmem:$0x1FEC0] =	vst v63  }
0xd5: {  	_ =	swait.ge [sflag:s3], $0x3000  }
0xd6: {  	[sflag:s3] =	ssyncset.done $0x0;
	s18 =	rddreg [dreg:$0x16]  }
0xd7: {  	s14 =	simm.s32 $0x1F8C0;
	[sflag:s3] =	ssyncadd.s32 $0xFFFFD000;
	s28 =	sadd.s32 s13, s18  }
0xd8: {  	[tilespmem:s14], [sflag:$0x9] =	stream.linear.gather [hbm4b:s28+s11], $0x60, $0x38;
	[tilespmem:$0x1FEC0] =	vst v63  }
0xd9: {  	s4 =	simm.s32 $0x1FBC0;
	s29 =	sadd.s32 $0x48, s25;
	s10 =	simm.s32 $0xD  }
0xda: {  	[tilespmem:s4], [sflag:$0x9] =	stream.linear.gather [hbm4b:s29+s11], $0x60, $0x38;
	[tilespmem:$0x1FEC0] =	vst v63  }
0xdb: {  	_ =	swait.ge [sflag:s10], $0x60  }
0xdc: {  	[sflag:s10] =	ssyncset.done $0x0  }
0xdd: {  	[sflag:s10] =	ssyncadd.s32 $0xFFFFFFA0  }
0xde: {  	_ =	swait.ge [sflag:s10], $0x60  }
0xdf: {  	[sflag:s10] =	ssyncset.done $0x0  }
0xe0: {  	s28 =	simm.s32 $0x3;
	[sflag:s10] =	ssyncadd.s32 $0xFFFFFFA0  }
0xe1: {  	[tilespmem:s21], [sflag:$0x1] =	stream.indirect.gather [hbm4b:s5+s0], $0x80, s17, s0, $0xb8;
	[tilespmem:$0x1FEC0] =	vst v63  }
0xe2: {  	_ =	swait.ge [sflag:s28], $0x3000  }
0xe3: {  	[sflag:s28] =	ssyncset.done $0x0  }
0xe4: {  	s31 =	simm.s32 $0x1FCC0;
	s11 =	simm.s32 $0x6;
	[sflag:s28] =	ssyncadd.s32 $0xFFFFD000  }
0xe5: {  	[spmem:s1] =	stream.indirect.scatter.add.f32 [tilespmem:s15], [sflag:$0x7], $0x80, s31, s0, $0xb8;
	[tilespmem:$0x1FEC0] =	vst v63  }
0xe6: {  	_ =	swait.ge [sflag:s11], $0x3000  }
0xe7: {  	s18 =	simm.s32 $0x1F940;
	[sflag:s11] =	ssyncset.done $0x0;
	s2 =	rddreg [dreg:$0x15]  }
0xe8: {  	s31 =	simm.s32 $0x0;
	[sflag:s11] =	ssyncadd.s32 $0xFFFFD000;
	s4 =	sadd.s32 s13, s2  }
0xe9: {  	[tilespmem:s18], [sflag:$0xA] =	stream.linear.gather [hbm4b:s4+s31], $0x60, $0x38;
	[tilespmem:$0x1FEC0] =	vst v63  }
0xea: {  	s7 =	sadd.s32 $0x54, s25;
	s8 =	simm.s32 $0x1FC40;
	s4 =	simm.s32 $0xE  }
0xeb: {  	[tilespmem:s8], [sflag:$0xA] =	stream.linear.gather [hbm4b:s7+s31], $0x60, $0x38;
	[tilespmem:$0x1FEC0] =	vst v63  }
0xec: {  	_ =	swait.ge [sflag:s4], $0x60  }
0xed: {  	[sflag:s4] =	ssyncset.done $0x0  }
0xee: {  	[sflag:s4] =	ssyncadd.s32 $0xFFFFFFA0  }
0xef: {  	_ =	swait.ge [sflag:s4], $0x60  }
0xf0: {  	[sflag:s4] =	ssyncset.done $0x0  }
0xf1: {  	s6 =	simm.s32 $0x1FB40;
	[sflag:s4] =	ssyncadd.s32 $0xFFFFFFA0  }
0xf2: {  	[tilespmem:s22], [sflag:$0x2] =	stream.indirect.gather [hbm4b:s5+s0], $0x80, s6, s0, $0xb8;
	[tilespmem:$0x1FEC0] =	vst v63  }
0xf3: {  	_ =	swait.ge [sflag:s24], $0x3000  }
0xf4: {  	s26 =	simm.s32 $0x1C8C0;
	[sflag:s24] =	ssyncset.done $0x0  }
0xf5: {  	s16 =	simm.s32 $0x1FD40;
	s6 =	simm.s32 $0x7;
	[sflag:s24] =	ssyncadd.s32 $0xFFFFD000  }
0xf6: {  	[spmem:s1] =	stream.indirect.scatter.add.f32 [tilespmem:s26], [sflag:$0x8], $0x80, s16, s0, $0xb8;
	[tilespmem:$0x1FEC0] =	vst v63  }
0xf7: {  	_ =	swait.ge [sflag:s6], $0x3000  }
0xf8: {  	[sflag:s6] =	ssyncset.done $0x0;
	s2 =	rddreg [dreg:$0x14]  }
0xf9: {  	s8 =	simm.s32 $0x1F9C0;
	[sflag:s6] =	ssyncadd.s32 $0xFFFFD000;
	s7 =	sadd.s32 s13, s2  }
0xfa: {  	[tilespmem:s8], [sflag:$0xB] =	stream.linear.gather [hbm4b:s7+s31], $0x60, $0x38;
	[tilespmem:$0x1FEC0] =	vst v63  }
0xfb: {  	s29 =	simm.s32 $0x1FCC0;
	s2 =	sadd.s32 $0x60, s25;
	s7 =	simm.s32 $0x9  }
0xfc: {  	[tilespmem:s29], [sflag:$0xB] =	stream.linear.gather [hbm4b:s2+s31], $0x60, $0x38;
	[tilespmem:$0x1FEC0] =	vst v63  }
0xfd: {  	_ =	swait.ge [sflag:s7], $0x60  }
0xfe: {  	[sflag:s7] =	ssyncset.done $0x0  }
0xff: {  	[sflag:s7] =	ssyncadd.s32 $0xFFFFFFA0  }
0x100: {  	_ =	swait.ge [sflag:s7], $0x60  }
0x101: {  	[sflag:s7] =	ssyncset.done $0x0  }
0x102: {  	[sflag:s7] =	ssyncadd.s32 $0xFFFFFFA0  }
0x103: {  	[tilespmem:s15], [sflag:$0x3] =	stream.indirect.gather [hbm4b:s5+s0], $0x80, s14, s0, $0xb8;
	[tilespmem:$0x1FEC0] =	vst v63  }
0x104: {  	_ =	swait.ge [sflag:s12], $0x3000  }
0x105: {  	[sflag:s12] =	ssyncset.done $0x0  }
0x106: {  	s29 =	simm.s32 $0x8;
	s14 =	simm.s32 $0x1FDC0;
	[sflag:s12] =	ssyncadd.s32 $0xFFFFD000  }
0x107: {  	[spmem:s1] =	stream.indirect.scatter.add.f32 [tilespmem:s21], [sflag:$0x5], $0x80, s14, s0, $0xb8;
	[tilespmem:$0x1FEC0] =	vst v63  }
0x108: {  	_ =	swait.ge [sflag:s29], $0x3000  }
0x109: {  	[sflag:s29] =	ssyncset.done $0x0;
	s9 =	rddreg [dreg:$0x13]  }
0x10a: {  	s7 =	simm.s32 $0x1FA40;
	[sflag:s29] =	ssyncadd.s32 $0xFFFFD000;
	s2 =	sadd.s32 s13, s9  }
0x10b: {  	[tilespmem:s7], [sflag:$0xC] =	stream.linear.gather [hbm4b:s2+s31], $0x60, $0x38;
	[tilespmem:$0x1FEC0] =	vst v63  }
0x10c: {  	s16 =	simm.s32 $0x1FD40;
	s9 =	simm.s32 $0xA;
	s7 =	sadd.s32 $0x6C, s25  }
0x10d: {  	[tilespmem:s16], [sflag:$0xC] =	stream.linear.gather [hbm4b:s7+s31], $0x60, $0x38;
	[tilespmem:$0x1FEC0] =	vst v63  }
0x10e: {  	_ =	swait.ge [sflag:s9], $0x60  }
0x10f: {  	[sflag:s9] =	ssyncset.done $0x0  }
0x110: {  	[sflag:s9] =	ssyncadd.s32 $0xFFFFFFA0  }
0x111: {  	_ =	swait.ge [sflag:s9], $0x60  }
0x112: {  	[sflag:s9] =	ssyncset.done $0x0  }
0x113: {  	[sflag:s9] =	ssyncadd.s32 $0xFFFFFFA0  }
0x114: {  	[tilespmem:s26], [sflag:$0x4] =	stream.indirect.gather [hbm4b:s5+s0], $0x80, s18, s0, $0xb8;
	[tilespmem:$0x1FEC0] =	vst v63  }
0x115: {  	_ =	swait.ge [sflag:s30], $0x3000  }
0x116: {  	[sflag:s30] =	ssyncset.done $0x0  }
0x117: {  	s2 =	simm.s32 $0x1FE40;
	[sflag:s30] =	ssyncadd.s32 $0xFFFFD000  }
0x118: {  	[spmem:s1] =	stream.indirect.scatter.add.f32 [tilespmem:s22], [sflag:$0x6], $0x80, s2, s0, $0xb8;
	[tilespmem:$0x1FEC0] =	vst v63  }
0x119: {  	_ =	swait.ge [sflag:s3], $0x3000  }
0x11a: {  	[sflag:s3] =	ssyncset.done $0x0;
	s16 =	rddreg [dreg:$0x12]  }
0x11b: {  	[sflag:s3] =	ssyncadd.s32 $0xFFFFD000;
	s18 =	sadd.s32 s13, s16  }
0x11c: {  	[tilespmem:s17], [sflag:$0xD] =	stream.linear.gather [hbm4b:s18+s31], $0x60, $0x38;
	[tilespmem:$0x1FEC0] =	vst v63  }
0x11d: {  	s26 =	sadd.s32 $0x78, s25  }
0x11e: {  	[tilespmem:s14], [sflag:$0xD] =	stream.linear.gather [hbm4b:s26+s31], $0x60, $0x38;
	[tilespmem:$0x1FEC0] =	vst v63  }
0x11f: {  	_ =	swait.ge [sflag:s19], $0x60  }
0x120: {  	[sflag:s19] =	ssyncset.done $0x0  }
0x121: {  	[sflag:s19] =	ssyncadd.s32 $0xFFFFFFA0  }
0x122: {  	_ =	swait.ge [sflag:s19], $0x60  }
0x123: {  	[sflag:s19] =	ssyncset.done $0x0  }
0x124: {  	[sflag:s19] =	ssyncadd.s32 $0xFFFFFFA0  }
0x125: {  	[tilespmem:s21], [sflag:$0x1] =	stream.indirect.gather [hbm4b:s5+s0], $0x80, s8, s0, $0xb8;
	[tilespmem:$0x1FEC0] =	vst v63  }
0x126: {  	_ =	swait.ge [sflag:s28], $0x3000  }
0x127: {  	[sflag:s28] =	ssyncset.done $0x0  }
0x128: {  	[sflag:s28] =	ssyncadd.s32 $0xFFFFD000;
	s28 =	simm.s32 $0x1FBC0  }
0x129: {  	[spmem:s1] =	stream.indirect.scatter.add.f32 [tilespmem:s15], [sflag:$0x7], $0x80, s28, s0, $0xb8;
	[tilespmem:$0x1FEC0] =	vst v63  }
0x12a: {  	_ =	swait.ge [sflag:s11], $0x3000  }
0x12b: {  	[sflag:s11] =	ssyncset.done $0x0  }
0x12c: {  	s31 =	rddreg [dreg:$0x11];
	[sflag:s11] =	ssyncadd.s32 $0xFFFFD000  }
0x12d: {  	s11 =	simm.s32 $0x0;
	s7 =	sadd.s32 s13, s31;
	s31 =	simm.s32 $0x1FB40  }
0x12e: {  	[tilespmem:s31], [sflag:$0xE] =	stream.linear.gather [hbm4b:s7+s11], $0x60, $0x38;
	[tilespmem:$0x1FEC0] =	vst v63  }
0x12f: {  	s8 =	sadd.s32 $0x84, s25  }
0x130: {  	[tilespmem:s2], [sflag:$0xE] =	stream.linear.gather [hbm4b:s8+s11], $0x60, $0x38;
	[tilespmem:$0x1FEC0] =	vst v63  }
0x131: {  	_ =	swait.ge [sflag:s23], $0x60  }
0x132: {  	[sflag:s23] =	ssyncset.done $0x0  }
0x133: {  	[sflag:s23] =	ssyncadd.s32 $0xFFFFFFA0  }
0x134: {  	_ =	swait.ge [sflag:s23], $0x60  }
0x135: {  	[sflag:s23] =	ssyncset.done $0x0  }
0x136: {  	s14 =	simm.s32 $0x1FA40;
	[sflag:s23] =	ssyncadd.s32 $0xFFFFFFA0  }
0x137: {  	[tilespmem:s22], [sflag:$0x2] =	stream.indirect.gather [hbm4b:s5+s0], $0x80, s14, s0, $0xb8;
	[tilespmem:$0x1FEC0] =	vst v63  }
0x138: {  	_ =	swait.ge [sflag:s24], $0x3000  }
0x139: {  	[sflag:s24] =	ssyncset.done $0x0  }
0x13a: {  	s16 =	simm.s32 $0x1FC40;
	s2 =	simm.s32 $0x1C8C0;
	[sflag:s24] =	ssyncadd.s32 $0xFFFFD000  }
0x13b: {  	[spmem:s1] =	stream.indirect.scatter.add.f32 [tilespmem:s2], [sflag:$0x8], $0x80, s16, s0, $0xb8;
	[tilespmem:$0x1FEC0] =	vst v63  }
0x13c: {  	_ =	swait.ge [sflag:s6], $0x3000  }
0x13d: {  	s23 =	sld [smem:$0x7F1]  }
0x13e: {  	[sflag:s6] =	ssyncset.done $0x0  }
0x13f: {  	p1 =	seq.s32 s13, $0x990;
	[sflag:s6] =	ssyncadd.s32 $0xFFFFD000  }
0x140: {  	s26 =	simm.s32 @!p1 $0x0;
	s7 =	rddreg [dreg:$0x1];
	s9 =	sshrl.u32 @!p1 s23, $0x3  }
0x141: {  	s28 =	sadd.s32 @!p1 s13, s20;
	s14 =	sadd.s32 @!p1 s7, s9;
	s9 =	simm.s32 @!p1 $0x1F8C0  }
0x142: {  	[tilespmem:s9], [sflag:$0x9] =	stream.linear.gather @!p1 [hbm4b:s14+s26], $0x60, $0x38;
	[tilespmem:$0x1FEC0] =	vst v63  }
0x143: {  	s16 =	simm.s32 @!p1 $0x1FBC0;
	s14 =	sadd.s32 @!p1 $0x90, s28  }
0x144: {  	[tilespmem:s16], [sflag:$0x9] =	stream.linear.gather @!p1 [hbm4b:s14+s26], $0x60, $0x38;
	[tilespmem:$0x1FEC0] =	vst v63  }
0x145: {  	_ =	swait.ge [sflag:s10], $0x60  }
0x146: {  	[sflag:s10] =	ssyncset.done $0x0  }
0x147: {  	[sflag:s10] =	ssyncadd.s32 $0xFFFFFFA0  }
0x148: {  	_ =	swait.ge [sflag:s10], $0x60  }
0x149: {  	[sflag:s10] =	ssyncset.done $0x0  }
0x14a: {  	[sflag:s10] =	ssyncadd.s32 $0xFFFFFFA0  }
0x14b: {  	[tilespmem:s15], [sflag:$0x3] =	stream.indirect.gather [hbm4b:s5+s0], $0x80, s17, s0, $0xb8;
	[tilespmem:$0x1FEC0] =	vst v63  }
0x14c: {  	_ =	swait.ge [sflag:s12], $0x3000  }
0x14d: {  	[sflag:s12] =	ssyncset.done $0x0  }
0x14e: {  	s17 =	simm.s32 $0x1FCC0;
	[sflag:s12] =	ssyncadd.s32 $0xFFFFD000  }
0x14f: {  	[spmem:s1] =	stream.indirect.scatter.add.f32 [tilespmem:s21], [sflag:$0x5], $0x80, s17, s0, $0xb8;
	[tilespmem:$0x1FEC0] =	vst v63  }
0x150: {  	_ =	swait.ge [sflag:s29], $0x3000  }
0x151: {  	[sflag:s29] =	ssyncset.done $0x0;
	s7 =	rddreg [dreg:$0xd]  }
0x152: {  	s14 =	simm.s32 @!p1 $0x1F940;
	[sflag:s29] =	ssyncadd.s32 $0xFFFFD000;
	s16 =	sadd.s32 @!p1 s13, s7  }
0x153: {  	[tilespmem:s14], [sflag:$0xA] =	stream.linear.gather @!p1 [hbm4b:s16+s26], $0x60, $0x38;
	[tilespmem:$0x1FEC0] =	vst v63  }
0x154: {  	s17 =	simm.s32 @!p1 $0x1FC40;
	s16 =	sadd.s32 @!p1 $0x9C, s28  }
0x155: {  	[tilespmem:s17], [sflag:$0xA] =	stream.linear.gather @!p1 [hbm4b:s16+s26], $0x60, $0x38;
	[tilespmem:$0x1FEC0] =	vst v63  }
0x156: {  	_ =	swait.ge [sflag:s4], $0x60  }
0x157: {  	[sflag:s4] =	ssyncset.done $0x0  }
0x158: {  	[sflag:s4] =	ssyncadd.s32 $0xFFFFFFA0  }
0x159: {  	_ =	swait.ge [sflag:s4], $0x60  }
0x15a: {  	[sflag:s4] =	ssyncset.done $0x0  }
0x15b: {  	[sflag:s4] =	ssyncadd.s32 $0xFFFFFFA0  }
0x15c: {  	[tilespmem:s2], [sflag:$0x4] =	stream.indirect.gather [hbm4b:s5+s0], $0x80, s31, s0, $0xb8;
	[tilespmem:$0x1FEC0] =	vst v63  }
0x15d: {  	_ =	swait.ge [sflag:s30], $0x3000  }
0x15e: {  	[sflag:s30] =	ssyncset.done $0x0  }
0x15f: {  	s20 =	simm.s32 $0x1FD40;
	[sflag:s30] =	ssyncadd.s32 $0xFFFFD000  }
0x160: {  	[spmem:s1] =	stream.indirect.scatter.add.f32 [tilespmem:s22], [sflag:$0x6], $0x80, s20, s0, $0xb8;
	[tilespmem:$0x1FEC0] =	vst v63  }
0x161: {  	_ =	swait.ge [sflag:s3], $0x3000  }
0x162: {  	[sflag:s3] =	ssyncset.done $0x0  }
0x163: {  	s16 =	simm.s32 @p1 $0x3;
	[sflag:s3] =	ssyncadd.s32 $0xFFFFD000  }
0x164: {  	_ =	swait.ge @p1 [sflag:s16], $0x3000  }
0x165: {  	s7 =	simm.s32 @p1 $0x198C0;
	[sflag:s16] =	ssyncset.done @p1 $0x0  }
0x166: {  	s17 =	simm.s32 @p1 $0x1FDC0;
	[sflag:s16] =	ssyncadd.s32 @p1 $0xFFFFD000;
	s16 =	simm.s32 @p1 $0x60  }
0x167: {  	[spmem:s1] =	stream.indirect.scatter.add.f32 @p1 [tilespmem:s7], [sflag:$0x7], $0x80, s17, s16, $0xb8;
	[tilespmem:$0x1FEC0] =	vst v63  }
0x168: {  	s7 =	simm.s32 @p1 $0x6  }
0x169: {  	_ =	swait.ge @p1 [sflag:s7], $0x3000  }
0x16a: {  	[sflag:s7] =	ssyncset.done @p1 $0x0  }
0x16b: {  	[sflag:s7] =	ssyncadd.s32 @p1 $0xFFFFD000;
	s7 =	rddreg [dreg:$0xe]  }
0x16c: {  	s16 =	simm.s32 @!p1 $0x1F9C0;
	s7 =	sadd.s32 @!p1 s13, s7  }
0x16d: {  	[tilespmem:s16], [sflag:$0xB] =	stream.linear.gather @!p1 [hbm4b:s7+s26], $0x60, $0x38;
	[tilespmem:$0x1FEC0] =	vst v63  }
0x16e: {  	s7 =	sadd.s32 @!p1 $0xA8, s28;
	s16 =	simm.s32 @!p1 $0x1FCC0  }
0x16f: {  	[tilespmem:s16], [sflag:$0xB] =	stream.linear.gather @!p1 [hbm4b:s7+s26], $0x60, $0x38;
	[tilespmem:$0x1FEC0] =	vst v63  }
0x170: {  	s7 =	simm.s32 @!p1 $0x9  }
0x171: {  	_ =	swait.ge @!p1 [sflag:s7], $0x60  }
0x172: {  	[sflag:s7] =	ssyncset.done @!p1 $0x0  }
0x173: {  	[sflag:s7] =	ssyncadd.s32 @!p1 $0xFFFFFFA0  }
0x174: {  	_ =	swait.ge @!p1 [sflag:s7], $0x60  }
0x175: {  	[sflag:s7] =	ssyncset.done @!p1 $0x0  }
0x176: {  	s16 =	simm.s32 @!p1 $0x138C0;
	[sflag:s7] =	ssyncadd.s32 @!p1 $0xFFFFFFA0;
	s7 =	simm.s32 @!p1 $0x60  }
0x177: {  	[tilespmem:s16], [sflag:$0x1] =	stream.indirect.gather @!p1 [hbm4b:s5+s7], $0x80, s9, s7, $0xb8;
	[tilespmem:$0x1FEC0] =	vst v63  }
0x178: {  	s9 =	simm.s32 @!p1 $0x3  }
0x179: {  	_ =	swait.ge @!p1 [sflag:s9], $0x3000  }
0x17a: {  	[sflag:s9] =	ssyncset.done @!p1 $0x0  }
0x17b: {  	s16 =	simm.s32 @!p1 $0x198C0;
	[sflag:s9] =	ssyncadd.s32 @!p1 $0xFFFFD000;
	s9 =	simm.s32 @!p1 $0x1FDC0  }
0x17c: {  	[spmem:s1] =	stream.indirect.scatter.add.f32 @!p1 [tilespmem:s16], [sflag:$0x7], $0x80, s9, s7, $0xb8;
	[tilespmem:$0x1FEC0] =	vst v63  }
0x17d: {  	s9 =	simm.s32 @!p1 $0x6  }
0x17e: {  	_ =	swait.ge @!p1 [sflag:s9], $0x3000  }
0x17f: {  	[sflag:s9] =	ssyncset.done @!p1 $0x0  }
0x180: {  	[sflag:s9] =	ssyncadd.s32 @!p1 $0xFFFFD000;
	s9 =	rddreg [dreg:$0xf]  }
0x181: {  	s16 =	simm.s32 @!p1 $0x1FA40;
	s9 =	sadd.s32 @!p1 s13, s9  }
0x182: {  	[tilespmem:s16], [sflag:$0xC] =	stream.linear.gather @!p1 [hbm4b:s9+s26], $0x60, $0x38;
	[tilespmem:$0x1FEC0] =	vst v63  }
0x183: {  	s9 =	sadd.s32 @!p1 $0xB4, s28;
	s16 =	simm.s32 @!p1 $0x1FD40  }
0x184: {  	[tilespmem:s16], [sflag:$0xC] =	stream.linear.gather @!p1 [hbm4b:s9+s26], $0x60, $0x38;
	[tilespmem:$0x1FEC0] =	vst v63  }
0x185: {  	s9 =	simm.s32 @!p1 $0xA  }
0x186: {  	_ =	swait.ge @!p1 [sflag:s9], $0x60  }
0x187: {  	[sflag:s9] =	ssyncset.done @!p1 $0x0  }
0x188: {  	[sflag:s9] =	ssyncadd.s32 @!p1 $0xFFFFFFA0  }
0x189: {  	_ =	swait.ge @!p1 [sflag:s9], $0x60  }
0x18a: {  	[sflag:s9] =	ssyncset.done @!p1 $0x0  }
0x18b: {  	[sflag:s9] =	ssyncadd.s32 @!p1 $0xFFFFFFA0;
	s9 =	simm.s32 @!p1 $0x168C0  }
0x18c: {  	[tilespmem:s9], [sflag:$0x2] =	stream.indirect.gather @!p1 [hbm4b:s5+s7], $0x80, s14, s7, $0xb8;
	[tilespmem:$0x1FEC0] =	vst v63  }
0x18d: {  	_ =	swait.ge [sflag:s24], $0x3000  }
0x18e: {  	s18 =	simm.s32 $0x1FDC0;
	s29 =	simm.s32 $0x1C8C0;
	[sflag:s24] =	ssyncset.done $0x0  }
.Ltmp3:
0x18f: {  	s31 =	simm.s32 $0x1FE40;
	[sflag:s24] =	ssyncadd.s32 $0xFFFFD000;
	(pc) =	sbr.rel @p1 .LBB2_6-.Ltmp3, $4  }
0x190: {  	[spmem:s1] =	stream.indirect.scatter.add.f32 [tilespmem:s29], [sflag:$0x8], $0x80, s31, s0, $0xb8;
	[tilespmem:$0x1FEC0] =	vst v63  }
0x191: {  	s8 =	simm.s32 $0x1FAC0;
	s10 =	simm.s32 $0x1FCC0;
	_ =	swait.ge [sflag:s6], $0x3000  }
0x192: {  	s15 =	simm.s32 $0x138C0;
	s12 =	simm.s32 $0x198C0;
	[sflag:s6] =	ssyncset.done $0x0  }
0x193: {  	s21 =	simm.s32 $0x168C0;
	s4 =	simm.s32 $0x1FD40;
	[sflag:s6] =	ssyncadd.s32 $0xFFFFD000  }
0x194: {  	s7 =	rddreg [dreg:$0x10]  }
0x195: {  	s7 =	sadd.s32 s13, s7  }
0x196: {  	[tilespmem:s8], [sflag:$0xD] =	stream.linear.gather [hbm4b:s7+s11], $0x60, $0x38;
	[tilespmem:$0x1FEC0] =	vst v63  }
0x197: {  	s31 =	sadd.s32 $0xC0, s25  }
0x198: {  	[tilespmem:s18], [sflag:$0xD] =	stream.linear.gather [hbm4b:s31+s11], $0x60, $0x38;
	[tilespmem:$0x1FEC0] =	vst v63  }
0x199: {  	_ =	swait.ge [sflag:s19], $0x60  }
0x19a: {  	[sflag:s19] =	ssyncset.done $0x0  }
.Ltmp4:
0x19b: {  	[sflag:s19] =	ssyncadd.s32 $0xFFFFFFA0;
	(pc) =	sbr.rel .LBB2_4-.Ltmp4, $4  }
0x19c: {  	s1 =	simm.s32 $0x1F9C0;
	s23 =	sadd.s32 $0x480, s23;
	_ =	swait.ge [sflag:s19], $0x60  }
0x19d: {  	s17 =	simm.s32 $0x1FAC0;
	s15 =	simm.s32 $0x198C0;
	[sflag:s19] =	ssyncset.done $0x0  }
0x19e: {  	s13 =	sadd.s32 $0x90, s13;
	[smem:$0x7F1] =	sst s23;
	[sflag:s19] =	ssyncadd.s32 $0xFFFFFFA0  }
0x19f: {  	[tilespmem:s12], [sflag:$0x3] =	stream.indirect.gather [hbm4b:s5+s0], $0x80, s1, s0, $0xb8;
	[tilespmem:$0x1FEC0] =	vst v63  }
.LBB2_7:
0x1a0: {  	_ =	sfence.sel $0x180000  }
0x1a1: {  	[bflag:$0x0] =	sbarrier.arrive $0xFFFF  }
0x1a2: {  	_ =	strace $0x9000004D  }
0x1a3: {  	s0 =	stileid.u32;
	[bflag:$0x2] =	sbarrier.arrive $0xFFFF  }
0x1a4: {  	p0 =	sne.s32 s0, $0x0;
	s0 =	rddreg [dreg:$0x3]  }
0x1a5: {  	s0 =	sadd.s32 @!p0 $0x100000, s0  }
0x1a6: {  	[sflag:s0] =	ssyncadd.tile.s32 @!p0 $0x1;
	_ =	shalt  }
.Lfunc_end2:
_tile_overlayer_lowered:
.L_overlay_start_2:
0x1a7: {  	(tag) =	ssettag $0x2  }
0x1a8: {  	s0 =	rddreg [dreg:$0x0];
	s2 =	stileid.u32  }
0x1a9: {  	s1 =	rddreg [dreg:$0x1];
	p0 =	sne.s32 s2, $0x0  }
0x1aa: {  	s3 =	rddreg [dreg:$0x2];
	[bflag:$0x3] =	sbarrier.arrive $0xFFFF;
	s2 =	simm.s32 @!p0 $0x1C0F  }
0x1ab: {  	[timem:s3], [sflag:s2] =	dma.local @!p0 [hbm:s0], s1  }
0x1ac: {  	s0 =	simm.s32 @!p0 $0xF  }
0x1ad: {  	_ =	swait.ge @!p0 [sflag:s0], s1  }
0x1ae: {  	s1 =	ssub.s32 @!p0 $0x0, s1;
	[sflag:s0] =	ssyncset.done @!p0 $0x0  }
0x1af: {  	[sflag:s0] =	ssyncadd.s32 @!p0 s1  }
0x1b0: {  	[bflag:$0x3] =	sbarrier.arrive $0xFFFF  }
0x1b1: {  	_ =	shalt  }

// kernel: kernel.8.cloned.1.call-start
scs
__scs_entry_jumppad:
0x0: {  	(pc) =	sbr.rel $0x88, $3  }
0x1: {  	(tag) =	ssettag $0x0;
	lr =	simm.s32 $0x1  }
0x2: {  	[smem:$0x3F95] =	sst lr;
	_ =	strace $0xD0000000  }
0x3: {  	_ = 	snop  }
0x4: {  	_ = 	snop  }
0x5: {  	_ = 	snop  }
0x6: {  	_ = 	snop  }
0x7: {  	_ = 	snop  }
__scs_overlays_trampoline_lowered:
0x8: {  	[smem:$0x3FA4] =	sst s0  }
0x9: {  	[smem:$0x3FA5] =	sst s1  }
0xa: {  	[smem:$0x3FA6] =	sst s2  }
0xb: {  	[smem:$0x3FA7] =	sst s3  }
0xc: {  	[smem:$0x3FA8] =	sst s4  }
0xd: {  	[smem:$0x3FA9] =	sst s5  }
0xe: {  	[smem:$0x3FAA] =	sst s6  }
0xf: {  	[smem:$0x3FAB] =	sst s7  }
0x10: {  	[smem:$0x3FAC] =	sst s8  }
0x11: {  	[smem:$0x3FAD] =	sst s9;
	s0 =	simm.s32 @!p0 $0x0  }
0x12: {  	s1 =	sld [smem:$0x3F93];
	s0 =	simm.s32 @p0 $0x1  }
0x13: {  	[smem:$0x3FAE] =	sst s0;
	s0 =	simm.s32 @!p1 $0x0  }
0x14: {  	s2 =	sld [smem:$0x3F92];
	s0 =	simm.s32 @p1 $0x1  }
0x15: {  	[smem:$0x3FAF] =	sst s0;
	s0 =	simm.s32 @!p2 $0x0  }
0x16: {  	s3 =	sld [smem:$0x3FDB];
	s0 =	simm.s32 @p2 $0x1  }
0x17: {  	s4 =	simm.s32 $0x1BF5;
	[smem:$0x3FB1] =	sst s0  }
0x18: {  	s0 =	sld [smem:$0x3F94];
	_ =	swait.ge [sflag:s4], $0x0  }
0x19: {  	s7 =	sld [smem:$0x3F95]  }
0x1a: {  	s8 =	sadd.s32 $0xFFFFE003, lr  }
0x1b: {  	s9 =	sadd.s32 $0xFFFFFEF7, lr;
	s5 =	simm.s32 $0xFFFFFFFF;
	p2 =	slt.u32 s8, $0xFFFFF086  }
0x1c: {  	p1 =	slt.u32 s9, $0xF7A;
	s5 =	simm.s32 @!p2 $0x0  }
0x1d: {  	s5 =	simm.s32 @p1 $0x1;
	p0 =	seq.s32 s7, s2  }
0x1e: {  	s7 =	smul.u32 @!p0 $0xF7A, s2;
	p2 =	seq.s32 @!p0 s5, $0x0  }
0x1f: {  	s9 =	smul.u32 $0xF7A, s1;
	s8 =	simm.s32 @!p0 $0x1BF5;
	p2 =	por !p2, p0  }
0x20: {  	[sflag:s8] =	ssyncset.s32 @!p0 $0xFFFFF086;
	s6 =	sadd.s32 @!p0 s3, s7;
	s7 =	simm.s32 @!p0 $0x108  }
0x21: {  	s3 =	sadd.s32 s3, s9;
	s6 =	sadd.s32 @!p0 $0x88, s6;
	s7 =	simm.s32 @p2 $0x1082  }
0x22: {  	[simem:s7], [sflag:s8] =	dma.local @!p0 [hbm:s6], $0xF7A  }
0x23: {  	s9 =	sor.u32 $0xD0000000, s2;
	s6 =	simm.s32 $0x108;
	_ =	swait.ge @!p0 [sflag:s8], $0x0  }
0x24: {  	s3 =	sadd.s32 $0x88, s3;
	s6 =	simm.s32 @!p1 $0x1082;
	[sflag:s4] =	ssyncset.s32 $0xFFFFF086  }
0x25: {  	[simem:s6], [sflag:s4] =	dma.local [hbm:s3], $0xF7A  }
0x26: {  	[smem:$0x3F95] =	sst s1;
	(tag) =	ssettag s2;
	_ =	strace s9  }
0x27: {  	s1 =	sld [smem:$0x3FA5]  }
0x28: {  	s2 =	sld [smem:$0x3FA6]  }
0x29: {  	s4 =	sld [smem:$0x3FA8]  }
0x2a: {  	p0 =	seq.s32 s5, $0x0;
	s5 =	sld [smem:$0x3FA9]  }
0x2b: {  	s6 =	sld [smem:$0x3FAA]  }
0x2c: {  	s7 =	sld [smem:$0x3FAB]  }
0x2d: {  	s3 =	simm.s32 $0x108;
	s8 =	sld [smem:$0x3FAC]  }
0x2e: {  	s3 =	simm.s32 @!p0 $0x1082;
	s9 =	sld [smem:$0x3FAD]  }
0x2f: {  	lr =	sadd.s32 s0, s3;
	s0 =	sld [smem:$0x3FA4]  }
0x30: {  	s3 =	sld [smem:$0x3FA7]  }
0x31: {  	[smem:$0x3FB0] =	sst s10  }
0x32: {  	s10 =	sld [smem:$0x3FAE];
	_ =	sdelay $0x3  }
0x33: {  	p0 =	seq.s32 s10, $0x1;
	s10 =	sld [smem:$0x3FB0];
	_ =	sdelay $0x3  }
0x34: {  	[smem:$0x3FB0] =	sst s10  }
0x35: {  	s10 =	sld [smem:$0x3FAF];
	_ =	sdelay $0x3  }
0x36: {  	p1 =	seq.s32 s10, $0x1;
	s10 =	sld [smem:$0x3FB0];
	_ =	sdelay $0x3  }
0x37: {  	[smem:$0x3FB0] =	sst s10  }
0x38: {  	s10 =	sld [smem:$0x3FB1]  }
0x39: {  	_ = 	snop;
	(pc) =	sbr.ind lr, $3  }
0x3a: {  	_ = 	snop  }
0x3b: {  	_ = 	snop  }
0x3c: {  	p2 =	seq.s32 s10, $0x1;
	s10 =	sld [smem:$0x3FB0]  }
0x3d: {  	_ =	shalt  }
0x3e: {  	_ =	shalt  }
0x3f: {  	_ =	shalt  }
0x40: {  	_ =	shalt  }
0x41: {  	_ =	shalt  }
0x42: {  	_ =	shalt  }
0x43: {  	_ =	shalt  }
0x44: {  	_ =	shalt  }
0x45: {  	_ =	shalt  }
0x46: {  	_ =	shalt  }
0x47: {  	_ =	shalt  }
0x48: {  	_ =	shalt  }
0x49: {  	_ =	shalt  }
0x4a: {  	_ =	shalt  }
0x4b: {  	_ =	shalt  }
0x4c: {  	_ =	shalt  }
0x4d: {  	_ =	shalt  }
0x4e: {  	_ =	shalt  }
0x4f: {  	_ =	shalt  }
0x50: {  	_ =	shalt  }
0x51: {  	_ =	shalt  }
0x52: {  	_ =	shalt  }
0x53: {  	_ =	shalt  }
0x54: {  	_ =	shalt  }
0x55: {  	_ =	shalt  }
0x56: {  	_ =	shalt  }
0x57: {  	_ =	shalt  }
0x58: {  	_ =	shalt  }
0x59: {  	_ =	shalt  }
0x5a: {  	_ =	shalt  }
0x5b: {  	_ =	shalt  }
0x5c: {  	_ =	shalt  }
0x5d: {  	_ =	shalt  }
0x5e: {  	_ =	shalt  }
0x5f: {  	_ =	shalt  }
0x60: {  	_ =	shalt  }
0x61: {  	_ =	shalt  }
0x62: {  	_ =	shalt  }
0x63: {  	_ =	shalt  }
0x64: {  	_ =	shalt  }
0x65: {  	_ =	shalt  }
0x66: {  	_ =	shalt  }
0x67: {  	_ =	shalt  }
0x68: {  	_ =	shalt  }
0x69: {  	_ =	shalt  }
0x6a: {  	_ =	shalt  }
0x6b: {  	_ =	shalt  }
0x6c: {  	_ =	shalt  }
0x6d: {  	_ =	shalt  }
0x6e: {  	_ =	shalt  }
0x6f: {  	_ =	shalt  }
0x70: {  	_ =	shalt  }
0x71: {  	_ =	shalt  }
0x72: {  	_ =	shalt  }
0x73: {  	_ =	shalt  }
0x74: {  	_ =	shalt  }
0x75: {  	_ =	shalt  }
0x76: {  	_ =	shalt  }
0x77: {  	_ =	shalt  }
0x78: {  	_ =	shalt  }
0x79: {  	_ =	shalt  }
0x7a: {  	_ =	shalt  }
0x7b: {  	_ =	shalt  }
0x7c: {  	_ =	shalt  }
0x7d: {  	_ =	shalt  }
0x7e: {  	_ =	shalt  }
0x7f: {  	_ =	shalt  }
0x80: {  	_ =	shalt  }
0x81: {  	_ =	shalt  }
0x82: {  	_ =	shalt  }
0x83: {  	_ =	shalt  }
0x84: {  	_ =	shalt  }
0x85: {  	_ =	shalt  }
0x86: {  	_ =	shalt  }
0x87: {  	_ =	shalt  }
.Lfunc_end0:
.L_simem_size_0:
called_computation_lowered:
.L_overlay_start_0:
0x88: {  	s2 =	sld [smem:$0x3FD9]  }
0x89: {  	s3 =	sld [smem:$0x3FFE];
	_ =	sdelay $0x1  }
0x8a: {  	s1 =	srdreg.scid  }
0x8b: {  	s0 =	sand.u32 $0x1, s1  }
0x8c: {  	s16 =	sshll.u32 s0, $0xA;
	s2 =	sadd.s32 s3, s2  }
0x8d: {  	s2 =	sadd.s32 s2, s16  }
0x8e: {  	[smem:$0x3FBC] =	sst s2  }
0x8f: {  	_ = 	snop  }
0x90: {  	(tm) =	ssettm $0x1  }
0x91: {  	s17 =	sld [smem:$0x3FFB];
	_ =	sdelay $0x3  }
0x92: {  	_ =	strace s17  }
0x93: {  	s2 =	sld [smem:$0x3FFC];
	_ =	sdelay $0x3  }
0x94: {  	_ =	strace s2  }
0x95: {  	s2 =	sld [smem:$0x3FFD];
	_ =	sdelay $0x3  }
0x96: {  	_ =	strace s2  }
0x97: {  	_ =	strace $0x8FFFFFFF  }
0x98: {  	s18 =	sld [smem:$0x3FDB];
	_ =	sdelay $0x1  }
0x99: {  	s19 =	simm.s32 $_scs_section_size  }
0x9a: {  	s4 =	simm.s32 $_size__tile_overlayer_lowered;
	s5 =	simm.s32 $_tile_overlayer_lowered  }
0x9b: {  	s22 =	simm.s32 $0x1BFF;
	s21 =	sshll.u32 s5, $0x1;
	s2 =	sadd.s32 s19, s18  }
0x9c: {  	s6 =	simm.s32 $0x0;
	s20 =	sshll.u32 s4, $0x1;
	s4 =	sadd.s32 s21, s2  }
0x9d: {  	[timem:s6], [sflag:s22] =	dma.local [hbm:s4], s20  }
0x9e: {  	_ =	swait.ge [sflag:s22], s20  }
0x9f: {  	s3 =	ssub.s32 $0x0, s20;
	[sflag:s22] =	ssyncset.done $0x0  }
0xa0: {  	[sflag:s22] =	ssyncadd.s32 s3;
	_ =	sdelay $0x1  }
0xa1: {  	s23 =	simm.s32 $0x1B8B  }
0xa2: {  	_ =	swait.ge [sflag:s23], $0x1  }
0xa3: {  	[sflag:s23] =	ssyncset.done $0x0  }
0xa4: {  	s25 =	simm.s32 $0x1B8E;
	s24 =	sld [smem:$0x3FFE];
	[sflag:s23] =	ssyncadd.s32 $0xFFFFFFFF  }
0xa5: {  	s26 =	simm.s32 $execute0_lowered;
	[smem:$0x3FD2] =	sst s25  }
0xa6: {  	s4 =	sshll.u32 s26, $0x1;
	_ =	strace $0x80000046;
	[dreg:$0x1] =	wrdreg $0xFFFFFFFF  }
0xa7: {  	s28 =	simm.s32 $_size_execute0_lowered;
	s2 =	sadd.s32 s2, s4;
	[dreg:$0x0] =	wrdreg $0x0  }
0xa8: {  	s4 =	sshll.u32 s28, $0x1;
	[dreg:$0x2] =	wrdreg s2  }
0xa9: {  	[dreg:$0x3] =	wrdreg s4  }
0xaa: {  	[dreg:$0x4] =	wrdreg $0xC0  }
0xab: {  	_ =	task [dreg:s6], $0x5FFFF  }
0xac: {  	[dreg:$0x1] =	wrdreg $0xFFFFFFFF  }
0xad: {  	[dreg:$0x0] =	wrdreg $0x60  }
0xae: {  	[dreg:$0x2] =	wrdreg s24  }
0xaf: {  	[dreg:$0x3] =	wrdreg $0x0  }
0xb0: {  	[dreg:$0x4] =	wrdreg $0x9  }
0xb1: {  	_ =	task.clear_ibuf [dreg:s6], $0x5FFFF;
	_ =	strace $0x90000046  }
0xb2: {  	s29 =	simm.s32 $0x9;
	_ =	strace $0x80000048  }
0xb3: {  	_ =	swait.ge [sflag:s29], $0x1  }
0xb4: {  	[sflag:s29] =	ssyncadd.s32 $0xFFFFFFFF  }
0xb5: {  	_ =	strace $0x90000048  }
0xb6: {  	_ =	sfence  }
0xb7: {  	s30 =	sld [smem:$0x0];
	_ =	sdelay $0x2  }
0xb8: {  	s31 =	sshll.u32 s1, $0xD;
	s1 =	sshrl.u32 s1, $0x2  }
0xb9: {  	s3 =	sand.u32 $0x4000, s31;
	s1 =	sadd.s32 s1, s30  }
0xba: {  	s0 =	sor.u32 s3, s0;
	s1 =	sshll.u32 s1, $0x11  }
0xbb: {  	s0 =	sor.u32 s1, s0  }
0xbc: {  	s0 =	sadd.s32 $0x8F2B, s0  }
0xbd: {  	[sflag:s0] =	ssyncadd.remote.s32 $0x1  }
0xbe: {  	_ =	sfence.sel $0xFFFF  }
0xbf: {  	[dreg:$0x0] =	wrdreg $0xFFFFFFFF;
	(pc) =	sbr.abs _section_cstart, $3  }
0xc0: {  	[dreg:$0x1] =	wrdreg $0xFFFFFFFF  }
0xc1: {  	_ =	task.clear_ibuf [dreg:s6], $0x2FFFF;
	_ =	strace $0x9FFFFFFF  }
0xc2: {  	(tm) =	ssettm $0x7FFFFFFF  }
0xc3: {  	_ =	shalt  }
tec
execute0_lowered:
.L_overlay_start_1:
0x0: {  	(tag) =	ssettag $0x1  }
0x1: {  	s0 =	rddreg [dreg:$0x0]  }
0x2: {  	s1 =	srdreg.scid;
	s8 =	stileid.u32  }
0x3: {  	s2 =	rddreg [dreg:$0x1];
	s3 =	simm.s32 $0x0;
	s18 =	simm.s32 $0x9  }
0x4: {  	s19 =	simm.s32 $0x19380;
	s28 =	simm.s32 $0x3;
	s4 =	smul.u32 $0x2780, s8  }
0x5: {  	s29 =	simm.s32 $0x5;
	s30 =	simm.s32 $0x4;
	s7 =	smul.u32 $0x2880, s8  }
0x6: {  	s31 =	simm.s32 $0x6;
	s1 =	sand.u32 $0x1, s1;
	s20 =	smul.u32 $0x4F000, s8  }
0x7: {  	s17 =	simm.s32 $0x0;
	[smem:$0x7FF] =	sst s3;
	s5 =	smul.u32 $0x27800, s1  }
0x8: {  	s16 =	sadd.s32 $0x3600, s0;
	s6 =	smul.u32 $0x28800, s1;
	s1 =	ssub.s32 $0x2, s1  }
0x9: {  	_ =	strace $0x80000047;
	s21 =	sshrl.u32 s1, $0x1;
	s4 =	sadd.s32 s4, s5  }
0xa: {  	s6 =	sadd.s32 s7, s6;
	s5 =	sshrl.u32 s20, $0x2;
	s1 =	ssub.s32 s1, s21  }
0xb: {  	s20 =	simm.s32 $0x19400;
	s21 =	simm.s32 $0x1;
	s0 =	sadd.s32 s4, s0  }
0xc: {  	s7 =	sshrl.u32 s6, $0x3;
	s4 =	sadd.s32 s5, s2;
	s22 =	smax.u32 s1, $0x1  }
0xd: {  	s23 =	sadd.s32 $0x360, s6;
	s24 =	sadd.s32 $0x300, s6;
	s25 =	sadd.s32 $0x2A0, s6  }
0xe: {  	s6 =	sadd.s32 $0x240, s6;
	s5 =	sadd.s32 s16, s7;
	s0 =	sadd.s32 $0xD800, s0  }
0xf: {  	[dreg:$0x5] =	wrdreg s22;
	s1 =	sshrl.u32 s25, $0x3;
	s26 =	sshrl.u32 s6, $0x3  }
0x10: {  	s22 =	simm.s32 $0x60;
	s25 =	simm.s32 $0x2;
	s7 =	sadd.s32 $0xC, s5  }
0x11: {  	[dreg:$0x4] =	wrdreg s0;
	s9 =	sadd.s32 $0x18, s5;
	s10 =	sadd.s32 $0x24, s5  }
.Ltmp0:
0x12: {  	s11 =	sadd.s32 $0x30, s5;
	s12 =	sadd.s32 $0x3C, s5;
	(pc) =	sbr.rel .LBB2_1-.Ltmp0, $4  }
0x13: {  	s0 =	sshrl.u32 s23, $0x3;
	s15 =	sadd.s32 s1, s16;
	s23 =	simm.s32 $0x16380  }
0x14: {  	s1 =	simm.s32 $0x7;
	s13 =	sadd.s32 s0, s16;
	s0 =	sshrl.u32 s24, $0x3  }
0x15: {  	[dreg:$0x3] =	wrdreg s7;
	s24 =	simm.s32 $0x19480;
	s14 =	sadd.s32 s0, s16  }
0x16: {  	v0 =	vimm.f32 $0.0e+00;
	v1 =	vimm.f32 $1.000000000e+00;
	s16 =	sadd.s32 s26, s16;
	s26 =	simm.s32 $0x19500;
	s0 =	simm.s32 $0x8  }
.LBB2_8:
0x17: {  	_ =	swait.ge [sflag:s30], $0x60  }
0x18: {  	[sflag:s30] =	ssyncset.done $0x0  }
0x19: {  	[sflag:s30] =	ssyncadd.s32 $0xFFFFFFA0  }
0x1a: {  	[spmem:s2] =	stream.indirect.scatter.add.f32 [tilespmem:s23], [sflag:$0x8], $0x10, s26, s22, $0xb8;
	[tilespmem:$0x19580] =	vst v63  }
0x1b: {  	_ =	swait.ge [sflag:s31], $0x600  }
0x1c: {  	[sflag:s31] =	ssyncset.done $0x0  }
0x1d: {  	[sflag:s31] =	ssyncadd.s32 $0xFFFFFA00  }
0x1e: {  	_ =	swait.ge [sflag:s1], $0x600  }
0x1f: {  	[sflag:s1] =	ssyncset.done $0x0  }
0x20: {  	[sflag:s1] =	ssyncadd.s32 $0xFFFFFA00  }
0x21: {  	_ =	swait.ge [sflag:s0], $0x600  }
0x22: {  	[sflag:s0] =	ssyncset.done $0x0  }
0x23: {  	s6 =	stileid.u32;
	[sflag:s0] =	ssyncadd.s32 $0xFFFFFA00  }
0x24: {  	s6 =	sshll.u32 s6, $0x6;
	[bflag:$0x0] =	sbarrier.arrive $0xFFFF  }
0x25: {  	s7 =	sshrl.u32 s4, $0x3;
	s6 =	sor.u32 $0x1C09, s6;
	s8 =	rddreg [dreg:$0x4]  }
0x26: {  	[hbm:s8], [sflag:s6] =	dma.local [spmem:s7], $0x2780  }
0x27: {  	_ =	swait.ge [sflag:s18], $0x2780  }
0x28: {  	s17 =	sadd.s32 $0x1, s17;
	s8 =	rddreg [dreg:$0x5]  }
0x29: {  	p0 =	sne.s32 s17, s8  }
.Ltmp1:
0x2a: {  	_ = 	snop;
	(pc) =	sbr.rel @!p0 .LBB2_9-.Ltmp1, $3  }
0x2b: {  	_ =	sdelay $0x1  }
0x2c: {  	[sflag:s18] =	ssyncset.done $0x0  }
0x2d: {  	[sflag:s18] =	ssyncadd.s32 $0xFFFFD880  }
.LBB2_1:
0x2e: {  	s6 =	simm.s32 $0x0  }
.LBB2_2:
0x2f: {  	p0 =	sne.s32 s6, $0x4EE00  }
.Ltmp2:
0x30: {  	_ = 	snop;
	(pc) =	sbr.rel @p0 .LBB2_2-.Ltmp2, $3  }
0x31: {  	_ =	sdelay $0x1  }
0x32: {  	s7 =	sshra.s32 s6, $0x2  }
0x33: {  	s6 =	sadd.s32 $0x200, s6;
	[tilespmem:s7+$0x2780] =	vst v0  }
0x34: {  	s6 =	simm.s32 $0x200;
	s7 =	simm.s32 $0x0  }
.LBB2_4:
0x35: {  	p0 =	sne.s32 s6, $0xBE00;
	[tilespmem:s7+$0x16380] =	vst v1;
	s7 =	smov.u32 s6;
	s6 =	sadd.s32 $0x200, s6  }
.Ltmp3:
0x36: {  	(pc) =	sbr.rel @p0 .LBB2_4-.Ltmp3, $2  }
0x37: {  	_ =	sdelay $0x2  }
0x38: {  	s7 =	sshra.s32 s7, $0x2  }
0x39: {  	[tilespmem:s7+$0x16380] =	vst v1;
	s6 =	simm.s32 $0x2780  }
0x3a: {  	[spmem:s4] =	stream.linear.scatter [tilespmem:s6], [sflag:$0x9], $0x13C00, $0x38;
	[tilespmem:$0x19580] =	vst v63  }
0x3b: {  	_ =	swait.ge [sflag:s18], $0x13C00  }
0x3c: {  	[sflag:s18] =	ssyncset.done $0x0  }
0x3d: {  	[sflag:s18] =	ssyncadd.s32 $0xFFFEC400  }
0x3e: {  	s6 =	simm.s32 $0x0;
	[bflag:$0x0] =	sbarrier.arrive $0xFFFF  }
0x3f: {  	[tilespmem:s19], [sflag:$0x1] =	stream.linear.gather [hbm4b:s5+s6], $0x60, $0x38;
	[tilespmem:$0x19580] =	vst v63  }
0x40: {  	s8 =	rddreg [dreg:$0x3]  }
0x41: {  	[tilespmem:s20], [sflag:$0x2] =	stream.linear.gather [hbm4b:s8+s6], $0x60, $0x38;
	[tilespmem:$0x19580] =	vst v63  }
0x42: {  	_ =	swait.ge [sflag:s21], $0x60  }
0x43: {  	[sflag:s21] =	ssyncset.done $0x0  }
0x44: {  	[sflag:s21] =	ssyncadd.s32 $0xFFFFFFA0  }
0x45: {  	[spmem:s2] =	stream.indirect.scatter.add.f32 [tilespmem:s23], [sflag:$0x5], $0x10, s19, s22, $0xb8;
	[tilespmem:$0x19580] =	vst v63  }
0x46: {  	_ = 	snop  }
0x47: {  	[tilespmem:s24], [sflag:$0x3] =	stream.linear.gather [hbm4b:s9+s6], $0x60, $0x38;
	[tilespmem:$0x19580] =	vst v63  }
0x48: {  	_ =	swait.ge [sflag:s25], $0x60  }
0x49: {  	[sflag:s25] =	ssyncset.done $0x0  }
0x4a: {  	[sflag:s25] =	ssyncadd.s32 $0xFFFFFFA0  }
0x4b: {  	[spmem:s2] =	stream.indirect.scatter.add.f32 [tilespmem:s23], [sflag:$0x6], $0x10, s20, s22, $0xb8;
	[tilespmem:$0x19580] =	vst v63  }
0x4c: {  	_ = 	snop  }
0x4d: {  	[tilespmem:s26], [sflag:$0x4] =	stream.linear.gather [hbm4b:s10+s6], $0x60, $0x38;
	[tilespmem:$0x19580] =	vst v63  }
0x4e: {  	_ =	swait.ge [sflag:s28], $0x60  }
0x4f: {  	[sflag:s28] =	ssyncset.done $0x0  }
0x50: {  	[sflag:s28] =	ssyncadd.s32 $0xFFFFFFA0  }
0x51: {  	[spmem:s2] =	stream.indirect.scatter.add.f32 [tilespmem:s23], [sflag:$0x7], $0x10, s24, s22, $0xb8;
	[tilespmem:$0x19580] =	vst v63  }
0x52: {  	_ =	swait.ge [sflag:s29], $0x600  }
0x53: {  	[sflag:s29] =	ssyncset.done $0x0  }
0x54: {  	[sflag:s29] =	ssyncadd.s32 $0xFFFFFA00  }
0x55: {  	[tilespmem:s19], [sflag:$0x1] =	stream.linear.gather [hbm4b:s11+s6], $0x60, $0x38;
	[tilespmem:$0x19580] =	vst v63  }
0x56: {  	_ =	swait.ge [sflag:s30], $0x60  }
0x57: {  	[sflag:s30] =	ssyncset.done $0x0  }
0x58: {  	[sflag:s30] =	ssyncadd.s32 $0xFFFFFFA0  }
0x59: {  	[spmem:s2] =	stream.indirect.scatter.add.f32 [tilespmem:s23], [sflag:$0x8], $0x10, s26, s22, $0xb8;
	[tilespmem:$0x19580] =	vst v63  }
0x5a: {  	_ =	swait.ge [sflag:s31], $0x600  }
0x5b: {  	[sflag:s31] =	ssyncset.done $0x0  }
0x5c: {  	[sflag:s31] =	ssyncadd.s32 $0xFFFFFA00  }
0x5d: {  	[tilespmem:s20], [sflag:$0x2] =	stream.linear.gather [hbm4b:s12+s6], $0x60, $0x38;
	[tilespmem:$0x19580] =	vst v63  }
.LBB2_6:
0x5e: {  	_ =	swait.ge [sflag:s21], $0x60  }
0x5f: {  	[sflag:s21] =	ssyncset.done $0x0  }
0x60: {  	[sflag:s21] =	ssyncadd.s32 $0xFFFFFFA0  }
0x61: {  	[spmem:s2] =	stream.indirect.scatter.add.f32 [tilespmem:s23], [sflag:$0x5], $0x10, s19, s22, $0xb8;
	[tilespmem:$0x19580] =	vst v63  }
0x62: {  	_ =	swait.ge [sflag:s1], $0x600  }
0x63: {  	[sflag:s1] =	ssyncset.done $0x0  }
0x64: {  	s7 =	sadd.s32 s6, s16;
	[sflag:s1] =	ssyncadd.s32 $0xFFFFFA00  }
0x65: {  	[tilespmem:s24], [sflag:$0x3] =	stream.linear.gather [hbm4b:s7+s3], $0x60, $0x38;
	[tilespmem:$0x19580] =	vst v63  }
0x66: {  	_ =	swait.ge [sflag:s25], $0x60  }
0x67: {  	[sflag:s25] =	ssyncset.done $0x0  }
0x68: {  	[sflag:s25] =	ssyncadd.s32 $0xFFFFFFA0  }
0x69: {  	[spmem:s2] =	stream.indirect.scatter.add.f32 [tilespmem:s23], [sflag:$0x6], $0x10, s20, s22, $0xb8;
	[tilespmem:$0x19580] =	vst v63  }
0x6a: {  	_ =	swait.ge [sflag:s0], $0x600  }
0x6b: {  	[sflag:s0] =	ssyncset.done $0x0  }
0x6c: {  	s8 =	sadd.s32 s6, s15;
	[sflag:s0] =	ssyncadd.s32 $0xFFFFFA00  }
0x6d: {  	[tilespmem:s26], [sflag:$0x4] =	stream.linear.gather [hbm4b:s8+s3], $0x60, $0x38;
	[tilespmem:$0x19580] =	vst v63  }
0x6e: {  	_ =	swait.ge [sflag:s28], $0x60  }
0x6f: {  	p0 =	seq.s32 s6, $0x4B0;
	[sflag:s28] =	ssyncset.done $0x0  }
.Ltmp4:
0x70: {  	[sflag:s28] =	ssyncadd.s32 $0xFFFFFFA0;
	(pc) =	sbr.rel @p0 .LBB2_8-.Ltmp4, $4  }
0x71: {  	[spmem:s2] =	stream.indirect.scatter.add.f32 [tilespmem:s23], [sflag:$0x7], $0x10, s24, s22, $0xb8;
	[tilespmem:$0x19580] =	vst v63  }
0x72: {  	_ =	swait.ge [sflag:s29], $0x600  }
0x73: {  	[sflag:s29] =	ssyncset.done $0x0  }
0x74: {  	[sflag:s29] =	ssyncadd.s32 $0xFFFFFA00  }
0x75: {  	s7 =	sadd.s32 s6, s14  }
0x76: {  	[tilespmem:s19], [sflag:$0x1] =	stream.linear.gather [hbm4b:s7+s3], $0x60, $0x38;
	[tilespmem:$0x19580] =	vst v63  }
0x77: {  	_ =	swait.ge [sflag:s30], $0x60  }
0x78: {  	[sflag:s30] =	ssyncset.done $0x0  }
0x79: {  	[sflag:s30] =	ssyncadd.s32 $0xFFFFFFA0  }
0x7a: {  	[spmem:s2] =	stream.indirect.scatter.add.f32 [tilespmem:s23], [sflag:$0x8], $0x10, s26, s22, $0xb8;
	[tilespmem:$0x19580] =	vst v63  }
.Ltmp5:
0x7b: {  	_ = 	snop;
	(pc) =	sbr.rel .LBB2_6-.Ltmp5, $4  }
0x7c: {  	_ =	swait.ge [sflag:s31], $0x600  }
0x7d: {  	[sflag:s31] =	ssyncset.done $0x0  }
0x7e: {  	s8 =	sadd.s32 s6, s13;
	s6 =	sadd.s32 $0x30, s6;
	[sflag:s31] =	ssyncadd.s32 $0xFFFFFA00  }
0x7f: {  	[tilespmem:s20], [sflag:$0x2] =	stream.linear.gather [hbm4b:s8+s3], $0x60, $0x38;
	[tilespmem:$0x19580] =	vst v63  }
.LBB2_9:
0x80: {  	_ =	sfence.sel $0x180000  }
0x81: {  	[bflag:$0x0] =	sbarrier.arrive $0xFFFF  }
0x82: {  	_ =	strace $0x90000047  }
0x83: {  	s0 =	stileid.u32;
	[bflag:$0x2] =	sbarrier.arrive $0xFFFF  }
0x84: {  	p0 =	sne.s32 s0, $0x0;
	s0 =	rddreg [dreg:$0x2]  }
0x85: {  	s0 =	sadd.s32 @!p0 $0x100000, s0  }
0x86: {  	[sflag:s0] =	ssyncadd.tile.s32 @!p0 $0x1;
	_ =	shalt  }
.Lfunc_end2:
_tile_overlayer_lowered:
.L_overlay_start_2:
0x87: {  	(tag) =	ssettag $0x2  }
0x88: {  	s0 =	rddreg [dreg:$0x0];
	s2 =	stileid.u32  }
0x89: {  	s1 =	rddreg [dreg:$0x1];
	p0 =	sne.s32 s2, $0x0  }
0x8a: {  	s3 =	rddreg [dreg:$0x2];
	[bflag:$0x3] =	sbarrier.arrive $0xFFFF;
	s2 =	simm.s32 @!p0 $0x1C09  }
0x8b: {  	[timem:s3], [sflag:s2] =	dma.local @!p0 [hbm:s0], s1  }
0x8c: {  	s0 =	simm.s32 @!p0 $0x9  }
0x8d: {  	_ =	swait.ge @!p0 [sflag:s0], s1  }
0x8e: {  	s1 =	ssub.s32 @!p0 $0x0, s1;
	[sflag:s0] =	ssyncset.done @!p0 $0x0  }
0x8f: {  	[sflag:s0] =	ssyncadd.s32 @!p0 s1  }
0x90: {  	[bflag:$0x3] =	sbarrier.arrive $0xFFFF  }
0x91: {  	_ =	shalt  }

</sc_bundles>
